<compile_context>
chip_gen: v7x
topology: tpu7x:2x2x1
jax: 0.10.2.dev20260603
libtpu: 0.0.44.dev20260713+nightly
codegen_flags: <defaults>
</compile_context>

<pallas_src>
import functools

import jax
import jax.numpy as jnp
from jax import lax
from jax.experimental import pallas as pl
from jax.experimental.pallas import tpu as pltpu
from jax.experimental.pallas import tpu_sc as plsc

B = 32
P = 1024
D = 64
K = 20
LP = 8
QB = 4
BIG = 3.0e38
IBIG = 1 << 30
NTASK = 4 * B
KP = 24


def _dist_body(x1_ref, x2_ref, l1_ref, l2_ref,
               frv_ref, fri_ref, fcv_ref, fci_ref,
               lrv_ref, lri_ref, lcv_ref, lci_ref):
    def col_reduce(mat):
        bits = lax.bitcast_convert_type(mat, jnp.int32)
        iio = lax.broadcasted_iota(jnp.int32, (P, P), 0)
        packed = lax.bitcast_convert_type((bits & ~1023) | iio, jnp.float32)
        pmin = jnp.min(packed, axis=0, keepdims=True)
        cidx = lax.bitcast_convert_type(pmin, jnp.int32) & 1023
        cmin = jnp.min(mat, axis=0, keepdims=True)
        return jnp.maximum(cmin, 0.0), cidx

    def reduce_full(a, b):
        a2 = jnp.sum(a * a, axis=1, keepdims=True)
        b2t = jnp.sum(b * b, axis=1, keepdims=True).T
        ab = lax.dot_general(a, b, (((1,), (1,)), ((), ())),
                             preferred_element_type=jnp.float32)
        d2 = (a2 + b2t) - 2.0 * ab
        rminv, ridxv = col_reduce(d2.T)
        cminv, cidxv = col_reduce(d2)
        return rminv, ridxv, cminv, cidxv

    for q in range(QB):
        frm, fri, fcm, fci = reduce_full(x1_ref[q], x2_ref[q])
        lrm, lri, lcm, lci = reduce_full(l1_ref[q], l2_ref[q])
        frv_ref[q] = frm
        fri_ref[q] = fri
        fcv_ref[q] = fcm
        fci_ref[q] = fci
        lrv_ref[q] = lrm
        lri_ref[q] = lri
        lcv_ref[q] = lcm
        lci_ref[q] = lci


def _nn_reduce(x1_maps, x2_maps, l1p, l2p):
    row_v = jax.ShapeDtypeStruct((B, 1, P), jnp.float32)
    row_i = jax.ShapeDtypeStruct((B, 1, P), jnp.int32)
    col_v = jax.ShapeDtypeStruct((B, 1, P), jnp.float32)
    col_i = jax.ShapeDtypeStruct((B, 1, P), jnp.int32)
    row_spec = pl.BlockSpec((QB, 1, P), lambda b: (b, 0, 0))
    col_spec = pl.BlockSpec((QB, 1, P), lambda b: (b, 0, 0))
    return pl.pallas_call(
        _dist_body,
        grid=(B // QB,),
        in_specs=[
            pl.BlockSpec((QB, P, D), lambda b: (b, 0, 0)),
            pl.BlockSpec((QB, P, D), lambda b: (b, 0, 0)),
            pl.BlockSpec((QB, P, LP), lambda b: (b, 0, 0)),
            pl.BlockSpec((QB, P, LP), lambda b: (b, 0, 0)),
        ],
        out_specs=[row_spec, row_spec, col_spec, col_spec,
                   row_spec, row_spec, col_spec, col_spec],
        out_shape=[row_v, row_i, col_v, col_i,
                   row_v, row_i, col_v, col_i],
    )(x1_maps, x2_maps, l1p, l2p)


def _sc_topk_gather(vals4, idx4, x1f, x2f):
    mesh = plsc.VectorSubcoreMesh(core_axis_name="c", subcore_axis_name="s")

    @functools.partial(
        pl.kernel,
        out_type=[jax.ShapeDtypeStruct((NTASK * KP, D), jnp.float32),
                  jax.ShapeDtypeStruct((NTASK * KP, D), jnp.float32)],
        mesh=mesh,
        compiler_params=pltpu.CompilerParams(needs_layout_passes=False,
                                             use_tc_tiling_on_sc=False),
        scratch_types=[
            pltpu.VMEM((4, 64, 16), jnp.float32),
            pltpu.VMEM((4, 64, 16), jnp.int32),
            pltpu.VMEM((4, 32), jnp.int32),
            pltpu.VMEM((4, 32), jnp.int32),
            pltpu.VMEM((4, 32, D), jnp.float32),
            pltpu.VMEM((4, 32, D), jnp.float32),
            pltpu.SemaphoreType.DMA,
            pltpu.SemaphoreType.DMA,
            pltpu.SemaphoreType.DMA,
        ],
    )
    def topk_kernel(v0_hbm, v1_hbm, v2_hbm, v3_hbm,
                    i0_hbm, i1_hbm, i2_hbm, i3_hbm,
                    x1_hbm, x2_hbm, fi_hbm, fc_hbm,
                    vals_v, idx_v, gfi_v, gfc_v, rfi_v, rfc_v,
                    sem_in, sem_g, sem_out):
        wid = lax.axis_index("s") * 2 + lax.axis_index("c")
        lane = lax.iota(jnp.int32, 16)
        v_hbms = (v0_hbm, v1_hbm, v2_hbm, v3_hbm)
        i_hbms = (i0_hbm, i1_hbm, i2_hbm, i3_hbm)
        tabs = ((x1_hbm, x2_hbm), (x2_hbm, x1_hbm),
                (x1_hbm, x2_hbm), (x2_hbm, x1_hbm))

        in_h = []
        for k in range(4):
            in_h.append(pltpu.async_copy(v_hbms[k].at[wid], vals_v.at[k],
                                         sem_in))
            in_h.append(pltpu.async_copy(i_hbms[k].at[wid], idx_v.at[k],
                                         sem_in))

        g_h = []
        for k in range(4):
            in_h[2 * k].wait()
            in_h[2 * k + 1].wait()
            vk = vals_v.at[k]
            ik = idx_v.at[k]

            def build_step(j, carry, vk=vk):
                cm0, cm1, cm2, cm3 = carry
                s = jnp.min(vk[j])
                hit = lane == (j % 16)
                g = j // 16
                cm0 = jnp.where(hit & (g == 0), s, cm0)
                cm1 = jnp.where(hit & (g == 1), s, cm1)
                cm2 = jnp.where(hit & (g == 2), s, cm2)
                cm3 = jnp.where(hit & (g == 3), s, cm3)
                return cm0, cm1, cm2, cm3

            big = jnp.full((16,), BIG, jnp.float32)
            cms = lax.fori_loop(0, 64, build_step, (big, big, big, big),
                                unroll=4)

            def select_step(t, carry, vk=vk, ik=ik):
                fi0, fi1, fc0, fc1, cm0, cm1, cm2, cm3 = carry
                mval = jnp.min(jnp.minimum(jnp.minimum(cm0, cm1),
                                           jnp.minimum(cm2, cm3)))
                c0 = jnp.where(cm0 == mval, lane, IBIG)
                c1 = jnp.where(cm1 == mval, lane + 16, IBIG)
                c2 = jnp.where(cm2 == mval, lane + 32, IBIG)
                c3 = jnp.where(cm3 == mval, lane + 48, IBIG)
                jrow = jnp.min(jnp.minimum(jnp.minimum(c0, c1),
                                           jnp.minimum(c2, c3)))
                row = vk[jrow]
                lpos = plsc.all_reduce_ffs(row == mval)
                hitl = lane == lpos
                newrow = jnp.where(hitl, BIG, row)
                vk[jrow] = newrow
                nm = jnp.min(newrow)
                hit = lane == (jrow % 16)
                g = jrow // 16
                cm0 = jnp.where(hit & (g == 0), nm, cm0)
                cm1 = jnp.where(hit & (g == 1), nm, cm1)
                cm2 = jnp.where(hit & (g == 2), nm, cm2)
                cm3 = jnp.where(hit & (g == 3), nm, cm3)
                jsplat = jnp.full((16,), jrow, jnp.int32)
                cand = plsc.load_gather(ik, [jsplat, lpos])
                pos = jrow * 16 + lpos
                fi_g = wid * P + pos
                fc_g = wid * P + cand
                sel0 = (lane == t) & (t < 16)
                sel1 = lane == (t - 16)
                fi0 = jnp.where(sel0, fi_g, fi0)
                fi1 = jnp.where(sel1, fi_g, fi1)
                fc0 = jnp.where(sel0, fc_g, fc0)
                fc1 = jnp.where(sel1, fc_g, fc1)
                return fi0, fi1, fc0, fc1, cm0, cm1, cm2, cm3

            z = jnp.zeros((16,), jnp.int32)
            fi0, fi1, fc0, fc1, _, _, _, _ = lax.fori_loop(
                0, K, select_step, (z, z, z, z) + cms)
            gfik = gfi_v.at[k]
            gfck = gfc_v.at[k]
            gfik[pl.ds(0, 16)] = fi0
            gfik[pl.ds(16, 16)] = fi1
            gfck[pl.ds(0, 16)] = fc0
            gfck[pl.ds(16, 16)] = fc1
            tin, tcand = tabs[k]
            g_h.append(pltpu.async_copy(tin.at[gfik], rfi_v.at[k], sem_g))
            g_h.append(pltpu.async_copy(tcand.at[gfck], rfc_v.at[k], sem_g))

        out_h = []
        for k in range(4):
            g_h[2 * k].wait()
            g_h[2 * k + 1].wait()
            task = k * B + wid
            rb = task * KP
            out_h.append(pltpu.async_copy(rfi_v.at[k].at[pl.ds(0, KP)],
                                          fi_hbm.at[pl.ds(rb, KP)], sem_out))
            out_h.append(pltpu.async_copy(rfc_v.at[k].at[pl.ds(0, KP)],
                                          fc_hbm.at[pl.ds(rb, KP)], sem_out))
        for h in out_h:
            h.wait()

    return topk_kernel(*vals4, *idx4, x1f, x2f)


def _loss_body(fi_ref, fc_ref, g1_ref, g2_ref, o_ref):
    NR = B * KP
    rio = lax.broadcasted_iota(jnp.int32, (NR, 1), 0)
    mask = jnp.where(rio % KP < K, 1.0, 0.0)
    n = B * K

    def vicreg(x, y, msk, n):
        inv = jnp.sum(msk * (x - y) ** 2) / (n * D)

        def vc(z):
            mu = jnp.sum(msk * z, axis=0, keepdims=True) * (1.0 / n)
            zc = msk * (z - mu)
            var = jnp.sum(zc * zc, axis=0) * (1.0 / n)
            std = jnp.sqrt(var + 1e-4)
            v = jnp.sum(jnp.maximum(1.0 - std, 0.0)) / D
            cov = lax.dot_general(zc, zc, (((0,), (0,)), ((), ())),
                                  preferred_element_type=jnp.float32)
            cov = cov * (1.0 / (n - 1))
            eye = (lax.broadcasted_iota(jnp.int32, (D, D), 0)
                   == lax.broadcasted_iota(jnp.int32, (D, D), 1))
            off = jnp.where(eye, 0.0, cov)
            c = jnp.sum(off * off) / D
            return v, c

        vx, cx = vc(x)
        vy, cy = vc(y)
        return inv, vx + vy, cx + cy

    ones = jnp.ones((B, 1), jnp.float32)
    g_inv, g_var, g_cov = vicreg(g1_ref[...], g2_ref[...], ones, B)
    l_inv = jnp.float32(0.0)
    l_var = jnp.float32(0.0)
    l_cov = jnp.float32(0.0)
    for c in range(4):
        i, v, cv = vicreg(fi_ref[c], fc_ref[c], mask, n)
        l_inv += i
        l_var += v
        l_cov += cv
    o_ref[0] = g_inv
    o_ref[1] = g_var
    o_ref[2] = g_cov
    o_ref[3] = l_inv * 0.25
    o_ref[4] = l_var * 0.25
    o_ref[5] = l_cov * 0.25


def _losses(fi_all, fc_all, x1_glob, x2_glob):
    return pl.pallas_call(
        _loss_body,
        out_specs=pl.BlockSpec(memory_space=pltpu.SMEM),
        out_shape=jax.ShapeDtypeStruct((6,), jnp.float32),
    )(fi_all, fc_all, x1_glob, x2_glob)


def kernel(x1_maps, x2_maps, x1_glob, x2_glob, x1_locations, x2_locations):
    l1p = jnp.pad(x1_locations, ((0, 0), (0, 0), (0, LP - 2)))
    l2p = jnp.pad(x2_locations, ((0, 0), (0, 0), (0, LP - 2)))
    (frv, fri, fcv, fci, lrv, lri, lcv, lci) = _nn_reduce(
        x1_maps, x2_maps, l1p, l2p)

    shp = (B, 64, 16)
    vals4 = (frv.reshape(shp), fcv.reshape(shp),
             lrv.reshape(shp), lcv.reshape(shp))
    idx4 = (fri.reshape(shp), fci.reshape(shp),
            lri.reshape(shp), lci.reshape(shp))
    x1f = x1_maps.reshape(B * P, D)
    x2f = x2_maps.reshape(B * P, D)

    fi, fc = _sc_topk_gather(vals4, idx4, x1f, x2f)
    fi_all = fi.reshape(4, B * KP, D)
    fc_all = fc.reshape(4, B * KP, D)
    return _losses(fi_all, fc_all, x1_glob, x2_glob)

# --- scband reference (transcript-rebuilt; emitter-appended) ---
"""Pipeline reference for scband-vicreg-lloss-14680198218419 (READ-ONLY COPY).

The authoritative reference and input builder live on the scoring server;
editing this copy changes nothing except your own understanding.
"""

import jax, jax.numpy as jnp
import numpy as np

NUM_MATCHES = 20


def _cdist(a, b):
    a2 = jnp.sum(a * a, axis=-1, keepdims=True)
    b2 = jnp.sum(b * b, axis=-1)[:, None, :]
    ab = jnp.einsum('bid,bjd->bij', a, b)
    d2 = jnp.maximum(a2 + b2 - 2.0 * ab, 0.0)
    return jnp.sqrt(d2 + 1e-12)


def _nn_match(input_maps, candidate_maps, distances, num_matches):
    # Each input element is mapped to its closest candidate; keep the
    # num_matches input elements whose nearest-neighbor distance is smallest.
    nn_vals = jnp.min(distances, axis=2)
    nn_idx = jnp.argmin(distances, axis=2)
    order = jnp.argsort(nn_vals, axis=1)[:, :num_matches]
    sel_cand = jnp.take_along_axis(nn_idx, order, axis=1)
    fi = jnp.take_along_axis(input_maps, order[:, :, None], axis=1)
    fc = jnp.take_along_axis(candidate_maps, sel_cand[:, :, None], axis=1)
    return fi, fc


def _vicreg(x, y):
    inv = jnp.mean((x - y) ** 2)
    def vc(z):
        zc = z - jnp.mean(z, axis=0, keepdims=True)
        std = jnp.sqrt(jnp.var(z, axis=0) + 1e-4)
        v = jnp.mean(jax.nn.relu(1.0 - std))
        n, d = z.shape
        cov = (zc.T @ zc) / (n - 1)
        off = cov - jnp.diag(jnp.diag(cov))
        c = jnp.sum(off ** 2) / d
        return v, c
    vx, cx = vc(x)
    vy, cy = vc(y)
    return inv, vx + vy, cx + cy


def setup_inputs(seed: int = 0):
    key = jax.random.key(seed)
    ks = jax.random.split(key, 6)
    B, P, D = 32, 1024, 64
    x1_maps = jax.random.normal(ks[0], (B, P, D), dtype=jnp.float32)
    x2_maps = jax.random.normal(ks[1], (B, P, D), dtype=jnp.float32)
    x1_glob = jax.random.normal(ks[2], (B, D), dtype=jnp.float32)
    x2_glob = jax.random.normal(ks[3], (B, D), dtype=jnp.float32)
    x1_locations = jax.random.uniform(ks[4], (B, P, 2), dtype=jnp.float32) * 32.0
    x2_locations = jax.random.uniform(ks[5], (B, P, 2), dtype=jnp.float32) * 32.0
    return {"x1_maps": x1_maps, "x2_maps": x2_maps, "x1_glob": x1_glob,
            "x2_glob": x2_glob, "x1_locations": x1_locations, "x2_locations": x2_locations}


def reference(x1_maps, x2_maps, x1_glob, x2_glob, x1_locations, x2_locations):
    # global VICReg loss
    g_inv, g_var, g_cov = _vicreg(x1_glob, x2_glob)
    # feature-space and location-space nearest-neighbor matching (both directions)
    d12 = _cdist(x1_maps, x2_maps)
    d21 = jnp.transpose(d12, (0, 2, 1))
    l12 = _cdist(x1_locations, x2_locations)
    l21 = jnp.transpose(l12, (0, 2, 1))
    pairs = [
        _nn_match(x1_maps, x2_maps, d12, NUM_MATCHES),
        _nn_match(x2_maps, x1_maps, d21, NUM_MATCHES),
        _nn_match(x1_maps, x2_maps, l12, NUM_MATCHES),
        _nn_match(x2_maps, x1_maps, l21, NUM_MATCHES),
    ]
    l_inv = 0.0
    l_var = 0.0
    l_cov = 0.0
    for fi, fc in pairs:
        a = fi.reshape(-1, fi.shape[-1])
        b = fc.reshape(-1, fc.shape[-1])
        i, v, c = _vicreg(a, b)
        l_inv = l_inv + i
        l_var = l_var + v
        l_cov = l_cov + c
    n = float(len(pairs))
    return jnp.stack([g_inv, g_var, g_cov, l_inv / n, l_var / n, l_cov / n])

if __name__ == "__main__":
    import jax
    _d = setup_inputs()
    print(jax.jit(kernel)(*tuple(_d.values())))

</pallas_src>

<mosaic_0001>
#map = affine_map<(d0, d1) -> (0, 0, 0)>
#map1 = affine_map<(d0, d1) -> (0, 0)>
module attributes {stable_mosaic.version = 14 : i64} {
  func.func @topk_kernel(%arg0: i32, %arg1: i32, %arg2: memref<32x64x16xf32, #tpu.memory_space<hbm>>, %arg3: memref<32x64x16xf32, #tpu.memory_space<hbm>>, %arg4: memref<32x64x16xf32, #tpu.memory_space<hbm>>, %arg5: memref<32x64x16xf32, #tpu.memory_space<hbm>>, %arg6: memref<32x64x16xi32, #tpu.memory_space<hbm>>, %arg7: memref<32x64x16xi32, #tpu.memory_space<hbm>>, %arg8: memref<32x64x16xi32, #tpu.memory_space<hbm>>, %arg9: memref<32x64x16xi32, #tpu.memory_space<hbm>>, %arg10: memref<32768x64xf32, #tpu.memory_space<hbm>>, %arg11: memref<32768x64xf32, #tpu.memory_space<hbm>>, %arg12: memref<3072x64xf32, #tpu.memory_space<hbm>>, %arg13: memref<3072x64xf32, #tpu.memory_space<hbm>>, %arg14: memref<4x64x16xf32, #tpu.memory_space<vmem>>, %arg15: memref<4x64x16xi32, #tpu.memory_space<vmem>>, %arg16: memref<4x32xi32, #tpu.memory_space<vmem>>, %arg17: memref<4x32xi32, #tpu.memory_space<vmem>>, %arg18: memref<4x32x64xf32, #tpu.memory_space<vmem>>, %arg19: memref<4x32x64xf32, #tpu.memory_space<vmem>>, %arg20: memref<!tpu.dma_semaphore, #tpu.memory_space<semaphore_mem>>, %arg21: memref<!tpu.dma_semaphore, #tpu.memory_space<semaphore_mem>>, %arg22: memref<!tpu.dma_semaphore, #tpu.memory_space<semaphore_mem>>) attributes {dimension_semantics = [#tpu.dimension_semantics<core_parallel>, #tpu.dimension_semantics<subcore_parallel>], iteration_bounds = array<i64: 2, 16>, scalar_prefetch = 0 : i64, scratch_operands = 9 : i64, tpu.core_type = #tpu.core_type<sc_vector_subcore>, window_params = [{transform_indices = #map}, {transform_indices = #map}, {transform_indices = #map}, {transform_indices = #map}, {transform_indices = #map}, {transform_indices = #map}, {transform_indices = #map}, {transform_indices = #map}, {transform_indices = #map1}, {transform_indices = #map1}, {transform_indices = #map1}, {transform_indices = #map1}]} {
    %mul3A = arith.constant 2 : i32
    %mul3A_0 = arith.muli %arg1, %mul3A : i32
    %add3A = arith.addi %mul3A_0, %arg0 : i32
    %iota3A = tpu.iota {dimensions = array<i32: 0>} : vector<16xi32>
    %dma_start3A = arith.constant 0 : i32
    %dma_start3A_1 = arith.constant 0 : i32
    %dma_start3A_2 = arith.constant 0 : i32
    %dma_start3A_3 = tpu.memref_slice %arg14[%dma_start3A, %dma_start3A_1, %dma_start3A_2] : memref<4x64x16xf32, #tpu.memory_space<vmem>> -> memref<1x64x16xf32, #tpu.memory_space<vmem>>
    %dma_start3A_4 = tpu.memref_squeeze %dma_start3A_3 : memref<1x64x16xf32, #tpu.memory_space<vmem>> -> memref<64x16xf32, #tpu.memory_space<vmem>>
    %dma_start3A_5 = arith.constant 0 : i32
    %dma_start3A_6 = arith.constant 0 : i32
    %dma_start3A_7 = tpu.memref_slice %arg2[%add3A, %dma_start3A_5, %dma_start3A_6] : memref<32x64x16xf32, #tpu.memory_space<hbm>> -> memref<1x64x16xf32, #tpu.memory_space<hbm>>
    %dma_start3A_8 = tpu.memref_squeeze %dma_start3A_7 : memref<1x64x16xf32, #tpu.memory_space<hbm>> -> memref<64x16xf32, #tpu.memory_space<hbm>>
    %dma_start3A_9 = arith.constant 0 : i32
    %dma_start3A_10 = arith.constant 0 : i32
    %dma_start3A_11 = tpu.memref_slice %arg14[%dma_start3A, %dma_start3A_9, %dma_start3A_10] : memref<4x64x16xf32, #tpu.memory_space<vmem>> -> memref<1x64x16xf32, #tpu.memory_space<vmem>>
    %dma_start3A_12 = tpu.memref_squeeze %dma_start3A_11 : memref<1x64x16xf32, #tpu.memory_space<vmem>> -> memref<64x16xf32, #tpu.memory_space<vmem>>
    %dma_start3A_13 = arith.constant 0 : i32
    %dma_start3A_14 = arith.constant 0 : i32
    %dma_start3A_15 = tpu.memref_slice %arg2[%add3A, %dma_start3A_13, %dma_start3A_14] : memref<32x64x16xf32, #tpu.memory_space<hbm>> -> memref<1x64x16xf32, #tpu.memory_space<hbm>>
    %dma_start3A_16 = tpu.memref_squeeze %dma_start3A_15 : memref<1x64x16xf32, #tpu.memory_space<hbm>> -> memref<64x16xf32, #tpu.memory_space<hbm>>
    tpu.enqueue_dma source(%dma_start3A_16 : memref<64x16xf32, #tpu.memory_space<hbm>>) target(%dma_start3A_12 : memref<64x16xf32, #tpu.memory_space<vmem>>) target_semaphore(%arg20 : memref<!tpu.dma_semaphore, #tpu.memory_space<semaphore_mem>>)
    %dma_start3A_17 = arith.constant 0 : i32
    %dma_start3A_18 = arith.constant 0 : i32
    %dma_start3A_19 = arith.constant 0 : i32
    %dma_start3A_20 = tpu.memref_slice %arg15[%dma_start3A_17, %dma_start3A_18, %dma_start3A_19] : memref<4x64x16xi32, #tpu.memory_space<vmem>> -> memref<1x64x16xi32, #tpu.memory_space<vmem>>
    %dma_start3A_21 = tpu.memref_squeeze %dma_start3A_20 : memref<1x64x16xi32, #tpu.memory_space<vmem>> -> memref<64x16xi32, #tpu.memory_space<vmem>>
    %dma_start3A_22 = arith.constant 0 : i32
    %dma_start3A_23 = arith.constant 0 : i32
    %dma_start3A_24 = tpu.memref_slice %arg6[%add3A, %dma_start3A_22, %dma_start3A_23] : memref<32x64x16xi32, #tpu.memory_space<hbm>> -> memref<1x64x16xi32, #tpu.memory_space<hbm>>
    %dma_start3A_25 = tpu.memref_squeeze %dma_start3A_24 : memref<1x64x16xi32, #tpu.memory_space<hbm>> -> memref<64x16xi32, #tpu.memory_space<hbm>>
    %dma_start3A_26 = arith.constant 0 : i32
    %dma_start3A_27 = arith.constant 0 : i32
    %dma_start3A_28 = tpu.memref_slice %arg15[%dma_start3A_17, %dma_start3A_26, %dma_start3A_27] : memref<4x64x16xi32, #tpu.memory_space<vmem>> -> memref<1x64x16xi32, #tpu.memory_space<vmem>>
    %dma_start3A_29 = tpu.memref_squeeze %dma_start3A_28 : memref<1x64x16xi32, #tpu.memory_space<vmem>> -> memref<64x16xi32, #tpu.memory_space<vmem>>
    %dma_start3A_30 = arith.constant 0 : i32
    %dma_start3A_31 = arith.constant 0 : i32
    %dma_start3A_32 = tpu.memref_slice %arg6[%add3A, %dma_start3A_30, %dma_start3A_31] : memref<32x64x16xi32, #tpu.memory_space<hbm>> -> memref<1x64x16xi32, #tpu.memory_space<hbm>>
    %dma_start3A_33 = tpu.memref_squeeze %dma_start3A_32 : memref<1x64x16xi32, #tpu.memory_space<hbm>> -> memref<64x16xi32, #tpu.memory_space<hbm>>
    tpu.enqueue_dma source(%dma_start3A_33 : memref<64x16xi32, #tpu.memory_space<hbm>>) target(%dma_start3A_29 : memref<64x16xi32, #tpu.memory_space<vmem>>) target_semaphore(%arg20 : memref<!tpu.dma_semaphore, #tpu.memory_space<semaphore_mem>>)
    %dma_start3A_34 = arith.constant 1 : i32
    %dma_start3A_35 = arith.constant 0 : i32
    %dma_start3A_36 = arith.constant 0 : i32
    %dma_start3A_37 = tpu.memref_slice %arg14[%dma_start3A_34, %dma_start3A_35, %dma_start3A_36] : memref<4x64x16xf32, #tpu.memory_space<vmem>> -> memref<1x64x16xf32, #tpu.memory_space<vmem>>
    %dma_start3A_38 = tpu.memref_squeeze %dma_start3A_37 : memref<1x64x16xf32, #tpu.memory_space<vmem>> -> memref<64x16xf32, #tpu.memory_space<vmem>>
    %dma_start3A_39 = arith.constant 0 : i32
    %dma_start3A_40 = arith.constant 0 : i32
    %dma_start3A_41 = tpu.memref_slice %arg3[%add3A, %dma_start3A_39, %dma_start3A_40] : memref<32x64x16xf32, #tpu.memory_space<hbm>> -> memref<1x64x16xf32, #tpu.memory_space<hbm>>
    %dma_start3A_42 = tpu.memref_squeeze %dma_start3A_41 : memref<1x64x16xf32, #tpu.memory_space<hbm>> -> memref<64x16xf32, #tpu.memory_space<hbm>>
    %dma_start3A_43 = arith.constant 0 : i32
    %dma_start3A_44 = arith.constant 0 : i32
    %dma_start3A_45 = tpu.memref_slice %arg14[%dma_start3A_34, %dma_start3A_43, %dma_start3A_44] : memref<4x64x16xf32, #tpu.memory_space<vmem>> -> memref<1x64x16xf32, #tpu.memory_space<vmem>>
    %dma_start3A_46 = tpu.memref_squeeze %dma_start3A_45 : memref<1x64x16xf32, #tpu.memory_space<vmem>> -> memref<64x16xf32, #tpu.memory_space<vmem>>
    %dma_start3A_47 = arith.constant 0 : i32
    %dma_start3A_48 = arith.constant 0 : i32
    %dma_start3A_49 = tpu.memref_slice %arg3[%add3A, %dma_start3A_47, %dma_start3A_48] : memref<32x64x16xf32, #tpu.memory_space<hbm>> -> memref<1x64x16xf32, #tpu.memory_space<hbm>>
    %dma_start3A_50 = tpu.memref_squeeze %dma_start3A_49 : memref<1x64x16xf32, #tpu.memory_space<hbm>> -> memref<64x16xf32, #tpu.memory_space<hbm>>
    tpu.enqueue_dma source(%dma_start3A_50 : memref<64x16xf32, #tpu.memory_space<hbm>>) target(%dma_start3A_46 : memref<64x16xf32, #tpu.memory_space<vmem>>) target_semaphore(%arg20 : memref<!tpu.dma_semaphore, #tpu.memory_space<semaphore_mem>>)
    %dma_start3A_51 = arith.constant 1 : i32
    %dma_start3A_52 = arith.constant 0 : i32
    %dma_start3A_53 = arith.constant 0 : i32
    %dma_start3A_54 = tpu.memref_slice %arg15[%dma_start3A_51, %dma_start3A_52, %dma_start3A_53] : memref<4x64x16xi32, #tpu.memory_space<vmem>> -> memref<1x64x16xi32, #tpu.memory_space<vmem>>
    %dma_start3A_55 = tpu.memref_squeeze %dma_start3A_54 : memref<1x64x16xi32, #tpu.memory_space<vmem>> -> memref<64x16xi32, #tpu.memory_space<vmem>>
    %dma_start3A_56 = arith.constant 0 : i32
    %dma_start3A_57 = arith.constant 0 : i32
    %dma_start3A_58 = tpu.memref_slice %arg7[%add3A, %dma_start3A_56, %dma_start3A_57] : memref<32x64x16xi32, #tpu.memory_space<hbm>> -> memref<1x64x16xi32, #tpu.memory_space<hbm>>
    %dma_start3A_59 = tpu.memref_squeeze %dma_start3A_58 : memref<1x64x16xi32, #tpu.memory_space<hbm>> -> memref<64x16xi32, #tpu.memory_space<hbm>>
    %dma_start3A_60 = arith.constant 0 : i32
    %dma_start3A_61 = arith.constant 0 : i32
    %dma_start3A_62 = tpu.memref_slice %arg15[%dma_start3A_51, %dma_start3A_60, %dma_start3A_61] : memref<4x64x16xi32, #tpu.memory_space<vmem>> -> memref<1x64x16xi32, #tpu.memory_space<vmem>>
    %dma_start3A_63 = tpu.memref_squeeze %dma_start3A_62 : memref<1x64x16xi32, #tpu.memory_space<vmem>> -> memref<64x16xi32, #tpu.memory_space<vmem>>
    %dma_start3A_64 = arith.constant 0 : i32
    %dma_start3A_65 = arith.constant 0 : i32
    %dma_start3A_66 = tpu.memref_slice %arg7[%add3A, %dma_start3A_64, %dma_start3A_65] : memref<32x64x16xi32, #tpu.memory_space<hbm>> -> memref<1x64x16xi32, #tpu.memory_space<hbm>>
    %dma_start3A_67 = tpu.memref_squeeze %dma_start3A_66 : memref<1x64x16xi32, #tpu.memory_space<hbm>> -> memref<64x16xi32, #tpu.memory_space<hbm>>
    tpu.enqueue_dma source(%dma_start3A_67 : memref<64x16xi32, #tpu.memory_space<hbm>>) target(%dma_start3A_63 : memref<64x16xi32, #tpu.memory_space<vmem>>) target_semaphore(%arg20 : memref<!tpu.dma_semaphore, #tpu.memory_space<semaphore_mem>>)
    %dma_start3A_68 = arith.constant 2 : i32
    %dma_start3A_69 = arith.constant 0 : i32
    %dma_start3A_70 = arith.constant 0 : i32
    %dma_start3A_71 = tpu.memref_slice %arg14[%dma_start3A_68, %dma_start3A_69, %dma_start3A_70] : memref<4x64x16xf32, #tpu.memory_space<vmem>> -> memref<1x64x16xf32, #tpu.memory_space<vmem>>
    %dma_start3A_72 = tpu.memref_squeeze %dma_start3A_71 : memref<1x64x16xf32, #tpu.memory_space<vmem>> -> memref<64x16xf32, #tpu.memory_space<vmem>>
    %dma_start3A_73 = arith.constant 0 : i32
    %dma_start3A_74 = arith.constant 0 : i32
    %dma_start3A_75 = tpu.memref_slice %arg4[%add3A, %dma_start3A_73, %dma_start3A_74] : memref<32x64x16xf32, #tpu.memory_space<hbm>> -> memref<1x64x16xf32, #tpu.memory_space<hbm>>
    %dma_start3A_76 = tpu.memref_squeeze %dma_start3A_75 : memref<1x64x16xf32, #tpu.memory_space<hbm>> -> memref<64x16xf32, #tpu.memory_space<hbm>>
    %dma_start3A_77 = arith.constant 0 : i32
    %dma_start3A_78 = arith.constant 0 : i32
    %dma_start3A_79 = tpu.memref_slice %arg14[%dma_start3A_68, %dma_start3A_77, %dma_start3A_78] : memref<4x64x16xf32, #tpu.memory_space<vmem>> -> memref<1x64x16xf32, #tpu.memory_space<vmem>>
    %dma_start3A_80 = tpu.memref_squeeze %dma_start3A_79 : memref<1x64x16xf32, #tpu.memory_space<vmem>> -> memref<64x16xf32, #tpu.memory_space<vmem>>
    %dma_start3A_81 = arith.constant 0 : i32
    %dma_start3A_82 = arith.constant 0 : i32
    %dma_start3A_83 = tpu.memref_slice %arg4[%add3A, %dma_start3A_81, %dma_start3A_82] : memref<32x64x16xf32, #tpu.memory_space<hbm>> -> memref<1x64x16xf32, #tpu.memory_space<hbm>>
    %dma_start3A_84 = tpu.memref_squeeze %dma_start3A_83 : memref<1x64x16xf32, #tpu.memory_space<hbm>> -> memref<64x16xf32, #tpu.memory_space<hbm>>
    tpu.enqueue_dma source(%dma_start3A_84 : memref<64x16xf32, #tpu.memory_space<hbm>>) target(%dma_start3A_80 : memref<64x16xf32, #tpu.memory_space<vmem>>) target_semaphore(%arg20 : memref<!tpu.dma_semaphore, #tpu.memory_space<semaphore_mem>>)
    %dma_start3A_85 = arith.constant 2 : i32
    %dma_start3A_86 = arith.constant 0 : i32
    %dma_start3A_87 = arith.constant 0 : i32
    %dma_start3A_88 = tpu.memref_slice %arg15[%dma_start3A_85, %dma_start3A_86, %dma_start3A_87] : memref<4x64x16xi32, #tpu.memory_space<vmem>> -> memref<1x64x16xi32, #tpu.memory_space<vmem>>
    %dma_start3A_89 = tpu.memref_squeeze %dma_start3A_88 : memref<1x64x16xi32, #tpu.memory_space<vmem>> -> memref<64x16xi32, #tpu.memory_space<vmem>>
    %dma_start3A_90 = arith.constant 0 : i32
    %dma_start3A_91 = arith.constant 0 : i32
    %dma_start3A_92 = tpu.memref_slice %arg8[%add3A, %dma_start3A_90, %dma_start3A_91] : memref<32x64x16xi32, #tpu.memory_space<hbm>> -> memref<1x64x16xi32, #tpu.memory_space<hbm>>
    %dma_start3A_93 = tpu.memref_squeeze %dma_start3A_92 : memref<1x64x16xi32, #tpu.memory_space<hbm>> -> memref<64x16xi32, #tpu.memory_space<hbm>>
    %dma_start3A_94 = arith.constant 0 : i32
    %dma_start3A_95 = arith.constant 0 : i32
    %dma_start3A_96 = tpu.memref_slice %arg15[%dma_start3A_85, %dma_start3A_94, %dma_start3A_95] : memref<4x64x16xi32, #tpu.memory_space<vmem>> -> memref<1x64x16xi32, #tpu.memory_space<vmem>>
    %dma_start3A_97 = tpu.memref_squeeze %dma_start3A_96 : memref<1x64x16xi32, #tpu.memory_space<vmem>> -> memref<64x16xi32, #tpu.memory_space<vmem>>
    %dma_start3A_98 = arith.constant 0 : i32
    %dma_start3A_99 = arith.constant 0 : i32
    %dma_start3A_100 = tpu.memref_slice %arg8[%add3A, %dma_start3A_98, %dma_start3A_99] : memref<32x64x16xi32, #tpu.memory_space<hbm>> -> memref<1x64x16xi32, #tpu.memory_space<hbm>>
    %dma_start3A_101 = tpu.memref_squeeze %dma_start3A_100 : memref<1x64x16xi32, #tpu.memory_space<hbm>> -> memref<64x16xi32, #tpu.memory_space<hbm>>
    tpu.enqueue_dma source(%dma_start3A_101 : memref<64x16xi32, #tpu.memory_space<hbm>>) target(%dma_start3A_97 : memref<64x16xi32, #tpu.memory_space<vmem>>) target_semaphore(%arg20 : memref<!tpu.dma_semaphore, #tpu.memory_space<semaphore_mem>>)
    %dma_start3A_102 = arith.constant 3 : i32
    %dma_start3A_103 = arith.constant 0 : i32
    %dma_start3A_104 = arith.constant 0 : i32
    %dma_start3A_105 = tpu.memref_slice %arg14[%dma_start3A_102, %dma_start3A_103, %dma_start3A_104] : memref<4x64x16xf32, #tpu.memory_space<vmem>> -> memref<1x64x16xf32, #tpu.memory_space<vmem>>
    %dma_start3A_106 = tpu.memref_squeeze %dma_start3A_105 : memref<1x64x16xf32, #tpu.memory_space<vmem>> -> memref<64x16xf32, #tpu.memory_space<vmem>>
    %dma_start3A_107 = arith.constant 0 : i32
    %dma_start3A_108 = arith.constant 0 : i32
    %dma_start3A_109 = tpu.memref_slice %arg5[%add3A, %dma_start3A_107, %dma_start3A_108] : memref<32x64x16xf32, #tpu.memory_space<hbm>> -> memref<1x64x16xf32, #tpu.memory_space<hbm>>
    %dma_start3A_110 = tpu.memref_squeeze %dma_start3A_109 : memref<1x64x16xf32, #tpu.memory_space<hbm>> -> memref<64x16xf32, #tpu.memory_space<hbm>>
    %dma_start3A_111 = arith.constant 0 : i32
    %dma_start3A_112 = arith.constant 0 : i32
    %dma_start3A_113 = tpu.memref_slice %arg14[%dma_start3A_102, %dma_start3A_111, %dma_start3A_112] : memref<4x64x16xf32, #tpu.memory_space<vmem>> -> memref<1x64x16xf32, #tpu.memory_space<vmem>>
    %dma_start3A_114 = tpu.memref_squeeze %dma_start3A_113 : memref<1x64x16xf32, #tpu.memory_space<vmem>> -> memref<64x16xf32, #tpu.memory_space<vmem>>
    %dma_start3A_115 = arith.constant 0 : i32
    %dma_start3A_116 = arith.constant 0 : i32
    %dma_start3A_117 = tpu.memref_slice %arg5[%add3A, %dma_start3A_115, %dma_start3A_116] : memref<32x64x16xf32, #tpu.memory_space<hbm>> -> memref<1x64x16xf32, #tpu.memory_space<hbm>>
    %dma_start3A_118 = tpu.memref_squeeze %dma_start3A_117 : memref<1x64x16xf32, #tpu.memory_space<hbm>> -> memref<64x16xf32, #tpu.memory_space<hbm>>
    tpu.enqueue_dma source(%dma_start3A_118 : memref<64x16xf32, #tpu.memory_space<hbm>>) target(%dma_start3A_114 : memref<64x16xf32, #tpu.memory_space<vmem>>) target_semaphore(%arg20 : memref<!tpu.dma_semaphore, #tpu.memory_space<semaphore_mem>>)
    %dma_start3A_119 = arith.constant 3 : i32
    %dma_start3A_120 = arith.constant 0 : i32
    %dma_start3A_121 = arith.constant 0 : i32
    %dma_start3A_122 = tpu.memref_slice %arg15[%dma_start3A_119, %dma_start3A_120, %dma_start3A_121] : memref<4x64x16xi32, #tpu.memory_space<vmem>> -> memref<1x64x16xi32, #tpu.memory_space<vmem>>
    %dma_start3A_123 = tpu.memref_squeeze %dma_start3A_122 : memref<1x64x16xi32, #tpu.memory_space<vmem>> -> memref<64x16xi32, #tpu.memory_space<vmem>>
    %dma_start3A_124 = arith.constant 0 : i32
    %dma_start3A_125 = arith.constant 0 : i32
    %dma_start3A_126 = tpu.memref_slice %arg9[%add3A, %dma_start3A_124, %dma_start3A_125] : memref<32x64x16xi32, #tpu.memory_space<hbm>> -> memref<1x64x16xi32, #tpu.memory_space<hbm>>
    %dma_start3A_127 = tpu.memref_squeeze %dma_start3A_126 : memref<1x64x16xi32, #tpu.memory_space<hbm>> -> memref<64x16xi32, #tpu.memory_space<hbm>>
    %dma_start3A_128 = arith.constant 0 : i32
    %dma_start3A_129 = arith.constant 0 : i32
    %dma_start3A_130 = tpu.memref_slice %arg15[%dma_start3A_119, %dma_start3A_128, %dma_start3A_129] : memref<4x64x16xi32, #tpu.memory_space<vmem>> -> memref<1x64x16xi32, #tpu.memory_space<vmem>>
    %dma_start3A_131 = tpu.memref_squeeze %dma_start3A_130 : memref<1x64x16xi32, #tpu.memory_space<vmem>> -> memref<64x16xi32, #tpu.memory_space<vmem>>
    %dma_start3A_132 = arith.constant 0 : i32
    %dma_start3A_133 = arith.constant 0 : i32
    %dma_start3A_134 = tpu.memref_slice %arg9[%add3A, %dma_start3A_132, %dma_start3A_133] : memref<32x64x16xi32, #tpu.memory_space<hbm>> -> memref<1x64x16xi32, #tpu.memory_space<hbm>>
    %dma_start3A_135 = tpu.memref_squeeze %dma_start3A_134 : memref<1x64x16xi32, #tpu.memory_space<hbm>> -> memref<64x16xi32, #tpu.memory_space<hbm>>
    tpu.enqueue_dma source(%dma_start3A_135 : memref<64x16xi32, #tpu.memory_space<hbm>>) target(%dma_start3A_131 : memref<64x16xi32, #tpu.memory_space<vmem>>) target_semaphore(%arg20 : memref<!tpu.dma_semaphore, #tpu.memory_space<semaphore_mem>>)
    %dma_wait3A = arith.constant 0 : i32
    %dma_wait3A_136 = arith.constant 0 : i32
    %dma_wait3A_137 = arith.constant 0 : i32
    %dma_wait3A_138 = tpu.memref_slice %arg14[%dma_wait3A, %dma_wait3A_136, %dma_wait3A_137] : memref<4x64x16xf32, #tpu.memory_space<vmem>> -> memref<1x64x16xf32, #tpu.memory_space<vmem>>
    %dma_wait3A_139 = tpu.memref_squeeze %dma_wait3A_138 : memref<1x64x16xf32, #tpu.memory_space<vmem>> -> memref<64x16xf32, #tpu.memory_space<vmem>>
    %dma_wait3A_140 = arith.constant 0 : i32
    %dma_wait3A_141 = arith.constant 0 : i32
    %dma_wait3A_142 = tpu.memref_slice %arg2[%add3A, %dma_wait3A_140, %dma_wait3A_141] : memref<32x64x16xf32, #tpu.memory_space<hbm>> -> memref<1x64x16xf32, #tpu.memory_space<hbm>>
    %dma_wait3A_143 = tpu.memref_squeeze %dma_wait3A_142 : memref<1x64x16xf32, #tpu.memory_space<hbm>> -> memref<64x16xf32, #tpu.memory_space<hbm>>
    %dma_wait3A_144 = arith.constant 0 : i32
    %dma_wait3A_145 = arith.constant 0 : i32
    %dma_wait3A_146 = tpu.memref_slice %arg14[%dma_wait3A, %dma_wait3A_144, %dma_wait3A_145] : memref<4x64x16xf32, #tpu.memory_space<vmem>> -> memref<1x64x16xf32, #tpu.memory_space<vmem>>
    %dma_wait3A_147 = tpu.memref_squeeze %dma_wait3A_146 : memref<1x64x16xf32, #tpu.memory_space<vmem>> -> memref<64x16xf32, #tpu.memory_space<vmem>>
    %dma_wait3A_148 = arith.constant 0 : i32
    %dma_wait3A_149 = arith.constant 0 : i32
    %dma_wait3A_150 = tpu.memref_slice %arg2[%add3A, %dma_wait3A_148, %dma_wait3A_149] : memref<32x64x16xf32, #tpu.memory_space<hbm>> -> memref<1x64x16xf32, #tpu.memory_space<hbm>>
    %dma_wait3A_151 = tpu.memref_squeeze %dma_wait3A_150 : memref<1x64x16xf32, #tpu.memory_space<hbm>> -> memref<64x16xf32, #tpu.memory_space<hbm>>
    tpu.wait_dma2 semaphore(%arg20 : memref<!tpu.dma_semaphore, #tpu.memory_space<semaphore_mem>>) src(%dma_wait3A_151 : memref<64x16xf32, #tpu.memory_space<hbm>>) dst(%dma_wait3A_147 : memref<64x16xf32, #tpu.memory_space<vmem>>)
    %dma_wait3A_152 = arith.constant 0 : i32
    %dma_wait3A_153 = arith.constant 0 : i32
    %dma_wait3A_154 = arith.constant 0 : i32
    %dma_wait3A_155 = tpu.memref_slice %arg15[%dma_wait3A_152, %dma_wait3A_153, %dma_wait3A_154] : memref<4x64x16xi32, #tpu.memory_space<vmem>> -> memref<1x64x16xi32, #tpu.memory_space<vmem>>
    %dma_wait3A_156 = tpu.memref_squeeze %dma_wait3A_155 : memref<1x64x16xi32, #tpu.memory_space<vmem>> -> memref<64x16xi32, #tpu.memory_space<vmem>>
    %dma_wait3A_157 = arith.constant 0 : i32
    %dma_wait3A_158 = arith.constant 0 : i32
    %dma_wait3A_159 = tpu.memref_slice %arg6[%add3A, %dma_wait3A_157, %dma_wait3A_158] : memref<32x64x16xi32, #tpu.memory_space<hbm>> -> memref<1x64x16xi32, #tpu.memory_space<hbm>>
    %dma_wait3A_160 = tpu.memref_squeeze %dma_wait3A_159 : memref<1x64x16xi32, #tpu.memory_space<hbm>> -> memref<64x16xi32, #tpu.memory_space<hbm>>
    %dma_wait3A_161 = arith.constant 0 : i32
    %dma_wait3A_162 = arith.constant 0 : i32
    %dma_wait3A_163 = tpu.memref_slice %arg15[%dma_wait3A_152, %dma_wait3A_161, %dma_wait3A_162] : memref<4x64x16xi32, #tpu.memory_space<vmem>> -> memref<1x64x16xi32, #tpu.memory_space<vmem>>
    %dma_wait3A_164 = tpu.memref_squeeze %dma_wait3A_163 : memref<1x64x16xi32, #tpu.memory_space<vmem>> -> memref<64x16xi32, #tpu.memory_space<vmem>>
    %dma_wait3A_165 = arith.constant 0 : i32
    %dma_wait3A_166 = arith.constant 0 : i32
    %dma_wait3A_167 = tpu.memref_slice %arg6[%add3A, %dma_wait3A_165, %dma_wait3A_166] : memref<32x64x16xi32, #tpu.memory_space<hbm>> -> memref<1x64x16xi32, #tpu.memory_space<hbm>>
    %dma_wait3A_168 = tpu.memref_squeeze %dma_wait3A_167 : memref<1x64x16xi32, #tpu.memory_space<hbm>> -> memref<64x16xi32, #tpu.memory_space<hbm>>
    tpu.wait_dma2 semaphore(%arg20 : memref<!tpu.dma_semaphore, #tpu.memory_space<semaphore_mem>>) src(%dma_wait3A_168 : memref<64x16xi32, #tpu.memory_space<hbm>>) dst(%dma_wait3A_164 : memref<64x16xi32, #tpu.memory_space<vmem>>)
    %broadcast_in_dim3A = arith.constant 3.000000e+38 : f32
    %broadcast_in_dim3A_169 = vector.broadcast %broadcast_in_dim3A : f32 to vector<16xf32>
    %scan3A = arith.constant 0 : i32
    %scan3A_170 = arith.constant 0 : i32
    %scan3A_171 = arith.constant 64 : i32
    %scan3A_172 = arith.addi %scan3A_170, %scan3A_171 : i32
    %scan3A_173 = arith.constant 4 : i32
    %scan3A_174:4 = scf.for %scan3A_952 = %scan3A_170 to %scan3A_172 step %scan3A_173 iter_args(%scan3A_953 = %broadcast_in_dim3A_169, %scan3A_954 = %broadcast_in_dim3A_169, %scan3A_955 = %broadcast_in_dim3A_169, %scan3A_956 = %broadcast_in_dim3A_169) -> (vector<16xf32>, vector<16xf32>, vector<16xf32>, vector<16xf32>)  : i32 {
      %get3A = arith.constant 0 : i32
      %get3A_957 = arith.constant 0 : i32
      %get3A_958 = tpu.memref_slice %arg14[%scan3A, %get3A, %get3A_957] : memref<4x64x16xf32, #tpu.memory_space<vmem>> -> memref<1x64x16xf32, #tpu.memory_space<vmem>>
      %get3A_959 = tpu.memref_squeeze %get3A_958 : memref<1x64x16xf32, #tpu.memory_space<vmem>> -> memref<64x16xf32, #tpu.memory_space<vmem>>
      %get3A_960 = arith.index_cast %scan3A_952 : i32 to index
      %get3A_961 = arith.constant 0 : index
      %get3A_962 = tpu.vector_load %get3A_959[%get3A_960, %get3A_961] {strides = array<i32>} : memref<64x16xf32, #tpu.memory_space<vmem>>, vector<16xf32>,
      %reduce_min3A = arith.constant true
      %reduce_min3A_963 = vector.broadcast %reduce_min3A : i1 to vector<16xi1>
      %reduce_min3A_964 = tpu.scan <min>, %get3A_962 masked %reduce_min3A_963 : vector<16xf32>, vector<16xi1> -> vector<16xf32>
      %reduce_min3A_965 = vector.extract %reduce_min3A_964[15] : f32 from vector<16xf32>
      %jit3A = arith.constant 16 : i32
      %eq3A = arith.constant 0 : i32
      %eq3A_966 = arith.cmpi eq, %jit3A, %eq3A : i32
      %jit3A_967 = arith.constant 1 : i32
      %select_n3A = arith.select %eq3A_966, %jit3A_967, %jit3A : i32
      %rem3A = arith.remsi %scan3A_952, %select_n3A : i32
      %ne3A = arith.constant 0 : i32
      %ne3A_968 = arith.cmpi ne, %rem3A, %ne3A : i32
      %lt3A = arith.constant 0 : i32
      %lt3A_969 = arith.cmpi slt, %rem3A, %lt3A : i32
      %lt3A_970 = arith.constant 0 : i32
      %lt3A_971 = arith.cmpi slt, %select_n3A, %lt3A_970 : i32
      %ne3A_972 = arith.xori %lt3A_969, %lt3A_971 : i1
      %and3A = arith.andi %ne3A_972, %ne3A_968 : i1
      %add3A_973 = arith.addi %rem3A, %select_n3A : i32
      %select_n3A_974 = arith.select %and3A, %add3A_973, %rem3A : i32
      %eq3A_975 = vector.broadcast %select_n3A_974 : i32 to vector<16xi32>
      %eq3A_976 = arith.cmpi eq, %iota3A, %eq3A_975 : vector<16xi32>
      %jit3A_977 = arith.constant 16 : i32
      %div3A = arith.divsi %scan3A_952, %jit3A_977 : i32
      %sign3A = arith.constant 0 : i32
      %sign3A_978 = arith.cmpi sgt, %scan3A_952, %sign3A : i32
      %sign3A_979 = arith.extui %sign3A_978 : i1 to i32
      %sign3A_980 = arith.constant 0 : i32
      %sign3A_981 = arith.cmpi slt, %scan3A_952, %sign3A_980 : i32
      %sign3A_982 = arith.extui %sign3A_981 : i1 to i32
      %sign3A_983 = arith.subi %sign3A_979, %sign3A_982 : i32
      %sign3A_984 = arith.constant 0 : i32
      %sign3A_985 = arith.cmpi sgt, %jit3A_977, %sign3A_984 : i32
      %sign3A_986 = arith.extui %sign3A_985 : i1 to i32
      %sign3A_987 = arith.constant 0 : i32
      %sign3A_988 = arith.cmpi slt, %jit3A_977, %sign3A_987 : i32
      %sign3A_989 = arith.extui %sign3A_988 : i1 to i32
      %sign3A_990 = arith.subi %sign3A_986, %sign3A_989 : i32
      %ne3A_991 = arith.cmpi ne, %sign3A_983, %sign3A_990 : i32
      %rem3A_992 = arith.remsi %scan3A_952, %jit3A_977 : i32
      %ne3A_993 = arith.constant 0 : i32
      %ne3A_994 = arith.cmpi ne, %rem3A_992, %ne3A_993 : i32
      %and3A_995 = arith.andi %ne3A_991, %ne3A_994 : i1
      %sub3A = arith.constant 1 : i32
      %sub3A_996 = arith.subi %div3A, %sub3A : i32
      %select_n3A_997 = arith.select %and3A_995, %sub3A_996, %div3A : i32
      %eq3A_998 = arith.constant 0 : i32
      %eq3A_999 = arith.cmpi eq, %select_n3A_997, %eq3A_998 : i32
      %and3A_1000 = vector.broadcast %eq3A_999 : i1 to vector<16xi1>
      %and3A_1001 = arith.andi %eq3A_976, %and3A_1000 : vector<16xi1>
      %broadcast_in_dim3A_1002 = vector.broadcast %reduce_min3A_965 : f32 to vector<16xf32>
      %select_n3A_1003 = arith.select %and3A_1001, %broadcast_in_dim3A_1002, %scan3A_953 : vector<16xi1>, vector<16xf32>
      %eq3A_1004 = arith.constant 1 : i32
      %eq3A_1005 = arith.cmpi eq, %select_n3A_997, %eq3A_1004 : i32
      %and3A_1006 = vector.broadcast %eq3A_1005 : i1 to vector<16xi1>
      %and3A_1007 = arith.andi %eq3A_976, %and3A_1006 : vector<16xi1>
      %broadcast_in_dim3A_1008 = vector.broadcast %reduce_min3A_965 : f32 to vector<16xf32>
      %select_n3A_1009 = arith.select %and3A_1007, %broadcast_in_dim3A_1008, %scan3A_954 : vector<16xi1>, vector<16xf32>
      %eq3A_1010 = arith.constant 2 : i32
      %eq3A_1011 = arith.cmpi eq, %select_n3A_997, %eq3A_1010 : i32
      %and3A_1012 = vector.broadcast %eq3A_1011 : i1 to vector<16xi1>
      %and3A_1013 = arith.andi %eq3A_976, %and3A_1012 : vector<16xi1>
      %broadcast_in_dim3A_1014 = vector.broadcast %reduce_min3A_965 : f32 to vector<16xf32>
      %select_n3A_1015 = arith.select %and3A_1013, %broadcast_in_dim3A_1014, %scan3A_955 : vector<16xi1>, vector<16xf32>
      %eq3A_1016 = arith.constant 3 : i32
      %eq3A_1017 = arith.cmpi eq, %select_n3A_997, %eq3A_1016 : i32
      %and3A_1018 = vector.broadcast %eq3A_1017 : i1 to vector<16xi1>
      %and3A_1019 = arith.andi %eq3A_976, %and3A_1018 : vector<16xi1>
      %broadcast_in_dim3A_1020 = vector.broadcast %reduce_min3A_965 : f32 to vector<16xf32>
      %select_n3A_1021 = arith.select %and3A_1019, %broadcast_in_dim3A_1020, %scan3A_956 : vector<16xi1>, vector<16xf32>
      %scan3A_1022 = arith.constant 1 : i32
      %scan3A_1023 = arith.addi %scan3A_952, %scan3A_1022 : i32
      %get3A_1024 = arith.constant 0 : i32
      %get3A_1025 = arith.constant 0 : i32
      %get3A_1026 = tpu.memref_slice %arg14[%scan3A, %get3A_1024, %get3A_1025] : memref<4x64x16xf32, #tpu.memory_space<vmem>> -> memref<1x64x16xf32, #tpu.memory_space<vmem>>
      %get3A_1027 = tpu.memref_squeeze %get3A_1026 : memref<1x64x16xf32, #tpu.memory_space<vmem>> -> memref<64x16xf32, #tpu.memory_space<vmem>>
      %get3A_1028 = arith.index_cast %scan3A_1023 : i32 to index
      %get3A_1029 = arith.constant 0 : index
      %get3A_1030 = tpu.vector_load %get3A_1027[%get3A_1028, %get3A_1029] {strides = array<i32>} : memref<64x16xf32, #tpu.memory_space<vmem>>, vector<16xf32>,
      %reduce_min3A_1031 = arith.constant true
      %reduce_min3A_1032 = vector.broadcast %reduce_min3A_1031 : i1 to vector<16xi1>
      %reduce_min3A_1033 = tpu.scan <min>, %get3A_1030 masked %reduce_min3A_1032 : vector<16xf32>, vector<16xi1> -> vector<16xf32>
      %reduce_min3A_1034 = vector.extract %reduce_min3A_1033[15] : f32 from vector<16xf32>
      %jit3A_1035 = arith.constant 16 : i32
      %eq3A_1036 = arith.constant 0 : i32
      %eq3A_1037 = arith.cmpi eq, %jit3A_1035, %eq3A_1036 : i32
      %jit3A_1038 = arith.constant 1 : i32
      %select_n3A_1039 = arith.select %eq3A_1037, %jit3A_1038, %jit3A_1035 : i32
      %rem3A_1040 = arith.remsi %scan3A_1023, %select_n3A_1039 : i32
      %ne3A_1041 = arith.constant 0 : i32
      %ne3A_1042 = arith.cmpi ne, %rem3A_1040, %ne3A_1041 : i32
      %lt3A_1043 = arith.constant 0 : i32
      %lt3A_1044 = arith.cmpi slt, %rem3A_1040, %lt3A_1043 : i32
      %lt3A_1045 = arith.constant 0 : i32
      %lt3A_1046 = arith.cmpi slt, %select_n3A_1039, %lt3A_1045 : i32
      %ne3A_1047 = arith.xori %lt3A_1044, %lt3A_1046 : i1
      %and3A_1048 = arith.andi %ne3A_1047, %ne3A_1042 : i1
      %add3A_1049 = arith.addi %rem3A_1040, %select_n3A_1039 : i32
      %select_n3A_1050 = arith.select %and3A_1048, %add3A_1049, %rem3A_1040 : i32
      %eq3A_1051 = vector.broadcast %select_n3A_1050 : i32 to vector<16xi32>
      %eq3A_1052 = arith.cmpi eq, %iota3A, %eq3A_1051 : vector<16xi32>
      %jit3A_1053 = arith.constant 16 : i32
      %div3A_1054 = arith.divsi %scan3A_1023, %jit3A_1053 : i32
      %sign3A_1055 = arith.constant 0 : i32
      %sign3A_1056 = arith.cmpi sgt, %scan3A_1023, %sign3A_1055 : i32
      %sign3A_1057 = arith.extui %sign3A_1056 : i1 to i32
      %sign3A_1058 = arith.constant 0 : i32
      %sign3A_1059 = arith.cmpi slt, %scan3A_1023, %sign3A_1058 : i32
      %sign3A_1060 = arith.extui %sign3A_1059 : i1 to i32
      %sign3A_1061 = arith.subi %sign3A_1057, %sign3A_1060 : i32
      %sign3A_1062 = arith.constant 0 : i32
      %sign3A_1063 = arith.cmpi sgt, %jit3A_1053, %sign3A_1062 : i32
      %sign3A_1064 = arith.extui %sign3A_1063 : i1 to i32
      %sign3A_1065 = arith.constant 0 : i32
      %sign3A_1066 = arith.cmpi slt, %jit3A_1053, %sign3A_1065 : i32
      %sign3A_1067 = arith.extui %sign3A_1066 : i1 to i32
      %sign3A_1068 = arith.subi %sign3A_1064, %sign3A_1067 : i32
      %ne3A_1069 = arith.cmpi ne, %sign3A_1061, %sign3A_1068 : i32
      %rem3A_1070 = arith.remsi %scan3A_1023, %jit3A_1053 : i32
      %ne3A_1071 = arith.constant 0 : i32
      %ne3A_1072 = arith.cmpi ne, %rem3A_1070, %ne3A_1071 : i32
      %and3A_1073 = arith.andi %ne3A_1069, %ne3A_1072 : i1
      %sub3A_1074 = arith.constant 1 : i32
      %sub3A_1075 = arith.subi %div3A_1054, %sub3A_1074 : i32
      %select_n3A_1076 = arith.select %and3A_1073, %sub3A_1075, %div3A_1054 : i32
      %eq3A_1077 = arith.constant 0 : i32
      %eq3A_1078 = arith.cmpi eq, %select_n3A_1076, %eq3A_1077 : i32
      %and3A_1079 = vector.broadcast %eq3A_1078 : i1 to vector<16xi1>
      %and3A_1080 = arith.andi %eq3A_1052, %and3A_1079 : vector<16xi1>
      %broadcast_in_dim3A_1081 = vector.broadcast %reduce_min3A_1034 : f32 to vector<16xf32>
      %select_n3A_1082 = arith.select %and3A_1080, %broadcast_in_dim3A_1081, %select_n3A_1003 : vector<16xi1>, vector<16xf32>
      %eq3A_1083 = arith.constant 1 : i32
      %eq3A_1084 = arith.cmpi eq, %select_n3A_1076, %eq3A_1083 : i32
      %and3A_1085 = vector.broadcast %eq3A_1084 : i1 to vector<16xi1>
      %and3A_1086 = arith.andi %eq3A_1052, %and3A_1085 : vector<16xi1>
      %broadcast_in_dim3A_1087 = vector.broadcast %reduce_min3A_1034 : f32 to vector<16xf32>
      %select_n3A_1088 = arith.select %and3A_1086, %broadcast_in_dim3A_1087, %select_n3A_1009 : vector<16xi1>, vector<16xf32>
      %eq3A_1089 = arith.constant 2 : i32
      %eq3A_1090 = arith.cmpi eq, %select_n3A_1076, %eq3A_1089 : i32
      %and3A_1091 = vector.broadcast %eq3A_1090 : i1 to vector<16xi1>
      %and3A_1092 = arith.andi %eq3A_1052, %and3A_1091 : vector<16xi1>
      %broadcast_in_dim3A_1093 = vector.broadcast %reduce_min3A_1034 : f32 to vector<16xf32>
      %select_n3A_1094 = arith.select %and3A_1092, %broadcast_in_dim3A_1093, %select_n3A_1015 : vector<16xi1>, vector<16xf32>
      %eq3A_1095 = arith.constant 3 : i32
      %eq3A_1096 = arith.cmpi eq, %select_n3A_1076, %eq3A_1095 : i32
      %and3A_1097 = vector.broadcast %eq3A_1096 : i1 to vector<16xi1>
      %and3A_1098 = arith.andi %eq3A_1052, %and3A_1097 : vector<16xi1>
      %broadcast_in_dim3A_1099 = vector.broadcast %reduce_min3A_1034 : f32 to vector<16xf32>
      %select_n3A_1100 = arith.select %and3A_1098, %broadcast_in_dim3A_1099, %select_n3A_1021 : vector<16xi1>, vector<16xf32>
      %scan3A_1101 = arith.constant 2 : i32
      %scan3A_1102 = arith.addi %scan3A_952, %scan3A_1101 : i32
      %get3A_1103 = arith.constant 0 : i32
      %get3A_1104 = arith.constant 0 : i32
      %get3A_1105 = tpu.memref_slice %arg14[%scan3A, %get3A_1103, %get3A_1104] : memref<4x64x16xf32, #tpu.memory_space<vmem>> -> memref<1x64x16xf32, #tpu.memory_space<vmem>>
      %get3A_1106 = tpu.memref_squeeze %get3A_1105 : memref<1x64x16xf32, #tpu.memory_space<vmem>> -> memref<64x16xf32, #tpu.memory_space<vmem>>
      %get3A_1107 = arith.index_cast %scan3A_1102 : i32 to index
      %get3A_1108 = arith.constant 0 : index
      %get3A_1109 = tpu.vector_load %get3A_1106[%get3A_1107, %get3A_1108] {strides = array<i32>} : memref<64x16xf32, #tpu.memory_space<vmem>>, vector<16xf32>,
      %reduce_min3A_1110 = arith.constant true
      %reduce_min3A_1111 = vector.broadcast %reduce_min3A_1110 : i1 to vector<16xi1>
      %reduce_min3A_1112 = tpu.scan <min>, %get3A_1109 masked %reduce_min3A_1111 : vector<16xf32>, vector<16xi1> -> vector<16xf32>
      %reduce_min3A_1113 = vector.extract %reduce_min3A_1112[15] : f32 from vector<16xf32>
      %jit3A_1114 = arith.constant 16 : i32
      %eq3A_1115 = arith.constant 0 : i32
      %eq3A_1116 = arith.cmpi eq, %jit3A_1114, %eq3A_1115 : i32
      %jit3A_1117 = arith.constant 1 : i32
      %select_n3A_1118 = arith.select %eq3A_1116, %jit3A_1117, %jit3A_1114 : i32
      %rem3A_1119 = arith.remsi %scan3A_1102, %select_n3A_1118 : i32
      %ne3A_1120 = arith.constant 0 : i32
      %ne3A_1121 = arith.cmpi ne, %rem3A_1119, %ne3A_1120 : i32
      %lt3A_1122 = arith.constant 0 : i32
      %lt3A_1123 = arith.cmpi slt, %rem3A_1119, %lt3A_1122 : i32
      %lt3A_1124 = arith.constant 0 : i32
      %lt3A_1125 = arith.cmpi slt, %select_n3A_1118, %lt3A_1124 : i32
      %ne3A_1126 = arith.xori %lt3A_1123, %lt3A_1125 : i1
      %and3A_1127 = arith.andi %ne3A_1126, %ne3A_1121 : i1
      %add3A_1128 = arith.addi %rem3A_1119, %select_n3A_1118 : i32
      %select_n3A_1129 = arith.select %and3A_1127, %add3A_1128, %rem3A_1119 : i32
      %eq3A_1130 = vector.broadcast %select_n3A_1129 : i32 to vector<16xi32>
      %eq3A_1131 = arith.cmpi eq, %iota3A, %eq3A_1130 : vector<16xi32>
      %jit3A_1132 = arith.constant 16 : i32
      %div3A_1133 = arith.divsi %scan3A_1102, %jit3A_1132 : i32
      %sign3A_1134 = arith.constant 0 : i32
      %sign3A_1135 = arith.cmpi sgt, %scan3A_1102, %sign3A_1134 : i32
      %sign3A_1136 = arith.extui %sign3A_1135 : i1 to i32
      %sign3A_1137 = arith.constant 0 : i32
      %sign3A_1138 = arith.cmpi slt, %scan3A_1102, %sign3A_1137 : i32
      %sign3A_1139 = arith.extui %sign3A_1138 : i1 to i32
      %sign3A_1140 = arith.subi %sign3A_1136, %sign3A_1139 : i32
      %sign3A_1141 = arith.constant 0 : i32
      %sign3A_1142 = arith.cmpi sgt, %jit3A_1132, %sign3A_1141 : i32
      %sign3A_1143 = arith.extui %sign3A_1142 : i1 to i32
      %sign3A_1144 = arith.constant 0 : i32
      %sign3A_1145 = arith.cmpi slt, %jit3A_1132, %sign3A_1144 : i32
      %sign3A_1146 = arith.extui %sign3A_1145 : i1 to i32
      %sign3A_1147 = arith.subi %sign3A_1143, %sign3A_1146 : i32
      %ne3A_1148 = arith.cmpi ne, %sign3A_1140, %sign3A_1147 : i32
      %rem3A_1149 = arith.remsi %scan3A_1102, %jit3A_1132 : i32
      %ne3A_1150 = arith.constant 0 : i32
      %ne3A_1151 = arith.cmpi ne, %rem3A_1149, %ne3A_1150 : i32
      %and3A_1152 = arith.andi %ne3A_1148, %ne3A_1151 : i1
      %sub3A_1153 = arith.constant 1 : i32
      %sub3A_1154 = arith.subi %div3A_1133, %sub3A_1153 : i32
      %select_n3A_1155 = arith.select %and3A_1152, %sub3A_1154, %div3A_1133 : i32
      %eq3A_1156 = arith.constant 0 : i32
      %eq3A_1157 = arith.cmpi eq, %select_n3A_1155, %eq3A_1156 : i32
      %and3A_1158 = vector.broadcast %eq3A_1157 : i1 to vector<16xi1>
      %and3A_1159 = arith.andi %eq3A_1131, %and3A_1158 : vector<16xi1>
      %broadcast_in_dim3A_1160 = vector.broadcast %reduce_min3A_1113 : f32 to vector<16xf32>
      %select_n3A_1161 = arith.select %and3A_1159, %broadcast_in_dim3A_1160, %select_n3A_1082 : vector<16xi1>, vector<16xf32>
      %eq3A_1162 = arith.constant 1 : i32
      %eq3A_1163 = arith.cmpi eq, %select_n3A_1155, %eq3A_1162 : i32
      %and3A_1164 = vector.broadcast %eq3A_1163 : i1 to vector<16xi1>
      %and3A_1165 = arith.andi %eq3A_1131, %and3A_1164 : vector<16xi1>
      %broadcast_in_dim3A_1166 = vector.broadcast %reduce_min3A_1113 : f32 to vector<16xf32>
      %select_n3A_1167 = arith.select %and3A_1165, %broadcast_in_dim3A_1166, %select_n3A_1088 : vector<16xi1>, vector<16xf32>
      %eq3A_1168 = arith.constant 2 : i32
      %eq3A_1169 = arith.cmpi eq, %select_n3A_1155, %eq3A_1168 : i32
      %and3A_1170 = vector.broadcast %eq3A_1169 : i1 to vector<16xi1>
      %and3A_1171 = arith.andi %eq3A_1131, %and3A_1170 : vector<16xi1>
      %broadcast_in_dim3A_1172 = vector.broadcast %reduce_min3A_1113 : f32 to vector<16xf32>
      %select_n3A_1173 = arith.select %and3A_1171, %broadcast_in_dim3A_1172, %select_n3A_1094 : vector<16xi1>, vector<16xf32>
      %eq3A_1174 = arith.constant 3 : i32
      %eq3A_1175 = arith.cmpi eq, %select_n3A_1155, %eq3A_1174 : i32
      %and3A_1176 = vector.broadcast %eq3A_1175 : i1 to vector<16xi1>
      %and3A_1177 = arith.andi %eq3A_1131, %and3A_1176 : vector<16xi1>
      %broadcast_in_dim3A_1178 = vector.broadcast %reduce_min3A_1113 : f32 to vector<16xf32>
      %select_n3A_1179 = arith.select %and3A_1177, %broadcast_in_dim3A_1178, %select_n3A_1100 : vector<16xi1>, vector<16xf32>
      %scan3A_1180 = arith.constant 3 : i32
      %scan3A_1181 = arith.addi %scan3A_952, %scan3A_1180 : i32
      %get3A_1182 = arith.constant 0 : i32
      %get3A_1183 = arith.constant 0 : i32
      %get3A_1184 = tpu.memref_slice %arg14[%scan3A, %get3A_1182, %get3A_1183] : memref<4x64x16xf32, #tpu.memory_space<vmem>> -> memref<1x64x16xf32, #tpu.memory_space<vmem>>
      %get3A_1185 = tpu.memref_squeeze %get3A_1184 : memref<1x64x16xf32, #tpu.memory_space<vmem>> -> memref<64x16xf32, #tpu.memory_space<vmem>>
      %get3A_1186 = arith.index_cast %scan3A_1181 : i32 to index
      %get3A_1187 = arith.constant 0 : index
      %get3A_1188 = tpu.vector_load %get3A_1185[%get3A_1186, %get3A_1187] {strides = array<i32>} : memref<64x16xf32, #tpu.memory_space<vmem>>, vector<16xf32>,
      %reduce_min3A_1189 = arith.constant true
      %reduce_min3A_1190 = vector.broadcast %reduce_min3A_1189 : i1 to vector<16xi1>
      %reduce_min3A_1191 = tpu.scan <min>, %get3A_1188 masked %reduce_min3A_1190 : vector<16xf32>, vector<16xi1> -> vector<16xf32>
      %reduce_min3A_1192 = vector.extract %reduce_min3A_1191[15] : f32 from vector<16xf32>
      %jit3A_1193 = arith.constant 16 : i32
      %eq3A_1194 = arith.constant 0 : i32
      %eq3A_1195 = arith.cmpi eq, %jit3A_1193, %eq3A_1194 : i32
      %jit3A_1196 = arith.constant 1 : i32
      %select_n3A_1197 = arith.select %eq3A_1195, %jit3A_1196, %jit3A_1193 : i32
      %rem3A_1198 = arith.remsi %scan3A_1181, %select_n3A_1197 : i32
      %ne3A_1199 = arith.constant 0 : i32
      %ne3A_1200 = arith.cmpi ne, %rem3A_1198, %ne3A_1199 : i32
      %lt3A_1201 = arith.constant 0 : i32
      %lt3A_1202 = arith.cmpi slt, %rem3A_1198, %lt3A_1201 : i32
      %lt3A_1203 = arith.constant 0 : i32
      %lt3A_1204 = arith.cmpi slt, %select_n3A_1197, %lt3A_1203 : i32
      %ne3A_1205 = arith.xori %lt3A_1202, %lt3A_1204 : i1
      %and3A_1206 = arith.andi %ne3A_1205, %ne3A_1200 : i1
      %add3A_1207 = arith.addi %rem3A_1198, %select_n3A_1197 : i32
      %select_n3A_1208 = arith.select %and3A_1206, %add3A_1207, %rem3A_1198 : i32
      %eq3A_1209 = vector.broadcast %select_n3A_1208 : i32 to vector<16xi32>
      %eq3A_1210 = arith.cmpi eq, %iota3A, %eq3A_1209 : vector<16xi32>
      %jit3A_1211 = arith.constant 16 : i32
      %div3A_1212 = arith.divsi %scan3A_1181, %jit3A_1211 : i32
      %sign3A_1213 = arith.constant 0 : i32
      %sign3A_1214 = arith.cmpi sgt, %scan3A_1181, %sign3A_1213 : i32
      %sign3A_1215 = arith.extui %sign3A_1214 : i1 to i32
      %sign3A_1216 = arith.constant 0 : i32
      %sign3A_1217 = arith.cmpi slt, %scan3A_1181, %sign3A_1216 : i32
      %sign3A_1218 = arith.extui %sign3A_1217 : i1 to i32
      %sign3A_1219 = arith.subi %sign3A_1215, %sign3A_1218 : i32
      %sign3A_1220 = arith.constant 0 : i32
      %sign3A_1221 = arith.cmpi sgt, %jit3A_1211, %sign3A_1220 : i32
      %sign3A_1222 = arith.extui %sign3A_1221 : i1 to i32
      %sign3A_1223 = arith.constant 0 : i32
      %sign3A_1224 = arith.cmpi slt, %jit3A_1211, %sign3A_1223 : i32
      %sign3A_1225 = arith.extui %sign3A_1224 : i1 to i32
      %sign3A_1226 = arith.subi %sign3A_1222, %sign3A_1225 : i32
      %ne3A_1227 = arith.cmpi ne, %sign3A_1219, %sign3A_1226 : i32
      %rem3A_1228 = arith.remsi %scan3A_1181, %jit3A_1211 : i32
      %ne3A_1229 = arith.constant 0 : i32
      %ne3A_1230 = arith.cmpi ne, %rem3A_1228, %ne3A_1229 : i32
      %and3A_1231 = arith.andi %ne3A_1227, %ne3A_1230 : i1
      %sub3A_1232 = arith.constant 1 : i32
      %sub3A_1233 = arith.subi %div3A_1212, %sub3A_1232 : i32
      %select_n3A_1234 = arith.select %and3A_1231, %sub3A_1233, %div3A_1212 : i32
      %eq3A_1235 = arith.constant 0 : i32
      %eq3A_1236 = arith.cmpi eq, %select_n3A_1234, %eq3A_1235 : i32
      %and3A_1237 = vector.broadcast %eq3A_1236 : i1 to vector<16xi1>
      %and3A_1238 = arith.andi %eq3A_1210, %and3A_1237 : vector<16xi1>
      %broadcast_in_dim3A_1239 = vector.broadcast %reduce_min3A_1192 : f32 to vector<16xf32>
      %select_n3A_1240 = arith.select %and3A_1238, %broadcast_in_dim3A_1239, %select_n3A_1161 : vector<16xi1>, vector<16xf32>
      %eq3A_1241 = arith.constant 1 : i32
      %eq3A_1242 = arith.cmpi eq, %select_n3A_1234, %eq3A_1241 : i32
      %and3A_1243 = vector.broadcast %eq3A_1242 : i1 to vector<16xi1>
      %and3A_1244 = arith.andi %eq3A_1210, %and3A_1243 : vector<16xi1>
      %broadcast_in_dim3A_1245 = vector.broadcast %reduce_min3A_1192 : f32 to vector<16xf32>
      %select_n3A_1246 = arith.select %and3A_1244, %broadcast_in_dim3A_1245, %select_n3A_1167 : vector<16xi1>, vector<16xf32>
      %eq3A_1247 = arith.constant 2 : i32
      %eq3A_1248 = arith.cmpi eq, %select_n3A_1234, %eq3A_1247 : i32
      %and3A_1249 = vector.broadcast %eq3A_1248 : i1 to vector<16xi1>
      %and3A_1250 = arith.andi %eq3A_1210, %and3A_1249 : vector<16xi1>
      %broadcast_in_dim3A_1251 = vector.broadcast %reduce_min3A_1192 : f32 to vector<16xf32>
      %select_n3A_1252 = arith.select %and3A_1250, %broadcast_in_dim3A_1251, %select_n3A_1173 : vector<16xi1>, vector<16xf32>
      %eq3A_1253 = arith.constant 3 : i32
      %eq3A_1254 = arith.cmpi eq, %select_n3A_1234, %eq3A_1253 : i32
      %and3A_1255 = vector.broadcast %eq3A_1254 : i1 to vector<16xi1>
      %and3A_1256 = arith.andi %eq3A_1210, %and3A_1255 : vector<16xi1>
      %broadcast_in_dim3A_1257 = vector.broadcast %reduce_min3A_1192 : f32 to vector<16xf32>
      %select_n3A_1258 = arith.select %and3A_1256, %broadcast_in_dim3A_1257, %select_n3A_1179 : vector<16xi1>, vector<16xf32>
      scf.yield %select_n3A_1240, %select_n3A_1246, %select_n3A_1252, %select_n3A_1258 : vector<16xf32>, vector<16xf32>, vector<16xf32>, vector<16xf32>
    }
    %scan3A_175 = arith.constant 64 : i32
    %broadcast_in_dim3A_176 = arith.constant 0 : i32
    %broadcast_in_dim3A_177 = vector.broadcast %broadcast_in_dim3A_176 : i32 to vector<16xi32>
    %scan3A_178 = arith.constant 0 : i32
    %scan3A_179 = arith.constant 0 : i32
    %scan3A_180 = arith.constant 0 : i32
    %scan3A_181 = arith.constant 20 : i32
    %scan3A_182 = arith.addi %scan3A_180, %scan3A_181 : i32
    %scan3A_183 = arith.constant 1 : i32
    %scan3A_184:8 = scf.for %scan3A_952 = %scan3A_180 to %scan3A_182 step %scan3A_183 iter_args(%scan3A_953 = %broadcast_in_dim3A_177, %scan3A_954 = %broadcast_in_dim3A_177, %scan3A_955 = %broadcast_in_dim3A_177, %scan3A_956 = %broadcast_in_dim3A_177, %scan3A_957 = %scan3A_174#0, %scan3A_958 = %scan3A_174#1, %scan3A_959 = %scan3A_174#2, %scan3A_960 = %scan3A_174#3) -> (vector<16xi32>, vector<16xi32>, vector<16xi32>, vector<16xi32>, vector<16xf32>, vector<16xf32>, vector<16xf32>, vector<16xf32>)  : i32 {
      %min3A = arith.minimumf %scan3A_957, %scan3A_958 : vector<16xf32>
      %min3A_961 = arith.minimumf %scan3A_959, %scan3A_960 : vector<16xf32>
      %min3A_962 = arith.minimumf %min3A, %min3A_961 : vector<16xf32>
      %reduce_min3A = arith.constant true
      %reduce_min3A_963 = vector.broadcast %reduce_min3A : i1 to vector<16xi1>
      %reduce_min3A_964 = tpu.scan <min>, %min3A_962 masked %reduce_min3A_963 : vector<16xf32>, vector<16xi1> -> vector<16xf32>
      %reduce_min3A_965 = vector.extract %reduce_min3A_964[15] : f32 from vector<16xf32>
      %eq3A = vector.broadcast %reduce_min3A_965 : f32 to vector<16xf32>
      %eq3A_966 = arith.cmpf oeq, %scan3A_957, %eq3A : vector<16xf32>
      %jit3A = arith.constant 1073741824 : i32
      %broadcast_in_dim3A_967 = vector.broadcast %jit3A : i32 to vector<16xi32>
      %select_n3A = arith.select %eq3A_966, %iota3A, %broadcast_in_dim3A_967 : vector<16xi1>, vector<16xi32>
      %eq3A_968 = vector.broadcast %reduce_min3A_965 : f32 to vector<16xf32>
      %eq3A_969 = arith.cmpf oeq, %scan3A_958, %eq3A_968 : vector<16xf32>
      %add3A_970 = arith.constant 16 : i32
      %add3A_971 = vector.broadcast %add3A_970 : i32 to vector<16xi32>
      %add3A_972 = arith.addi %iota3A, %add3A_971 : vector<16xi32>
      %jit3A_973 = arith.constant 1073741824 : i32
      %broadcast_in_dim3A_974 = vector.broadcast %jit3A_973 : i32 to vector<16xi32>
      %select_n3A_975 = arith.select %eq3A_969, %add3A_972, %broadcast_in_dim3A_974 : vector<16xi1>, vector<16xi32>
      %eq3A_976 = vector.broadcast %reduce_min3A_965 : f32 to vector<16xf32>
      %eq3A_977 = arith.cmpf oeq, %scan3A_959, %eq3A_976 : vector<16xf32>
      %add3A_978 = arith.constant 32 : i32
      %add3A_979 = vector.broadcast %add3A_978 : i32 to vector<16xi32>
      %add3A_980 = arith.addi %iota3A, %add3A_979 : vector<16xi32>
      %jit3A_981 = arith.constant 1073741824 : i32
      %broadcast_in_dim3A_982 = vector.broadcast %jit3A_981 : i32 to vector<16xi32>
      %select_n3A_983 = arith.select %eq3A_977, %add3A_980, %broadcast_in_dim3A_982 : vector<16xi1>, vector<16xi32>
      %eq3A_984 = vector.broadcast %reduce_min3A_965 : f32 to vector<16xf32>
      %eq3A_985 = arith.cmpf oeq, %scan3A_960, %eq3A_984 : vector<16xf32>
      %add3A_986 = arith.constant 48 : i32
      %add3A_987 = vector.broadcast %add3A_986 : i32 to vector<16xi32>
      %add3A_988 = arith.addi %iota3A, %add3A_987 : vector<16xi32>
      %jit3A_989 = arith.constant 1073741824 : i32
      %broadcast_in_dim3A_990 = vector.broadcast %jit3A_989 : i32 to vector<16xi32>
      %select_n3A_991 = arith.select %eq3A_985, %add3A_988, %broadcast_in_dim3A_990 : vector<16xi1>, vector<16xi32>
      %min3A_992 = arith.minsi %select_n3A, %select_n3A_975 : vector<16xi32>
      %min3A_993 = arith.minsi %select_n3A_983, %select_n3A_991 : vector<16xi32>
      %min3A_994 = arith.minsi %min3A_992, %min3A_993 : vector<16xi32>
      %reduce_min3A_995 = arith.constant true
      %reduce_min3A_996 = vector.broadcast %reduce_min3A_995 : i1 to vector<16xi1>
      %reduce_min3A_997 = arith.constant -2147483648 : i32
      %reduce_min3A_998 = vector.broadcast %reduce_min3A_997 : i32 to vector<16xi32>
      %reduce_min3A_999 = arith.xori %min3A_994, %reduce_min3A_998 : vector<16xi32>
      %reduce_min3A_1000 = tpu.scan <min>, %reduce_min3A_999 masked %reduce_min3A_996 : vector<16xi32>, vector<16xi1> -> vector<16xi32>
      %reduce_min3A_1001 = arith.xori %reduce_min3A_1000, %reduce_min3A_998 : vector<16xi32>
      %reduce_min3A_1002 = vector.extract %reduce_min3A_1001[15] : i32 from vector<16xi32>
      %get3A = arith.constant 0 : i32
      %get3A_1003 = arith.constant 0 : i32
      %get3A_1004 = tpu.memref_slice %arg14[%scan3A_178, %get3A, %get3A_1003] : memref<4x64x16xf32, #tpu.memory_space<vmem>> -> memref<1x64x16xf32, #tpu.memory_space<vmem>>
      %get3A_1005 = tpu.memref_squeeze %get3A_1004 : memref<1x64x16xf32, #tpu.memory_space<vmem>> -> memref<64x16xf32, #tpu.memory_space<vmem>>
      %get3A_1006 = arith.index_cast %reduce_min3A_1002 : i32 to index
      %get3A_1007 = arith.constant 0 : index
      %get3A_1008 = tpu.vector_load %get3A_1005[%get3A_1006, %get3A_1007] {strides = array<i32>} : memref<64x16xf32, #tpu.memory_space<vmem>>, vector<16xf32>,
      %eq3A_1009 = vector.broadcast %reduce_min3A_965 : f32 to vector<16xf32>
      %eq3A_1010 = arith.cmpf oeq, %get3A_1008, %eq3A_1009 : vector<16xf32>
      %all_reduce_ffs3A = tpu.all_reduce %eq3A_1010 {dim = 0 : i64, kind = #tpu.reduction_kind<find_first_set>} : vector<16xi1> -> vector<16xi32>
      %eq3A_1011 = arith.cmpi eq, %iota3A, %all_reduce_ffs3A : vector<16xi32>
      %jit3A_1012 = arith.constant 3.000000e+38 : f32
      %broadcast_in_dim3A_1013 = vector.broadcast %jit3A_1012 : f32 to vector<16xf32>
      %select_n3A_1014 = arith.select %eq3A_1011, %broadcast_in_dim3A_1013, %get3A_1008 : vector<16xi1>, vector<16xf32>
      %swap3A_1015 = arith.constant 0 : i32
      %swap3A_1016 = arith.constant 0 : i32
      %swap3A_1017 = tpu.memref_slice %arg14[%scan3A_178, %swap3A_1015, %swap3A_1016] : memref<4x64x16xf32, #tpu.memory_space<vmem>> -> memref<1x64x16xf32, #tpu.memory_space<vmem>>
      %swap3A_1018 = tpu.memref_squeeze %swap3A_1017 : memref<1x64x16xf32, #tpu.memory_space<vmem>> -> memref<64x16xf32, #tpu.memory_space<vmem>>
      %swap3A_1019 = arith.index_cast %reduce_min3A_1002 : i32 to index
      %swap3A_1020 = arith.constant 0 : index
      %swap3A_1021 = tpu.vector_load %swap3A_1018[%swap3A_1019, %swap3A_1020] {strides = array<i32>} : memref<64x16xf32, #tpu.memory_space<vmem>>, vector<16xf32>,
      tpu.vector_store %swap3A_1018[%swap3A_1019, %swap3A_1020], %select_n3A_1014 {strides = array<i32>} : memref<64x16xf32, #tpu.memory_space<vmem>>, vector<16xf32>,
      %reduce_min3A_1022 = arith.constant true
      %reduce_min3A_1023 = vector.broadcast %reduce_min3A_1022 : i1 to vector<16xi1>
      %reduce_min3A_1024 = tpu.scan <min>, %select_n3A_1014 masked %reduce_min3A_1023 : vector<16xf32>, vector<16xi1> -> vector<16xf32>
      %reduce_min3A_1025 = vector.extract %reduce_min3A_1024[15] : f32 from vector<16xf32>
      %jit3A_1026 = arith.constant 16 : i32
      %eq3A_1027 = arith.constant 0 : i32
      %eq3A_1028 = arith.cmpi eq, %jit3A_1026, %eq3A_1027 : i32
      %jit3A_1029 = arith.constant 1 : i32
      %select_n3A_1030 = arith.select %eq3A_1028, %jit3A_1029, %jit3A_1026 : i32
      %rem3A = arith.remsi %reduce_min3A_1002, %select_n3A_1030 : i32
      %ne3A = arith.constant 0 : i32
      %ne3A_1031 = arith.cmpi ne, %rem3A, %ne3A : i32
      %lt3A = arith.constant 0 : i32
      %lt3A_1032 = arith.cmpi slt, %rem3A, %lt3A : i32
      %lt3A_1033 = arith.constant 0 : i32
      %lt3A_1034 = arith.cmpi slt, %select_n3A_1030, %lt3A_1033 : i32
      %ne3A_1035 = arith.xori %lt3A_1032, %lt3A_1034 : i1
      %and3A = arith.andi %ne3A_1035, %ne3A_1031 : i1
      %add3A_1036 = arith.addi %rem3A, %select_n3A_1030 : i32
      %select_n3A_1037 = arith.select %and3A, %add3A_1036, %rem3A : i32
      %eq3A_1038 = vector.broadcast %select_n3A_1037 : i32 to vector<16xi32>
      %eq3A_1039 = arith.cmpi eq, %iota3A, %eq3A_1038 : vector<16xi32>
      %jit3A_1040 = arith.constant 16 : i32
      %div3A = arith.divsi %reduce_min3A_1002, %jit3A_1040 : i32
      %sign3A = arith.constant 0 : i32
      %sign3A_1041 = arith.cmpi sgt, %reduce_min3A_1002, %sign3A : i32
      %sign3A_1042 = arith.extui %sign3A_1041 : i1 to i32
      %sign3A_1043 = arith.constant 0 : i32
      %sign3A_1044 = arith.cmpi slt, %reduce_min3A_1002, %sign3A_1043 : i32
      %sign3A_1045 = arith.extui %sign3A_1044 : i1 to i32
      %sign3A_1046 = arith.subi %sign3A_1042, %sign3A_1045 : i32
      %sign3A_1047 = arith.constant 0 : i32
      %sign3A_1048 = arith.cmpi sgt, %jit3A_1040, %sign3A_1047 : i32
      %sign3A_1049 = arith.extui %sign3A_1048 : i1 to i32
      %sign3A_1050 = arith.constant 0 : i32
      %sign3A_1051 = arith.cmpi slt, %jit3A_1040, %sign3A_1050 : i32
      %sign3A_1052 = arith.extui %sign3A_1051 : i1 to i32
      %sign3A_1053 = arith.subi %sign3A_1049, %sign3A_1052 : i32
      %ne3A_1054 = arith.cmpi ne, %sign3A_1046, %sign3A_1053 : i32
      %rem3A_1055 = arith.remsi %reduce_min3A_1002, %jit3A_1040 : i32
      %ne3A_1056 = arith.constant 0 : i32
      %ne3A_1057 = arith.cmpi ne, %rem3A_1055, %ne3A_1056 : i32
      %and3A_1058 = arith.andi %ne3A_1054, %ne3A_1057 : i1
      %sub3A = arith.constant 1 : i32
      %sub3A_1059 = arith.subi %div3A, %sub3A : i32
      %select_n3A_1060 = arith.select %and3A_1058, %sub3A_1059, %div3A : i32
      %eq3A_1061 = arith.constant 0 : i32
      %eq3A_1062 = arith.cmpi eq, %select_n3A_1060, %eq3A_1061 : i32
      %and3A_1063 = vector.broadcast %eq3A_1062 : i1 to vector<16xi1>
      %and3A_1064 = arith.andi %eq3A_1039, %and3A_1063 : vector<16xi1>
      %broadcast_in_dim3A_1065 = vector.broadcast %reduce_min3A_1025 : f32 to vector<16xf32>
      %select_n3A_1066 = arith.select %and3A_1064, %broadcast_in_dim3A_1065, %scan3A_957 : vector<16xi1>, vector<16xf32>
      %eq3A_1067 = arith.constant 1 : i32
      %eq3A_1068 = arith.cmpi eq, %select_n3A_1060, %eq3A_1067 : i32
      %and3A_1069 = vector.broadcast %eq3A_1068 : i1 to vector<16xi1>
      %and3A_1070 = arith.andi %eq3A_1039, %and3A_1069 : vector<16xi1>
      %broadcast_in_dim3A_1071 = vector.broadcast %reduce_min3A_1025 : f32 to vector<16xf32>
      %select_n3A_1072 = arith.select %and3A_1070, %broadcast_in_dim3A_1071, %scan3A_958 : vector<16xi1>, vector<16xf32>
      %eq3A_1073 = arith.constant 2 : i32
      %eq3A_1074 = arith.cmpi eq, %select_n3A_1060, %eq3A_1073 : i32
      %and3A_1075 = vector.broadcast %eq3A_1074 : i1 to vector<16xi1>
      %and3A_1076 = arith.andi %eq3A_1039, %and3A_1075 : vector<16xi1>
      %broadcast_in_dim3A_1077 = vector.broadcast %reduce_min3A_1025 : f32 to vector<16xf32>
      %select_n3A_1078 = arith.select %and3A_1076, %broadcast_in_dim3A_1077, %scan3A_959 : vector<16xi1>, vector<16xf32>
      %eq3A_1079 = arith.constant 3 : i32
      %eq3A_1080 = arith.cmpi eq, %select_n3A_1060, %eq3A_1079 : i32
      %and3A_1081 = vector.broadcast %eq3A_1080 : i1 to vector<16xi1>
      %and3A_1082 = arith.andi %eq3A_1039, %and3A_1081 : vector<16xi1>
      %broadcast_in_dim3A_1083 = vector.broadcast %reduce_min3A_1025 : f32 to vector<16xf32>
      %select_n3A_1084 = arith.select %and3A_1082, %broadcast_in_dim3A_1083, %scan3A_960 : vector<16xi1>, vector<16xf32>
      %broadcast_in_dim3A_1085 = vector.broadcast %reduce_min3A_1002 : i32 to vector<16xi32>
      %gather3A = arith.constant 0 : i32
      %gather3A_1086 = arith.constant 0 : i32
      %gather3A_1087 = tpu.memref_slice %arg15[%scan3A_179, %gather3A, %gather3A_1086] : memref<4x64x16xi32, #tpu.memory_space<vmem>> -> memref<1x64x16xi32, #tpu.memory_space<vmem>>
      %gather3A_1088 = tpu.memref_squeeze %gather3A_1087 : memref<1x64x16xi32, #tpu.memory_space<vmem>> -> memref<64x16xi32, #tpu.memory_space<vmem>>
      %gather3A_1089 = tpu.vector_load_idx %gather3A_1088[%broadcast_in_dim3A_1085, %all_reduce_ffs3A] : memref<64x16xi32, #tpu.memory_space<vmem>>[vector<16xi32>, vector<16xi32>], vector<16xi32>,
      %mul3A_1090 = arith.constant 16 : i32
      %mul3A_1091 = arith.muli %reduce_min3A_1002, %mul3A_1090 : i32
      %add3A_1092 = vector.broadcast %mul3A_1091 : i32 to vector<16xi32>
      %add3A_1093 = arith.addi %add3A_1092, %all_reduce_ffs3A : vector<16xi32>
      %mul3A_1094 = arith.constant 1024 : i32
      %mul3A_1095 = arith.muli %add3A, %mul3A_1094 : i32
      %add3A_1096 = vector.broadcast %mul3A_1095 : i32 to vector<16xi32>
      %add3A_1097 = arith.addi %add3A_1096, %add3A_1093 : vector<16xi32>
      %mul3A_1098 = arith.constant 1024 : i32
      %mul3A_1099 = arith.muli %add3A, %mul3A_1098 : i32
      %add3A_1100 = vector.broadcast %mul3A_1099 : i32 to vector<16xi32>
      %add3A_1101 = arith.addi %add3A_1100, %gather3A_1089 : vector<16xi32>
      %eq3A_1102 = vector.broadcast %scan3A_952 : i32 to vector<16xi32>
      %eq3A_1103 = arith.cmpi eq, %iota3A, %eq3A_1102 : vector<16xi32>
      %lt3A_1104 = arith.constant 16 : i32
      %lt3A_1105 = arith.cmpi slt, %scan3A_952, %lt3A_1104 : i32
      %and3A_1106 = vector.broadcast %lt3A_1105 : i1 to vector<16xi1>
      %and3A_1107 = arith.andi %eq3A_1103, %and3A_1106 : vector<16xi1>
      %sub3A_1108 = arith.constant 16 : i32
      %sub3A_1109 = arith.subi %scan3A_952, %sub3A_1108 : i32
      %eq3A_1110 = vector.broadcast %sub3A_1109 : i32 to vector<16xi32>
      %eq3A_1111 = arith.cmpi eq, %iota3A, %eq3A_1110 : vector<16xi32>
      %select_n3A_1112 = arith.select %and3A_1107, %add3A_1097, %scan3A_953 : vector<16xi1>, vector<16xi32>
      %select_n3A_1113 = arith.select %eq3A_1111, %add3A_1097, %scan3A_954 : vector<16xi1>, vector<16xi32>
      %select_n3A_1114 = arith.select %and3A_1107, %add3A_1101, %scan3A_955 : vector<16xi1>, vector<16xi32>
      %select_n3A_1115 = arith.select %eq3A_1111, %add3A_1101, %scan3A_956 : vector<16xi1>, vector<16xi32>
      scf.yield %select_n3A_1112, %select_n3A_1113, %select_n3A_1114, %select_n3A_1115, %select_n3A_1066, %select_n3A_1072, %select_n3A_1078, %select_n3A_1084 : vector<16xi32>, vector<16xi32>, vector<16xi32>, vector<16xi32>, vector<16xf32>, vector<16xf32>, vector<16xf32>, vector<16xf32>
    }
    %scan3A_185 = arith.constant 20 : i32
    %swap3A = arith.constant 0 : i32
    %swap3A_186 = arith.constant 0 : i32
    %swap3A_187 = tpu.memref_slice %arg16[%swap3A, %swap3A_186] : memref<4x32xi32, #tpu.memory_space<vmem>> -> memref<1x32xi32, #tpu.memory_space<vmem>>
    %swap3A_188 = tpu.memref_squeeze %swap3A_187 : memref<1x32xi32, #tpu.memory_space<vmem>> -> memref<32xi32, #tpu.memory_space<vmem>>
    %swap3A_189 = arith.constant 0 : index
    %swap3A_190 = tpu.vector_load %swap3A_188[%swap3A_189] {strides = array<i32>} : memref<32xi32, #tpu.memory_space<vmem>>, vector<16xi32>,
    tpu.vector_store %swap3A_188[%swap3A_189], %scan3A_184#0 {strides = array<i32>} : memref<32xi32, #tpu.memory_space<vmem>>, vector<16xi32>,
    %swap3A_191 = arith.constant 0 : i32
    %swap3A_192 = arith.constant 0 : i32
    %swap3A_193 = tpu.memref_slice %arg16[%swap3A_191, %swap3A_192] : memref<4x32xi32, #tpu.memory_space<vmem>> -> memref<1x32xi32, #tpu.memory_space<vmem>>
    %swap3A_194 = tpu.memref_squeeze %swap3A_193 : memref<1x32xi32, #tpu.memory_space<vmem>> -> memref<32xi32, #tpu.memory_space<vmem>>
    %swap3A_195 = arith.constant 16 : index
    %swap3A_196 = tpu.vector_load %swap3A_194[%swap3A_195] {strides = array<i32>} : memref<32xi32, #tpu.memory_space<vmem>>, vector<16xi32>,
    tpu.vector_store %swap3A_194[%swap3A_195], %scan3A_184#1 {strides = array<i32>} : memref<32xi32, #tpu.memory_space<vmem>>, vector<16xi32>,
    %swap3A_197 = arith.constant 0 : i32
    %swap3A_198 = arith.constant 0 : i32
    %swap3A_199 = tpu.memref_slice %arg17[%swap3A_197, %swap3A_198] : memref<4x32xi32, #tpu.memory_space<vmem>> -> memref<1x32xi32, #tpu.memory_space<vmem>>
    %swap3A_200 = tpu.memref_squeeze %swap3A_199 : memref<1x32xi32, #tpu.memory_space<vmem>> -> memref<32xi32, #tpu.memory_space<vmem>>
    %swap3A_201 = arith.constant 0 : index
    %swap3A_202 = tpu.vector_load %swap3A_200[%swap3A_201] {strides = array<i32>} : memref<32xi32, #tpu.memory_space<vmem>>, vector<16xi32>,
    tpu.vector_store %swap3A_200[%swap3A_201], %scan3A_184#2 {strides = array<i32>} : memref<32xi32, #tpu.memory_space<vmem>>, vector<16xi32>,
    %swap3A_203 = arith.constant 0 : i32
    %swap3A_204 = arith.constant 0 : i32
    %swap3A_205 = tpu.memref_slice %arg17[%swap3A_203, %swap3A_204] : memref<4x32xi32, #tpu.memory_space<vmem>> -> memref<1x32xi32, #tpu.memory_space<vmem>>
    %swap3A_206 = tpu.memref_squeeze %swap3A_205 : memref<1x32xi32, #tpu.memory_space<vmem>> -> memref<32xi32, #tpu.memory_space<vmem>>
    %swap3A_207 = arith.constant 16 : index
    %swap3A_208 = tpu.vector_load %swap3A_206[%swap3A_207] {strides = array<i32>} : memref<32xi32, #tpu.memory_space<vmem>>, vector<16xi32>,
    tpu.vector_store %swap3A_206[%swap3A_207], %scan3A_184#3 {strides = array<i32>} : memref<32xi32, #tpu.memory_space<vmem>>, vector<16xi32>,
    %dma_start3A_209 = arith.constant 0 : i32
    %dma_start3A_210 = arith.constant 0 : i32
    %dma_start3A_211 = arith.constant 0 : i32
    %dma_start3A_212 = arith.constant 0 : i32
    %dma_start3A_213 = tpu.memref_slice %arg18[%dma_start3A_210, %dma_start3A_211, %dma_start3A_212] : memref<4x32x64xf32, #tpu.memory_space<vmem>> -> memref<1x32x64xf32, #tpu.memory_space<vmem>>
    %dma_start3A_214 = tpu.memref_squeeze %dma_start3A_213 : memref<1x32x64xf32, #tpu.memory_space<vmem>> -> memref<32x64xf32, #tpu.memory_space<vmem>>
    %dma_start3A_215 = arith.constant 0 : i32
    %dma_start3A_216 = tpu.memref_slice %arg16[%dma_start3A_209, %dma_start3A_215] : memref<4x32xi32, #tpu.memory_space<vmem>> -> memref<1x32xi32, #tpu.memory_space<vmem>>
    %dma_start3A_217 = tpu.memref_squeeze %dma_start3A_216 : memref<1x32xi32, #tpu.memory_space<vmem>> -> memref<32xi32, #tpu.memory_space<vmem>>
    %dma_start3A_218 = arith.constant 0 : i32
    %dma_start3A_219 = arith.constant 0 : i32
    %dma_start3A_220 = tpu.memref_slice %arg10[%dma_start3A_218, %dma_start3A_219] : memref<32768x64xf32, #tpu.memory_space<hbm>> -> memref<32768x64xf32, #tpu.memory_space<hbm>>
    tpu.enqueue_indirect_dma source(%dma_start3A_220 : memref<32768x64xf32, #tpu.memory_space<hbm>>) target(%dma_start3A_214 : memref<32x64xf32, #tpu.memory_space<vmem>>) offsets(%dma_start3A_217 : memref<32xi32, #tpu.memory_space<vmem>>) semaphore(%arg21 : memref<!tpu.dma_semaphore, #tpu.memory_space<semaphore_mem>>)
    %dma_start3A_221 = arith.constant 0 : i32
    %dma_start3A_222 = arith.constant 0 : i32
    %dma_start3A_223 = arith.constant 0 : i32
    %dma_start3A_224 = arith.constant 0 : i32
    %dma_start3A_225 = tpu.memref_slice %arg19[%dma_start3A_222, %dma_start3A_223, %dma_start3A_224] : memref<4x32x64xf32, #tpu.memory_space<vmem>> -> memref<1x32x64xf32, #tpu.memory_space<vmem>>
    %dma_start3A_226 = tpu.memref_squeeze %dma_start3A_225 : memref<1x32x64xf32, #tpu.memory_space<vmem>> -> memref<32x64xf32, #tpu.memory_space<vmem>>
    %dma_start3A_227 = arith.constant 0 : i32
    %dma_start3A_228 = tpu.memref_slice %arg17[%dma_start3A_221, %dma_start3A_227] : memref<4x32xi32, #tpu.memory_space<vmem>> -> memref<1x32xi32, #tpu.memory_space<vmem>>
    %dma_start3A_229 = tpu.memref_squeeze %dma_start3A_228 : memref<1x32xi32, #tpu.memory_space<vmem>> -> memref<32xi32, #tpu.memory_space<vmem>>
    %dma_start3A_230 = arith.constant 0 : i32
    %dma_start3A_231 = arith.constant 0 : i32
    %dma_start3A_232 = tpu.memref_slice %arg11[%dma_start3A_230, %dma_start3A_231] : memref<32768x64xf32, #tpu.memory_space<hbm>> -> memref<32768x64xf32, #tpu.memory_space<hbm>>
    tpu.enqueue_indirect_dma source(%dma_start3A_232 : memref<32768x64xf32, #tpu.memory_space<hbm>>) target(%dma_start3A_226 : memref<32x64xf32, #tpu.memory_space<vmem>>) offsets(%dma_start3A_229 : memref<32xi32, #tpu.memory_space<vmem>>) semaphore(%arg21 : memref<!tpu.dma_semaphore, #tpu.memory_space<semaphore_mem>>)
    %dma_wait3A_233 = arith.constant 1 : i32
    %dma_wait3A_234 = arith.constant 0 : i32
    %dma_wait3A_235 = arith.constant 0 : i32
    %dma_wait3A_236 = tpu.memref_slice %arg14[%dma_wait3A_233, %dma_wait3A_234, %dma_wait3A_235] : memref<4x64x16xf32, #tpu.memory_space<vmem>> -> memref<1x64x16xf32, #tpu.memory_space<vmem>>
    %dma_wait3A_237 = tpu.memref_squeeze %dma_wait3A_236 : memref<1x64x16xf32, #tpu.memory_space<vmem>> -> memref<64x16xf32, #tpu.memory_space<vmem>>
    %dma_wait3A_238 = arith.constant 0 : i32
    %dma_wait3A_239 = arith.constant 0 : i32
    %dma_wait3A_240 = tpu.memref_slice %arg3[%add3A, %dma_wait3A_238, %dma_wait3A_239] : memref<32x64x16xf32, #tpu.memory_space<hbm>> -> memref<1x64x16xf32, #tpu.memory_space<hbm>>
    %dma_wait3A_241 = tpu.memref_squeeze %dma_wait3A_240 : memref<1x64x16xf32, #tpu.memory_space<hbm>> -> memref<64x16xf32, #tpu.memory_space<hbm>>
    %dma_wait3A_242 = arith.constant 0 : i32
    %dma_wait3A_243 = arith.constant 0 : i32
    %dma_wait3A_244 = tpu.memref_slice %arg14[%dma_wait3A_233, %dma_wait3A_242, %dma_wait3A_243] : memref<4x64x16xf32, #tpu.memory_space<vmem>> -> memref<1x64x16xf32, #tpu.memory_space<vmem>>
    %dma_wait3A_245 = tpu.memref_squeeze %dma_wait3A_244 : memref<1x64x16xf32, #tpu.memory_space<vmem>> -> memref<64x16xf32, #tpu.memory_space<vmem>>
    %dma_wait3A_246 = arith.constant 0 : i32
    %dma_wait3A_247 = arith.constant 0 : i32
    %dma_wait3A_248 = tpu.memref_slice %arg3[%add3A, %dma_wait3A_246, %dma_wait3A_247] : memref<32x64x16xf32, #tpu.memory_space<hbm>> -> memref<1x64x16xf32, #tpu.memory_space<hbm>>
    %dma_wait3A_249 = tpu.memref_squeeze %dma_wait3A_248 : memref<1x64x16xf32, #tpu.memory_space<hbm>> -> memref<64x16xf32, #tpu.memory_space<hbm>>
    tpu.wait_dma2 semaphore(%arg20 : memref<!tpu.dma_semaphore, #tpu.memory_space<semaphore_mem>>) src(%dma_wait3A_249 : memref<64x16xf32, #tpu.memory_space<hbm>>) dst(%dma_wait3A_245 : memref<64x16xf32, #tpu.memory_space<vmem>>)
    %dma_wait3A_250 = arith.constant 1 : i32
    %dma_wait3A_251 = arith.constant 0 : i32
    %dma_wait3A_252 = arith.constant 0 : i32
    %dma_wait3A_253 = tpu.memref_slice %arg15[%dma_wait3A_250, %dma_wait3A_251, %dma_wait3A_252] : memref<4x64x16xi32, #tpu.memory_space<vmem>> -> memref<1x64x16xi32, #tpu.memory_space<vmem>>
    %dma_wait3A_254 = tpu.memref_squeeze %dma_wait3A_253 : memref<1x64x16xi32, #tpu.memory_space<vmem>> -> memref<64x16xi32, #tpu.memory_space<vmem>>
    %dma_wait3A_255 = arith.constant 0 : i32
    %dma_wait3A_256 = arith.constant 0 : i32
    %dma_wait3A_257 = tpu.memref_slice %arg7[%add3A, %dma_wait3A_255, %dma_wait3A_256] : memref<32x64x16xi32, #tpu.memory_space<hbm>> -> memref<1x64x16xi32, #tpu.memory_space<hbm>>
    %dma_wait3A_258 = tpu.memref_squeeze %dma_wait3A_257 : memref<1x64x16xi32, #tpu.memory_space<hbm>> -> memref<64x16xi32, #tpu.memory_space<hbm>>
    %dma_wait3A_259 = arith.constant 0 : i32
    %dma_wait3A_260 = arith.constant 0 : i32
    %dma_wait3A_261 = tpu.memref_slice %arg15[%dma_wait3A_250, %dma_wait3A_259, %dma_wait3A_260] : memref<4x64x16xi32, #tpu.memory_space<vmem>> -> memref<1x64x16xi32, #tpu.memory_space<vmem>>
    %dma_wait3A_262 = tpu.memref_squeeze %dma_wait3A_261 : memref<1x64x16xi32, #tpu.memory_space<vmem>> -> memref<64x16xi32, #tpu.memory_space<vmem>>
    %dma_wait3A_263 = arith.constant 0 : i32
    %dma_wait3A_264 = arith.constant 0 : i32
    %dma_wait3A_265 = tpu.memref_slice %arg7[%add3A, %dma_wait3A_263, %dma_wait3A_264] : memref<32x64x16xi32, #tpu.memory_space<hbm>> -> memref<1x64x16xi32, #tpu.memory_space<hbm>>
    %dma_wait3A_266 = tpu.memref_squeeze %dma_wait3A_265 : memref<1x64x16xi32, #tpu.memory_space<hbm>> -> memref<64x16xi32, #tpu.memory_space<hbm>>
    tpu.wait_dma2 semaphore(%arg20 : memref<!tpu.dma_semaphore, #tpu.memory_space<semaphore_mem>>) src(%dma_wait3A_266 : memref<64x16xi32, #tpu.memory_space<hbm>>) dst(%dma_wait3A_262 : memref<64x16xi32, #tpu.memory_space<vmem>>)
    %broadcast_in_dim3A_267 = arith.constant 3.000000e+38 : f32
    %broadcast_in_dim3A_268 = vector.broadcast %broadcast_in_dim3A_267 : f32 to vector<16xf32>
    %scan3A_269 = arith.constant 1 : i32
    %scan3A_270 = arith.constant 0 : i32
    %scan3A_271 = arith.constant 64 : i32
    %scan3A_272 = arith.addi %scan3A_270, %scan3A_271 : i32
    %scan3A_273 = arith.constant 4 : i32
    %scan3A_274:4 = scf.for %scan3A_952 = %scan3A_270 to %scan3A_272 step %scan3A_273 iter_args(%scan3A_953 = %broadcast_in_dim3A_268, %scan3A_954 = %broadcast_in_dim3A_268, %scan3A_955 = %broadcast_in_dim3A_268, %scan3A_956 = %broadcast_in_dim3A_268) -> (vector<16xf32>, vector<16xf32>, vector<16xf32>, vector<16xf32>)  : i32 {
      %get3A = arith.constant 0 : i32
      %get3A_957 = arith.constant 0 : i32
      %get3A_958 = tpu.memref_slice %arg14[%scan3A_269, %get3A, %get3A_957] : memref<4x64x16xf32, #tpu.memory_space<vmem>> -> memref<1x64x16xf32, #tpu.memory_space<vmem>>
      %get3A_959 = tpu.memref_squeeze %get3A_958 : memref<1x64x16xf32, #tpu.memory_space<vmem>> -> memref<64x16xf32, #tpu.memory_space<vmem>>
      %get3A_960 = arith.index_cast %scan3A_952 : i32 to index
      %get3A_961 = arith.constant 0 : index
      %get3A_962 = tpu.vector_load %get3A_959[%get3A_960, %get3A_961] {strides = array<i32>} : memref<64x16xf32, #tpu.memory_space<vmem>>, vector<16xf32>,
      %reduce_min3A = arith.constant true
      %reduce_min3A_963 = vector.broadcast %reduce_min3A : i1 to vector<16xi1>
      %reduce_min3A_964 = tpu.scan <min>, %get3A_962 masked %reduce_min3A_963 : vector<16xf32>, vector<16xi1> -> vector<16xf32>
      %reduce_min3A_965 = vector.extract %reduce_min3A_964[15] : f32 from vector<16xf32>
      %jit3A = arith.constant 16 : i32
      %eq3A = arith.constant 0 : i32
      %eq3A_966 = arith.cmpi eq, %jit3A, %eq3A : i32
      %jit3A_967 = arith.constant 1 : i32
      %select_n3A = arith.select %eq3A_966, %jit3A_967, %jit3A : i32
      %rem3A = arith.remsi %scan3A_952, %select_n3A : i32
      %ne3A = arith.constant 0 : i32
      %ne3A_968 = arith.cmpi ne, %rem3A, %ne3A : i32
      %lt3A = arith.constant 0 : i32
      %lt3A_969 = arith.cmpi slt, %rem3A, %lt3A : i32
      %lt3A_970 = arith.constant 0 : i32
      %lt3A_971 = arith.cmpi slt, %select_n3A, %lt3A_970 : i32
      %ne3A_972 = arith.xori %lt3A_969, %lt3A_971 : i1
      %and3A = arith.andi %ne3A_972, %ne3A_968 : i1
      %add3A_973 = arith.addi %rem3A, %select_n3A : i32
      %select_n3A_974 = arith.select %and3A, %add3A_973, %rem3A : i32
      %eq3A_975 = vector.broadcast %select_n3A_974 : i32 to vector<16xi32>
      %eq3A_976 = arith.cmpi eq, %iota3A, %eq3A_975 : vector<16xi32>
      %jit3A_977 = arith.constant 16 : i32
      %div3A = arith.divsi %scan3A_952, %jit3A_977 : i32
      %sign3A = arith.constant 0 : i32
      %sign3A_978 = arith.cmpi sgt, %scan3A_952, %sign3A : i32
      %sign3A_979 = arith.extui %sign3A_978 : i1 to i32
      %sign3A_980 = arith.constant 0 : i32
      %sign3A_981 = arith.cmpi slt, %scan3A_952, %sign3A_980 : i32
      %sign3A_982 = arith.extui %sign3A_981 : i1 to i32
      %sign3A_983 = arith.subi %sign3A_979, %sign3A_982 : i32
      %sign3A_984 = arith.constant 0 : i32
      %sign3A_985 = arith.cmpi sgt, %jit3A_977, %sign3A_984 : i32
      %sign3A_986 = arith.extui %sign3A_985 : i1 to i32
      %sign3A_987 = arith.constant 0 : i32
      %sign3A_988 = arith.cmpi slt, %jit3A_977, %sign3A_987 : i32
      %sign3A_989 = arith.extui %sign3A_988 : i1 to i32
      %sign3A_990 = arith.subi %sign3A_986, %sign3A_989 : i32
      %ne3A_991 = arith.cmpi ne, %sign3A_983, %sign3A_990 : i32
      %rem3A_992 = arith.remsi %scan3A_952, %jit3A_977 : i32
      %ne3A_993 = arith.constant 0 : i32
      %ne3A_994 = arith.cmpi ne, %rem3A_992, %ne3A_993 : i32
      %and3A_995 = arith.andi %ne3A_991, %ne3A_994 : i1
      %sub3A = arith.constant 1 : i32
      %sub3A_996 = arith.subi %div3A, %sub3A : i32
      %select_n3A_997 = arith.select %and3A_995, %sub3A_996, %div3A : i32
      %eq3A_998 = arith.constant 0 : i32
      %eq3A_999 = arith.cmpi eq, %select_n3A_997, %eq3A_998 : i32
      %and3A_1000 = vector.broadcast %eq3A_999 : i1 to vector<16xi1>
      %and3A_1001 = arith.andi %eq3A_976, %and3A_1000 : vector<16xi1>
      %broadcast_in_dim3A_1002 = vector.broadcast %reduce_min3A_965 : f32 to vector<16xf32>
      %select_n3A_1003 = arith.select %and3A_1001, %broadcast_in_dim3A_1002, %scan3A_953 : vector<16xi1>, vector<16xf32>
      %eq3A_1004 = arith.constant 1 : i32
      %eq3A_1005 = arith.cmpi eq, %select_n3A_997, %eq3A_1004 : i32
      %and3A_1006 = vector.broadcast %eq3A_1005 : i1 to vector<16xi1>
      %and3A_1007 = arith.andi %eq3A_976, %and3A_1006 : vector<16xi1>
      %broadcast_in_dim3A_1008 = vector.broadcast %reduce_min3A_965 : f32 to vector<16xf32>
      %select_n3A_1009 = arith.select %and3A_1007, %broadcast_in_dim3A_1008, %scan3A_954 : vector<16xi1>, vector<16xf32>
      %eq3A_1010 = arith.constant 2 : i32
      %eq3A_1011 = arith.cmpi eq, %select_n3A_997, %eq3A_1010 : i32
      %and3A_1012 = vector.broadcast %eq3A_1011 : i1 to vector<16xi1>
      %and3A_1013 = arith.andi %eq3A_976, %and3A_1012 : vector<16xi1>
      %broadcast_in_dim3A_1014 = vector.broadcast %reduce_min3A_965 : f32 to vector<16xf32>
      %select_n3A_1015 = arith.select %and3A_1013, %broadcast_in_dim3A_1014, %scan3A_955 : vector<16xi1>, vector<16xf32>
      %eq3A_1016 = arith.constant 3 : i32
      %eq3A_1017 = arith.cmpi eq, %select_n3A_997, %eq3A_1016 : i32
      %and3A_1018 = vector.broadcast %eq3A_1017 : i1 to vector<16xi1>
      %and3A_1019 = arith.andi %eq3A_976, %and3A_1018 : vector<16xi1>
      %broadcast_in_dim3A_1020 = vector.broadcast %reduce_min3A_965 : f32 to vector<16xf32>
      %select_n3A_1021 = arith.select %and3A_1019, %broadcast_in_dim3A_1020, %scan3A_956 : vector<16xi1>, vector<16xf32>
      %scan3A_1022 = arith.constant 1 : i32
      %scan3A_1023 = arith.addi %scan3A_952, %scan3A_1022 : i32
      %get3A_1024 = arith.constant 0 : i32
      %get3A_1025 = arith.constant 0 : i32
      %get3A_1026 = tpu.memref_slice %arg14[%scan3A_269, %get3A_1024, %get3A_1025] : memref<4x64x16xf32, #tpu.memory_space<vmem>> -> memref<1x64x16xf32, #tpu.memory_space<vmem>>
      %get3A_1027 = tpu.memref_squeeze %get3A_1026 : memref<1x64x16xf32, #tpu.memory_space<vmem>> -> memref<64x16xf32, #tpu.memory_space<vmem>>
      %get3A_1028 = arith.index_cast %scan3A_1023 : i32 to index
      %get3A_1029 = arith.constant 0 : index
      %get3A_1030 = tpu.vector_load %get3A_1027[%get3A_1028, %get3A_1029] {strides = array<i32>} : memref<64x16xf32, #tpu.memory_space<vmem>>, vector<16xf32>,
      %reduce_min3A_1031 = arith.constant true
      %reduce_min3A_1032 = vector.broadcast %reduce_min3A_1031 : i1 to vector<16xi1>
      %reduce_min3A_1033 = tpu.scan <min>, %get3A_1030 masked %reduce_min3A_1032 : vector<16xf32>, vector<16xi1> -> vector<16xf32>
      %reduce_min3A_1034 = vector.extract %reduce_min3A_1033[15] : f32 from vector<16xf32>
      %jit3A_1035 = arith.constant 16 : i32
      %eq3A_1036 = arith.constant 0 : i32
      %eq3A_1037 = arith.cmpi eq, %jit3A_1035, %eq3A_1036 : i32
      %jit3A_1038 = arith.constant 1 : i32
      %select_n3A_1039 = arith.select %eq3A_1037, %jit3A_1038, %jit3A_1035 : i32
      %rem3A_1040 = arith.remsi %scan3A_1023, %select_n3A_1039 : i32
      %ne3A_1041 = arith.constant 0 : i32
      %ne3A_1042 = arith.cmpi ne, %rem3A_1040, %ne3A_1041 : i32
      %lt3A_1043 = arith.constant 0 : i32
      %lt3A_1044 = arith.cmpi slt, %rem3A_1040, %lt3A_1043 : i32
      %lt3A_1045 = arith.constant 0 : i32
      %lt3A_1046 = arith.cmpi slt, %select_n3A_1039, %lt3A_1045 : i32
      %ne3A_1047 = arith.xori %lt3A_1044, %lt3A_1046 : i1
      %and3A_1048 = arith.andi %ne3A_1047, %ne3A_1042 : i1
      %add3A_1049 = arith.addi %rem3A_1040, %select_n3A_1039 : i32
      %select_n3A_1050 = arith.select %and3A_1048, %add3A_1049, %rem3A_1040 : i32
      %eq3A_1051 = vector.broadcast %select_n3A_1050 : i32 to vector<16xi32>
      %eq3A_1052 = arith.cmpi eq, %iota3A, %eq3A_1051 : vector<16xi32>
      %jit3A_1053 = arith.constant 16 : i32
      %div3A_1054 = arith.divsi %scan3A_1023, %jit3A_1053 : i32
      %sign3A_1055 = arith.constant 0 : i32
      %sign3A_1056 = arith.cmpi sgt, %scan3A_1023, %sign3A_1055 : i32
      %sign3A_1057 = arith.extui %sign3A_1056 : i1 to i32
      %sign3A_1058 = arith.constant 0 : i32
      %sign3A_1059 = arith.cmpi slt, %scan3A_1023, %sign3A_1058 : i32
      %sign3A_1060 = arith.extui %sign3A_1059 : i1 to i32
      %sign3A_1061 = arith.subi %sign3A_1057, %sign3A_1060 : i32
      %sign3A_1062 = arith.constant 0 : i32
      %sign3A_1063 = arith.cmpi sgt, %jit3A_1053, %sign3A_1062 : i32
      %sign3A_1064 = arith.extui %sign3A_1063 : i1 to i32
      %sign3A_1065 = arith.constant 0 : i32
      %sign3A_1066 = arith.cmpi slt, %jit3A_1053, %sign3A_1065 : i32
      %sign3A_1067 = arith.extui %sign3A_1066 : i1 to i32
      %sign3A_1068 = arith.subi %sign3A_1064, %sign3A_1067 : i32
      %ne3A_1069 = arith.cmpi ne, %sign3A_1061, %sign3A_1068 : i32
      %rem3A_1070 = arith.remsi %scan3A_1023, %jit3A_1053 : i32
      %ne3A_1071 = arith.constant 0 : i32
      %ne3A_1072 = arith.cmpi ne, %rem3A_1070, %ne3A_1071 : i32
      %and3A_1073 = arith.andi %ne3A_1069, %ne3A_1072 : i1
      %sub3A_1074 = arith.constant 1 : i32
      %sub3A_1075 = arith.subi %div3A_1054, %sub3A_1074 : i32
      %select_n3A_1076 = arith.select %and3A_1073, %sub3A_1075, %div3A_1054 : i32
      %eq3A_1077 = arith.constant 0 : i32
      %eq3A_1078 = arith.cmpi eq, %select_n3A_1076, %eq3A_1077 : i32
      %and3A_1079 = vector.broadcast %eq3A_1078 : i1 to vector<16xi1>
      %and3A_1080 = arith.andi %eq3A_1052, %and3A_1079 : vector<16xi1>
      %broadcast_in_dim3A_1081 = vector.broadcast %reduce_min3A_1034 : f32 to vector<16xf32>
      %select_n3A_1082 = arith.select %and3A_1080, %broadcast_in_dim3A_1081, %select_n3A_1003 : vector<16xi1>, vector<16xf32>
      %eq3A_1083 = arith.constant 1 : i32
      %eq3A_1084 = arith.cmpi eq, %select_n3A_1076, %eq3A_1083 : i32
      %and3A_1085 = vector.broadcast %eq3A_1084 : i1 to vector<16xi1>
      %and3A_1086 = arith.andi %eq3A_1052, %and3A_1085 : vector<16xi1>
      %broadcast_in_dim3A_1087 = vector.broadcast %reduce_min3A_1034 : f32 to vector<16xf32>
      %select_n3A_1088 = arith.select %and3A_1086, %broadcast_in_dim3A_1087, %select_n3A_1009 : vector<16xi1>, vector<16xf32>
      %eq3A_1089 = arith.constant 2 : i32
      %eq3A_1090 = arith.cmpi eq, %select_n3A_1076, %eq3A_1089 : i32
      %and3A_1091 = vector.broadcast %eq3A_1090 : i1 to vector<16xi1>
      %and3A_1092 = arith.andi %eq3A_1052, %and3A_1091 : vector<16xi1>
      %broadcast_in_dim3A_1093 = vector.broadcast %reduce_min3A_1034 : f32 to vector<16xf32>
      %select_n3A_1094 = arith.select %and3A_1092, %broadcast_in_dim3A_1093, %select_n3A_1015 : vector<16xi1>, vector<16xf32>
      %eq3A_1095 = arith.constant 3 : i32
      %eq3A_1096 = arith.cmpi eq, %select_n3A_1076, %eq3A_1095 : i32
      %and3A_1097 = vector.broadcast %eq3A_1096 : i1 to vector<16xi1>
      %and3A_1098 = arith.andi %eq3A_1052, %and3A_1097 : vector<16xi1>
      %broadcast_in_dim3A_1099 = vector.broadcast %reduce_min3A_1034 : f32 to vector<16xf32>
      %select_n3A_1100 = arith.select %and3A_1098, %broadcast_in_dim3A_1099, %select_n3A_1021 : vector<16xi1>, vector<16xf32>
      %scan3A_1101 = arith.constant 2 : i32
      %scan3A_1102 = arith.addi %scan3A_952, %scan3A_1101 : i32
      %get3A_1103 = arith.constant 0 : i32
      %get3A_1104 = arith.constant 0 : i32
      %get3A_1105 = tpu.memref_slice %arg14[%scan3A_269, %get3A_1103, %get3A_1104] : memref<4x64x16xf32, #tpu.memory_space<vmem>> -> memref<1x64x16xf32, #tpu.memory_space<vmem>>
      %get3A_1106 = tpu.memref_squeeze %get3A_1105 : memref<1x64x16xf32, #tpu.memory_space<vmem>> -> memref<64x16xf32, #tpu.memory_space<vmem>>
      %get3A_1107 = arith.index_cast %scan3A_1102 : i32 to index
      %get3A_1108 = arith.constant 0 : index
      %get3A_1109 = tpu.vector_load %get3A_1106[%get3A_1107, %get3A_1108] {strides = array<i32>} : memref<64x16xf32, #tpu.memory_space<vmem>>, vector<16xf32>,
      %reduce_min3A_1110 = arith.constant true
      %reduce_min3A_1111 = vector.broadcast %reduce_min3A_1110 : i1 to vector<16xi1>
      %reduce_min3A_1112 = tpu.scan <min>, %get3A_1109 masked %reduce_min3A_1111 : vector<16xf32>, vector<16xi1> -> vector<16xf32>
      %reduce_min3A_1113 = vector.extract %reduce_min3A_1112[15] : f32 from vector<16xf32>
      %jit3A_1114 = arith.constant 16 : i32
      %eq3A_1115 = arith.constant 0 : i32
      %eq3A_1116 = arith.cmpi eq, %jit3A_1114, %eq3A_1115 : i32
      %jit3A_1117 = arith.constant 1 : i32
      %select_n3A_1118 = arith.select %eq3A_1116, %jit3A_1117, %jit3A_1114 : i32
      %rem3A_1119 = arith.remsi %scan3A_1102, %select_n3A_1118 : i32
      %ne3A_1120 = arith.constant 0 : i32
      %ne3A_1121 = arith.cmpi ne, %rem3A_1119, %ne3A_1120 : i32
      %lt3A_1122 = arith.constant 0 : i32
      %lt3A_1123 = arith.cmpi slt, %rem3A_1119, %lt3A_1122 : i32
      %lt3A_1124 = arith.constant 0 : i32
      %lt3A_1125 = arith.cmpi slt, %select_n3A_1118, %lt3A_1124 : i32
      %ne3A_1126 = arith.xori %lt3A_1123, %lt3A_1125 : i1
      %and3A_1127 = arith.andi %ne3A_1126, %ne3A_1121 : i1
      %add3A_1128 = arith.addi %rem3A_1119, %select_n3A_1118 : i32
      %select_n3A_1129 = arith.select %and3A_1127, %add3A_1128, %rem3A_1119 : i32
      %eq3A_1130 = vector.broadcast %select_n3A_1129 : i32 to vector<16xi32>
      %eq3A_1131 = arith.cmpi eq, %iota3A, %eq3A_1130 : vector<16xi32>
      %jit3A_1132 = arith.constant 16 : i32
      %div3A_1133 = arith.divsi %scan3A_1102, %jit3A_1132 : i32
      %sign3A_1134 = arith.constant 0 : i32
      %sign3A_1135 = arith.cmpi sgt, %scan3A_1102, %sign3A_1134 : i32
      %sign3A_1136 = arith.extui %sign3A_1135 : i1 to i32
      %sign3A_1137 = arith.constant 0 : i32
      %sign3A_1138 = arith.cmpi slt, %scan3A_1102, %sign3A_1137 : i32
      %sign3A_1139 = arith.extui %sign3A_1138 : i1 to i32
      %sign3A_1140 = arith.subi %sign3A_1136, %sign3A_1139 : i32
      %sign3A_1141 = arith.constant 0 : i32
      %sign3A_1142 = arith.cmpi sgt, %jit3A_1132, %sign3A_1141 : i32
      %sign3A_1143 = arith.extui %sign3A_1142 : i1 to i32
      %sign3A_1144 = arith.constant 0 : i32
      %sign3A_1145 = arith.cmpi slt, %jit3A_1132, %sign3A_1144 : i32
      %sign3A_1146 = arith.extui %sign3A_1145 : i1 to i32
      %sign3A_1147 = arith.subi %sign3A_1143, %sign3A_1146 : i32
      %ne3A_1148 = arith.cmpi ne, %sign3A_1140, %sign3A_1147 : i32
      %rem3A_1149 = arith.remsi %scan3A_1102, %jit3A_1132 : i32
      %ne3A_1150 = arith.constant 0 : i32
      %ne3A_1151 = arith.cmpi ne, %rem3A_1149, %ne3A_1150 : i32
      %and3A_1152 = arith.andi %ne3A_1148, %ne3A_1151 : i1
      %sub3A_1153 = arith.constant 1 : i32
      %sub3A_1154 = arith.subi %div3A_1133, %sub3A_1153 : i32
      %select_n3A_1155 = arith.select %and3A_1152, %sub3A_1154, %div3A_1133 : i32
      %eq3A_1156 = arith.constant 0 : i32
      %eq3A_1157 = arith.cmpi eq, %select_n3A_1155, %eq3A_1156 : i32
      %and3A_1158 = vector.broadcast %eq3A_1157 : i1 to vector<16xi1>
      %and3A_1159 = arith.andi %eq3A_1131, %and3A_1158 : vector<16xi1>
      %broadcast_in_dim3A_1160 = vector.broadcast %reduce_min3A_1113 : f32 to vector<16xf32>
      %select_n3A_1161 = arith.select %and3A_1159, %broadcast_in_dim3A_1160, %select_n3A_1082 : vector<16xi1>, vector<16xf32>
      %eq3A_1162 = arith.constant 1 : i32
      %eq3A_1163 = arith.cmpi eq, %select_n3A_1155, %eq3A_1162 : i32
      %and3A_1164 = vector.broadcast %eq3A_1163 : i1 to vector<16xi1>
      %and3A_1165 = arith.andi %eq3A_1131, %and3A_1164 : vector<16xi1>
      %broadcast_in_dim3A_1166 = vector.broadcast %reduce_min3A_1113 : f32 to vector<16xf32>
      %select_n3A_1167 = arith.select %and3A_1165, %broadcast_in_dim3A_1166, %select_n3A_1088 : vector<16xi1>, vector<16xf32>
      %eq3A_1168 = arith.constant 2 : i32
      %eq3A_1169 = arith.cmpi eq, %select_n3A_1155, %eq3A_1168 : i32
      %and3A_1170 = vector.broadcast %eq3A_1169 : i1 to vector<16xi1>
      %and3A_1171 = arith.andi %eq3A_1131, %and3A_1170 : vector<16xi1>
      %broadcast_in_dim3A_1172 = vector.broadcast %reduce_min3A_1113 : f32 to vector<16xf32>
      %select_n3A_1173 = arith.select %and3A_1171, %broadcast_in_dim3A_1172, %select_n3A_1094 : vector<16xi1>, vector<16xf32>
      %eq3A_1174 = arith.constant 3 : i32
      %eq3A_1175 = arith.cmpi eq, %select_n3A_1155, %eq3A_1174 : i32
      %and3A_1176 = vector.broadcast %eq3A_1175 : i1 to vector<16xi1>
      %and3A_1177 = arith.andi %eq3A_1131, %and3A_1176 : vector<16xi1>
      %broadcast_in_dim3A_1178 = vector.broadcast %reduce_min3A_1113 : f32 to vector<16xf32>
      %select_n3A_1179 = arith.select %and3A_1177, %broadcast_in_dim3A_1178, %select_n3A_1100 : vector<16xi1>, vector<16xf32>
      %scan3A_1180 = arith.constant 3 : i32
      %scan3A_1181 = arith.addi %scan3A_952, %scan3A_1180 : i32
      %get3A_1182 = arith.constant 0 : i32
      %get3A_1183 = arith.constant 0 : i32
      %get3A_1184 = tpu.memref_slice %arg14[%scan3A_269, %get3A_1182, %get3A_1183] : memref<4x64x16xf32, #tpu.memory_space<vmem>> -> memref<1x64x16xf32, #tpu.memory_space<vmem>>
      %get3A_1185 = tpu.memref_squeeze %get3A_1184 : memref<1x64x16xf32, #tpu.memory_space<vmem>> -> memref<64x16xf32, #tpu.memory_space<vmem>>
      %get3A_1186 = arith.index_cast %scan3A_1181 : i32 to index
      %get3A_1187 = arith.constant 0 : index
      %get3A_1188 = tpu.vector_load %get3A_1185[%get3A_1186, %get3A_1187] {strides = array<i32>} : memref<64x16xf32, #tpu.memory_space<vmem>>, vector<16xf32>,
      %reduce_min3A_1189 = arith.constant true
      %reduce_min3A_1190 = vector.broadcast %reduce_min3A_1189 : i1 to vector<16xi1>
      %reduce_min3A_1191 = tpu.scan <min>, %get3A_1188 masked %reduce_min3A_1190 : vector<16xf32>, vector<16xi1> -> vector<16xf32>
      %reduce_min3A_1192 = vector.extract %reduce_min3A_1191[15] : f32 from vector<16xf32>
      %jit3A_1193 = arith.constant 16 : i32
      %eq3A_1194 = arith.constant 0 : i32
      %eq3A_1195 = arith.cmpi eq, %jit3A_1193, %eq3A_1194 : i32
      %jit3A_1196 = arith.constant 1 : i32
      %select_n3A_1197 = arith.select %eq3A_1195, %jit3A_1196, %jit3A_1193 : i32
      %rem3A_1198 = arith.remsi %scan3A_1181, %select_n3A_1197 : i32
      %ne3A_1199 = arith.constant 0 : i32
      %ne3A_1200 = arith.cmpi ne, %rem3A_1198, %ne3A_1199 : i32
      %lt3A_1201 = arith.constant 0 : i32
      %lt3A_1202 = arith.cmpi slt, %rem3A_1198, %lt3A_1201 : i32
      %lt3A_1203 = arith.constant 0 : i32
      %lt3A_1204 = arith.cmpi slt, %select_n3A_1197, %lt3A_1203 : i32
      %ne3A_1205 = arith.xori %lt3A_1202, %lt3A_1204 : i1
      %and3A_1206 = arith.andi %ne3A_1205, %ne3A_1200 : i1
      %add3A_1207 = arith.addi %rem3A_1198, %select_n3A_1197 : i32
      %select_n3A_1208 = arith.select %and3A_1206, %add3A_1207, %rem3A_1198 : i32
      %eq3A_1209 = vector.broadcast %select_n3A_1208 : i32 to vector<16xi32>
      %eq3A_1210 = arith.cmpi eq, %iota3A, %eq3A_1209 : vector<16xi32>
      %jit3A_1211 = arith.constant 16 : i32
      %div3A_1212 = arith.divsi %scan3A_1181, %jit3A_1211 : i32
      %sign3A_1213 = arith.constant 0 : i32
      %sign3A_1214 = arith.cmpi sgt, %scan3A_1181, %sign3A_1213 : i32
      %sign3A_1215 = arith.extui %sign3A_1214 : i1 to i32
      %sign3A_1216 = arith.constant 0 : i32
      %sign3A_1217 = arith.cmpi slt, %scan3A_1181, %sign3A_1216 : i32
      %sign3A_1218 = arith.extui %sign3A_1217 : i1 to i32
      %sign3A_1219 = arith.subi %sign3A_1215, %sign3A_1218 : i32
      %sign3A_1220 = arith.constant 0 : i32
      %sign3A_1221 = arith.cmpi sgt, %jit3A_1211, %sign3A_1220 : i32
      %sign3A_1222 = arith.extui %sign3A_1221 : i1 to i32
      %sign3A_1223 = arith.constant 0 : i32
      %sign3A_1224 = arith.cmpi slt, %jit3A_1211, %sign3A_1223 : i32
      %sign3A_1225 = arith.extui %sign3A_1224 : i1 to i32
      %sign3A_1226 = arith.subi %sign3A_1222, %sign3A_1225 : i32
      %ne3A_1227 = arith.cmpi ne, %sign3A_1219, %sign3A_1226 : i32
      %rem3A_1228 = arith.remsi %scan3A_1181, %jit3A_1211 : i32
      %ne3A_1229 = arith.constant 0 : i32
      %ne3A_1230 = arith.cmpi ne, %rem3A_1228, %ne3A_1229 : i32
      %and3A_1231 = arith.andi %ne3A_1227, %ne3A_1230 : i1
      %sub3A_1232 = arith.constant 1 : i32
      %sub3A_1233 = arith.subi %div3A_1212, %sub3A_1232 : i32
      %select_n3A_1234 = arith.select %and3A_1231, %sub3A_1233, %div3A_1212 : i32
      %eq3A_1235 = arith.constant 0 : i32
      %eq3A_1236 = arith.cmpi eq, %select_n3A_1234, %eq3A_1235 : i32
      %and3A_1237 = vector.broadcast %eq3A_1236 : i1 to vector<16xi1>
      %and3A_1238 = arith.andi %eq3A_1210, %and3A_1237 : vector<16xi1>
      %broadcast_in_dim3A_1239 = vector.broadcast %reduce_min3A_1192 : f32 to vector<16xf32>
      %select_n3A_1240 = arith.select %and3A_1238, %broadcast_in_dim3A_1239, %select_n3A_1161 : vector<16xi1>, vector<16xf32>
      %eq3A_1241 = arith.constant 1 : i32
      %eq3A_1242 = arith.cmpi eq, %select_n3A_1234, %eq3A_1241 : i32
      %and3A_1243 = vector.broadcast %eq3A_1242 : i1 to vector<16xi1>
      %and3A_1244 = arith.andi %eq3A_1210, %and3A_1243 : vector<16xi1>
      %broadcast_in_dim3A_1245 = vector.broadcast %reduce_min3A_1192 : f32 to vector<16xf32>
      %select_n3A_1246 = arith.select %and3A_1244, %broadcast_in_dim3A_1245, %select_n3A_1167 : vector<16xi1>, vector<16xf32>
      %eq3A_1247 = arith.constant 2 : i32
      %eq3A_1248 = arith.cmpi eq, %select_n3A_1234, %eq3A_1247 : i32
      %and3A_1249 = vector.broadcast %eq3A_1248 : i1 to vector<16xi1>
      %and3A_1250 = arith.andi %eq3A_1210, %and3A_1249 : vector<16xi1>
      %broadcast_in_dim3A_1251 = vector.broadcast %reduce_min3A_1192 : f32 to vector<16xf32>
      %select_n3A_1252 = arith.select %and3A_1250, %broadcast_in_dim3A_1251, %select_n3A_1173 : vector<16xi1>, vector<16xf32>
      %eq3A_1253 = arith.constant 3 : i32
      %eq3A_1254 = arith.cmpi eq, %select_n3A_1234, %eq3A_1253 : i32
      %and3A_1255 = vector.broadcast %eq3A_1254 : i1 to vector<16xi1>
      %and3A_1256 = arith.andi %eq3A_1210, %and3A_1255 : vector<16xi1>
      %broadcast_in_dim3A_1257 = vector.broadcast %reduce_min3A_1192 : f32 to vector<16xf32>
      %select_n3A_1258 = arith.select %and3A_1256, %broadcast_in_dim3A_1257, %select_n3A_1179 : vector<16xi1>, vector<16xf32>
      scf.yield %select_n3A_1240, %select_n3A_1246, %select_n3A_1252, %select_n3A_1258 : vector<16xf32>, vector<16xf32>, vector<16xf32>, vector<16xf32>
    }
    %scan3A_275 = arith.constant 64 : i32
    %broadcast_in_dim3A_276 = arith.constant 0 : i32
    %broadcast_in_dim3A_277 = vector.broadcast %broadcast_in_dim3A_276 : i32 to vector<16xi32>
    %scan3A_278 = arith.constant 1 : i32
    %scan3A_279 = arith.constant 1 : i32
    %scan3A_280 = arith.constant 0 : i32
    %scan3A_281 = arith.constant 20 : i32
    %scan3A_282 = arith.addi %scan3A_280, %scan3A_281 : i32
    %scan3A_283 = arith.constant 1 : i32
    %scan3A_284:8 = scf.for %scan3A_952 = %scan3A_280 to %scan3A_282 step %scan3A_283 iter_args(%scan3A_953 = %broadcast_in_dim3A_277, %scan3A_954 = %broadcast_in_dim3A_277, %scan3A_955 = %broadcast_in_dim3A_277, %scan3A_956 = %broadcast_in_dim3A_277, %scan3A_957 = %scan3A_274#0, %scan3A_958 = %scan3A_274#1, %scan3A_959 = %scan3A_274#2, %scan3A_960 = %scan3A_274#3) -> (vector<16xi32>, vector<16xi32>, vector<16xi32>, vector<16xi32>, vector<16xf32>, vector<16xf32>, vector<16xf32>, vector<16xf32>)  : i32 {
      %min3A = arith.minimumf %scan3A_957, %scan3A_958 : vector<16xf32>
      %min3A_961 = arith.minimumf %scan3A_959, %scan3A_960 : vector<16xf32>
      %min3A_962 = arith.minimumf %min3A, %min3A_961 : vector<16xf32>
      %reduce_min3A = arith.constant true
      %reduce_min3A_963 = vector.broadcast %reduce_min3A : i1 to vector<16xi1>
      %reduce_min3A_964 = tpu.scan <min>, %min3A_962 masked %reduce_min3A_963 : vector<16xf32>, vector<16xi1> -> vector<16xf32>
      %reduce_min3A_965 = vector.extract %reduce_min3A_964[15] : f32 from vector<16xf32>
      %eq3A = vector.broadcast %reduce_min3A_965 : f32 to vector<16xf32>
      %eq3A_966 = arith.cmpf oeq, %scan3A_957, %eq3A : vector<16xf32>
      %jit3A = arith.constant 1073741824 : i32
      %broadcast_in_dim3A_967 = vector.broadcast %jit3A : i32 to vector<16xi32>
      %select_n3A = arith.select %eq3A_966, %iota3A, %broadcast_in_dim3A_967 : vector<16xi1>, vector<16xi32>
      %eq3A_968 = vector.broadcast %reduce_min3A_965 : f32 to vector<16xf32>
      %eq3A_969 = arith.cmpf oeq, %scan3A_958, %eq3A_968 : vector<16xf32>
      %add3A_970 = arith.constant 16 : i32
      %add3A_971 = vector.broadcast %add3A_970 : i32 to vector<16xi32>
      %add3A_972 = arith.addi %iota3A, %add3A_971 : vector<16xi32>
      %jit3A_973 = arith.constant 1073741824 : i32
      %broadcast_in_dim3A_974 = vector.broadcast %jit3A_973 : i32 to vector<16xi32>
      %select_n3A_975 = arith.select %eq3A_969, %add3A_972, %broadcast_in_dim3A_974 : vector<16xi1>, vector<16xi32>
      %eq3A_976 = vector.broadcast %reduce_min3A_965 : f32 to vector<16xf32>
      %eq3A_977 = arith.cmpf oeq, %scan3A_959, %eq3A_976 : vector<16xf32>
      %add3A_978 = arith.constant 32 : i32
      %add3A_979 = vector.broadcast %add3A_978 : i32 to vector<16xi32>
      %add3A_980 = arith.addi %iota3A, %add3A_979 : vector<16xi32>
      %jit3A_981 = arith.constant 1073741824 : i32
      %broadcast_in_dim3A_982 = vector.broadcast %jit3A_981 : i32 to vector<16xi32>
      %select_n3A_983 = arith.select %eq3A_977, %add3A_980, %broadcast_in_dim3A_982 : vector<16xi1>, vector<16xi32>
      %eq3A_984 = vector.broadcast %reduce_min3A_965 : f32 to vector<16xf32>
      %eq3A_985 = arith.cmpf oeq, %scan3A_960, %eq3A_984 : vector<16xf32>
      %add3A_986 = arith.constant 48 : i32
      %add3A_987 = vector.broadcast %add3A_986 : i32 to vector<16xi32>
      %add3A_988 = arith.addi %iota3A, %add3A_987 : vector<16xi32>
      %jit3A_989 = arith.constant 1073741824 : i32
      %broadcast_in_dim3A_990 = vector.broadcast %jit3A_989 : i32 to vector<16xi32>
      %select_n3A_991 = arith.select %eq3A_985, %add3A_988, %broadcast_in_dim3A_990 : vector<16xi1>, vector<16xi32>
      %min3A_992 = arith.minsi %select_n3A, %select_n3A_975 : vector<16xi32>
      %min3A_993 = arith.minsi %select_n3A_983, %select_n3A_991 : vector<16xi32>
      %min3A_994 = arith.minsi %min3A_992, %min3A_993 : vector<16xi32>
      %reduce_min3A_995 = arith.constant true
      %reduce_min3A_996 = vector.broadcast %reduce_min3A_995 : i1 to vector<16xi1>
      %reduce_min3A_997 = arith.constant -2147483648 : i32
      %reduce_min3A_998 = vector.broadcast %reduce_min3A_997 : i32 to vector<16xi32>
      %reduce_min3A_999 = arith.xori %min3A_994, %reduce_min3A_998 : vector<16xi32>
      %reduce_min3A_1000 = tpu.scan <min>, %reduce_min3A_999 masked %reduce_min3A_996 : vector<16xi32>, vector<16xi1> -> vector<16xi32>
      %reduce_min3A_1001 = arith.xori %reduce_min3A_1000, %reduce_min3A_998 : vector<16xi32>
      %reduce_min3A_1002 = vector.extract %reduce_min3A_1001[15] : i32 from vector<16xi32>
      %get3A = arith.constant 0 : i32
      %get3A_1003 = arith.constant 0 : i32
      %get3A_1004 = tpu.memref_slice %arg14[%scan3A_278, %get3A, %get3A_1003] : memref<4x64x16xf32, #tpu.memory_space<vmem>> -> memref<1x64x16xf32, #tpu.memory_space<vmem>>
      %get3A_1005 = tpu.memref_squeeze %get3A_1004 : memref<1x64x16xf32, #tpu.memory_space<vmem>> -> memref<64x16xf32, #tpu.memory_space<vmem>>
      %get3A_1006 = arith.index_cast %reduce_min3A_1002 : i32 to index
      %get3A_1007 = arith.constant 0 : index
      %get3A_1008 = tpu.vector_load %get3A_1005[%get3A_1006, %get3A_1007] {strides = array<i32>} : memref<64x16xf32, #tpu.memory_space<vmem>>, vector<16xf32>,
      %eq3A_1009 = vector.broadcast %reduce_min3A_965 : f32 to vector<16xf32>
      %eq3A_1010 = arith.cmpf oeq, %get3A_1008, %eq3A_1009 : vector<16xf32>
      %all_reduce_ffs3A = tpu.all_reduce %eq3A_1010 {dim = 0 : i64, kind = #tpu.reduction_kind<find_first_set>} : vector<16xi1> -> vector<16xi32>
      %eq3A_1011 = arith.cmpi eq, %iota3A, %all_reduce_ffs3A : vector<16xi32>
      %jit3A_1012 = arith.constant 3.000000e+38 : f32
      %broadcast_in_dim3A_1013 = vector.broadcast %jit3A_1012 : f32 to vector<16xf32>
      %select_n3A_1014 = arith.select %eq3A_1011, %broadcast_in_dim3A_1013, %get3A_1008 : vector<16xi1>, vector<16xf32>
      %swap3A_1015 = arith.constant 0 : i32
      %swap3A_1016 = arith.constant 0 : i32
      %swap3A_1017 = tpu.memref_slice %arg14[%scan3A_278, %swap3A_1015, %swap3A_1016] : memref<4x64x16xf32, #tpu.memory_space<vmem>> -> memref<1x64x16xf32, #tpu.memory_space<vmem>>
      %swap3A_1018 = tpu.memref_squeeze %swap3A_1017 : memref<1x64x16xf32, #tpu.memory_space<vmem>> -> memref<64x16xf32, #tpu.memory_space<vmem>>
      %swap3A_1019 = arith.index_cast %reduce_min3A_1002 : i32 to index
      %swap3A_1020 = arith.constant 0 : index
      %swap3A_1021 = tpu.vector_load %swap3A_1018[%swap3A_1019, %swap3A_1020] {strides = array<i32>} : memref<64x16xf32, #tpu.memory_space<vmem>>, vector<16xf32>,
      tpu.vector_store %swap3A_1018[%swap3A_1019, %swap3A_1020], %select_n3A_1014 {strides = array<i32>} : memref<64x16xf32, #tpu.memory_space<vmem>>, vector<16xf32>,
      %reduce_min3A_1022 = arith.constant true
      %reduce_min3A_1023 = vector.broadcast %reduce_min3A_1022 : i1 to vector<16xi1>
      %reduce_min3A_1024 = tpu.scan <min>, %select_n3A_1014 masked %reduce_min3A_1023 : vector<16xf32>, vector<16xi1> -> vector<16xf32>
      %reduce_min3A_1025 = vector.extract %reduce_min3A_1024[15] : f32 from vector<16xf32>
      %jit3A_1026 = arith.constant 16 : i32
      %eq3A_1027 = arith.constant 0 : i32
      %eq3A_1028 = arith.cmpi eq, %jit3A_1026, %eq3A_1027 : i32
      %jit3A_1029 = arith.constant 1 : i32
      %select_n3A_1030 = arith.select %eq3A_1028, %jit3A_1029, %jit3A_1026 : i32
      %rem3A = arith.remsi %reduce_min3A_1002, %select_n3A_1030 : i32
      %ne3A = arith.constant 0 : i32
      %ne3A_1031 = arith.cmpi ne, %rem3A, %ne3A : i32
      %lt3A = arith.constant 0 : i32
      %lt3A_1032 = arith.cmpi slt, %rem3A, %lt3A : i32
      %lt3A_1033 = arith.constant 0 : i32
      %lt3A_1034 = arith.cmpi slt, %select_n3A_1030, %lt3A_1033 : i32
      %ne3A_1035 = arith.xori %lt3A_1032, %lt3A_1034 : i1
      %and3A = arith.andi %ne3A_1035, %ne3A_1031 : i1
      %add3A_1036 = arith.addi %rem3A, %select_n3A_1030 : i32
      %select_n3A_1037 = arith.select %and3A, %add3A_1036, %rem3A : i32
      %eq3A_1038 = vector.broadcast %select_n3A_1037 : i32 to vector<16xi32>
      %eq3A_1039 = arith.cmpi eq, %iota3A, %eq3A_1038 : vector<16xi32>
      %jit3A_1040 = arith.constant 16 : i32
      %div3A = arith.divsi %reduce_min3A_1002, %jit3A_1040 : i32
      %sign3A = arith.constant 0 : i32
      %sign3A_1041 = arith.cmpi sgt, %reduce_min3A_1002, %sign3A : i32
      %sign3A_1042 = arith.extui %sign3A_1041 : i1 to i32
      %sign3A_1043 = arith.constant 0 : i32
      %sign3A_1044 = arith.cmpi slt, %reduce_min3A_1002, %sign3A_1043 : i32
      %sign3A_1045 = arith.extui %sign3A_1044 : i1 to i32
      %sign3A_1046 = arith.subi %sign3A_1042, %sign3A_1045 : i32
      %sign3A_1047 = arith.constant 0 : i32
      %sign3A_1048 = arith.cmpi sgt, %jit3A_1040, %sign3A_1047 : i32
      %sign3A_1049 = arith.extui %sign3A_1048 : i1 to i32
      %sign3A_1050 = arith.constant 0 : i32
      %sign3A_1051 = arith.cmpi slt, %jit3A_1040, %sign3A_1050 : i32
      %sign3A_1052 = arith.extui %sign3A_1051 : i1 to i32
      %sign3A_1053 = arith.subi %sign3A_1049, %sign3A_1052 : i32
      %ne3A_1054 = arith.cmpi ne, %sign3A_1046, %sign3A_1053 : i32
      %rem3A_1055 = arith.remsi %reduce_min3A_1002, %jit3A_1040 : i32
      %ne3A_1056 = arith.constant 0 : i32
      %ne3A_1057 = arith.cmpi ne, %rem3A_1055, %ne3A_1056 : i32
      %and3A_1058 = arith.andi %ne3A_1054, %ne3A_1057 : i1
      %sub3A = arith.constant 1 : i32
      %sub3A_1059 = arith.subi %div3A, %sub3A : i32
      %select_n3A_1060 = arith.select %and3A_1058, %sub3A_1059, %div3A : i32
      %eq3A_1061 = arith.constant 0 : i32
      %eq3A_1062 = arith.cmpi eq, %select_n3A_1060, %eq3A_1061 : i32
      %and3A_1063 = vector.broadcast %eq3A_1062 : i1 to vector<16xi1>
      %and3A_1064 = arith.andi %eq3A_1039, %and3A_1063 : vector<16xi1>
      %broadcast_in_dim3A_1065 = vector.broadcast %reduce_min3A_1025 : f32 to vector<16xf32>
      %select_n3A_1066 = arith.select %and3A_1064, %broadcast_in_dim3A_1065, %scan3A_957 : vector<16xi1>, vector<16xf32>
      %eq3A_1067 = arith.constant 1 : i32
      %eq3A_1068 = arith.cmpi eq, %select_n3A_1060, %eq3A_1067 : i32
      %and3A_1069 = vector.broadcast %eq3A_1068 : i1 to vector<16xi1>
      %and3A_1070 = arith.andi %eq3A_1039, %and3A_1069 : vector<16xi1>
      %broadcast_in_dim3A_1071 = vector.broadcast %reduce_min3A_1025 : f32 to vector<16xf32>
      %select_n3A_1072 = arith.select %and3A_1070, %broadcast_in_dim3A_1071, %scan3A_958 : vector<16xi1>, vector<16xf32>
      %eq3A_1073 = arith.constant 2 : i32
      %eq3A_1074 = arith.cmpi eq, %select_n3A_1060, %eq3A_1073 : i32
      %and3A_1075 = vector.broadcast %eq3A_1074 : i1 to vector<16xi1>
      %and3A_1076 = arith.andi %eq3A_1039, %and3A_1075 : vector<16xi1>
      %broadcast_in_dim3A_1077 = vector.broadcast %reduce_min3A_1025 : f32 to vector<16xf32>
      %select_n3A_1078 = arith.select %and3A_1076, %broadcast_in_dim3A_1077, %scan3A_959 : vector<16xi1>, vector<16xf32>
      %eq3A_1079 = arith.constant 3 : i32
      %eq3A_1080 = arith.cmpi eq, %select_n3A_1060, %eq3A_1079 : i32
      %and3A_1081 = vector.broadcast %eq3A_1080 : i1 to vector<16xi1>
      %and3A_1082 = arith.andi %eq3A_1039, %and3A_1081 : vector<16xi1>
      %broadcast_in_dim3A_1083 = vector.broadcast %reduce_min3A_1025 : f32 to vector<16xf32>
      %select_n3A_1084 = arith.select %and3A_1082, %broadcast_in_dim3A_1083, %scan3A_960 : vector<16xi1>, vector<16xf32>
      %broadcast_in_dim3A_1085 = vector.broadcast %reduce_min3A_1002 : i32 to vector<16xi32>
      %gather3A = arith.constant 0 : i32
      %gather3A_1086 = arith.constant 0 : i32
      %gather3A_1087 = tpu.memref_slice %arg15[%scan3A_279, %gather3A, %gather3A_1086] : memref<4x64x16xi32, #tpu.memory_space<vmem>> -> memref<1x64x16xi32, #tpu.memory_space<vmem>>
      %gather3A_1088 = tpu.memref_squeeze %gather3A_1087 : memref<1x64x16xi32, #tpu.memory_space<vmem>> -> memref<64x16xi32, #tpu.memory_space<vmem>>
      %gather3A_1089 = tpu.vector_load_idx %gather3A_1088[%broadcast_in_dim3A_1085, %all_reduce_ffs3A] : memref<64x16xi32, #tpu.memory_space<vmem>>[vector<16xi32>, vector<16xi32>], vector<16xi32>,
      %mul3A_1090 = arith.constant 16 : i32
      %mul3A_1091 = arith.muli %reduce_min3A_1002, %mul3A_1090 : i32
      %add3A_1092 = vector.broadcast %mul3A_1091 : i32 to vector<16xi32>
      %add3A_1093 = arith.addi %add3A_1092, %all_reduce_ffs3A : vector<16xi32>
      %mul3A_1094 = arith.constant 1024 : i32
      %mul3A_1095 = arith.muli %add3A, %mul3A_1094 : i32
      %add3A_1096 = vector.broadcast %mul3A_1095 : i32 to vector<16xi32>
      %add3A_1097 = arith.addi %add3A_1096, %add3A_1093 : vector<16xi32>
      %mul3A_1098 = arith.constant 1024 : i32
      %mul3A_1099 = arith.muli %add3A, %mul3A_1098 : i32
      %add3A_1100 = vector.broadcast %mul3A_1099 : i32 to vector<16xi32>
      %add3A_1101 = arith.addi %add3A_1100, %gather3A_1089 : vector<16xi32>
      %eq3A_1102 = vector.broadcast %scan3A_952 : i32 to vector<16xi32>
      %eq3A_1103 = arith.cmpi eq, %iota3A, %eq3A_1102 : vector<16xi32>
      %lt3A_1104 = arith.constant 16 : i32
      %lt3A_1105 = arith.cmpi slt, %scan3A_952, %lt3A_1104 : i32
      %and3A_1106 = vector.broadcast %lt3A_1105 : i1 to vector<16xi1>
      %and3A_1107 = arith.andi %eq3A_1103, %and3A_1106 : vector<16xi1>
      %sub3A_1108 = arith.constant 16 : i32
      %sub3A_1109 = arith.subi %scan3A_952, %sub3A_1108 : i32
      %eq3A_1110 = vector.broadcast %sub3A_1109 : i32 to vector<16xi32>
      %eq3A_1111 = arith.cmpi eq, %iota3A, %eq3A_1110 : vector<16xi32>
      %select_n3A_1112 = arith.select %and3A_1107, %add3A_1097, %scan3A_953 : vector<16xi1>, vector<16xi32>
      %select_n3A_1113 = arith.select %eq3A_1111, %add3A_1097, %scan3A_954 : vector<16xi1>, vector<16xi32>
      %select_n3A_1114 = arith.select %and3A_1107, %add3A_1101, %scan3A_955 : vector<16xi1>, vector<16xi32>
      %select_n3A_1115 = arith.select %eq3A_1111, %add3A_1101, %scan3A_956 : vector<16xi1>, vector<16xi32>
      scf.yield %select_n3A_1112, %select_n3A_1113, %select_n3A_1114, %select_n3A_1115, %select_n3A_1066, %select_n3A_1072, %select_n3A_1078, %select_n3A_1084 : vector<16xi32>, vector<16xi32>, vector<16xi32>, vector<16xi32>, vector<16xf32>, vector<16xf32>, vector<16xf32>, vector<16xf32>
    }
    %scan3A_285 = arith.constant 20 : i32
    %swap3A_286 = arith.constant 1 : i32
    %swap3A_287 = arith.constant 0 : i32
    %swap3A_288 = tpu.memref_slice %arg16[%swap3A_286, %swap3A_287] : memref<4x32xi32, #tpu.memory_space<vmem>> -> memref<1x32xi32, #tpu.memory_space<vmem>>
    %swap3A_289 = tpu.memref_squeeze %swap3A_288 : memref<1x32xi32, #tpu.memory_space<vmem>> -> memref<32xi32, #tpu.memory_space<vmem>>
    %swap3A_290 = arith.constant 0 : index
    %swap3A_291 = tpu.vector_load %swap3A_289[%swap3A_290] {strides = array<i32>} : memref<32xi32, #tpu.memory_space<vmem>>, vector<16xi32>,
    tpu.vector_store %swap3A_289[%swap3A_290], %scan3A_284#0 {strides = array<i32>} : memref<32xi32, #tpu.memory_space<vmem>>, vector<16xi32>,
    %swap3A_292 = arith.constant 1 : i32
    %swap3A_293 = arith.constant 0 : i32
    %swap3A_294 = tpu.memref_slice %arg16[%swap3A_292, %swap3A_293] : memref<4x32xi32, #tpu.memory_space<vmem>> -> memref<1x32xi32, #tpu.memory_space<vmem>>
    %swap3A_295 = tpu.memref_squeeze %swap3A_294 : memref<1x32xi32, #tpu.memory_space<vmem>> -> memref<32xi32, #tpu.memory_space<vmem>>
    %swap3A_296 = arith.constant 16 : index
    %swap3A_297 = tpu.vector_load %swap3A_295[%swap3A_296] {strides = array<i32>} : memref<32xi32, #tpu.memory_space<vmem>>, vector<16xi32>,
    tpu.vector_store %swap3A_295[%swap3A_296], %scan3A_284#1 {strides = array<i32>} : memref<32xi32, #tpu.memory_space<vmem>>, vector<16xi32>,
    %swap3A_298 = arith.constant 1 : i32
    %swap3A_299 = arith.constant 0 : i32
    %swap3A_300 = tpu.memref_slice %arg17[%swap3A_298, %swap3A_299] : memref<4x32xi32, #tpu.memory_space<vmem>> -> memref<1x32xi32, #tpu.memory_space<vmem>>
    %swap3A_301 = tpu.memref_squeeze %swap3A_300 : memref<1x32xi32, #tpu.memory_space<vmem>> -> memref<32xi32, #tpu.memory_space<vmem>>
    %swap3A_302 = arith.constant 0 : index
    %swap3A_303 = tpu.vector_load %swap3A_301[%swap3A_302] {strides = array<i32>} : memref<32xi32, #tpu.memory_space<vmem>>, vector<16xi32>,
    tpu.vector_store %swap3A_301[%swap3A_302], %scan3A_284#2 {strides = array<i32>} : memref<32xi32, #tpu.memory_space<vmem>>, vector<16xi32>,
    %swap3A_304 = arith.constant 1 : i32
    %swap3A_305 = arith.constant 0 : i32
    %swap3A_306 = tpu.memref_slice %arg17[%swap3A_304, %swap3A_305] : memref<4x32xi32, #tpu.memory_space<vmem>> -> memref<1x32xi32, #tpu.memory_space<vmem>>
    %swap3A_307 = tpu.memref_squeeze %swap3A_306 : memref<1x32xi32, #tpu.memory_space<vmem>> -> memref<32xi32, #tpu.memory_space<vmem>>
    %swap3A_308 = arith.constant 16 : index
    %swap3A_309 = tpu.vector_load %swap3A_307[%swap3A_308] {strides = array<i32>} : memref<32xi32, #tpu.memory_space<vmem>>, vector<16xi32>,
    tpu.vector_store %swap3A_307[%swap3A_308], %scan3A_284#3 {strides = array<i32>} : memref<32xi32, #tpu.memory_space<vmem>>, vector<16xi32>,
    %dma_start3A_310 = arith.constant 1 : i32
    %dma_start3A_311 = arith.constant 1 : i32
    %dma_start3A_312 = arith.constant 0 : i32
    %dma_start3A_313 = arith.constant 0 : i32
    %dma_start3A_314 = tpu.memref_slice %arg18[%dma_start3A_311, %dma_start3A_312, %dma_start3A_313] : memref<4x32x64xf32, #tpu.memory_space<vmem>> -> memref<1x32x64xf32, #tpu.memory_space<vmem>>
    %dma_start3A_315 = tpu.memref_squeeze %dma_start3A_314 : memref<1x32x64xf32, #tpu.memory_space<vmem>> -> memref<32x64xf32, #tpu.memory_space<vmem>>
    %dma_start3A_316 = arith.constant 0 : i32
    %dma_start3A_317 = tpu.memref_slice %arg16[%dma_start3A_310, %dma_start3A_316] : memref<4x32xi32, #tpu.memory_space<vmem>> -> memref<1x32xi32, #tpu.memory_space<vmem>>
    %dma_start3A_318 = tpu.memref_squeeze %dma_start3A_317 : memref<1x32xi32, #tpu.memory_space<vmem>> -> memref<32xi32, #tpu.memory_space<vmem>>
    %dma_start3A_319 = arith.constant 0 : i32
    %dma_start3A_320 = arith.constant 0 : i32
    %dma_start3A_321 = tpu.memref_slice %arg11[%dma_start3A_319, %dma_start3A_320] : memref<32768x64xf32, #tpu.memory_space<hbm>> -> memref<32768x64xf32, #tpu.memory_space<hbm>>
    tpu.enqueue_indirect_dma source(%dma_start3A_321 : memref<32768x64xf32, #tpu.memory_space<hbm>>) target(%dma_start3A_315 : memref<32x64xf32, #tpu.memory_space<vmem>>) offsets(%dma_start3A_318 : memref<32xi32, #tpu.memory_space<vmem>>) semaphore(%arg21 : memref<!tpu.dma_semaphore, #tpu.memory_space<semaphore_mem>>)
    %dma_start3A_322 = arith.constant 1 : i32
    %dma_start3A_323 = arith.constant 1 : i32
    %dma_start3A_324 = arith.constant 0 : i32
    %dma_start3A_325 = arith.constant 0 : i32
    %dma_start3A_326 = tpu.memref_slice %arg19[%dma_start3A_323, %dma_start3A_324, %dma_start3A_325] : memref<4x32x64xf32, #tpu.memory_space<vmem>> -> memref<1x32x64xf32, #tpu.memory_space<vmem>>
    %dma_start3A_327 = tpu.memref_squeeze %dma_start3A_326 : memref<1x32x64xf32, #tpu.memory_space<vmem>> -> memref<32x64xf32, #tpu.memory_space<vmem>>
    %dma_start3A_328 = arith.constant 0 : i32
    %dma_start3A_329 = tpu.memref_slice %arg17[%dma_start3A_322, %dma_start3A_328] : memref<4x32xi32, #tpu.memory_space<vmem>> -> memref<1x32xi32, #tpu.memory_space<vmem>>
    %dma_start3A_330 = tpu.memref_squeeze %dma_start3A_329 : memref<1x32xi32, #tpu.memory_space<vmem>> -> memref<32xi32, #tpu.memory_space<vmem>>
    %dma_start3A_331 = arith.constant 0 : i32
    %dma_start3A_332 = arith.constant 0 : i32
    %dma_start3A_333 = tpu.memref_slice %arg10[%dma_start3A_331, %dma_start3A_332] : memref<32768x64xf32, #tpu.memory_space<hbm>> -> memref<32768x64xf32, #tpu.memory_space<hbm>>
    tpu.enqueue_indirect_dma source(%dma_start3A_333 : memref<32768x64xf32, #tpu.memory_space<hbm>>) target(%dma_start3A_327 : memref<32x64xf32, #tpu.memory_space<vmem>>) offsets(%dma_start3A_330 : memref<32xi32, #tpu.memory_space<vmem>>) semaphore(%arg21 : memref<!tpu.dma_semaphore, #tpu.memory_space<semaphore_mem>>)
    %dma_wait3A_334 = arith.constant 2 : i32
    %dma_wait3A_335 = arith.constant 0 : i32
    %dma_wait3A_336 = arith.constant 0 : i32
    %dma_wait3A_337 = tpu.memref_slice %arg14[%dma_wait3A_334, %dma_wait3A_335, %dma_wait3A_336] : memref<4x64x16xf32, #tpu.memory_space<vmem>> -> memref<1x64x16xf32, #tpu.memory_space<vmem>>
    %dma_wait3A_338 = tpu.memref_squeeze %dma_wait3A_337 : memref<1x64x16xf32, #tpu.memory_space<vmem>> -> memref<64x16xf32, #tpu.memory_space<vmem>>
    %dma_wait3A_339 = arith.constant 0 : i32
    %dma_wait3A_340 = arith.constant 0 : i32
    %dma_wait3A_341 = tpu.memref_slice %arg4[%add3A, %dma_wait3A_339, %dma_wait3A_340] : memref<32x64x16xf32, #tpu.memory_space<hbm>> -> memref<1x64x16xf32, #tpu.memory_space<hbm>>
    %dma_wait3A_342 = tpu.memref_squeeze %dma_wait3A_341 : memref<1x64x16xf32, #tpu.memory_space<hbm>> -> memref<64x16xf32, #tpu.memory_space<hbm>>
    %dma_wait3A_343 = arith.constant 0 : i32
    %dma_wait3A_344 = arith.constant 0 : i32
    %dma_wait3A_345 = tpu.memref_slice %arg14[%dma_wait3A_334, %dma_wait3A_343, %dma_wait3A_344] : memref<4x64x16xf32, #tpu.memory_space<vmem>> -> memref<1x64x16xf32, #tpu.memory_space<vmem>>
    %dma_wait3A_346 = tpu.memref_squeeze %dma_wait3A_345 : memref<1x64x16xf32, #tpu.memory_space<vmem>> -> memref<64x16xf32, #tpu.memory_space<vmem>>
    %dma_wait3A_347 = arith.constant 0 : i32
    %dma_wait3A_348 = arith.constant 0 : i32
    %dma_wait3A_349 = tpu.memref_slice %arg4[%add3A, %dma_wait3A_347, %dma_wait3A_348] : memref<32x64x16xf32, #tpu.memory_space<hbm>> -> memref<1x64x16xf32, #tpu.memory_space<hbm>>
    %dma_wait3A_350 = tpu.memref_squeeze %dma_wait3A_349 : memref<1x64x16xf32, #tpu.memory_space<hbm>> -> memref<64x16xf32, #tpu.memory_space<hbm>>
    tpu.wait_dma2 semaphore(%arg20 : memref<!tpu.dma_semaphore, #tpu.memory_space<semaphore_mem>>) src(%dma_wait3A_350 : memref<64x16xf32, #tpu.memory_space<hbm>>) dst(%dma_wait3A_346 : memref<64x16xf32, #tpu.memory_space<vmem>>)
    %dma_wait3A_351 = arith.constant 2 : i32
    %dma_wait3A_352 = arith.constant 0 : i32
    %dma_wait3A_353 = arith.constant 0 : i32
    %dma_wait3A_354 = tpu.memref_slice %arg15[%dma_wait3A_351, %dma_wait3A_352, %dma_wait3A_353] : memref<4x64x16xi32, #tpu.memory_space<vmem>> -> memref<1x64x16xi32, #tpu.memory_space<vmem>>
    %dma_wait3A_355 = tpu.memref_squeeze %dma_wait3A_354 : memref<1x64x16xi32, #tpu.memory_space<vmem>> -> memref<64x16xi32, #tpu.memory_space<vmem>>
    %dma_wait3A_356 = arith.constant 0 : i32
    %dma_wait3A_357 = arith.constant 0 : i32
    %dma_wait3A_358 = tpu.memref_slice %arg8[%add3A, %dma_wait3A_356, %dma_wait3A_357] : memref<32x64x16xi32, #tpu.memory_space<hbm>> -> memref<1x64x16xi32, #tpu.memory_space<hbm>>
    %dma_wait3A_359 = tpu.memref_squeeze %dma_wait3A_358 : memref<1x64x16xi32, #tpu.memory_space<hbm>> -> memref<64x16xi32, #tpu.memory_space<hbm>>
    %dma_wait3A_360 = arith.constant 0 : i32
    %dma_wait3A_361 = arith.constant 0 : i32
    %dma_wait3A_362 = tpu.memref_slice %arg15[%dma_wait3A_351, %dma_wait3A_360, %dma_wait3A_361] : memref<4x64x16xi32, #tpu.memory_space<vmem>> -> memref<1x64x16xi32, #tpu.memory_space<vmem>>
    %dma_wait3A_363 = tpu.memref_squeeze %dma_wait3A_362 : memref<1x64x16xi32, #tpu.memory_space<vmem>> -> memref<64x16xi32, #tpu.memory_space<vmem>>
    %dma_wait3A_364 = arith.constant 0 : i32
    %dma_wait3A_365 = arith.constant 0 : i32
    %dma_wait3A_366 = tpu.memref_slice %arg8[%add3A, %dma_wait3A_364, %dma_wait3A_365] : memref<32x64x16xi32, #tpu.memory_space<hbm>> -> memref<1x64x16xi32, #tpu.memory_space<hbm>>
    %dma_wait3A_367 = tpu.memref_squeeze %dma_wait3A_366 : memref<1x64x16xi32, #tpu.memory_space<hbm>> -> memref<64x16xi32, #tpu.memory_space<hbm>>
    tpu.wait_dma2 semaphore(%arg20 : memref<!tpu.dma_semaphore, #tpu.memory_space<semaphore_mem>>) src(%dma_wait3A_367 : memref<64x16xi32, #tpu.memory_space<hbm>>) dst(%dma_wait3A_363 : memref<64x16xi32, #tpu.memory_space<vmem>>)
    %broadcast_in_dim3A_368 = arith.constant 3.000000e+38 : f32
    %broadcast_in_dim3A_369 = vector.broadcast %broadcast_in_dim3A_368 : f32 to vector<16xf32>
    %scan3A_370 = arith.constant 2 : i32
    %scan3A_371 = arith.constant 0 : i32
    %scan3A_372 = arith.constant 64 : i32
    %scan3A_373 = arith.addi %scan3A_371, %scan3A_372 : i32
    %scan3A_374 = arith.constant 4 : i32
    %scan3A_375:4 = scf.for %scan3A_952 = %scan3A_371 to %scan3A_373 step %scan3A_374 iter_args(%scan3A_953 = %broadcast_in_dim3A_369, %scan3A_954 = %broadcast_in_dim3A_369, %scan3A_955 = %broadcast_in_dim3A_369, %scan3A_956 = %broadcast_in_dim3A_369) -> (vector<16xf32>, vector<16xf32>, vector<16xf32>, vector<16xf32>)  : i32 {
      %get3A = arith.constant 0 : i32
      %get3A_957 = arith.constant 0 : i32
      %get3A_958 = tpu.memref_slice %arg14[%scan3A_370, %get3A, %get3A_957] : memref<4x64x16xf32, #tpu.memory_space<vmem>> -> memref<1x64x16xf32, #tpu.memory_space<vmem>>
      %get3A_959 = tpu.memref_squeeze %get3A_958 : memref<1x64x16xf32, #tpu.memory_space<vmem>> -> memref<64x16xf32, #tpu.memory_space<vmem>>
      %get3A_960 = arith.index_cast %scan3A_952 : i32 to index
      %get3A_961 = arith.constant 0 : index
      %get3A_962 = tpu.vector_load %get3A_959[%get3A_960, %get3A_961] {strides = array<i32>} : memref<64x16xf32, #tpu.memory_space<vmem>>, vector<16xf32>,
      %reduce_min3A = arith.constant true
      %reduce_min3A_963 = vector.broadcast %reduce_min3A : i1 to vector<16xi1>
      %reduce_min3A_964 = tpu.scan <min>, %get3A_962 masked %reduce_min3A_963 : vector<16xf32>, vector<16xi1> -> vector<16xf32>
      %reduce_min3A_965 = vector.extract %reduce_min3A_964[15] : f32 from vector<16xf32>
      %jit3A = arith.constant 16 : i32
      %eq3A = arith.constant 0 : i32
      %eq3A_966 = arith.cmpi eq, %jit3A, %eq3A : i32
      %jit3A_967 = arith.constant 1 : i32
      %select_n3A = arith.select %eq3A_966, %jit3A_967, %jit3A : i32
      %rem3A = arith.remsi %scan3A_952, %select_n3A : i32
      %ne3A = arith.constant 0 : i32
      %ne3A_968 = arith.cmpi ne, %rem3A, %ne3A : i32
      %lt3A = arith.constant 0 : i32
      %lt3A_969 = arith.cmpi slt, %rem3A, %lt3A : i32
      %lt3A_970 = arith.constant 0 : i32
      %lt3A_971 = arith.cmpi slt, %select_n3A, %lt3A_970 : i32
      %ne3A_972 = arith.xori %lt3A_969, %lt3A_971 : i1
      %and3A = arith.andi %ne3A_972, %ne3A_968 : i1
      %add3A_973 = arith.addi %rem3A, %select_n3A : i32
      %select_n3A_974 = arith.select %and3A, %add3A_973, %rem3A : i32
      %eq3A_975 = vector.broadcast %select_n3A_974 : i32 to vector<16xi32>
      %eq3A_976 = arith.cmpi eq, %iota3A, %eq3A_975 : vector<16xi32>
      %jit3A_977 = arith.constant 16 : i32
      %div3A = arith.divsi %scan3A_952, %jit3A_977 : i32
      %sign3A = arith.constant 0 : i32
      %sign3A_978 = arith.cmpi sgt, %scan3A_952, %sign3A : i32
      %sign3A_979 = arith.extui %sign3A_978 : i1 to i32
      %sign3A_980 = arith.constant 0 : i32
      %sign3A_981 = arith.cmpi slt, %scan3A_952, %sign3A_980 : i32
      %sign3A_982 = arith.extui %sign3A_981 : i1 to i32
      %sign3A_983 = arith.subi %sign3A_979, %sign3A_982 : i32
      %sign3A_984 = arith.constant 0 : i32
      %sign3A_985 = arith.cmpi sgt, %jit3A_977, %sign3A_984 : i32
      %sign3A_986 = arith.extui %sign3A_985 : i1 to i32
      %sign3A_987 = arith.constant 0 : i32
      %sign3A_988 = arith.cmpi slt, %jit3A_977, %sign3A_987 : i32
      %sign3A_989 = arith.extui %sign3A_988 : i1 to i32
      %sign3A_990 = arith.subi %sign3A_986, %sign3A_989 : i32
      %ne3A_991 = arith.cmpi ne, %sign3A_983, %sign3A_990 : i32
      %rem3A_992 = arith.remsi %scan3A_952, %jit3A_977 : i32
      %ne3A_993 = arith.constant 0 : i32
      %ne3A_994 = arith.cmpi ne, %rem3A_992, %ne3A_993 : i32
      %and3A_995 = arith.andi %ne3A_991, %ne3A_994 : i1
      %sub3A = arith.constant 1 : i32
      %sub3A_996 = arith.subi %div3A, %sub3A : i32
      %select_n3A_997 = arith.select %and3A_995, %sub3A_996, %div3A : i32
      %eq3A_998 = arith.constant 0 : i32
      %eq3A_999 = arith.cmpi eq, %select_n3A_997, %eq3A_998 : i32
      %and3A_1000 = vector.broadcast %eq3A_999 : i1 to vector<16xi1>
      %and3A_1001 = arith.andi %eq3A_976, %and3A_1000 : vector<16xi1>
      %broadcast_in_dim3A_1002 = vector.broadcast %reduce_min3A_965 : f32 to vector<16xf32>
      %select_n3A_1003 = arith.select %and3A_1001, %broadcast_in_dim3A_1002, %scan3A_953 : vector<16xi1>, vector<16xf32>
      %eq3A_1004 = arith.constant 1 : i32
      %eq3A_1005 = arith.cmpi eq, %select_n3A_997, %eq3A_1004 : i32
      %and3A_1006 = vector.broadcast %eq3A_1005 : i1 to vector<16xi1>
      %and3A_1007 = arith.andi %eq3A_976, %and3A_1006 : vector<16xi1>
      %broadcast_in_dim3A_1008 = vector.broadcast %reduce_min3A_965 : f32 to vector<16xf32>
      %select_n3A_1009 = arith.select %and3A_1007, %broadcast_in_dim3A_1008, %scan3A_954 : vector<16xi1>, vector<16xf32>
      %eq3A_1010 = arith.constant 2 : i32
      %eq3A_1011 = arith.cmpi eq, %select_n3A_997, %eq3A_1010 : i32
      %and3A_1012 = vector.broadcast %eq3A_1011 : i1 to vector<16xi1>
      %and3A_1013 = arith.andi %eq3A_976, %and3A_1012 : vector<16xi1>
      %broadcast_in_dim3A_1014 = vector.broadcast %reduce_min3A_965 : f32 to vector<16xf32>
      %select_n3A_1015 = arith.select %and3A_1013, %broadcast_in_dim3A_1014, %scan3A_955 : vector<16xi1>, vector<16xf32>
      %eq3A_1016 = arith.constant 3 : i32
      %eq3A_1017 = arith.cmpi eq, %select_n3A_997, %eq3A_1016 : i32
      %and3A_1018 = vector.broadcast %eq3A_1017 : i1 to vector<16xi1>
      %and3A_1019 = arith.andi %eq3A_976, %and3A_1018 : vector<16xi1>
      %broadcast_in_dim3A_1020 = vector.broadcast %reduce_min3A_965 : f32 to vector<16xf32>
      %select_n3A_1021 = arith.select %and3A_1019, %broadcast_in_dim3A_1020, %scan3A_956 : vector<16xi1>, vector<16xf32>
      %scan3A_1022 = arith.constant 1 : i32
      %scan3A_1023 = arith.addi %scan3A_952, %scan3A_1022 : i32
      %get3A_1024 = arith.constant 0 : i32
      %get3A_1025 = arith.constant 0 : i32
      %get3A_1026 = tpu.memref_slice %arg14[%scan3A_370, %get3A_1024, %get3A_1025] : memref<4x64x16xf32, #tpu.memory_space<vmem>> -> memref<1x64x16xf32, #tpu.memory_space<vmem>>
      %get3A_1027 = tpu.memref_squeeze %get3A_1026 : memref<1x64x16xf32, #tpu.memory_space<vmem>> -> memref<64x16xf32, #tpu.memory_space<vmem>>
      %get3A_1028 = arith.index_cast %scan3A_1023 : i32 to index
      %get3A_1029 = arith.constant 0 : index
      %get3A_1030 = tpu.vector_load %get3A_1027[%get3A_1028, %get3A_1029] {strides = array<i32>} : memref<64x16xf32, #tpu.memory_space<vmem>>, vector<16xf32>,
      %reduce_min3A_1031 = arith.constant true
      %reduce_min3A_1032 = vector.broadcast %reduce_min3A_1031 : i1 to vector<16xi1>
      %reduce_min3A_1033 = tpu.scan <min>, %get3A_1030 masked %reduce_min3A_1032 : vector<16xf32>, vector<16xi1> -> vector<16xf32>
      %reduce_min3A_1034 = vector.extract %reduce_min3A_1033[15] : f32 from vector<16xf32>
      %jit3A_1035 = arith.constant 16 : i32
      %eq3A_1036 = arith.constant 0 : i32
      %eq3A_1037 = arith.cmpi eq, %jit3A_1035, %eq3A_1036 : i32
      %jit3A_1038 = arith.constant 1 : i32
      %select_n3A_1039 = arith.select %eq3A_1037, %jit3A_1038, %jit3A_1035 : i32
      %rem3A_1040 = arith.remsi %scan3A_1023, %select_n3A_1039 : i32
      %ne3A_1041 = arith.constant 0 : i32
      %ne3A_1042 = arith.cmpi ne, %rem3A_1040, %ne3A_1041 : i32
      %lt3A_1043 = arith.constant 0 : i32
      %lt3A_1044 = arith.cmpi slt, %rem3A_1040, %lt3A_1043 : i32
      %lt3A_1045 = arith.constant 0 : i32
      %lt3A_1046 = arith.cmpi slt, %select_n3A_1039, %lt3A_1045 : i32
      %ne3A_1047 = arith.xori %lt3A_1044, %lt3A_1046 : i1
      %and3A_1048 = arith.andi %ne3A_1047, %ne3A_1042 : i1
      %add3A_1049 = arith.addi %rem3A_1040, %select_n3A_1039 : i32
      %select_n3A_1050 = arith.select %and3A_1048, %add3A_1049, %rem3A_1040 : i32
      %eq3A_1051 = vector.broadcast %select_n3A_1050 : i32 to vector<16xi32>
      %eq3A_1052 = arith.cmpi eq, %iota3A, %eq3A_1051 : vector<16xi32>
      %jit3A_1053 = arith.constant 16 : i32
      %div3A_1054 = arith.divsi %scan3A_1023, %jit3A_1053 : i32
      %sign3A_1055 = arith.constant 0 : i32
      %sign3A_1056 = arith.cmpi sgt, %scan3A_1023, %sign3A_1055 : i32
      %sign3A_1057 = arith.extui %sign3A_1056 : i1 to i32
      %sign3A_1058 = arith.constant 0 : i32
      %sign3A_1059 = arith.cmpi slt, %scan3A_1023, %sign3A_1058 : i32
      %sign3A_1060 = arith.extui %sign3A_1059 : i1 to i32
      %sign3A_1061 = arith.subi %sign3A_1057, %sign3A_1060 : i32
      %sign3A_1062 = arith.constant 0 : i32
      %sign3A_1063 = arith.cmpi sgt, %jit3A_1053, %sign3A_1062 : i32
      %sign3A_1064 = arith.extui %sign3A_1063 : i1 to i32
      %sign3A_1065 = arith.constant 0 : i32
      %sign3A_1066 = arith.cmpi slt, %jit3A_1053, %sign3A_1065 : i32
      %sign3A_1067 = arith.extui %sign3A_1066 : i1 to i32
      %sign3A_1068 = arith.subi %sign3A_1064, %sign3A_1067 : i32
      %ne3A_1069 = arith.cmpi ne, %sign3A_1061, %sign3A_1068 : i32
      %rem3A_1070 = arith.remsi %scan3A_1023, %jit3A_1053 : i32
      %ne3A_1071 = arith.constant 0 : i32
      %ne3A_1072 = arith.cmpi ne, %rem3A_1070, %ne3A_1071 : i32
      %and3A_1073 = arith.andi %ne3A_1069, %ne3A_1072 : i1
      %sub3A_1074 = arith.constant 1 : i32
      %sub3A_1075 = arith.subi %div3A_1054, %sub3A_1074 : i32
      %select_n3A_1076 = arith.select %and3A_1073, %sub3A_1075, %div3A_1054 : i32
      %eq3A_1077 = arith.constant 0 : i32
      %eq3A_1078 = arith.cmpi eq, %select_n3A_1076, %eq3A_1077 : i32
      %and3A_1079 = vector.broadcast %eq3A_1078 : i1 to vector<16xi1>
      %and3A_1080 = arith.andi %eq3A_1052, %and3A_1079 : vector<16xi1>
      %broadcast_in_dim3A_1081 = vector.broadcast %reduce_min3A_1034 : f32 to vector<16xf32>
      %select_n3A_1082 = arith.select %and3A_1080, %broadcast_in_dim3A_1081, %select_n3A_1003 : vector<16xi1>, vector<16xf32>
      %eq3A_1083 = arith.constant 1 : i32
      %eq3A_1084 = arith.cmpi eq, %select_n3A_1076, %eq3A_1083 : i32
      %and3A_1085 = vector.broadcast %eq3A_1084 : i1 to vector<16xi1>
      %and3A_1086 = arith.andi %eq3A_1052, %and3A_1085 : vector<16xi1>
      %broadcast_in_dim3A_1087 = vector.broadcast %reduce_min3A_1034 : f32 to vector<16xf32>
      %select_n3A_1088 = arith.select %and3A_1086, %broadcast_in_dim3A_1087, %select_n3A_1009 : vector<16xi1>, vector<16xf32>
      %eq3A_1089 = arith.constant 2 : i32
      %eq3A_1090 = arith.cmpi eq, %select_n3A_1076, %eq3A_1089 : i32
      %and3A_1091 = vector.broadcast %eq3A_1090 : i1 to vector<16xi1>
      %and3A_1092 = arith.andi %eq3A_1052, %and3A_1091 : vector<16xi1>
      %broadcast_in_dim3A_1093 = vector.broadcast %reduce_min3A_1034 : f32 to vector<16xf32>
      %select_n3A_1094 = arith.select %and3A_1092, %broadcast_in_dim3A_1093, %select_n3A_1015 : vector<16xi1>, vector<16xf32>
      %eq3A_1095 = arith.constant 3 : i32
      %eq3A_1096 = arith.cmpi eq, %select_n3A_1076, %eq3A_1095 : i32
      %and3A_1097 = vector.broadcast %eq3A_1096 : i1 to vector<16xi1>
      %and3A_1098 = arith.andi %eq3A_1052, %and3A_1097 : vector<16xi1>
      %broadcast_in_dim3A_1099 = vector.broadcast %reduce_min3A_1034 : f32 to vector<16xf32>
      %select_n3A_1100 = arith.select %and3A_1098, %broadcast_in_dim3A_1099, %select_n3A_1021 : vector<16xi1>, vector<16xf32>
      %scan3A_1101 = arith.constant 2 : i32
      %scan3A_1102 = arith.addi %scan3A_952, %scan3A_1101 : i32
      %get3A_1103 = arith.constant 0 : i32
      %get3A_1104 = arith.constant 0 : i32
      %get3A_1105 = tpu.memref_slice %arg14[%scan3A_370, %get3A_1103, %get3A_1104] : memref<4x64x16xf32, #tpu.memory_space<vmem>> -> memref<1x64x16xf32, #tpu.memory_space<vmem>>
      %get3A_1106 = tpu.memref_squeeze %get3A_1105 : memref<1x64x16xf32, #tpu.memory_space<vmem>> -> memref<64x16xf32, #tpu.memory_space<vmem>>
      %get3A_1107 = arith.index_cast %scan3A_1102 : i32 to index
      %get3A_1108 = arith.constant 0 : index
      %get3A_1109 = tpu.vector_load %get3A_1106[%get3A_1107, %get3A_1108] {strides = array<i32>} : memref<64x16xf32, #tpu.memory_space<vmem>>, vector<16xf32>,
      %reduce_min3A_1110 = arith.constant true
      %reduce_min3A_1111 = vector.broadcast %reduce_min3A_1110 : i1 to vector<16xi1>
      %reduce_min3A_1112 = tpu.scan <min>, %get3A_1109 masked %reduce_min3A_1111 : vector<16xf32>, vector<16xi1> -> vector<16xf32>
      %reduce_min3A_1113 = vector.extract %reduce_min3A_1112[15] : f32 from vector<16xf32>
      %jit3A_1114 = arith.constant 16 : i32
      %eq3A_1115 = arith.constant 0 : i32
      %eq3A_1116 = arith.cmpi eq, %jit3A_1114, %eq3A_1115 : i32
      %jit3A_1117 = arith.constant 1 : i32
      %select_n3A_1118 = arith.select %eq3A_1116, %jit3A_1117, %jit3A_1114 : i32
      %rem3A_1119 = arith.remsi %scan3A_1102, %select_n3A_1118 : i32
      %ne3A_1120 = arith.constant 0 : i32
      %ne3A_1121 = arith.cmpi ne, %rem3A_1119, %ne3A_1120 : i32
      %lt3A_1122 = arith.constant 0 : i32
      %lt3A_1123 = arith.cmpi slt, %rem3A_1119, %lt3A_1122 : i32
      %lt3A_1124 = arith.constant 0 : i32
      %lt3A_1125 = arith.cmpi slt, %select_n3A_1118, %lt3A_1124 : i32
      %ne3A_1126 = arith.xori %lt3A_1123, %lt3A_1125 : i1
      %and3A_1127 = arith.andi %ne3A_1126, %ne3A_1121 : i1
      %add3A_1128 = arith.addi %rem3A_1119, %select_n3A_1118 : i32
      %select_n3A_1129 = arith.select %and3A_1127, %add3A_1128, %rem3A_1119 : i32
      %eq3A_1130 = vector.broadcast %select_n3A_1129 : i32 to vector<16xi32>
      %eq3A_1131 = arith.cmpi eq, %iota3A, %eq3A_1130 : vector<16xi32>
      %jit3A_1132 = arith.constant 16 : i32
      %div3A_1133 = arith.divsi %scan3A_1102, %jit3A_1132 : i32
      %sign3A_1134 = arith.constant 0 : i32
      %sign3A_1135 = arith.cmpi sgt, %scan3A_1102, %sign3A_1134 : i32
      %sign3A_1136 = arith.extui %sign3A_1135 : i1 to i32
      %sign3A_1137 = arith.constant 0 : i32
      %sign3A_1138 = arith.cmpi slt, %scan3A_1102, %sign3A_1137 : i32
      %sign3A_1139 = arith.extui %sign3A_1138 : i1 to i32
      %sign3A_1140 = arith.subi %sign3A_1136, %sign3A_1139 : i32
      %sign3A_1141 = arith.constant 0 : i32
      %sign3A_1142 = arith.cmpi sgt, %jit3A_1132, %sign3A_1141 : i32
      %sign3A_1143 = arith.extui %sign3A_1142 : i1 to i32
      %sign3A_1144 = arith.constant 0 : i32
      %sign3A_1145 = arith.cmpi slt, %jit3A_1132, %sign3A_1144 : i32
      %sign3A_1146 = arith.extui %sign3A_1145 : i1 to i32
      %sign3A_1147 = arith.subi %sign3A_1143, %sign3A_1146 : i32
      %ne3A_1148 = arith.cmpi ne, %sign3A_1140, %sign3A_1147 : i32
      %rem3A_1149 = arith.remsi %scan3A_1102, %jit3A_1132 : i32
      %ne3A_1150 = arith.constant 0 : i32
      %ne3A_1151 = arith.cmpi ne, %rem3A_1149, %ne3A_1150 : i32
      %and3A_1152 = arith.andi %ne3A_1148, %ne3A_1151 : i1
      %sub3A_1153 = arith.constant 1 : i32
      %sub3A_1154 = arith.subi %div3A_1133, %sub3A_1153 : i32
      %select_n3A_1155 = arith.select %and3A_1152, %sub3A_1154, %div3A_1133 : i32
      %eq3A_1156 = arith.constant 0 : i32
      %eq3A_1157 = arith.cmpi eq, %select_n3A_1155, %eq3A_1156 : i32
      %and3A_1158 = vector.broadcast %eq3A_1157 : i1 to vector<16xi1>
      %and3A_1159 = arith.andi %eq3A_1131, %and3A_1158 : vector<16xi1>
      %broadcast_in_dim3A_1160 = vector.broadcast %reduce_min3A_1113 : f32 to vector<16xf32>
      %select_n3A_1161 = arith.select %and3A_1159, %broadcast_in_dim3A_1160, %select_n3A_1082 : vector<16xi1>, vector<16xf32>
      %eq3A_1162 = arith.constant 1 : i32
      %eq3A_1163 = arith.cmpi eq, %select_n3A_1155, %eq3A_1162 : i32
      %and3A_1164 = vector.broadcast %eq3A_1163 : i1 to vector<16xi1>
      %and3A_1165 = arith.andi %eq3A_1131, %and3A_1164 : vector<16xi1>
      %broadcast_in_dim3A_1166 = vector.broadcast %reduce_min3A_1113 : f32 to vector<16xf32>
      %select_n3A_1167 = arith.select %and3A_1165, %broadcast_in_dim3A_1166, %select_n3A_1088 : vector<16xi1>, vector<16xf32>
      %eq3A_1168 = arith.constant 2 : i32
      %eq3A_1169 = arith.cmpi eq, %select_n3A_1155, %eq3A_1168 : i32
      %and3A_1170 = vector.broadcast %eq3A_1169 : i1 to vector<16xi1>
      %and3A_1171 = arith.andi %eq3A_1131, %and3A_1170 : vector<16xi1>
      %broadcast_in_dim3A_1172 = vector.broadcast %reduce_min3A_1113 : f32 to vector<16xf32>
      %select_n3A_1173 = arith.select %and3A_1171, %broadcast_in_dim3A_1172, %select_n3A_1094 : vector<16xi1>, vector<16xf32>
      %eq3A_1174 = arith.constant 3 : i32
      %eq3A_1175 = arith.cmpi eq, %select_n3A_1155, %eq3A_1174 : i32
      %and3A_1176 = vector.broadcast %eq3A_1175 : i1 to vector<16xi1>
      %and3A_1177 = arith.andi %eq3A_1131, %and3A_1176 : vector<16xi1>
      %broadcast_in_dim3A_1178 = vector.broadcast %reduce_min3A_1113 : f32 to vector<16xf32>
      %select_n3A_1179 = arith.select %and3A_1177, %broadcast_in_dim3A_1178, %select_n3A_1100 : vector<16xi1>, vector<16xf32>
      %scan3A_1180 = arith.constant 3 : i32
      %scan3A_1181 = arith.addi %scan3A_952, %scan3A_1180 : i32
      %get3A_1182 = arith.constant 0 : i32
      %get3A_1183 = arith.constant 0 : i32
      %get3A_1184 = tpu.memref_slice %arg14[%scan3A_370, %get3A_1182, %get3A_1183] : memref<4x64x16xf32, #tpu.memory_space<vmem>> -> memref<1x64x16xf32, #tpu.memory_space<vmem>>
      %get3A_1185 = tpu.memref_squeeze %get3A_1184 : memref<1x64x16xf32, #tpu.memory_space<vmem>> -> memref<64x16xf32, #tpu.memory_space<vmem>>
      %get3A_1186 = arith.index_cast %scan3A_1181 : i32 to index
      %get3A_1187 = arith.constant 0 : index
      %get3A_1188 = tpu.vector_load %get3A_1185[%get3A_1186, %get3A_1187] {strides = array<i32>} : memref<64x16xf32, #tpu.memory_space<vmem>>, vector<16xf32>,
      %reduce_min3A_1189 = arith.constant true
      %reduce_min3A_1190 = vector.broadcast %reduce_min3A_1189 : i1 to vector<16xi1>
      %reduce_min3A_1191 = tpu.scan <min>, %get3A_1188 masked %reduce_min3A_1190 : vector<16xf32>, vector<16xi1> -> vector<16xf32>
      %reduce_min3A_1192 = vector.extract %reduce_min3A_1191[15] : f32 from vector<16xf32>
      %jit3A_1193 = arith.constant 16 : i32
      %eq3A_1194 = arith.constant 0 : i32
      %eq3A_1195 = arith.cmpi eq, %jit3A_1193, %eq3A_1194 : i32
      %jit3A_1196 = arith.constant 1 : i32
      %select_n3A_1197 = arith.select %eq3A_1195, %jit3A_1196, %jit3A_1193 : i32
      %rem3A_1198 = arith.remsi %scan3A_1181, %select_n3A_1197 : i32
      %ne3A_1199 = arith.constant 0 : i32
      %ne3A_1200 = arith.cmpi ne, %rem3A_1198, %ne3A_1199 : i32
      %lt3A_1201 = arith.constant 0 : i32
      %lt3A_1202 = arith.cmpi slt, %rem3A_1198, %lt3A_1201 : i32
      %lt3A_1203 = arith.constant 0 : i32
      %lt3A_1204 = arith.cmpi slt, %select_n3A_1197, %lt3A_1203 : i32
      %ne3A_1205 = arith.xori %lt3A_1202, %lt3A_1204 : i1
      %and3A_1206 = arith.andi %ne3A_1205, %ne3A_1200 : i1
      %add3A_1207 = arith.addi %rem3A_1198, %select_n3A_1197 : i32
      %select_n3A_1208 = arith.select %and3A_1206, %add3A_1207, %rem3A_1198 : i32
      %eq3A_1209 = vector.broadcast %select_n3A_1208 : i32 to vector<16xi32>
      %eq3A_1210 = arith.cmpi eq, %iota3A, %eq3A_1209 : vector<16xi32>
      %jit3A_1211 = arith.constant 16 : i32
      %div3A_1212 = arith.divsi %scan3A_1181, %jit3A_1211 : i32
      %sign3A_1213 = arith.constant 0 : i32
      %sign3A_1214 = arith.cmpi sgt, %scan3A_1181, %sign3A_1213 : i32
      %sign3A_1215 = arith.extui %sign3A_1214 : i1 to i32
      %sign3A_1216 = arith.constant 0 : i32
      %sign3A_1217 = arith.cmpi slt, %scan3A_1181, %sign3A_1216 : i32
      %sign3A_1218 = arith.extui %sign3A_1217 : i1 to i32
      %sign3A_1219 = arith.subi %sign3A_1215, %sign3A_1218 : i32
      %sign3A_1220 = arith.constant 0 : i32
      %sign3A_1221 = arith.cmpi sgt, %jit3A_1211, %sign3A_1220 : i32
      %sign3A_1222 = arith.extui %sign3A_1221 : i1 to i32
      %sign3A_1223 = arith.constant 0 : i32
      %sign3A_1224 = arith.cmpi slt, %jit3A_1211, %sign3A_1223 : i32
      %sign3A_1225 = arith.extui %sign3A_1224 : i1 to i32
      %sign3A_1226 = arith.subi %sign3A_1222, %sign3A_1225 : i32
      %ne3A_1227 = arith.cmpi ne, %sign3A_1219, %sign3A_1226 : i32
      %rem3A_1228 = arith.remsi %scan3A_1181, %jit3A_1211 : i32
      %ne3A_1229 = arith.constant 0 : i32
      %ne3A_1230 = arith.cmpi ne, %rem3A_1228, %ne3A_1229 : i32
      %and3A_1231 = arith.andi %ne3A_1227, %ne3A_1230 : i1
      %sub3A_1232 = arith.constant 1 : i32
      %sub3A_1233 = arith.subi %div3A_1212, %sub3A_1232 : i32
      %select_n3A_1234 = arith.select %and3A_1231, %sub3A_1233, %div3A_1212 : i32
      %eq3A_1235 = arith.constant 0 : i32
      %eq3A_1236 = arith.cmpi eq, %select_n3A_1234, %eq3A_1235 : i32
      %and3A_1237 = vector.broadcast %eq3A_1236 : i1 to vector<16xi1>
      %and3A_1238 = arith.andi %eq3A_1210, %and3A_1237 : vector<16xi1>
      %broadcast_in_dim3A_1239 = vector.broadcast %reduce_min3A_1192 : f32 to vector<16xf32>
      %select_n3A_1240 = arith.select %and3A_1238, %broadcast_in_dim3A_1239, %select_n3A_1161 : vector<16xi1>, vector<16xf32>
      %eq3A_1241 = arith.constant 1 : i32
      %eq3A_1242 = arith.cmpi eq, %select_n3A_1234, %eq3A_1241 : i32
      %and3A_1243 = vector.broadcast %eq3A_1242 : i1 to vector<16xi1>
      %and3A_1244 = arith.andi %eq3A_1210, %and3A_1243 : vector<16xi1>
      %broadcast_in_dim3A_1245 = vector.broadcast %reduce_min3A_1192 : f32 to vector<16xf32>
      %select_n3A_1246 = arith.select %and3A_1244, %broadcast_in_dim3A_1245, %select_n3A_1167 : vector<16xi1>, vector<16xf32>
      %eq3A_1247 = arith.constant 2 : i32
      %eq3A_1248 = arith.cmpi eq, %select_n3A_1234, %eq3A_1247 : i32
      %and3A_1249 = vector.broadcast %eq3A_1248 : i1 to vector<16xi1>
      %and3A_1250 = arith.andi %eq3A_1210, %and3A_1249 : vector<16xi1>
      %broadcast_in_dim3A_1251 = vector.broadcast %reduce_min3A_1192 : f32 to vector<16xf32>
      %select_n3A_1252 = arith.select %and3A_1250, %broadcast_in_dim3A_1251, %select_n3A_1173 : vector<16xi1>, vector<16xf32>
      %eq3A_1253 = arith.constant 3 : i32
      %eq3A_1254 = arith.cmpi eq, %select_n3A_1234, %eq3A_1253 : i32
      %and3A_1255 = vector.broadcast %eq3A_1254 : i1 to vector<16xi1>
      %and3A_1256 = arith.andi %eq3A_1210, %and3A_1255 : vector<16xi1>
      %broadcast_in_dim3A_1257 = vector.broadcast %reduce_min3A_1192 : f32 to vector<16xf32>
      %select_n3A_1258 = arith.select %and3A_1256, %broadcast_in_dim3A_1257, %select_n3A_1179 : vector<16xi1>, vector<16xf32>
      scf.yield %select_n3A_1240, %select_n3A_1246, %select_n3A_1252, %select_n3A_1258 : vector<16xf32>, vector<16xf32>, vector<16xf32>, vector<16xf32>
    }
    %scan3A_376 = arith.constant 64 : i32
    %broadcast_in_dim3A_377 = arith.constant 0 : i32
    %broadcast_in_dim3A_378 = vector.broadcast %broadcast_in_dim3A_377 : i32 to vector<16xi32>
    %scan3A_379 = arith.constant 2 : i32
    %scan3A_380 = arith.constant 2 : i32
    %scan3A_381 = arith.constant 0 : i32
    %scan3A_382 = arith.constant 20 : i32
    %scan3A_383 = arith.addi %scan3A_381, %scan3A_382 : i32
    %scan3A_384 = arith.constant 1 : i32
    %scan3A_385:8 = scf.for %scan3A_952 = %scan3A_381 to %scan3A_383 step %scan3A_384 iter_args(%scan3A_953 = %broadcast_in_dim3A_378, %scan3A_954 = %broadcast_in_dim3A_378, %scan3A_955 = %broadcast_in_dim3A_378, %scan3A_956 = %broadcast_in_dim3A_378, %scan3A_957 = %scan3A_375#0, %scan3A_958 = %scan3A_375#1, %scan3A_959 = %scan3A_375#2, %scan3A_960 = %scan3A_375#3) -> (vector<16xi32>, vector<16xi32>, vector<16xi32>, vector<16xi32>, vector<16xf32>, vector<16xf32>, vector<16xf32>, vector<16xf32>)  : i32 {
      %min3A = arith.minimumf %scan3A_957, %scan3A_958 : vector<16xf32>
      %min3A_961 = arith.minimumf %scan3A_959, %scan3A_960 : vector<16xf32>
      %min3A_962 = arith.minimumf %min3A, %min3A_961 : vector<16xf32>
      %reduce_min3A = arith.constant true
      %reduce_min3A_963 = vector.broadcast %reduce_min3A : i1 to vector<16xi1>
      %reduce_min3A_964 = tpu.scan <min>, %min3A_962 masked %reduce_min3A_963 : vector<16xf32>, vector<16xi1> -> vector<16xf32>
      %reduce_min3A_965 = vector.extract %reduce_min3A_964[15] : f32 from vector<16xf32>
      %eq3A = vector.broadcast %reduce_min3A_965 : f32 to vector<16xf32>
      %eq3A_966 = arith.cmpf oeq, %scan3A_957, %eq3A : vector<16xf32>
      %jit3A = arith.constant 1073741824 : i32
      %broadcast_in_dim3A_967 = vector.broadcast %jit3A : i32 to vector<16xi32>
      %select_n3A = arith.select %eq3A_966, %iota3A, %broadcast_in_dim3A_967 : vector<16xi1>, vector<16xi32>
      %eq3A_968 = vector.broadcast %reduce_min3A_965 : f32 to vector<16xf32>
      %eq3A_969 = arith.cmpf oeq, %scan3A_958, %eq3A_968 : vector<16xf32>
      %add3A_970 = arith.constant 16 : i32
      %add3A_971 = vector.broadcast %add3A_970 : i32 to vector<16xi32>
      %add3A_972 = arith.addi %iota3A, %add3A_971 : vector<16xi32>
      %jit3A_973 = arith.constant 1073741824 : i32
      %broadcast_in_dim3A_974 = vector.broadcast %jit3A_973 : i32 to vector<16xi32>
      %select_n3A_975 = arith.select %eq3A_969, %add3A_972, %broadcast_in_dim3A_974 : vector<16xi1>, vector<16xi32>
      %eq3A_976 = vector.broadcast %reduce_min3A_965 : f32 to vector<16xf32>
      %eq3A_977 = arith.cmpf oeq, %scan3A_959, %eq3A_976 : vector<16xf32>
      %add3A_978 = arith.constant 32 : i32
      %add3A_979 = vector.broadcast %add3A_978 : i32 to vector<16xi32>
      %add3A_980 = arith.addi %iota3A, %add3A_979 : vector<16xi32>
      %jit3A_981 = arith.constant 1073741824 : i32
      %broadcast_in_dim3A_982 = vector.broadcast %jit3A_981 : i32 to vector<16xi32>
      %select_n3A_983 = arith.select %eq3A_977, %add3A_980, %broadcast_in_dim3A_982 : vector<16xi1>, vector<16xi32>
      %eq3A_984 = vector.broadcast %reduce_min3A_965 : f32 to vector<16xf32>
      %eq3A_985 = arith.cmpf oeq, %scan3A_960, %eq3A_984 : vector<16xf32>
      %add3A_986 = arith.constant 48 : i32
      %add3A_987 = vector.broadcast %add3A_986 : i32 to vector<16xi32>
      %add3A_988 = arith.addi %iota3A, %add3A_987 : vector<16xi32>
      %jit3A_989 = arith.constant 1073741824 : i32
      %broadcast_in_dim3A_990 = vector.broadcast %jit3A_989 : i32 to vector<16xi32>
      %select_n3A_991 = arith.select %eq3A_985, %add3A_988, %broadcast_in_dim3A_990 : vector<16xi1>, vector<16xi32>
      %min3A_992 = arith.minsi %select_n3A, %select_n3A_975 : vector<16xi32>
      %min3A_993 = arith.minsi %select_n3A_983, %select_n3A_991 : vector<16xi32>
      %min3A_994 = arith.minsi %min3A_992, %min3A_993 : vector<16xi32>
      %reduce_min3A_995 = arith.constant true
      %reduce_min3A_996 = vector.broadcast %reduce_min3A_995 : i1 to vector<16xi1>
      %reduce_min3A_997 = arith.constant -2147483648 : i32
      %reduce_min3A_998 = vector.broadcast %reduce_min3A_997 : i32 to vector<16xi32>
      %reduce_min3A_999 = arith.xori %min3A_994, %reduce_min3A_998 : vector<16xi32>
      %reduce_min3A_1000 = tpu.scan <min>, %reduce_min3A_999 masked %reduce_min3A_996 : vector<16xi32>, vector<16xi1> -> vector<16xi32>
      %reduce_min3A_1001 = arith.xori %reduce_min3A_1000, %reduce_min3A_998 : vector<16xi32>
      %reduce_min3A_1002 = vector.extract %reduce_min3A_1001[15] : i32 from vector<16xi32>
      %get3A = arith.constant 0 : i32
      %get3A_1003 = arith.constant 0 : i32
      %get3A_1004 = tpu.memref_slice %arg14[%scan3A_379, %get3A, %get3A_1003] : memref<4x64x16xf32, #tpu.memory_space<vmem>> -> memref<1x64x16xf32, #tpu.memory_space<vmem>>
      %get3A_1005 = tpu.memref_squeeze %get3A_1004 : memref<1x64x16xf32, #tpu.memory_space<vmem>> -> memref<64x16xf32, #tpu.memory_space<vmem>>
      %get3A_1006 = arith.index_cast %reduce_min3A_1002 : i32 to index
      %get3A_1007 = arith.constant 0 : index
      %get3A_1008 = tpu.vector_load %get3A_1005[%get3A_1006, %get3A_1007] {strides = array<i32>} : memref<64x16xf32, #tpu.memory_space<vmem>>, vector<16xf32>,
      %eq3A_1009 = vector.broadcast %reduce_min3A_965 : f32 to vector<16xf32>
      %eq3A_1010 = arith.cmpf oeq, %get3A_1008, %eq3A_1009 : vector<16xf32>
      %all_reduce_ffs3A = tpu.all_reduce %eq3A_1010 {dim = 0 : i64, kind = #tpu.reduction_kind<find_first_set>} : vector<16xi1> -> vector<16xi32>
      %eq3A_1011 = arith.cmpi eq, %iota3A, %all_reduce_ffs3A : vector<16xi32>
      %jit3A_1012 = arith.constant 3.000000e+38 : f32
      %broadcast_in_dim3A_1013 = vector.broadcast %jit3A_1012 : f32 to vector<16xf32>
      %select_n3A_1014 = arith.select %eq3A_1011, %broadcast_in_dim3A_1013, %get3A_1008 : vector<16xi1>, vector<16xf32>
      %swap3A_1015 = arith.constant 0 : i32
      %swap3A_1016 = arith.constant 0 : i32
      %swap3A_1017 = tpu.memref_slice %arg14[%scan3A_379, %swap3A_1015, %swap3A_1016] : memref<4x64x16xf32, #tpu.memory_space<vmem>> -> memref<1x64x16xf32, #tpu.memory_space<vmem>>
      %swap3A_1018 = tpu.memref_squeeze %swap3A_1017 : memref<1x64x16xf32, #tpu.memory_space<vmem>> -> memref<64x16xf32, #tpu.memory_space<vmem>>
      %swap3A_1019 = arith.index_cast %reduce_min3A_1002 : i32 to index
      %swap3A_1020 = arith.constant 0 : index
      %swap3A_1021 = tpu.vector_load %swap3A_1018[%swap3A_1019, %swap3A_1020] {strides = array<i32>} : memref<64x16xf32, #tpu.memory_space<vmem>>, vector<16xf32>,
      tpu.vector_store %swap3A_1018[%swap3A_1019, %swap3A_1020], %select_n3A_1014 {strides = array<i32>} : memref<64x16xf32, #tpu.memory_space<vmem>>, vector<16xf32>,
      %reduce_min3A_1022 = arith.constant true
      %reduce_min3A_1023 = vector.broadcast %reduce_min3A_1022 : i1 to vector<16xi1>
      %reduce_min3A_1024 = tpu.scan <min>, %select_n3A_1014 masked %reduce_min3A_1023 : vector<16xf32>, vector<16xi1> -> vector<16xf32>
      %reduce_min3A_1025 = vector.extract %reduce_min3A_1024[15] : f32 from vector<16xf32>
      %jit3A_1026 = arith.constant 16 : i32
      %eq3A_1027 = arith.constant 0 : i32
      %eq3A_1028 = arith.cmpi eq, %jit3A_1026, %eq3A_1027 : i32
      %jit3A_1029 = arith.constant 1 : i32
      %select_n3A_1030 = arith.select %eq3A_1028, %jit3A_1029, %jit3A_1026 : i32
      %rem3A = arith.remsi %reduce_min3A_1002, %select_n3A_1030 : i32
      %ne3A = arith.constant 0 : i32
      %ne3A_1031 = arith.cmpi ne, %rem3A, %ne3A : i32
      %lt3A = arith.constant 0 : i32
      %lt3A_1032 = arith.cmpi slt, %rem3A, %lt3A : i32
      %lt3A_1033 = arith.constant 0 : i32
      %lt3A_1034 = arith.cmpi slt, %select_n3A_1030, %lt3A_1033 : i32
      %ne3A_1035 = arith.xori %lt3A_1032, %lt3A_1034 : i1
      %and3A = arith.andi %ne3A_1035, %ne3A_1031 : i1
      %add3A_1036 = arith.addi %rem3A, %select_n3A_1030 : i32
      %select_n3A_1037 = arith.select %and3A, %add3A_1036, %rem3A : i32
      %eq3A_1038 = vector.broadcast %select_n3A_1037 : i32 to vector<16xi32>
      %eq3A_1039 = arith.cmpi eq, %iota3A, %eq3A_1038 : vector<16xi32>
      %jit3A_1040 = arith.constant 16 : i32
      %div3A = arith.divsi %reduce_min3A_1002, %jit3A_1040 : i32
      %sign3A = arith.constant 0 : i32
      %sign3A_1041 = arith.cmpi sgt, %reduce_min3A_1002, %sign3A : i32
      %sign3A_1042 = arith.extui %sign3A_1041 : i1 to i32
      %sign3A_1043 = arith.constant 0 : i32
      %sign3A_1044 = arith.cmpi slt, %reduce_min3A_1002, %sign3A_1043 : i32
      %sign3A_1045 = arith.extui %sign3A_1044 : i1 to i32
      %sign3A_1046 = arith.subi %sign3A_1042, %sign3A_1045 : i32
      %sign3A_1047 = arith.constant 0 : i32
      %sign3A_1048 = arith.cmpi sgt, %jit3A_1040, %sign3A_1047 : i32
      %sign3A_1049 = arith.extui %sign3A_1048 : i1 to i32
      %sign3A_1050 = arith.constant 0 : i32
      %sign3A_1051 = arith.cmpi slt, %jit3A_1040, %sign3A_1050 : i32
      %sign3A_1052 = arith.extui %sign3A_1051 : i1 to i32
      %sign3A_1053 = arith.subi %sign3A_1049, %sign3A_1052 : i32
      %ne3A_1054 = arith.cmpi ne, %sign3A_1046, %sign3A_1053 : i32
      %rem3A_1055 = arith.remsi %reduce_min3A_1002, %jit3A_1040 : i32
      %ne3A_1056 = arith.constant 0 : i32
      %ne3A_1057 = arith.cmpi ne, %rem3A_1055, %ne3A_1056 : i32
      %and3A_1058 = arith.andi %ne3A_1054, %ne3A_1057 : i1
      %sub3A = arith.constant 1 : i32
      %sub3A_1059 = arith.subi %div3A, %sub3A : i32
      %select_n3A_1060 = arith.select %and3A_1058, %sub3A_1059, %div3A : i32
      %eq3A_1061 = arith.constant 0 : i32
      %eq3A_1062 = arith.cmpi eq, %select_n3A_1060, %eq3A_1061 : i32
      %and3A_1063 = vector.broadcast %eq3A_1062 : i1 to vector<16xi1>
      %and3A_1064 = arith.andi %eq3A_1039, %and3A_1063 : vector<16xi1>
      %broadcast_in_dim3A_1065 = vector.broadcast %reduce_min3A_1025 : f32 to vector<16xf32>
      %select_n3A_1066 = arith.select %and3A_1064, %broadcast_in_dim3A_1065, %scan3A_957 : vector<16xi1>, vector<16xf32>
      %eq3A_1067 = arith.constant 1 : i32
      %eq3A_1068 = arith.cmpi eq, %select_n3A_1060, %eq3A_1067 : i32
      %and3A_1069 = vector.broadcast %eq3A_1068 : i1 to vector<16xi1>
      %and3A_1070 = arith.andi %eq3A_1039, %and3A_1069 : vector<16xi1>
      %broadcast_in_dim3A_1071 = vector.broadcast %reduce_min3A_1025 : f32 to vector<16xf32>
      %select_n3A_1072 = arith.select %and3A_1070, %broadcast_in_dim3A_1071, %scan3A_958 : vector<16xi1>, vector<16xf32>
      %eq3A_1073 = arith.constant 2 : i32
      %eq3A_1074 = arith.cmpi eq, %select_n3A_1060, %eq3A_1073 : i32
      %and3A_1075 = vector.broadcast %eq3A_1074 : i1 to vector<16xi1>
      %and3A_1076 = arith.andi %eq3A_1039, %and3A_1075 : vector<16xi1>
      %broadcast_in_dim3A_1077 = vector.broadcast %reduce_min3A_1025 : f32 to vector<16xf32>
      %select_n3A_1078 = arith.select %and3A_1076, %broadcast_in_dim3A_1077, %scan3A_959 : vector<16xi1>, vector<16xf32>
      %eq3A_1079 = arith.constant 3 : i32
      %eq3A_1080 = arith.cmpi eq, %select_n3A_1060, %eq3A_1079 : i32
      %and3A_1081 = vector.broadcast %eq3A_1080 : i1 to vector<16xi1>
      %and3A_1082 = arith.andi %eq3A_1039, %and3A_1081 : vector<16xi1>
      %broadcast_in_dim3A_1083 = vector.broadcast %reduce_min3A_1025 : f32 to vector<16xf32>
      %select_n3A_1084 = arith.select %and3A_1082, %broadcast_in_dim3A_1083, %scan3A_960 : vector<16xi1>, vector<16xf32>
      %broadcast_in_dim3A_1085 = vector.broadcast %reduce_min3A_1002 : i32 to vector<16xi32>
      %gather3A = arith.constant 0 : i32
      %gather3A_1086 = arith.constant 0 : i32
      %gather3A_1087 = tpu.memref_slice %arg15[%scan3A_380, %gather3A, %gather3A_1086] : memref<4x64x16xi32, #tpu.memory_space<vmem>> -> memref<1x64x16xi32, #tpu.memory_space<vmem>>
      %gather3A_1088 = tpu.memref_squeeze %gather3A_1087 : memref<1x64x16xi32, #tpu.memory_space<vmem>> -> memref<64x16xi32, #tpu.memory_space<vmem>>
      %gather3A_1089 = tpu.vector_load_idx %gather3A_1088[%broadcast_in_dim3A_1085, %all_reduce_ffs3A] : memref<64x16xi32, #tpu.memory_space<vmem>>[vector<16xi32>, vector<16xi32>], vector<16xi32>,
      %mul3A_1090 = arith.constant 16 : i32
      %mul3A_1091 = arith.muli %reduce_min3A_1002, %mul3A_1090 : i32
      %add3A_1092 = vector.broadcast %mul3A_1091 : i32 to vector<16xi32>
      %add3A_1093 = arith.addi %add3A_1092, %all_reduce_ffs3A : vector<16xi32>
      %mul3A_1094 = arith.constant 1024 : i32
      %mul3A_1095 = arith.muli %add3A, %mul3A_1094 : i32
      %add3A_1096 = vector.broadcast %mul3A_1095 : i32 to vector<16xi32>
      %add3A_1097 = arith.addi %add3A_1096, %add3A_1093 : vector<16xi32>
      %mul3A_1098 = arith.constant 1024 : i32
      %mul3A_1099 = arith.muli %add3A, %mul3A_1098 : i32
      %add3A_1100 = vector.broadcast %mul3A_1099 : i32 to vector<16xi32>
      %add3A_1101 = arith.addi %add3A_1100, %gather3A_1089 : vector<16xi32>
      %eq3A_1102 = vector.broadcast %scan3A_952 : i32 to vector<16xi32>
      %eq3A_1103 = arith.cmpi eq, %iota3A, %eq3A_1102 : vector<16xi32>
      %lt3A_1104 = arith.constant 16 : i32
      %lt3A_1105 = arith.cmpi slt, %scan3A_952, %lt3A_1104 : i32
      %and3A_1106 = vector.broadcast %lt3A_1105 : i1 to vector<16xi1>
      %and3A_1107 = arith.andi %eq3A_1103, %and3A_1106 : vector<16xi1>
      %sub3A_1108 = arith.constant 16 : i32
      %sub3A_1109 = arith.subi %scan3A_952, %sub3A_1108 : i32
      %eq3A_1110 = vector.broadcast %sub3A_1109 : i32 to vector<16xi32>
      %eq3A_1111 = arith.cmpi eq, %iota3A, %eq3A_1110 : vector<16xi32>
      %select_n3A_1112 = arith.select %and3A_1107, %add3A_1097, %scan3A_953 : vector<16xi1>, vector<16xi32>
      %select_n3A_1113 = arith.select %eq3A_1111, %add3A_1097, %scan3A_954 : vector<16xi1>, vector<16xi32>
      %select_n3A_1114 = arith.select %and3A_1107, %add3A_1101, %scan3A_955 : vector<16xi1>, vector<16xi32>
      %select_n3A_1115 = arith.select %eq3A_1111, %add3A_1101, %scan3A_956 : vector<16xi1>, vector<16xi32>
      scf.yield %select_n3A_1112, %select_n3A_1113, %select_n3A_1114, %select_n3A_1115, %select_n3A_1066, %select_n3A_1072, %select_n3A_1078, %select_n3A_1084 : vector<16xi32>, vector<16xi32>, vector<16xi32>, vector<16xi32>, vector<16xf32>, vector<16xf32>, vector<16xf32>, vector<16xf32>
    }
    %scan3A_386 = arith.constant 20 : i32
    %swap3A_387 = arith.constant 2 : i32
    %swap3A_388 = arith.constant 0 : i32
    %swap3A_389 = tpu.memref_slice %arg16[%swap3A_387, %swap3A_388] : memref<4x32xi32, #tpu.memory_space<vmem>> -> memref<1x32xi32, #tpu.memory_space<vmem>>
    %swap3A_390 = tpu.memref_squeeze %swap3A_389 : memref<1x32xi32, #tpu.memory_space<vmem>> -> memref<32xi32, #tpu.memory_space<vmem>>
    %swap3A_391 = arith.constant 0 : index
    %swap3A_392 = tpu.vector_load %swap3A_390[%swap3A_391] {strides = array<i32>} : memref<32xi32, #tpu.memory_space<vmem>>, vector<16xi32>,
    tpu.vector_store %swap3A_390[%swap3A_391], %scan3A_385#0 {strides = array<i32>} : memref<32xi32, #tpu.memory_space<vmem>>, vector<16xi32>,
    %swap3A_393 = arith.constant 2 : i32
    %swap3A_394 = arith.constant 0 : i32
    %swap3A_395 = tpu.memref_slice %arg16[%swap3A_393, %swap3A_394] : memref<4x32xi32, #tpu.memory_space<vmem>> -> memref<1x32xi32, #tpu.memory_space<vmem>>
    %swap3A_396 = tpu.memref_squeeze %swap3A_395 : memref<1x32xi32, #tpu.memory_space<vmem>> -> memref<32xi32, #tpu.memory_space<vmem>>
    %swap3A_397 = arith.constant 16 : index
    %swap3A_398 = tpu.vector_load %swap3A_396[%swap3A_397] {strides = array<i32>} : memref<32xi32, #tpu.memory_space<vmem>>, vector<16xi32>,
    tpu.vector_store %swap3A_396[%swap3A_397], %scan3A_385#1 {strides = array<i32>} : memref<32xi32, #tpu.memory_space<vmem>>, vector<16xi32>,
    %swap3A_399 = arith.constant 2 : i32
    %swap3A_400 = arith.constant 0 : i32
    %swap3A_401 = tpu.memref_slice %arg17[%swap3A_399, %swap3A_400] : memref<4x32xi32, #tpu.memory_space<vmem>> -> memref<1x32xi32, #tpu.memory_space<vmem>>
    %swap3A_402 = tpu.memref_squeeze %swap3A_401 : memref<1x32xi32, #tpu.memory_space<vmem>> -> memref<32xi32, #tpu.memory_space<vmem>>
    %swap3A_403 = arith.constant 0 : index
    %swap3A_404 = tpu.vector_load %swap3A_402[%swap3A_403] {strides = array<i32>} : memref<32xi32, #tpu.memory_space<vmem>>, vector<16xi32>,
    tpu.vector_store %swap3A_402[%swap3A_403], %scan3A_385#2 {strides = array<i32>} : memref<32xi32, #tpu.memory_space<vmem>>, vector<16xi32>,
    %swap3A_405 = arith.constant 2 : i32
    %swap3A_406 = arith.constant 0 : i32
    %swap3A_407 = tpu.memref_slice %arg17[%swap3A_405, %swap3A_406] : memref<4x32xi32, #tpu.memory_space<vmem>> -> memref<1x32xi32, #tpu.memory_space<vmem>>
    %swap3A_408 = tpu.memref_squeeze %swap3A_407 : memref<1x32xi32, #tpu.memory_space<vmem>> -> memref<32xi32, #tpu.memory_space<vmem>>
    %swap3A_409 = arith.constant 16 : index
    %swap3A_410 = tpu.vector_load %swap3A_408[%swap3A_409] {strides = array<i32>} : memref<32xi32, #tpu.memory_space<vmem>>, vector<16xi32>,
    tpu.vector_store %swap3A_408[%swap3A_409], %scan3A_385#3 {strides = array<i32>} : memref<32xi32, #tpu.memory_space<vmem>>, vector<16xi32>,
    %dma_start3A_411 = arith.constant 2 : i32
    %dma_start3A_412 = arith.constant 2 : i32
    %dma_start3A_413 = arith.constant 0 : i32
    %dma_start3A_414 = arith.constant 0 : i32
    %dma_start3A_415 = tpu.memref_slice %arg18[%dma_start3A_412, %dma_start3A_413, %dma_start3A_414] : memref<4x32x64xf32, #tpu.memory_space<vmem>> -> memref<1x32x64xf32, #tpu.memory_space<vmem>>
    %dma_start3A_416 = tpu.memref_squeeze %dma_start3A_415 : memref<1x32x64xf32, #tpu.memory_space<vmem>> -> memref<32x64xf32, #tpu.memory_space<vmem>>
    %dma_start3A_417 = arith.constant 0 : i32
    %dma_start3A_418 = tpu.memref_slice %arg16[%dma_start3A_411, %dma_start3A_417] : memref<4x32xi32, #tpu.memory_space<vmem>> -> memref<1x32xi32, #tpu.memory_space<vmem>>
    %dma_start3A_419 = tpu.memref_squeeze %dma_start3A_418 : memref<1x32xi32, #tpu.memory_space<vmem>> -> memref<32xi32, #tpu.memory_space<vmem>>
    %dma_start3A_420 = arith.constant 0 : i32
    %dma_start3A_421 = arith.constant 0 : i32
    %dma_start3A_422 = tpu.memref_slice %arg10[%dma_start3A_420, %dma_start3A_421] : memref<32768x64xf32, #tpu.memory_space<hbm>> -> memref<32768x64xf32, #tpu.memory_space<hbm>>
    tpu.enqueue_indirect_dma source(%dma_start3A_422 : memref<32768x64xf32, #tpu.memory_space<hbm>>) target(%dma_start3A_416 : memref<32x64xf32, #tpu.memory_space<vmem>>) offsets(%dma_start3A_419 : memref<32xi32, #tpu.memory_space<vmem>>) semaphore(%arg21 : memref<!tpu.dma_semaphore, #tpu.memory_space<semaphore_mem>>)
    %dma_start3A_423 = arith.constant 2 : i32
    %dma_start3A_424 = arith.constant 2 : i32
    %dma_start3A_425 = arith.constant 0 : i32
    %dma_start3A_426 = arith.constant 0 : i32
    %dma_start3A_427 = tpu.memref_slice %arg19[%dma_start3A_424, %dma_start3A_425, %dma_start3A_426] : memref<4x32x64xf32, #tpu.memory_space<vmem>> -> memref<1x32x64xf32, #tpu.memory_space<vmem>>
    %dma_start3A_428 = tpu.memref_squeeze %dma_start3A_427 : memref<1x32x64xf32, #tpu.memory_space<vmem>> -> memref<32x64xf32, #tpu.memory_space<vmem>>
    %dma_start3A_429 = arith.constant 0 : i32
    %dma_start3A_430 = tpu.memref_slice %arg17[%dma_start3A_423, %dma_start3A_429] : memref<4x32xi32, #tpu.memory_space<vmem>> -> memref<1x32xi32, #tpu.memory_space<vmem>>
    %dma_start3A_431 = tpu.memref_squeeze %dma_start3A_430 : memref<1x32xi32, #tpu.memory_space<vmem>> -> memref<32xi32, #tpu.memory_space<vmem>>
    %dma_start3A_432 = arith.constant 0 : i32
    %dma_start3A_433 = arith.constant 0 : i32
    %dma_start3A_434 = tpu.memref_slice %arg11[%dma_start3A_432, %dma_start3A_433] : memref<32768x64xf32, #tpu.memory_space<hbm>> -> memref<32768x64xf32, #tpu.memory_space<hbm>>
    tpu.enqueue_indirect_dma source(%dma_start3A_434 : memref<32768x64xf32, #tpu.memory_space<hbm>>) target(%dma_start3A_428 : memref<32x64xf32, #tpu.memory_space<vmem>>) offsets(%dma_start3A_431 : memref<32xi32, #tpu.memory_space<vmem>>) semaphore(%arg21 : memref<!tpu.dma_semaphore, #tpu.memory_space<semaphore_mem>>)
    %dma_wait3A_435 = arith.constant 3 : i32
    %dma_wait3A_436 = arith.constant 0 : i32
    %dma_wait3A_437 = arith.constant 0 : i32
    %dma_wait3A_438 = tpu.memref_slice %arg14[%dma_wait3A_435, %dma_wait3A_436, %dma_wait3A_437] : memref<4x64x16xf32, #tpu.memory_space<vmem>> -> memref<1x64x16xf32, #tpu.memory_space<vmem>>
    %dma_wait3A_439 = tpu.memref_squeeze %dma_wait3A_438 : memref<1x64x16xf32, #tpu.memory_space<vmem>> -> memref<64x16xf32, #tpu.memory_space<vmem>>
    %dma_wait3A_440 = arith.constant 0 : i32
    %dma_wait3A_441 = arith.constant 0 : i32
    %dma_wait3A_442 = tpu.memref_slice %arg5[%add3A, %dma_wait3A_440, %dma_wait3A_441] : memref<32x64x16xf32, #tpu.memory_space<hbm>> -> memref<1x64x16xf32, #tpu.memory_space<hbm>>
    %dma_wait3A_443 = tpu.memref_squeeze %dma_wait3A_442 : memref<1x64x16xf32, #tpu.memory_space<hbm>> -> memref<64x16xf32, #tpu.memory_space<hbm>>
    %dma_wait3A_444 = arith.constant 0 : i32
    %dma_wait3A_445 = arith.constant 0 : i32
    %dma_wait3A_446 = tpu.memref_slice %arg14[%dma_wait3A_435, %dma_wait3A_444, %dma_wait3A_445] : memref<4x64x16xf32, #tpu.memory_space<vmem>> -> memref<1x64x16xf32, #tpu.memory_space<vmem>>
    %dma_wait3A_447 = tpu.memref_squeeze %dma_wait3A_446 : memref<1x64x16xf32, #tpu.memory_space<vmem>> -> memref<64x16xf32, #tpu.memory_space<vmem>>
    %dma_wait3A_448 = arith.constant 0 : i32
    %dma_wait3A_449 = arith.constant 0 : i32
    %dma_wait3A_450 = tpu.memref_slice %arg5[%add3A, %dma_wait3A_448, %dma_wait3A_449] : memref<32x64x16xf32, #tpu.memory_space<hbm>> -> memref<1x64x16xf32, #tpu.memory_space<hbm>>
    %dma_wait3A_451 = tpu.memref_squeeze %dma_wait3A_450 : memref<1x64x16xf32, #tpu.memory_space<hbm>> -> memref<64x16xf32, #tpu.memory_space<hbm>>
    tpu.wait_dma2 semaphore(%arg20 : memref<!tpu.dma_semaphore, #tpu.memory_space<semaphore_mem>>) src(%dma_wait3A_451 : memref<64x16xf32, #tpu.memory_space<hbm>>) dst(%dma_wait3A_447 : memref<64x16xf32, #tpu.memory_space<vmem>>)
    %dma_wait3A_452 = arith.constant 3 : i32
    %dma_wait3A_453 = arith.constant 0 : i32
    %dma_wait3A_454 = arith.constant 0 : i32
    %dma_wait3A_455 = tpu.memref_slice %arg15[%dma_wait3A_452, %dma_wait3A_453, %dma_wait3A_454] : memref<4x64x16xi32, #tpu.memory_space<vmem>> -> memref<1x64x16xi32, #tpu.memory_space<vmem>>
    %dma_wait3A_456 = tpu.memref_squeeze %dma_wait3A_455 : memref<1x64x16xi32, #tpu.memory_space<vmem>> -> memref<64x16xi32, #tpu.memory_space<vmem>>
    %dma_wait3A_457 = arith.constant 0 : i32
    %dma_wait3A_458 = arith.constant 0 : i32
    %dma_wait3A_459 = tpu.memref_slice %arg9[%add3A, %dma_wait3A_457, %dma_wait3A_458] : memref<32x64x16xi32, #tpu.memory_space<hbm>> -> memref<1x64x16xi32, #tpu.memory_space<hbm>>
    %dma_wait3A_460 = tpu.memref_squeeze %dma_wait3A_459 : memref<1x64x16xi32, #tpu.memory_space<hbm>> -> memref<64x16xi32, #tpu.memory_space<hbm>>
    %dma_wait3A_461 = arith.constant 0 : i32
    %dma_wait3A_462 = arith.constant 0 : i32
    %dma_wait3A_463 = tpu.memref_slice %arg15[%dma_wait3A_452, %dma_wait3A_461, %dma_wait3A_462] : memref<4x64x16xi32, #tpu.memory_space<vmem>> -> memref<1x64x16xi32, #tpu.memory_space<vmem>>
    %dma_wait3A_464 = tpu.memref_squeeze %dma_wait3A_463 : memref<1x64x16xi32, #tpu.memory_space<vmem>> -> memref<64x16xi32, #tpu.memory_space<vmem>>
    %dma_wait3A_465 = arith.constant 0 : i32
    %dma_wait3A_466 = arith.constant 0 : i32
    %dma_wait3A_467 = tpu.memref_slice %arg9[%add3A, %dma_wait3A_465, %dma_wait3A_466] : memref<32x64x16xi32, #tpu.memory_space<hbm>> -> memref<1x64x16xi32, #tpu.memory_space<hbm>>
    %dma_wait3A_468 = tpu.memref_squeeze %dma_wait3A_467 : memref<1x64x16xi32, #tpu.memory_space<hbm>> -> memref<64x16xi32, #tpu.memory_space<hbm>>
    tpu.wait_dma2 semaphore(%arg20 : memref<!tpu.dma_semaphore, #tpu.memory_space<semaphore_mem>>) src(%dma_wait3A_468 : memref<64x16xi32, #tpu.memory_space<hbm>>) dst(%dma_wait3A_464 : memref<64x16xi32, #tpu.memory_space<vmem>>)
    %broadcast_in_dim3A_469 = arith.constant 3.000000e+38 : f32
    %broadcast_in_dim3A_470 = vector.broadcast %broadcast_in_dim3A_469 : f32 to vector<16xf32>
    %scan3A_471 = arith.constant 3 : i32
    %scan3A_472 = arith.constant 0 : i32
    %scan3A_473 = arith.constant 64 : i32
    %scan3A_474 = arith.addi %scan3A_472, %scan3A_473 : i32
    %scan3A_475 = arith.constant 4 : i32
    %scan3A_476:4 = scf.for %scan3A_952 = %scan3A_472 to %scan3A_474 step %scan3A_475 iter_args(%scan3A_953 = %broadcast_in_dim3A_470, %scan3A_954 = %broadcast_in_dim3A_470, %scan3A_955 = %broadcast_in_dim3A_470, %scan3A_956 = %broadcast_in_dim3A_470) -> (vector<16xf32>, vector<16xf32>, vector<16xf32>, vector<16xf32>)  : i32 {
      %get3A = arith.constant 0 : i32
      %get3A_957 = arith.constant 0 : i32
      %get3A_958 = tpu.memref_slice %arg14[%scan3A_471, %get3A, %get3A_957] : memref<4x64x16xf32, #tpu.memory_space<vmem>> -> memref<1x64x16xf32, #tpu.memory_space<vmem>>
      %get3A_959 = tpu.memref_squeeze %get3A_958 : memref<1x64x16xf32, #tpu.memory_space<vmem>> -> memref<64x16xf32, #tpu.memory_space<vmem>>
      %get3A_960 = arith.index_cast %scan3A_952 : i32 to index
      %get3A_961 = arith.constant 0 : index
      %get3A_962 = tpu.vector_load %get3A_959[%get3A_960, %get3A_961] {strides = array<i32>} : memref<64x16xf32, #tpu.memory_space<vmem>>, vector<16xf32>,
      %reduce_min3A = arith.constant true
      %reduce_min3A_963 = vector.broadcast %reduce_min3A : i1 to vector<16xi1>
      %reduce_min3A_964 = tpu.scan <min>, %get3A_962 masked %reduce_min3A_963 : vector<16xf32>, vector<16xi1> -> vector<16xf32>
      %reduce_min3A_965 = vector.extract %reduce_min3A_964[15] : f32 from vector<16xf32>
      %jit3A = arith.constant 16 : i32
      %eq3A = arith.constant 0 : i32
      %eq3A_966 = arith.cmpi eq, %jit3A, %eq3A : i32
      %jit3A_967 = arith.constant 1 : i32
      %select_n3A = arith.select %eq3A_966, %jit3A_967, %jit3A : i32
      %rem3A = arith.remsi %scan3A_952, %select_n3A : i32
      %ne3A = arith.constant 0 : i32
      %ne3A_968 = arith.cmpi ne, %rem3A, %ne3A : i32
      %lt3A = arith.constant 0 : i32
      %lt3A_969 = arith.cmpi slt, %rem3A, %lt3A : i32
      %lt3A_970 = arith.constant 0 : i32
      %lt3A_971 = arith.cmpi slt, %select_n3A, %lt3A_970 : i32
      %ne3A_972 = arith.xori %lt3A_969, %lt3A_971 : i1
      %and3A = arith.andi %ne3A_972, %ne3A_968 : i1
      %add3A_973 = arith.addi %rem3A, %select_n3A : i32
      %select_n3A_974 = arith.select %and3A, %add3A_973, %rem3A : i32
      %eq3A_975 = vector.broadcast %select_n3A_974 : i32 to vector<16xi32>
      %eq3A_976 = arith.cmpi eq, %iota3A, %eq3A_975 : vector<16xi32>
      %jit3A_977 = arith.constant 16 : i32
      %div3A = arith.divsi %scan3A_952, %jit3A_977 : i32
      %sign3A = arith.constant 0 : i32
      %sign3A_978 = arith.cmpi sgt, %scan3A_952, %sign3A : i32
      %sign3A_979 = arith.extui %sign3A_978 : i1 to i32
      %sign3A_980 = arith.constant 0 : i32
      %sign3A_981 = arith.cmpi slt, %scan3A_952, %sign3A_980 : i32
      %sign3A_982 = arith.extui %sign3A_981 : i1 to i32
      %sign3A_983 = arith.subi %sign3A_979, %sign3A_982 : i32
      %sign3A_984 = arith.constant 0 : i32
      %sign3A_985 = arith.cmpi sgt, %jit3A_977, %sign3A_984 : i32
      %sign3A_986 = arith.extui %sign3A_985 : i1 to i32
      %sign3A_987 = arith.constant 0 : i32
      %sign3A_988 = arith.cmpi slt, %jit3A_977, %sign3A_987 : i32
      %sign3A_989 = arith.extui %sign3A_988 : i1 to i32
      %sign3A_990 = arith.subi %sign3A_986, %sign3A_989 : i32
      %ne3A_991 = arith.cmpi ne, %sign3A_983, %sign3A_990 : i32
      %rem3A_992 = arith.remsi %scan3A_952, %jit3A_977 : i32
      %ne3A_993 = arith.constant 0 : i32
      %ne3A_994 = arith.cmpi ne, %rem3A_992, %ne3A_993 : i32
      %and3A_995 = arith.andi %ne3A_991, %ne3A_994 : i1
      %sub3A = arith.constant 1 : i32
      %sub3A_996 = arith.subi %div3A, %sub3A : i32
      %select_n3A_997 = arith.select %and3A_995, %sub3A_996, %div3A : i32
      %eq3A_998 = arith.constant 0 : i32
      %eq3A_999 = arith.cmpi eq, %select_n3A_997, %eq3A_998 : i32
      %and3A_1000 = vector.broadcast %eq3A_999 : i1 to vector<16xi1>
      %and3A_1001 = arith.andi %eq3A_976, %and3A_1000 : vector<16xi1>
      %broadcast_in_dim3A_1002 = vector.broadcast %reduce_min3A_965 : f32 to vector<16xf32>
      %select_n3A_1003 = arith.select %and3A_1001, %broadcast_in_dim3A_1002, %scan3A_953 : vector<16xi1>, vector<16xf32>
      %eq3A_1004 = arith.constant 1 : i32
      %eq3A_1005 = arith.cmpi eq, %select_n3A_997, %eq3A_1004 : i32
      %and3A_1006 = vector.broadcast %eq3A_1005 : i1 to vector<16xi1>
      %and3A_1007 = arith.andi %eq3A_976, %and3A_1006 : vector<16xi1>
      %broadcast_in_dim3A_1008 = vector.broadcast %reduce_min3A_965 : f32 to vector<16xf32>
      %select_n3A_1009 = arith.select %and3A_1007, %broadcast_in_dim3A_1008, %scan3A_954 : vector<16xi1>, vector<16xf32>
      %eq3A_1010 = arith.constant 2 : i32
      %eq3A_1011 = arith.cmpi eq, %select_n3A_997, %eq3A_1010 : i32
      %and3A_1012 = vector.broadcast %eq3A_1011 : i1 to vector<16xi1>
      %and3A_1013 = arith.andi %eq3A_976, %and3A_1012 : vector<16xi1>
      %broadcast_in_dim3A_1014 = vector.broadcast %reduce_min3A_965 : f32 to vector<16xf32>
      %select_n3A_1015 = arith.select %and3A_1013, %broadcast_in_dim3A_1014, %scan3A_955 : vector<16xi1>, vector<16xf32>
      %eq3A_1016 = arith.constant 3 : i32
      %eq3A_1017 = arith.cmpi eq, %select_n3A_997, %eq3A_1016 : i32
      %and3A_1018 = vector.broadcast %eq3A_1017 : i1 to vector<16xi1>
      %and3A_1019 = arith.andi %eq3A_976, %and3A_1018 : vector<16xi1>
      %broadcast_in_dim3A_1020 = vector.broadcast %reduce_min3A_965 : f32 to vector<16xf32>
      %select_n3A_1021 = arith.select %and3A_1019, %broadcast_in_dim3A_1020, %scan3A_956 : vector<16xi1>, vector<16xf32>
      %scan3A_1022 = arith.constant 1 : i32
      %scan3A_1023 = arith.addi %scan3A_952, %scan3A_1022 : i32
      %get3A_1024 = arith.constant 0 : i32
      %get3A_1025 = arith.constant 0 : i32
      %get3A_1026 = tpu.memref_slice %arg14[%scan3A_471, %get3A_1024, %get3A_1025] : memref<4x64x16xf32, #tpu.memory_space<vmem>> -> memref<1x64x16xf32, #tpu.memory_space<vmem>>
      %get3A_1027 = tpu.memref_squeeze %get3A_1026 : memref<1x64x16xf32, #tpu.memory_space<vmem>> -> memref<64x16xf32, #tpu.memory_space<vmem>>
      %get3A_1028 = arith.index_cast %scan3A_1023 : i32 to index
      %get3A_1029 = arith.constant 0 : index
      %get3A_1030 = tpu.vector_load %get3A_1027[%get3A_1028, %get3A_1029] {strides = array<i32>} : memref<64x16xf32, #tpu.memory_space<vmem>>, vector<16xf32>,
      %reduce_min3A_1031 = arith.constant true
      %reduce_min3A_1032 = vector.broadcast %reduce_min3A_1031 : i1 to vector<16xi1>
      %reduce_min3A_1033 = tpu.scan <min>, %get3A_1030 masked %reduce_min3A_1032 : vector<16xf32>, vector<16xi1> -> vector<16xf32>
      %reduce_min3A_1034 = vector.extract %reduce_min3A_1033[15] : f32 from vector<16xf32>
      %jit3A_1035 = arith.constant 16 : i32
      %eq3A_1036 = arith.constant 0 : i32
      %eq3A_1037 = arith.cmpi eq, %jit3A_1035, %eq3A_1036 : i32
      %jit3A_1038 = arith.constant 1 : i32
      %select_n3A_1039 = arith.select %eq3A_1037, %jit3A_1038, %jit3A_1035 : i32
      %rem3A_1040 = arith.remsi %scan3A_1023, %select_n3A_1039 : i32
      %ne3A_1041 = arith.constant 0 : i32
      %ne3A_1042 = arith.cmpi ne, %rem3A_1040, %ne3A_1041 : i32
      %lt3A_1043 = arith.constant 0 : i32
      %lt3A_1044 = arith.cmpi slt, %rem3A_1040, %lt3A_1043 : i32
      %lt3A_1045 = arith.constant 0 : i32
      %lt3A_1046 = arith.cmpi slt, %select_n3A_1039, %lt3A_1045 : i32
      %ne3A_1047 = arith.xori %lt3A_1044, %lt3A_1046 : i1
      %and3A_1048 = arith.andi %ne3A_1047, %ne3A_1042 : i1
      %add3A_1049 = arith.addi %rem3A_1040, %select_n3A_1039 : i32
      %select_n3A_1050 = arith.select %and3A_1048, %add3A_1049, %rem3A_1040 : i32
      %eq3A_1051 = vector.broadcast %select_n3A_1050 : i32 to vector<16xi32>
      %eq3A_1052 = arith.cmpi eq, %iota3A, %eq3A_1051 : vector<16xi32>
      %jit3A_1053 = arith.constant 16 : i32
      %div3A_1054 = arith.divsi %scan3A_1023, %jit3A_1053 : i32
      %sign3A_1055 = arith.constant 0 : i32
      %sign3A_1056 = arith.cmpi sgt, %scan3A_1023, %sign3A_1055 : i32
      %sign3A_1057 = arith.extui %sign3A_1056 : i1 to i32
      %sign3A_1058 = arith.constant 0 : i32
      %sign3A_1059 = arith.cmpi slt, %scan3A_1023, %sign3A_1058 : i32
      %sign3A_1060 = arith.extui %sign3A_1059 : i1 to i32
      %sign3A_1061 = arith.subi %sign3A_1057, %sign3A_1060 : i32
      %sign3A_1062 = arith.constant 0 : i32
      %sign3A_1063 = arith.cmpi sgt, %jit3A_1053, %sign3A_1062 : i32
      %sign3A_1064 = arith.extui %sign3A_1063 : i1 to i32
      %sign3A_1065 = arith.constant 0 : i32
      %sign3A_1066 = arith.cmpi slt, %jit3A_1053, %sign3A_1065 : i32
      %sign3A_1067 = arith.extui %sign3A_1066 : i1 to i32
      %sign3A_1068 = arith.subi %sign3A_1064, %sign3A_1067 : i32
      %ne3A_1069 = arith.cmpi ne, %sign3A_1061, %sign3A_1068 : i32
      %rem3A_1070 = arith.remsi %scan3A_1023, %jit3A_1053 : i32
      %ne3A_1071 = arith.constant 0 : i32
      %ne3A_1072 = arith.cmpi ne, %rem3A_1070, %ne3A_1071 : i32
      %and3A_1073 = arith.andi %ne3A_1069, %ne3A_1072 : i1
      %sub3A_1074 = arith.constant 1 : i32
      %sub3A_1075 = arith.subi %div3A_1054, %sub3A_1074 : i32
      %select_n3A_1076 = arith.select %and3A_1073, %sub3A_1075, %div3A_1054 : i32
      %eq3A_1077 = arith.constant 0 : i32
      %eq3A_1078 = arith.cmpi eq, %select_n3A_1076, %eq3A_1077 : i32
      %and3A_1079 = vector.broadcast %eq3A_1078 : i1 to vector<16xi1>
      %and3A_1080 = arith.andi %eq3A_1052, %and3A_1079 : vector<16xi1>
      %broadcast_in_dim3A_1081 = vector.broadcast %reduce_min3A_1034 : f32 to vector<16xf32>
      %select_n3A_1082 = arith.select %and3A_1080, %broadcast_in_dim3A_1081, %select_n3A_1003 : vector<16xi1>, vector<16xf32>
      %eq3A_1083 = arith.constant 1 : i32
      %eq3A_1084 = arith.cmpi eq, %select_n3A_1076, %eq3A_1083 : i32
      %and3A_1085 = vector.broadcast %eq3A_1084 : i1 to vector<16xi1>
      %and3A_1086 = arith.andi %eq3A_1052, %and3A_1085 : vector<16xi1>
      %broadcast_in_dim3A_1087 = vector.broadcast %reduce_min3A_1034 : f32 to vector<16xf32>
      %select_n3A_1088 = arith.select %and3A_1086, %broadcast_in_dim3A_1087, %select_n3A_1009 : vector<16xi1>, vector<16xf32>
      %eq3A_1089 = arith.constant 2 : i32
      %eq3A_1090 = arith.cmpi eq, %select_n3A_1076, %eq3A_1089 : i32
      %and3A_1091 = vector.broadcast %eq3A_1090 : i1 to vector<16xi1>
      %and3A_1092 = arith.andi %eq3A_1052, %and3A_1091 : vector<16xi1>
      %broadcast_in_dim3A_1093 = vector.broadcast %reduce_min3A_1034 : f32 to vector<16xf32>
      %select_n3A_1094 = arith.select %and3A_1092, %broadcast_in_dim3A_1093, %select_n3A_1015 : vector<16xi1>, vector<16xf32>
      %eq3A_1095 = arith.constant 3 : i32
      %eq3A_1096 = arith.cmpi eq, %select_n3A_1076, %eq3A_1095 : i32
      %and3A_1097 = vector.broadcast %eq3A_1096 : i1 to vector<16xi1>
      %and3A_1098 = arith.andi %eq3A_1052, %and3A_1097 : vector<16xi1>
      %broadcast_in_dim3A_1099 = vector.broadcast %reduce_min3A_1034 : f32 to vector<16xf32>
      %select_n3A_1100 = arith.select %and3A_1098, %broadcast_in_dim3A_1099, %select_n3A_1021 : vector<16xi1>, vector<16xf32>
      %scan3A_1101 = arith.constant 2 : i32
      %scan3A_1102 = arith.addi %scan3A_952, %scan3A_1101 : i32
      %get3A_1103 = arith.constant 0 : i32
      %get3A_1104 = arith.constant 0 : i32
      %get3A_1105 = tpu.memref_slice %arg14[%scan3A_471, %get3A_1103, %get3A_1104] : memref<4x64x16xf32, #tpu.memory_space<vmem>> -> memref<1x64x16xf32, #tpu.memory_space<vmem>>
      %get3A_1106 = tpu.memref_squeeze %get3A_1105 : memref<1x64x16xf32, #tpu.memory_space<vmem>> -> memref<64x16xf32, #tpu.memory_space<vmem>>
      %get3A_1107 = arith.index_cast %scan3A_1102 : i32 to index
      %get3A_1108 = arith.constant 0 : index
      %get3A_1109 = tpu.vector_load %get3A_1106[%get3A_1107, %get3A_1108] {strides = array<i32>} : memref<64x16xf32, #tpu.memory_space<vmem>>, vector<16xf32>,
      %reduce_min3A_1110 = arith.constant true
      %reduce_min3A_1111 = vector.broadcast %reduce_min3A_1110 : i1 to vector<16xi1>
      %reduce_min3A_1112 = tpu.scan <min>, %get3A_1109 masked %reduce_min3A_1111 : vector<16xf32>, vector<16xi1> -> vector<16xf32>
      %reduce_min3A_1113 = vector.extract %reduce_min3A_1112[15] : f32 from vector<16xf32>
      %jit3A_1114 = arith.constant 16 : i32
      %eq3A_1115 = arith.constant 0 : i32
      %eq3A_1116 = arith.cmpi eq, %jit3A_1114, %eq3A_1115 : i32
      %jit3A_1117 = arith.constant 1 : i32
      %select_n3A_1118 = arith.select %eq3A_1116, %jit3A_1117, %jit3A_1114 : i32
      %rem3A_1119 = arith.remsi %scan3A_1102, %select_n3A_1118 : i32
      %ne3A_1120 = arith.constant 0 : i32
      %ne3A_1121 = arith.cmpi ne, %rem3A_1119, %ne3A_1120 : i32
      %lt3A_1122 = arith.constant 0 : i32
      %lt3A_1123 = arith.cmpi slt, %rem3A_1119, %lt3A_1122 : i32
      %lt3A_1124 = arith.constant 0 : i32
      %lt3A_1125 = arith.cmpi slt, %select_n3A_1118, %lt3A_1124 : i32
      %ne3A_1126 = arith.xori %lt3A_1123, %lt3A_1125 : i1
      %and3A_1127 = arith.andi %ne3A_1126, %ne3A_1121 : i1
      %add3A_1128 = arith.addi %rem3A_1119, %select_n3A_1118 : i32
      %select_n3A_1129 = arith.select %and3A_1127, %add3A_1128, %rem3A_1119 : i32
      %eq3A_1130 = vector.broadcast %select_n3A_1129 : i32 to vector<16xi32>
      %eq3A_1131 = arith.cmpi eq, %iota3A, %eq3A_1130 : vector<16xi32>
      %jit3A_1132 = arith.constant 16 : i32
      %div3A_1133 = arith.divsi %scan3A_1102, %jit3A_1132 : i32
      %sign3A_1134 = arith.constant 0 : i32
      %sign3A_1135 = arith.cmpi sgt, %scan3A_1102, %sign3A_1134 : i32
      %sign3A_1136 = arith.extui %sign3A_1135 : i1 to i32
      %sign3A_1137 = arith.constant 0 : i32
      %sign3A_1138 = arith.cmpi slt, %scan3A_1102, %sign3A_1137 : i32
      %sign3A_1139 = arith.extui %sign3A_1138 : i1 to i32
      %sign3A_1140 = arith.subi %sign3A_1136, %sign3A_1139 : i32
      %sign3A_1141 = arith.constant 0 : i32
      %sign3A_1142 = arith.cmpi sgt, %jit3A_1132, %sign3A_1141 : i32
      %sign3A_1143 = arith.extui %sign3A_1142 : i1 to i32
      %sign3A_1144 = arith.constant 0 : i32
      %sign3A_1145 = arith.cmpi slt, %jit3A_1132, %sign3A_1144 : i32
      %sign3A_1146 = arith.extui %sign3A_1145 : i1 to i32
      %sign3A_1147 = arith.subi %sign3A_1143, %sign3A_1146 : i32
      %ne3A_1148 = arith.cmpi ne, %sign3A_1140, %sign3A_1147 : i32
      %rem3A_1149 = arith.remsi %scan3A_1102, %jit3A_1132 : i32
      %ne3A_1150 = arith.constant 0 : i32
      %ne3A_1151 = arith.cmpi ne, %rem3A_1149, %ne3A_1150 : i32
      %and3A_1152 = arith.andi %ne3A_1148, %ne3A_1151 : i1
      %sub3A_1153 = arith.constant 1 : i32
      %sub3A_1154 = arith.subi %div3A_1133, %sub3A_1153 : i32
      %select_n3A_1155 = arith.select %and3A_1152, %sub3A_1154, %div3A_1133 : i32
      %eq3A_1156 = arith.constant 0 : i32
      %eq3A_1157 = arith.cmpi eq, %select_n3A_1155, %eq3A_1156 : i32
      %and3A_1158 = vector.broadcast %eq3A_1157 : i1 to vector<16xi1>
      %and3A_1159 = arith.andi %eq3A_1131, %and3A_1158 : vector<16xi1>
      %broadcast_in_dim3A_1160 = vector.broadcast %reduce_min3A_1113 : f32 to vector<16xf32>
      %select_n3A_1161 = arith.select %and3A_1159, %broadcast_in_dim3A_1160, %select_n3A_1082 : vector<16xi1>, vector<16xf32>
      %eq3A_1162 = arith.constant 1 : i32
      %eq3A_1163 = arith.cmpi eq, %select_n3A_1155, %eq3A_1162 : i32
      %and3A_1164 = vector.broadcast %eq3A_1163 : i1 to vector<16xi1>
      %and3A_1165 = arith.andi %eq3A_1131, %and3A_1164 : vector<16xi1>
      %broadcast_in_dim3A_1166 = vector.broadcast %reduce_min3A_1113 : f32 to vector<16xf32>
      %select_n3A_1167 = arith.select %and3A_1165, %broadcast_in_dim3A_1166, %select_n3A_1088 : vector<16xi1>, vector<16xf32>
      %eq3A_1168 = arith.constant 2 : i32
      %eq3A_1169 = arith.cmpi eq, %select_n3A_1155, %eq3A_1168 : i32
      %and3A_1170 = vector.broadcast %eq3A_1169 : i1 to vector<16xi1>
      %and3A_1171 = arith.andi %eq3A_1131, %and3A_1170 : vector<16xi1>
      %broadcast_in_dim3A_1172 = vector.broadcast %reduce_min3A_1113 : f32 to vector<16xf32>
      %select_n3A_1173 = arith.select %and3A_1171, %broadcast_in_dim3A_1172, %select_n3A_1094 : vector<16xi1>, vector<16xf32>
      %eq3A_1174 = arith.constant 3 : i32
      %eq3A_1175 = arith.cmpi eq, %select_n3A_1155, %eq3A_1174 : i32
      %and3A_1176 = vector.broadcast %eq3A_1175 : i1 to vector<16xi1>
      %and3A_1177 = arith.andi %eq3A_1131, %and3A_1176 : vector<16xi1>
      %broadcast_in_dim3A_1178 = vector.broadcast %reduce_min3A_1113 : f32 to vector<16xf32>
      %select_n3A_1179 = arith.select %and3A_1177, %broadcast_in_dim3A_1178, %select_n3A_1100 : vector<16xi1>, vector<16xf32>
      %scan3A_1180 = arith.constant 3 : i32
      %scan3A_1181 = arith.addi %scan3A_952, %scan3A_1180 : i32
      %get3A_1182 = arith.constant 0 : i32
      %get3A_1183 = arith.constant 0 : i32
      %get3A_1184 = tpu.memref_slice %arg14[%scan3A_471, %get3A_1182, %get3A_1183] : memref<4x64x16xf32, #tpu.memory_space<vmem>> -> memref<1x64x16xf32, #tpu.memory_space<vmem>>
      %get3A_1185 = tpu.memref_squeeze %get3A_1184 : memref<1x64x16xf32, #tpu.memory_space<vmem>> -> memref<64x16xf32, #tpu.memory_space<vmem>>
      %get3A_1186 = arith.index_cast %scan3A_1181 : i32 to index
      %get3A_1187 = arith.constant 0 : index
      %get3A_1188 = tpu.vector_load %get3A_1185[%get3A_1186, %get3A_1187] {strides = array<i32>} : memref<64x16xf32, #tpu.memory_space<vmem>>, vector<16xf32>,
      %reduce_min3A_1189 = arith.constant true
      %reduce_min3A_1190 = vector.broadcast %reduce_min3A_1189 : i1 to vector<16xi1>
      %reduce_min3A_1191 = tpu.scan <min>, %get3A_1188 masked %reduce_min3A_1190 : vector<16xf32>, vector<16xi1> -> vector<16xf32>
      %reduce_min3A_1192 = vector.extract %reduce_min3A_1191[15] : f32 from vector<16xf32>
      %jit3A_1193 = arith.constant 16 : i32
      %eq3A_1194 = arith.constant 0 : i32
      %eq3A_1195 = arith.cmpi eq, %jit3A_1193, %eq3A_1194 : i32
      %jit3A_1196 = arith.constant 1 : i32
      %select_n3A_1197 = arith.select %eq3A_1195, %jit3A_1196, %jit3A_1193 : i32
      %rem3A_1198 = arith.remsi %scan3A_1181, %select_n3A_1197 : i32
      %ne3A_1199 = arith.constant 0 : i32
      %ne3A_1200 = arith.cmpi ne, %rem3A_1198, %ne3A_1199 : i32
      %lt3A_1201 = arith.constant 0 : i32
      %lt3A_1202 = arith.cmpi slt, %rem3A_1198, %lt3A_1201 : i32
      %lt3A_1203 = arith.constant 0 : i32
      %lt3A_1204 = arith.cmpi slt, %select_n3A_1197, %lt3A_1203 : i32
      %ne3A_1205 = arith.xori %lt3A_1202, %lt3A_1204 : i1
      %and3A_1206 = arith.andi %ne3A_1205, %ne3A_1200 : i1
      %add3A_1207 = arith.addi %rem3A_1198, %select_n3A_1197 : i32
      %select_n3A_1208 = arith.select %and3A_1206, %add3A_1207, %rem3A_1198 : i32
      %eq3A_1209 = vector.broadcast %select_n3A_1208 : i32 to vector<16xi32>
      %eq3A_1210 = arith.cmpi eq, %iota3A, %eq3A_1209 : vector<16xi32>
      %jit3A_1211 = arith.constant 16 : i32
      %div3A_1212 = arith.divsi %scan3A_1181, %jit3A_1211 : i32
      %sign3A_1213 = arith.constant 0 : i32
      %sign3A_1214 = arith.cmpi sgt, %scan3A_1181, %sign3A_1213 : i32
      %sign3A_1215 = arith.extui %sign3A_1214 : i1 to i32
      %sign3A_1216 = arith.constant 0 : i32
      %sign3A_1217 = arith.cmpi slt, %scan3A_1181, %sign3A_1216 : i32
      %sign3A_1218 = arith.extui %sign3A_1217 : i1 to i32
      %sign3A_1219 = arith.subi %sign3A_1215, %sign3A_1218 : i32
      %sign3A_1220 = arith.constant 0 : i32
      %sign3A_1221 = arith.cmpi sgt, %jit3A_1211, %sign3A_1220 : i32
      %sign3A_1222 = arith.extui %sign3A_1221 : i1 to i32
      %sign3A_1223 = arith.constant 0 : i32
      %sign3A_1224 = arith.cmpi slt, %jit3A_1211, %sign3A_1223 : i32
      %sign3A_1225 = arith.extui %sign3A_1224 : i1 to i32
      %sign3A_1226 = arith.subi %sign3A_1222, %sign3A_1225 : i32
      %ne3A_1227 = arith.cmpi ne, %sign3A_1219, %sign3A_1226 : i32
      %rem3A_1228 = arith.remsi %scan3A_1181, %jit3A_1211 : i32
      %ne3A_1229 = arith.constant 0 : i32
      %ne3A_1230 = arith.cmpi ne, %rem3A_1228, %ne3A_1229 : i32
      %and3A_1231 = arith.andi %ne3A_1227, %ne3A_1230 : i1
      %sub3A_1232 = arith.constant 1 : i32
      %sub3A_1233 = arith.subi %div3A_1212, %sub3A_1232 : i32
      %select_n3A_1234 = arith.select %and3A_1231, %sub3A_1233, %div3A_1212 : i32
      %eq3A_1235 = arith.constant 0 : i32
      %eq3A_1236 = arith.cmpi eq, %select_n3A_1234, %eq3A_1235 : i32
      %and3A_1237 = vector.broadcast %eq3A_1236 : i1 to vector<16xi1>
      %and3A_1238 = arith.andi %eq3A_1210, %and3A_1237 : vector<16xi1>
      %broadcast_in_dim3A_1239 = vector.broadcast %reduce_min3A_1192 : f32 to vector<16xf32>
      %select_n3A_1240 = arith.select %and3A_1238, %broadcast_in_dim3A_1239, %select_n3A_1161 : vector<16xi1>, vector<16xf32>
      %eq3A_1241 = arith.constant 1 : i32
      %eq3A_1242 = arith.cmpi eq, %select_n3A_1234, %eq3A_1241 : i32
      %and3A_1243 = vector.broadcast %eq3A_1242 : i1 to vector<16xi1>
      %and3A_1244 = arith.andi %eq3A_1210, %and3A_1243 : vector<16xi1>
      %broadcast_in_dim3A_1245 = vector.broadcast %reduce_min3A_1192 : f32 to vector<16xf32>
      %select_n3A_1246 = arith.select %and3A_1244, %broadcast_in_dim3A_1245, %select_n3A_1167 : vector<16xi1>, vector<16xf32>
      %eq3A_1247 = arith.constant 2 : i32
      %eq3A_1248 = arith.cmpi eq, %select_n3A_1234, %eq3A_1247 : i32
      %and3A_1249 = vector.broadcast %eq3A_1248 : i1 to vector<16xi1>
      %and3A_1250 = arith.andi %eq3A_1210, %and3A_1249 : vector<16xi1>
      %broadcast_in_dim3A_1251 = vector.broadcast %reduce_min3A_1192 : f32 to vector<16xf32>
      %select_n3A_1252 = arith.select %and3A_1250, %broadcast_in_dim3A_1251, %select_n3A_1173 : vector<16xi1>, vector<16xf32>
      %eq3A_1253 = arith.constant 3 : i32
      %eq3A_1254 = arith.cmpi eq, %select_n3A_1234, %eq3A_1253 : i32
      %and3A_1255 = vector.broadcast %eq3A_1254 : i1 to vector<16xi1>
      %and3A_1256 = arith.andi %eq3A_1210, %and3A_1255 : vector<16xi1>
      %broadcast_in_dim3A_1257 = vector.broadcast %reduce_min3A_1192 : f32 to vector<16xf32>
      %select_n3A_1258 = arith.select %and3A_1256, %broadcast_in_dim3A_1257, %select_n3A_1179 : vector<16xi1>, vector<16xf32>
      scf.yield %select_n3A_1240, %select_n3A_1246, %select_n3A_1252, %select_n3A_1258 : vector<16xf32>, vector<16xf32>, vector<16xf32>, vector<16xf32>
    }
    %scan3A_477 = arith.constant 64 : i32
    %broadcast_in_dim3A_478 = arith.constant 0 : i32
    %broadcast_in_dim3A_479 = vector.broadcast %broadcast_in_dim3A_478 : i32 to vector<16xi32>
    %scan3A_480 = arith.constant 3 : i32
    %scan3A_481 = arith.constant 3 : i32
    %scan3A_482 = arith.constant 0 : i32
    %scan3A_483 = arith.constant 20 : i32
    %scan3A_484 = arith.addi %scan3A_482, %scan3A_483 : i32
    %scan3A_485 = arith.constant 1 : i32
    %scan3A_486:8 = scf.for %scan3A_952 = %scan3A_482 to %scan3A_484 step %scan3A_485 iter_args(%scan3A_953 = %broadcast_in_dim3A_479, %scan3A_954 = %broadcast_in_dim3A_479, %scan3A_955 = %broadcast_in_dim3A_479, %scan3A_956 = %broadcast_in_dim3A_479, %scan3A_957 = %scan3A_476#0, %scan3A_958 = %scan3A_476#1, %scan3A_959 = %scan3A_476#2, %scan3A_960 = %scan3A_476#3) -> (vector<16xi32>, vector<16xi32>, vector<16xi32>, vector<16xi32>, vector<16xf32>, vector<16xf32>, vector<16xf32>, vector<16xf32>)  : i32 {
      %min3A = arith.minimumf %scan3A_957, %scan3A_958 : vector<16xf32>
      %min3A_961 = arith.minimumf %scan3A_959, %scan3A_960 : vector<16xf32>
      %min3A_962 = arith.minimumf %min3A, %min3A_961 : vector<16xf32>
      %reduce_min3A = arith.constant true
      %reduce_min3A_963 = vector.broadcast %reduce_min3A : i1 to vector<16xi1>
      %reduce_min3A_964 = tpu.scan <min>, %min3A_962 masked %reduce_min3A_963 : vector<16xf32>, vector<16xi1> -> vector<16xf32>
      %reduce_min3A_965 = vector.extract %reduce_min3A_964[15] : f32 from vector<16xf32>
      %eq3A = vector.broadcast %reduce_min3A_965 : f32 to vector<16xf32>
      %eq3A_966 = arith.cmpf oeq, %scan3A_957, %eq3A : vector<16xf32>
      %jit3A = arith.constant 1073741824 : i32
      %broadcast_in_dim3A_967 = vector.broadcast %jit3A : i32 to vector<16xi32>
      %select_n3A = arith.select %eq3A_966, %iota3A, %broadcast_in_dim3A_967 : vector<16xi1>, vector<16xi32>
      %eq3A_968 = vector.broadcast %reduce_min3A_965 : f32 to vector<16xf32>
      %eq3A_969 = arith.cmpf oeq, %scan3A_958, %eq3A_968 : vector<16xf32>
      %add3A_970 = arith.constant 16 : i32
      %add3A_971 = vector.broadcast %add3A_970 : i32 to vector<16xi32>
      %add3A_972 = arith.addi %iota3A, %add3A_971 : vector<16xi32>
      %jit3A_973 = arith.constant 1073741824 : i32
      %broadcast_in_dim3A_974 = vector.broadcast %jit3A_973 : i32 to vector<16xi32>
      %select_n3A_975 = arith.select %eq3A_969, %add3A_972, %broadcast_in_dim3A_974 : vector<16xi1>, vector<16xi32>
      %eq3A_976 = vector.broadcast %reduce_min3A_965 : f32 to vector<16xf32>
      %eq3A_977 = arith.cmpf oeq, %scan3A_959, %eq3A_976 : vector<16xf32>
      %add3A_978 = arith.constant 32 : i32
      %add3A_979 = vector.broadcast %add3A_978 : i32 to vector<16xi32>
      %add3A_980 = arith.addi %iota3A, %add3A_979 : vector<16xi32>
      %jit3A_981 = arith.constant 1073741824 : i32
      %broadcast_in_dim3A_982 = vector.broadcast %jit3A_981 : i32 to vector<16xi32>
      %select_n3A_983 = arith.select %eq3A_977, %add3A_980, %broadcast_in_dim3A_982 : vector<16xi1>, vector<16xi32>
      %eq3A_984 = vector.broadcast %reduce_min3A_965 : f32 to vector<16xf32>
      %eq3A_985 = arith.cmpf oeq, %scan3A_960, %eq3A_984 : vector<16xf32>
      %add3A_986 = arith.constant 48 : i32
      %add3A_987 = vector.broadcast %add3A_986 : i32 to vector<16xi32>
      %add3A_988 = arith.addi %iota3A, %add3A_987 : vector<16xi32>
      %jit3A_989 = arith.constant 1073741824 : i32
      %broadcast_in_dim3A_990 = vector.broadcast %jit3A_989 : i32 to vector<16xi32>
      %select_n3A_991 = arith.select %eq3A_985, %add3A_988, %broadcast_in_dim3A_990 : vector<16xi1>, vector<16xi32>
      %min3A_992 = arith.minsi %select_n3A, %select_n3A_975 : vector<16xi32>
      %min3A_993 = arith.minsi %select_n3A_983, %select_n3A_991 : vector<16xi32>
      %min3A_994 = arith.minsi %min3A_992, %min3A_993 : vector<16xi32>
      %reduce_min3A_995 = arith.constant true
      %reduce_min3A_996 = vector.broadcast %reduce_min3A_995 : i1 to vector<16xi1>
      %reduce_min3A_997 = arith.constant -2147483648 : i32
      %reduce_min3A_998 = vector.broadcast %reduce_min3A_997 : i32 to vector<16xi32>
      %reduce_min3A_999 = arith.xori %min3A_994, %reduce_min3A_998 : vector<16xi32>
      %reduce_min3A_1000 = tpu.scan <min>, %reduce_min3A_999 masked %reduce_min3A_996 : vector<16xi32>, vector<16xi1> -> vector<16xi32>
      %reduce_min3A_1001 = arith.xori %reduce_min3A_1000, %reduce_min3A_998 : vector<16xi32>
      %reduce_min3A_1002 = vector.extract %reduce_min3A_1001[15] : i32 from vector<16xi32>
      %get3A = arith.constant 0 : i32
      %get3A_1003 = arith.constant 0 : i32
      %get3A_1004 = tpu.memref_slice %arg14[%scan3A_480, %get3A, %get3A_1003] : memref<4x64x16xf32, #tpu.memory_space<vmem>> -> memref<1x64x16xf32, #tpu.memory_space<vmem>>
      %get3A_1005 = tpu.memref_squeeze %get3A_1004 : memref<1x64x16xf32, #tpu.memory_space<vmem>> -> memref<64x16xf32, #tpu.memory_space<vmem>>
      %get3A_1006 = arith.index_cast %reduce_min3A_1002 : i32 to index
      %get3A_1007 = arith.constant 0 : index
      %get3A_1008 = tpu.vector_load %get3A_1005[%get3A_1006, %get3A_1007] {strides = array<i32>} : memref<64x16xf32, #tpu.memory_space<vmem>>, vector<16xf32>,
      %eq3A_1009 = vector.broadcast %reduce_min3A_965 : f32 to vector<16xf32>
      %eq3A_1010 = arith.cmpf oeq, %get3A_1008, %eq3A_1009 : vector<16xf32>
      %all_reduce_ffs3A = tpu.all_reduce %eq3A_1010 {dim = 0 : i64, kind = #tpu.reduction_kind<find_first_set>} : vector<16xi1> -> vector<16xi32>
      %eq3A_1011 = arith.cmpi eq, %iota3A, %all_reduce_ffs3A : vector<16xi32>
      %jit3A_1012 = arith.constant 3.000000e+38 : f32
      %broadcast_in_dim3A_1013 = vector.broadcast %jit3A_1012 : f32 to vector<16xf32>
      %select_n3A_1014 = arith.select %eq3A_1011, %broadcast_in_dim3A_1013, %get3A_1008 : vector<16xi1>, vector<16xf32>
      %swap3A_1015 = arith.constant 0 : i32
      %swap3A_1016 = arith.constant 0 : i32
      %swap3A_1017 = tpu.memref_slice %arg14[%scan3A_480, %swap3A_1015, %swap3A_1016] : memref<4x64x16xf32, #tpu.memory_space<vmem>> -> memref<1x64x16xf32, #tpu.memory_space<vmem>>
      %swap3A_1018 = tpu.memref_squeeze %swap3A_1017 : memref<1x64x16xf32, #tpu.memory_space<vmem>> -> memref<64x16xf32, #tpu.memory_space<vmem>>
      %swap3A_1019 = arith.index_cast %reduce_min3A_1002 : i32 to index
      %swap3A_1020 = arith.constant 0 : index
      %swap3A_1021 = tpu.vector_load %swap3A_1018[%swap3A_1019, %swap3A_1020] {strides = array<i32>} : memref<64x16xf32, #tpu.memory_space<vmem>>, vector<16xf32>,
      tpu.vector_store %swap3A_1018[%swap3A_1019, %swap3A_1020], %select_n3A_1014 {strides = array<i32>} : memref<64x16xf32, #tpu.memory_space<vmem>>, vector<16xf32>,
      %reduce_min3A_1022 = arith.constant true
      %reduce_min3A_1023 = vector.broadcast %reduce_min3A_1022 : i1 to vector<16xi1>
      %reduce_min3A_1024 = tpu.scan <min>, %select_n3A_1014 masked %reduce_min3A_1023 : vector<16xf32>, vector<16xi1> -> vector<16xf32>
      %reduce_min3A_1025 = vector.extract %reduce_min3A_1024[15] : f32 from vector<16xf32>
      %jit3A_1026 = arith.constant 16 : i32
      %eq3A_1027 = arith.constant 0 : i32
      %eq3A_1028 = arith.cmpi eq, %jit3A_1026, %eq3A_1027 : i32
      %jit3A_1029 = arith.constant 1 : i32
      %select_n3A_1030 = arith.select %eq3A_1028, %jit3A_1029, %jit3A_1026 : i32
      %rem3A = arith.remsi %reduce_min3A_1002, %select_n3A_1030 : i32
      %ne3A = arith.constant 0 : i32
      %ne3A_1031 = arith.cmpi ne, %rem3A, %ne3A : i32
      %lt3A = arith.constant 0 : i32
      %lt3A_1032 = arith.cmpi slt, %rem3A, %lt3A : i32
      %lt3A_1033 = arith.constant 0 : i32
      %lt3A_1034 = arith.cmpi slt, %select_n3A_1030, %lt3A_1033 : i32
      %ne3A_1035 = arith.xori %lt3A_1032, %lt3A_1034 : i1
      %and3A = arith.andi %ne3A_1035, %ne3A_1031 : i1
      %add3A_1036 = arith.addi %rem3A, %select_n3A_1030 : i32
      %select_n3A_1037 = arith.select %and3A, %add3A_1036, %rem3A : i32
      %eq3A_1038 = vector.broadcast %select_n3A_1037 : i32 to vector<16xi32>
      %eq3A_1039 = arith.cmpi eq, %iota3A, %eq3A_1038 : vector<16xi32>
      %jit3A_1040 = arith.constant 16 : i32
      %div3A = arith.divsi %reduce_min3A_1002, %jit3A_1040 : i32
      %sign3A = arith.constant 0 : i32
      %sign3A_1041 = arith.cmpi sgt, %reduce_min3A_1002, %sign3A : i32
      %sign3A_1042 = arith.extui %sign3A_1041 : i1 to i32
      %sign3A_1043 = arith.constant 0 : i32
      %sign3A_1044 = arith.cmpi slt, %reduce_min3A_1002, %sign3A_1043 : i32
      %sign3A_1045 = arith.extui %sign3A_1044 : i1 to i32
      %sign3A_1046 = arith.subi %sign3A_1042, %sign3A_1045 : i32
      %sign3A_1047 = arith.constant 0 : i32
      %sign3A_1048 = arith.cmpi sgt, %jit3A_1040, %sign3A_1047 : i32
      %sign3A_1049 = arith.extui %sign3A_1048 : i1 to i32
      %sign3A_1050 = arith.constant 0 : i32
      %sign3A_1051 = arith.cmpi slt, %jit3A_1040, %sign3A_1050 : i32
      %sign3A_1052 = arith.extui %sign3A_1051 : i1 to i32
      %sign3A_1053 = arith.subi %sign3A_1049, %sign3A_1052 : i32
      %ne3A_1054 = arith.cmpi ne, %sign3A_1046, %sign3A_1053 : i32
      %rem3A_1055 = arith.remsi %reduce_min3A_1002, %jit3A_1040 : i32
      %ne3A_1056 = arith.constant 0 : i32
      %ne3A_1057 = arith.cmpi ne, %rem3A_1055, %ne3A_1056 : i32
      %and3A_1058 = arith.andi %ne3A_1054, %ne3A_1057 : i1
      %sub3A = arith.constant 1 : i32
      %sub3A_1059 = arith.subi %div3A, %sub3A : i32
      %select_n3A_1060 = arith.select %and3A_1058, %sub3A_1059, %div3A : i32
      %eq3A_1061 = arith.constant 0 : i32
      %eq3A_1062 = arith.cmpi eq, %select_n3A_1060, %eq3A_1061 : i32
      %and3A_1063 = vector.broadcast %eq3A_1062 : i1 to vector<16xi1>
      %and3A_1064 = arith.andi %eq3A_1039, %and3A_1063 : vector<16xi1>
      %broadcast_in_dim3A_1065 = vector.broadcast %reduce_min3A_1025 : f32 to vector<16xf32>
      %select_n3A_1066 = arith.select %and3A_1064, %broadcast_in_dim3A_1065, %scan3A_957 : vector<16xi1>, vector<16xf32>
      %eq3A_1067 = arith.constant 1 : i32
      %eq3A_1068 = arith.cmpi eq, %select_n3A_1060, %eq3A_1067 : i32
      %and3A_1069 = vector.broadcast %eq3A_1068 : i1 to vector<16xi1>
      %and3A_1070 = arith.andi %eq3A_1039, %and3A_1069 : vector<16xi1>
      %broadcast_in_dim3A_1071 = vector.broadcast %reduce_min3A_1025 : f32 to vector<16xf32>
      %select_n3A_1072 = arith.select %and3A_1070, %broadcast_in_dim3A_1071, %scan3A_958 : vector<16xi1>, vector<16xf32>
      %eq3A_1073 = arith.constant 2 : i32
      %eq3A_1074 = arith.cmpi eq, %select_n3A_1060, %eq3A_1073 : i32
      %and3A_1075 = vector.broadcast %eq3A_1074 : i1 to vector<16xi1>
      %and3A_1076 = arith.andi %eq3A_1039, %and3A_1075 : vector<16xi1>
      %broadcast_in_dim3A_1077 = vector.broadcast %reduce_min3A_1025 : f32 to vector<16xf32>
      %select_n3A_1078 = arith.select %and3A_1076, %broadcast_in_dim3A_1077, %scan3A_959 : vector<16xi1>, vector<16xf32>
      %eq3A_1079 = arith.constant 3 : i32
      %eq3A_1080 = arith.cmpi eq, %select_n3A_1060, %eq3A_1079 : i32
      %and3A_1081 = vector.broadcast %eq3A_1080 : i1 to vector<16xi1>
      %and3A_1082 = arith.andi %eq3A_1039, %and3A_1081 : vector<16xi1>
      %broadcast_in_dim3A_1083 = vector.broadcast %reduce_min3A_1025 : f32 to vector<16xf32>
      %select_n3A_1084 = arith.select %and3A_1082, %broadcast_in_dim3A_1083, %scan3A_960 : vector<16xi1>, vector<16xf32>
      %broadcast_in_dim3A_1085 = vector.broadcast %reduce_min3A_1002 : i32 to vector<16xi32>
      %gather3A = arith.constant 0 : i32
      %gather3A_1086 = arith.constant 0 : i32
      %gather3A_1087 = tpu.memref_slice %arg15[%scan3A_481, %gather3A, %gather3A_1086] : memref<4x64x16xi32, #tpu.memory_space<vmem>> -> memref<1x64x16xi32, #tpu.memory_space<vmem>>
      %gather3A_1088 = tpu.memref_squeeze %gather3A_1087 : memref<1x64x16xi32, #tpu.memory_space<vmem>> -> memref<64x16xi32, #tpu.memory_space<vmem>>
      %gather3A_1089 = tpu.vector_load_idx %gather3A_1088[%broadcast_in_dim3A_1085, %all_reduce_ffs3A] : memref<64x16xi32, #tpu.memory_space<vmem>>[vector<16xi32>, vector<16xi32>], vector<16xi32>,
      %mul3A_1090 = arith.constant 16 : i32
      %mul3A_1091 = arith.muli %reduce_min3A_1002, %mul3A_1090 : i32
      %add3A_1092 = vector.broadcast %mul3A_1091 : i32 to vector<16xi32>
      %add3A_1093 = arith.addi %add3A_1092, %all_reduce_ffs3A : vector<16xi32>
      %mul3A_1094 = arith.constant 1024 : i32
      %mul3A_1095 = arith.muli %add3A, %mul3A_1094 : i32
      %add3A_1096 = vector.broadcast %mul3A_1095 : i32 to vector<16xi32>
      %add3A_1097 = arith.addi %add3A_1096, %add3A_1093 : vector<16xi32>
      %mul3A_1098 = arith.constant 1024 : i32
      %mul3A_1099 = arith.muli %add3A, %mul3A_1098 : i32
      %add3A_1100 = vector.broadcast %mul3A_1099 : i32 to vector<16xi32>
      %add3A_1101 = arith.addi %add3A_1100, %gather3A_1089 : vector<16xi32>
      %eq3A_1102 = vector.broadcast %scan3A_952 : i32 to vector<16xi32>
      %eq3A_1103 = arith.cmpi eq, %iota3A, %eq3A_1102 : vector<16xi32>
      %lt3A_1104 = arith.constant 16 : i32
      %lt3A_1105 = arith.cmpi slt, %scan3A_952, %lt3A_1104 : i32
      %and3A_1106 = vector.broadcast %lt3A_1105 : i1 to vector<16xi1>
      %and3A_1107 = arith.andi %eq3A_1103, %and3A_1106 : vector<16xi1>
      %sub3A_1108 = arith.constant 16 : i32
      %sub3A_1109 = arith.subi %scan3A_952, %sub3A_1108 : i32
      %eq3A_1110 = vector.broadcast %sub3A_1109 : i32 to vector<16xi32>
      %eq3A_1111 = arith.cmpi eq, %iota3A, %eq3A_1110 : vector<16xi32>
      %select_n3A_1112 = arith.select %and3A_1107, %add3A_1097, %scan3A_953 : vector<16xi1>, vector<16xi32>
      %select_n3A_1113 = arith.select %eq3A_1111, %add3A_1097, %scan3A_954 : vector<16xi1>, vector<16xi32>
      %select_n3A_1114 = arith.select %and3A_1107, %add3A_1101, %scan3A_955 : vector<16xi1>, vector<16xi32>
      %select_n3A_1115 = arith.select %eq3A_1111, %add3A_1101, %scan3A_956 : vector<16xi1>, vector<16xi32>
      scf.yield %select_n3A_1112, %select_n3A_1113, %select_n3A_1114, %select_n3A_1115, %select_n3A_1066, %select_n3A_1072, %select_n3A_1078, %select_n3A_1084 : vector<16xi32>, vector<16xi32>, vector<16xi32>, vector<16xi32>, vector<16xf32>, vector<16xf32>, vector<16xf32>, vector<16xf32>
    }
    %scan3A_487 = arith.constant 20 : i32
    %swap3A_488 = arith.constant 3 : i32
    %swap3A_489 = arith.constant 0 : i32
    %swap3A_490 = tpu.memref_slice %arg16[%swap3A_488, %swap3A_489] : memref<4x32xi32, #tpu.memory_space<vmem>> -> memref<1x32xi32, #tpu.memory_space<vmem>>
    %swap3A_491 = tpu.memref_squeeze %swap3A_490 : memref<1x32xi32, #tpu.memory_space<vmem>> -> memref<32xi32, #tpu.memory_space<vmem>>
    %swap3A_492 = arith.constant 0 : index
    %swap3A_493 = tpu.vector_load %swap3A_491[%swap3A_492] {strides = array<i32>} : memref<32xi32, #tpu.memory_space<vmem>>, vector<16xi32>,
    tpu.vector_store %swap3A_491[%swap3A_492], %scan3A_486#0 {strides = array<i32>} : memref<32xi32, #tpu.memory_space<vmem>>, vector<16xi32>,
    %swap3A_494 = arith.constant 3 : i32
    %swap3A_495 = arith.constant 0 : i32
    %swap3A_496 = tpu.memref_slice %arg16[%swap3A_494, %swap3A_495] : memref<4x32xi32, #tpu.memory_space<vmem>> -> memref<1x32xi32, #tpu.memory_space<vmem>>
    %swap3A_497 = tpu.memref_squeeze %swap3A_496 : memref<1x32xi32, #tpu.memory_space<vmem>> -> memref<32xi32, #tpu.memory_space<vmem>>
    %swap3A_498 = arith.constant 16 : index
    %swap3A_499 = tpu.vector_load %swap3A_497[%swap3A_498] {strides = array<i32>} : memref<32xi32, #tpu.memory_space<vmem>>, vector<16xi32>,
    tpu.vector_store %swap3A_497[%swap3A_498], %scan3A_486#1 {strides = array<i32>} : memref<32xi32, #tpu.memory_space<vmem>>, vector<16xi32>,
    %swap3A_500 = arith.constant 3 : i32
    %swap3A_501 = arith.constant 0 : i32
    %swap3A_502 = tpu.memref_slice %arg17[%swap3A_500, %swap3A_501] : memref<4x32xi32, #tpu.memory_space<vmem>> -> memref<1x32xi32, #tpu.memory_space<vmem>>
    %swap3A_503 = tpu.memref_squeeze %swap3A_502 : memref<1x32xi32, #tpu.memory_space<vmem>> -> memref<32xi32, #tpu.memory_space<vmem>>
    %swap3A_504 = arith.constant 0 : index
    %swap3A_505 = tpu.vector_load %swap3A_503[%swap3A_504] {strides = array<i32>} : memref<32xi32, #tpu.memory_space<vmem>>, vector<16xi32>,
    tpu.vector_store %swap3A_503[%swap3A_504], %scan3A_486#2 {strides = array<i32>} : memref<32xi32, #tpu.memory_space<vmem>>, vector<16xi32>,
    %swap3A_506 = arith.constant 3 : i32
    %swap3A_507 = arith.constant 0 : i32
    %swap3A_508 = tpu.memref_slice %arg17[%swap3A_506, %swap3A_507] : memref<4x32xi32, #tpu.memory_space<vmem>> -> memref<1x32xi32, #tpu.memory_space<vmem>>
    %swap3A_509 = tpu.memref_squeeze %swap3A_508 : memref<1x32xi32, #tpu.memory_space<vmem>> -> memref<32xi32, #tpu.memory_space<vmem>>
    %swap3A_510 = arith.constant 16 : index
    %swap3A_511 = tpu.vector_load %swap3A_509[%swap3A_510] {strides = array<i32>} : memref<32xi32, #tpu.memory_space<vmem>>, vector<16xi32>,
    tpu.vector_store %swap3A_509[%swap3A_510], %scan3A_486#3 {strides = array<i32>} : memref<32xi32, #tpu.memory_space<vmem>>, vector<16xi32>,
    %dma_start3A_512 = arith.constant 3 : i32
    %dma_start3A_513 = arith.constant 3 : i32
    %dma_start3A_514 = arith.constant 0 : i32
    %dma_start3A_515 = arith.constant 0 : i32
    %dma_start3A_516 = tpu.memref_slice %arg18[%dma_start3A_513, %dma_start3A_514, %dma_start3A_515] : memref<4x32x64xf32, #tpu.memory_space<vmem>> -> memref<1x32x64xf32, #tpu.memory_space<vmem>>
    %dma_start3A_517 = tpu.memref_squeeze %dma_start3A_516 : memref<1x32x64xf32, #tpu.memory_space<vmem>> -> memref<32x64xf32, #tpu.memory_space<vmem>>
    %dma_start3A_518 = arith.constant 0 : i32
    %dma_start3A_519 = tpu.memref_slice %arg16[%dma_start3A_512, %dma_start3A_518] : memref<4x32xi32, #tpu.memory_space<vmem>> -> memref<1x32xi32, #tpu.memory_space<vmem>>
    %dma_start3A_520 = tpu.memref_squeeze %dma_start3A_519 : memref<1x32xi32, #tpu.memory_space<vmem>> -> memref<32xi32, #tpu.memory_space<vmem>>
    %dma_start3A_521 = arith.constant 0 : i32
    %dma_start3A_522 = arith.constant 0 : i32
    %dma_start3A_523 = tpu.memref_slice %arg11[%dma_start3A_521, %dma_start3A_522] : memref<32768x64xf32, #tpu.memory_space<hbm>> -> memref<32768x64xf32, #tpu.memory_space<hbm>>
    tpu.enqueue_indirect_dma source(%dma_start3A_523 : memref<32768x64xf32, #tpu.memory_space<hbm>>) target(%dma_start3A_517 : memref<32x64xf32, #tpu.memory_space<vmem>>) offsets(%dma_start3A_520 : memref<32xi32, #tpu.memory_space<vmem>>) semaphore(%arg21 : memref<!tpu.dma_semaphore, #tpu.memory_space<semaphore_mem>>)
    %dma_start3A_524 = arith.constant 3 : i32
    %dma_start3A_525 = arith.constant 3 : i32
    %dma_start3A_526 = arith.constant 0 : i32
    %dma_start3A_527 = arith.constant 0 : i32
    %dma_start3A_528 = tpu.memref_slice %arg19[%dma_start3A_525, %dma_start3A_526, %dma_start3A_527] : memref<4x32x64xf32, #tpu.memory_space<vmem>> -> memref<1x32x64xf32, #tpu.memory_space<vmem>>
    %dma_start3A_529 = tpu.memref_squeeze %dma_start3A_528 : memref<1x32x64xf32, #tpu.memory_space<vmem>> -> memref<32x64xf32, #tpu.memory_space<vmem>>
    %dma_start3A_530 = arith.constant 0 : i32
    %dma_start3A_531 = tpu.memref_slice %arg17[%dma_start3A_524, %dma_start3A_530] : memref<4x32xi32, #tpu.memory_space<vmem>> -> memref<1x32xi32, #tpu.memory_space<vmem>>
    %dma_start3A_532 = tpu.memref_squeeze %dma_start3A_531 : memref<1x32xi32, #tpu.memory_space<vmem>> -> memref<32xi32, #tpu.memory_space<vmem>>
    %dma_start3A_533 = arith.constant 0 : i32
    %dma_start3A_534 = arith.constant 0 : i32
    %dma_start3A_535 = tpu.memref_slice %arg10[%dma_start3A_533, %dma_start3A_534] : memref<32768x64xf32, #tpu.memory_space<hbm>> -> memref<32768x64xf32, #tpu.memory_space<hbm>>
    tpu.enqueue_indirect_dma source(%dma_start3A_535 : memref<32768x64xf32, #tpu.memory_space<hbm>>) target(%dma_start3A_529 : memref<32x64xf32, #tpu.memory_space<vmem>>) offsets(%dma_start3A_532 : memref<32xi32, #tpu.memory_space<vmem>>) semaphore(%arg21 : memref<!tpu.dma_semaphore, #tpu.memory_space<semaphore_mem>>)
    %dma_wait3A_536 = arith.constant 0 : i32
    %dma_wait3A_537 = arith.constant 0 : i32
    %dma_wait3A_538 = arith.constant 0 : i32
    %dma_wait3A_539 = arith.constant 0 : i32
    %dma_wait3A_540 = tpu.memref_slice %arg18[%dma_wait3A_537, %dma_wait3A_538, %dma_wait3A_539] : memref<4x32x64xf32, #tpu.memory_space<vmem>> -> memref<1x32x64xf32, #tpu.memory_space<vmem>>
    %dma_wait3A_541 = tpu.memref_squeeze %dma_wait3A_540 : memref<1x32x64xf32, #tpu.memory_space<vmem>> -> memref<32x64xf32, #tpu.memory_space<vmem>>
    %dma_wait3A_542 = arith.constant 0 : i32
    %dma_wait3A_543 = tpu.memref_slice %arg16[%dma_wait3A_536, %dma_wait3A_542] : memref<4x32xi32, #tpu.memory_space<vmem>> -> memref<1x32xi32, #tpu.memory_space<vmem>>
    %dma_wait3A_544 = tpu.memref_squeeze %dma_wait3A_543 : memref<1x32xi32, #tpu.memory_space<vmem>> -> memref<32xi32, #tpu.memory_space<vmem>>
    %dma_wait3A_545 = arith.constant 0 : i32
    %dma_wait3A_546 = arith.constant 0 : i32
    %dma_wait3A_547 = tpu.memref_slice %arg10[%dma_wait3A_545, %dma_wait3A_546] : memref<32768x64xf32, #tpu.memory_space<hbm>> -> memref<32768x64xf32, #tpu.memory_space<hbm>>
    tpu.wait_indirect_dma semaphore(%arg21 : memref<!tpu.dma_semaphore, #tpu.memory_space<semaphore_mem>>) src(%dma_wait3A_547 : memref<32768x64xf32, #tpu.memory_space<hbm>>) dst(%dma_wait3A_541 : memref<32x64xf32, #tpu.memory_space<vmem>>)
    %dma_wait3A_548 = arith.constant 0 : i32
    %dma_wait3A_549 = arith.constant 0 : i32
    %dma_wait3A_550 = arith.constant 0 : i32
    %dma_wait3A_551 = arith.constant 0 : i32
    %dma_wait3A_552 = tpu.memref_slice %arg19[%dma_wait3A_549, %dma_wait3A_550, %dma_wait3A_551] : memref<4x32x64xf32, #tpu.memory_space<vmem>> -> memref<1x32x64xf32, #tpu.memory_space<vmem>>
    %dma_wait3A_553 = tpu.memref_squeeze %dma_wait3A_552 : memref<1x32x64xf32, #tpu.memory_space<vmem>> -> memref<32x64xf32, #tpu.memory_space<vmem>>
    %dma_wait3A_554 = arith.constant 0 : i32
    %dma_wait3A_555 = tpu.memref_slice %arg17[%dma_wait3A_548, %dma_wait3A_554] : memref<4x32xi32, #tpu.memory_space<vmem>> -> memref<1x32xi32, #tpu.memory_space<vmem>>
    %dma_wait3A_556 = tpu.memref_squeeze %dma_wait3A_555 : memref<1x32xi32, #tpu.memory_space<vmem>> -> memref<32xi32, #tpu.memory_space<vmem>>
    %dma_wait3A_557 = arith.constant 0 : i32
    %dma_wait3A_558 = arith.constant 0 : i32
    %dma_wait3A_559 = tpu.memref_slice %arg11[%dma_wait3A_557, %dma_wait3A_558] : memref<32768x64xf32, #tpu.memory_space<hbm>> -> memref<32768x64xf32, #tpu.memory_space<hbm>>
    tpu.wait_indirect_dma semaphore(%arg21 : memref<!tpu.dma_semaphore, #tpu.memory_space<semaphore_mem>>) src(%dma_wait3A_559 : memref<32768x64xf32, #tpu.memory_space<hbm>>) dst(%dma_wait3A_553 : memref<32x64xf32, #tpu.memory_space<vmem>>)
    %add3A_560 = arith.constant 0 : i32
    %add3A_561 = arith.addi %add3A_560, %add3A : i32
    %mul3A_562 = arith.constant 24 : i32
    %mul3A_563 = arith.muli %add3A_561, %mul3A_562 : i32
    %dma_start3A_564 = arith.constant 0 : i32
    %dma_start3A_565 = arith.constant 0 : i32
    %dma_start3A_566 = arith.constant 0 : i32
    %dma_start3A_567 = tpu.memref_slice %arg18[%dma_start3A_564, %dma_start3A_565, %dma_start3A_566] : memref<4x32x64xf32, #tpu.memory_space<vmem>> -> memref<1x32x64xf32, #tpu.memory_space<vmem>>
    %dma_start3A_568 = tpu.memref_squeeze %dma_start3A_567 : memref<1x32x64xf32, #tpu.memory_space<vmem>> -> memref<32x64xf32, #tpu.memory_space<vmem>>
    %dma_start3A_569 = arith.constant 0 : i32
    %dma_start3A_570 = arith.constant 0 : i32
    %dma_start3A_571 = tpu.memref_slice %dma_start3A_568[%dma_start3A_569, %dma_start3A_570] : memref<32x64xf32, #tpu.memory_space<vmem>> -> memref<24x64xf32, #tpu.memory_space<vmem>>
    %dma_start3A_572 = arith.constant 0 : i32
    %dma_start3A_573 = tpu.memref_slice %arg12[%mul3A_563, %dma_start3A_572] : memref<3072x64xf32, #tpu.memory_space<hbm>> -> memref<24x64xf32, #tpu.memory_space<hbm>>
    %dma_start3A_574 = arith.constant 0 : i32
    %dma_start3A_575 = tpu.memref_slice %arg12[%mul3A_563, %dma_start3A_574] : memref<3072x64xf32, #tpu.memory_space<hbm>> -> memref<24x64xf32, #tpu.memory_space<hbm>>
    %dma_start3A_576 = arith.constant 0 : i32
    %dma_start3A_577 = arith.constant 0 : i32
    %dma_start3A_578 = tpu.memref_slice %arg18[%dma_start3A_564, %dma_start3A_576, %dma_start3A_577] : memref<4x32x64xf32, #tpu.memory_space<vmem>> -> memref<1x32x64xf32, #tpu.memory_space<vmem>>
    %dma_start3A_579 = tpu.memref_squeeze %dma_start3A_578 : memref<1x32x64xf32, #tpu.memory_space<vmem>> -> memref<32x64xf32, #tpu.memory_space<vmem>>
    %dma_start3A_580 = arith.constant 0 : i32
    %dma_start3A_581 = arith.constant 0 : i32
    %dma_start3A_582 = tpu.memref_slice %dma_start3A_579[%dma_start3A_580, %dma_start3A_581] : memref<32x64xf32, #tpu.memory_space<vmem>> -> memref<24x64xf32, #tpu.memory_space<vmem>>
    tpu.enqueue_dma source(%dma_start3A_582 : memref<24x64xf32, #tpu.memory_space<vmem>>) target(%dma_start3A_575 : memref<24x64xf32, #tpu.memory_space<hbm>>) target_semaphore(%arg22 : memref<!tpu.dma_semaphore, #tpu.memory_space<semaphore_mem>>)
    %dma_start3A_583 = arith.constant 0 : i32
    %dma_start3A_584 = arith.constant 0 : i32
    %dma_start3A_585 = arith.constant 0 : i32
    %dma_start3A_586 = tpu.memref_slice %arg19[%dma_start3A_583, %dma_start3A_584, %dma_start3A_585] : memref<4x32x64xf32, #tpu.memory_space<vmem>> -> memref<1x32x64xf32, #tpu.memory_space<vmem>>
    %dma_start3A_587 = tpu.memref_squeeze %dma_start3A_586 : memref<1x32x64xf32, #tpu.memory_space<vmem>> -> memref<32x64xf32, #tpu.memory_space<vmem>>
    %dma_start3A_588 = arith.constant 0 : i32
    %dma_start3A_589 = arith.constant 0 : i32
    %dma_start3A_590 = tpu.memref_slice %dma_start3A_587[%dma_start3A_588, %dma_start3A_589] : memref<32x64xf32, #tpu.memory_space<vmem>> -> memref<24x64xf32, #tpu.memory_space<vmem>>
    %dma_start3A_591 = arith.constant 0 : i32
    %dma_start3A_592 = tpu.memref_slice %arg13[%mul3A_563, %dma_start3A_591] : memref<3072x64xf32, #tpu.memory_space<hbm>> -> memref<24x64xf32, #tpu.memory_space<hbm>>
    %dma_start3A_593 = arith.constant 0 : i32
    %dma_start3A_594 = tpu.memref_slice %arg13[%mul3A_563, %dma_start3A_593] : memref<3072x64xf32, #tpu.memory_space<hbm>> -> memref<24x64xf32, #tpu.memory_space<hbm>>
    %dma_start3A_595 = arith.constant 0 : i32
    %dma_start3A_596 = arith.constant 0 : i32
    %dma_start3A_597 = tpu.memref_slice %arg19[%dma_start3A_583, %dma_start3A_595, %dma_start3A_596] : memref<4x32x64xf32, #tpu.memory_space<vmem>> -> memref<1x32x64xf32, #tpu.memory_space<vmem>>
    %dma_start3A_598 = tpu.memref_squeeze %dma_start3A_597 : memref<1x32x64xf32, #tpu.memory_space<vmem>> -> memref<32x64xf32, #tpu.memory_space<vmem>>
    %dma_start3A_599 = arith.constant 0 : i32
    %dma_start3A_600 = arith.constant 0 : i32
    %dma_start3A_601 = tpu.memref_slice %dma_start3A_598[%dma_start3A_599, %dma_start3A_600] : memref<32x64xf32, #tpu.memory_space<vmem>> -> memref<24x64xf32, #tpu.memory_space<vmem>>
    tpu.enqueue_dma source(%dma_start3A_601 : memref<24x64xf32, #tpu.memory_space<vmem>>) target(%dma_start3A_594 : memref<24x64xf32, #tpu.memory_space<hbm>>) target_semaphore(%arg22 : memref<!tpu.dma_semaphore, #tpu.memory_space<semaphore_mem>>)
    %dma_wait3A_602 = arith.constant 1 : i32
    %dma_wait3A_603 = arith.constant 1 : i32
    %dma_wait3A_604 = arith.constant 0 : i32
    %dma_wait3A_605 = arith.constant 0 : i32
    %dma_wait3A_606 = tpu.memref_slice %arg18[%dma_wait3A_603, %dma_wait3A_604, %dma_wait3A_605] : memref<4x32x64xf32, #tpu.memory_space<vmem>> -> memref<1x32x64xf32, #tpu.memory_space<vmem>>
    %dma_wait3A_607 = tpu.memref_squeeze %dma_wait3A_606 : memref<1x32x64xf32, #tpu.memory_space<vmem>> -> memref<32x64xf32, #tpu.memory_space<vmem>>
    %dma_wait3A_608 = arith.constant 0 : i32
    %dma_wait3A_609 = tpu.memref_slice %arg16[%dma_wait3A_602, %dma_wait3A_608] : memref<4x32xi32, #tpu.memory_space<vmem>> -> memref<1x32xi32, #tpu.memory_space<vmem>>
    %dma_wait3A_610 = tpu.memref_squeeze %dma_wait3A_609 : memref<1x32xi32, #tpu.memory_space<vmem>> -> memref<32xi32, #tpu.memory_space<vmem>>
    %dma_wait3A_611 = arith.constant 0 : i32
    %dma_wait3A_612 = arith.constant 0 : i32
    %dma_wait3A_613 = tpu.memref_slice %arg11[%dma_wait3A_611, %dma_wait3A_612] : memref<32768x64xf32, #tpu.memory_space<hbm>> -> memref<32768x64xf32, #tpu.memory_space<hbm>>
    tpu.wait_indirect_dma semaphore(%arg21 : memref<!tpu.dma_semaphore, #tpu.memory_space<semaphore_mem>>) src(%dma_wait3A_613 : memref<32768x64xf32, #tpu.memory_space<hbm>>) dst(%dma_wait3A_607 : memref<32x64xf32, #tpu.memory_space<vmem>>)
    %dma_wait3A_614 = arith.constant 1 : i32
    %dma_wait3A_615 = arith.constant 1 : i32
    %dma_wait3A_616 = arith.constant 0 : i32
    %dma_wait3A_617 = arith.constant 0 : i32
    %dma_wait3A_618 = tpu.memref_slice %arg19[%dma_wait3A_615, %dma_wait3A_616, %dma_wait3A_617] : memref<4x32x64xf32, #tpu.memory_space<vmem>> -> memref<1x32x64xf32, #tpu.memory_space<vmem>>
    %dma_wait3A_619 = tpu.memref_squeeze %dma_wait3A_618 : memref<1x32x64xf32, #tpu.memory_space<vmem>> -> memref<32x64xf32, #tpu.memory_space<vmem>>
    %dma_wait3A_620 = arith.constant 0 : i32
    %dma_wait3A_621 = tpu.memref_slice %arg17[%dma_wait3A_614, %dma_wait3A_620] : memref<4x32xi32, #tpu.memory_space<vmem>> -> memref<1x32xi32, #tpu.memory_space<vmem>>
    %dma_wait3A_622 = tpu.memref_squeeze %dma_wait3A_621 : memref<1x32xi32, #tpu.memory_space<vmem>> -> memref<32xi32, #tpu.memory_space<vmem>>
    %dma_wait3A_623 = arith.constant 0 : i32
    %dma_wait3A_624 = arith.constant 0 : i32
    %dma_wait3A_625 = tpu.memref_slice %arg10[%dma_wait3A_623, %dma_wait3A_624] : memref<32768x64xf32, #tpu.memory_space<hbm>> -> memref<32768x64xf32, #tpu.memory_space<hbm>>
    tpu.wait_indirect_dma semaphore(%arg21 : memref<!tpu.dma_semaphore, #tpu.memory_space<semaphore_mem>>) src(%dma_wait3A_625 : memref<32768x64xf32, #tpu.memory_space<hbm>>) dst(%dma_wait3A_619 : memref<32x64xf32, #tpu.memory_space<vmem>>)
    %add3A_626 = arith.constant 32 : i32
    %add3A_627 = arith.addi %add3A_626, %add3A : i32
    %mul3A_628 = arith.constant 24 : i32
    %mul3A_629 = arith.muli %add3A_627, %mul3A_628 : i32
    %dma_start3A_630 = arith.constant 1 : i32
    %dma_start3A_631 = arith.constant 0 : i32
    %dma_start3A_632 = arith.constant 0 : i32
    %dma_start3A_633 = tpu.memref_slice %arg18[%dma_start3A_630, %dma_start3A_631, %dma_start3A_632] : memref<4x32x64xf32, #tpu.memory_space<vmem>> -> memref<1x32x64xf32, #tpu.memory_space<vmem>>
    %dma_start3A_634 = tpu.memref_squeeze %dma_start3A_633 : memref<1x32x64xf32, #tpu.memory_space<vmem>> -> memref<32x64xf32, #tpu.memory_space<vmem>>
    %dma_start3A_635 = arith.constant 0 : i32
    %dma_start3A_636 = arith.constant 0 : i32
    %dma_start3A_637 = tpu.memref_slice %dma_start3A_634[%dma_start3A_635, %dma_start3A_636] : memref<32x64xf32, #tpu.memory_space<vmem>> -> memref<24x64xf32, #tpu.memory_space<vmem>>
    %dma_start3A_638 = arith.constant 0 : i32
    %dma_start3A_639 = tpu.memref_slice %arg12[%mul3A_629, %dma_start3A_638] : memref<3072x64xf32, #tpu.memory_space<hbm>> -> memref<24x64xf32, #tpu.memory_space<hbm>>
    %dma_start3A_640 = arith.constant 0 : i32
    %dma_start3A_641 = tpu.memref_slice %arg12[%mul3A_629, %dma_start3A_640] : memref<3072x64xf32, #tpu.memory_space<hbm>> -> memref<24x64xf32, #tpu.memory_space<hbm>>
    %dma_start3A_642 = arith.constant 0 : i32
    %dma_start3A_643 = arith.constant 0 : i32
    %dma_start3A_644 = tpu.memref_slice %arg18[%dma_start3A_630, %dma_start3A_642, %dma_start3A_643] : memref<4x32x64xf32, #tpu.memory_space<vmem>> -> memref<1x32x64xf32, #tpu.memory_space<vmem>>
    %dma_start3A_645 = tpu.memref_squeeze %dma_start3A_644 : memref<1x32x64xf32, #tpu.memory_space<vmem>> -> memref<32x64xf32, #tpu.memory_space<vmem>>
    %dma_start3A_646 = arith.constant 0 : i32
    %dma_start3A_647 = arith.constant 0 : i32
    %dma_start3A_648 = tpu.memref_slice %dma_start3A_645[%dma_start3A_646, %dma_start3A_647] : memref<32x64xf32, #tpu.memory_space<vmem>> -> memref<24x64xf32, #tpu.memory_space<vmem>>
    tpu.enqueue_dma source(%dma_start3A_648 : memref<24x64xf32, #tpu.memory_space<vmem>>) target(%dma_start3A_641 : memref<24x64xf32, #tpu.memory_space<hbm>>) target_semaphore(%arg22 : memref<!tpu.dma_semaphore, #tpu.memory_space<semaphore_mem>>)
    %dma_start3A_649 = arith.constant 1 : i32
    %dma_start3A_650 = arith.constant 0 : i32
    %dma_start3A_651 = arith.constant 0 : i32
    %dma_start3A_652 = tpu.memref_slice %arg19[%dma_start3A_649, %dma_start3A_650, %dma_start3A_651] : memref<4x32x64xf32, #tpu.memory_space<vmem>> -> memref<1x32x64xf32, #tpu.memory_space<vmem>>
    %dma_start3A_653 = tpu.memref_squeeze %dma_start3A_652 : memref<1x32x64xf32, #tpu.memory_space<vmem>> -> memref<32x64xf32, #tpu.memory_space<vmem>>
    %dma_start3A_654 = arith.constant 0 : i32
    %dma_start3A_655 = arith.constant 0 : i32
    %dma_start3A_656 = tpu.memref_slice %dma_start3A_653[%dma_start3A_654, %dma_start3A_655] : memref<32x64xf32, #tpu.memory_space<vmem>> -> memref<24x64xf32, #tpu.memory_space<vmem>>
    %dma_start3A_657 = arith.constant 0 : i32
    %dma_start3A_658 = tpu.memref_slice %arg13[%mul3A_629, %dma_start3A_657] : memref<3072x64xf32, #tpu.memory_space<hbm>> -> memref<24x64xf32, #tpu.memory_space<hbm>>
    %dma_start3A_659 = arith.constant 0 : i32
    %dma_start3A_660 = tpu.memref_slice %arg13[%mul3A_629, %dma_start3A_659] : memref<3072x64xf32, #tpu.memory_space<hbm>> -> memref<24x64xf32, #tpu.memory_space<hbm>>
    %dma_start3A_661 = arith.constant 0 : i32
    %dma_start3A_662 = arith.constant 0 : i32
    %dma_start3A_663 = tpu.memref_slice %arg19[%dma_start3A_649, %dma_start3A_661, %dma_start3A_662] : memref<4x32x64xf32, #tpu.memory_space<vmem>> -> memref<1x32x64xf32, #tpu.memory_space<vmem>>
    %dma_start3A_664 = tpu.memref_squeeze %dma_start3A_663 : memref<1x32x64xf32, #tpu.memory_space<vmem>> -> memref<32x64xf32, #tpu.memory_space<vmem>>
    %dma_start3A_665 = arith.constant 0 : i32
    %dma_start3A_666 = arith.constant 0 : i32
    %dma_start3A_667 = tpu.memref_slice %dma_start3A_664[%dma_start3A_665, %dma_start3A_666] : memref<32x64xf32, #tpu.memory_space<vmem>> -> memref<24x64xf32, #tpu.memory_space<vmem>>
    tpu.enqueue_dma source(%dma_start3A_667 : memref<24x64xf32, #tpu.memory_space<vmem>>) target(%dma_start3A_660 : memref<24x64xf32, #tpu.memory_space<hbm>>) target_semaphore(%arg22 : memref<!tpu.dma_semaphore, #tpu.memory_space<semaphore_mem>>)
    %dma_wait3A_668 = arith.constant 2 : i32
    %dma_wait3A_669 = arith.constant 2 : i32
    %dma_wait3A_670 = arith.constant 0 : i32
    %dma_wait3A_671 = arith.constant 0 : i32
    %dma_wait3A_672 = tpu.memref_slice %arg18[%dma_wait3A_669, %dma_wait3A_670, %dma_wait3A_671] : memref<4x32x64xf32, #tpu.memory_space<vmem>> -> memref<1x32x64xf32, #tpu.memory_space<vmem>>
    %dma_wait3A_673 = tpu.memref_squeeze %dma_wait3A_672 : memref<1x32x64xf32, #tpu.memory_space<vmem>> -> memref<32x64xf32, #tpu.memory_space<vmem>>
    %dma_wait3A_674 = arith.constant 0 : i32
    %dma_wait3A_675 = tpu.memref_slice %arg16[%dma_wait3A_668, %dma_wait3A_674] : memref<4x32xi32, #tpu.memory_space<vmem>> -> memref<1x32xi32, #tpu.memory_space<vmem>>
    %dma_wait3A_676 = tpu.memref_squeeze %dma_wait3A_675 : memref<1x32xi32, #tpu.memory_space<vmem>> -> memref<32xi32, #tpu.memory_space<vmem>>
    %dma_wait3A_677 = arith.constant 0 : i32
    %dma_wait3A_678 = arith.constant 0 : i32
    %dma_wait3A_679 = tpu.memref_slice %arg10[%dma_wait3A_677, %dma_wait3A_678] : memref<32768x64xf32, #tpu.memory_space<hbm>> -> memref<32768x64xf32, #tpu.memory_space<hbm>>
    tpu.wait_indirect_dma semaphore(%arg21 : memref<!tpu.dma_semaphore, #tpu.memory_space<semaphore_mem>>) src(%dma_wait3A_679 : memref<32768x64xf32, #tpu.memory_space<hbm>>) dst(%dma_wait3A_673 : memref<32x64xf32, #tpu.memory_space<vmem>>)
    %dma_wait3A_680 = arith.constant 2 : i32
    %dma_wait3A_681 = arith.constant 2 : i32
    %dma_wait3A_682 = arith.constant 0 : i32
    %dma_wait3A_683 = arith.constant 0 : i32
    %dma_wait3A_684 = tpu.memref_slice %arg19[%dma_wait3A_681, %dma_wait3A_682, %dma_wait3A_683] : memref<4x32x64xf32, #tpu.memory_space<vmem>> -> memref<1x32x64xf32, #tpu.memory_space<vmem>>
    %dma_wait3A_685 = tpu.memref_squeeze %dma_wait3A_684 : memref<1x32x64xf32, #tpu.memory_space<vmem>> -> memref<32x64xf32, #tpu.memory_space<vmem>>
    %dma_wait3A_686 = arith.constant 0 : i32
    %dma_wait3A_687 = tpu.memref_slice %arg17[%dma_wait3A_680, %dma_wait3A_686] : memref<4x32xi32, #tpu.memory_space<vmem>> -> memref<1x32xi32, #tpu.memory_space<vmem>>
    %dma_wait3A_688 = tpu.memref_squeeze %dma_wait3A_687 : memref<1x32xi32, #tpu.memory_space<vmem>> -> memref<32xi32, #tpu.memory_space<vmem>>
    %dma_wait3A_689 = arith.constant 0 : i32
    %dma_wait3A_690 = arith.constant 0 : i32
    %dma_wait3A_691 = tpu.memref_slice %arg11[%dma_wait3A_689, %dma_wait3A_690] : memref<32768x64xf32, #tpu.memory_space<hbm>> -> memref<32768x64xf32, #tpu.memory_space<hbm>>
    tpu.wait_indirect_dma semaphore(%arg21 : memref<!tpu.dma_semaphore, #tpu.memory_space<semaphore_mem>>) src(%dma_wait3A_691 : memref<32768x64xf32, #tpu.memory_space<hbm>>) dst(%dma_wait3A_685 : memref<32x64xf32, #tpu.memory_space<vmem>>)
    %add3A_692 = arith.constant 64 : i32
    %add3A_693 = arith.addi %add3A_692, %add3A : i32
    %mul3A_694 = arith.constant 24 : i32
    %mul3A_695 = arith.muli %add3A_693, %mul3A_694 : i32
    %dma_start3A_696 = arith.constant 2 : i32
    %dma_start3A_697 = arith.constant 0 : i32
    %dma_start3A_698 = arith.constant 0 : i32
    %dma_start3A_699 = tpu.memref_slice %arg18[%dma_start3A_696, %dma_start3A_697, %dma_start3A_698] : memref<4x32x64xf32, #tpu.memory_space<vmem>> -> memref<1x32x64xf32, #tpu.memory_space<vmem>>
    %dma_start3A_700 = tpu.memref_squeeze %dma_start3A_699 : memref<1x32x64xf32, #tpu.memory_space<vmem>> -> memref<32x64xf32, #tpu.memory_space<vmem>>
    %dma_start3A_701 = arith.constant 0 : i32
    %dma_start3A_702 = arith.constant 0 : i32
    %dma_start3A_703 = tpu.memref_slice %dma_start3A_700[%dma_start3A_701, %dma_start3A_702] : memref<32x64xf32, #tpu.memory_space<vmem>> -> memref<24x64xf32, #tpu.memory_space<vmem>>
    %dma_start3A_704 = arith.constant 0 : i32
    %dma_start3A_705 = tpu.memref_slice %arg12[%mul3A_695, %dma_start3A_704] : memref<3072x64xf32, #tpu.memory_space<hbm>> -> memref<24x64xf32, #tpu.memory_space<hbm>>
    %dma_start3A_706 = arith.constant 0 : i32
    %dma_start3A_707 = tpu.memref_slice %arg12[%mul3A_695, %dma_start3A_706] : memref<3072x64xf32, #tpu.memory_space<hbm>> -> memref<24x64xf32, #tpu.memory_space<hbm>>
    %dma_start3A_708 = arith.constant 0 : i32
    %dma_start3A_709 = arith.constant 0 : i32
    %dma_start3A_710 = tpu.memref_slice %arg18[%dma_start3A_696, %dma_start3A_708, %dma_start3A_709] : memref<4x32x64xf32, #tpu.memory_space<vmem>> -> memref<1x32x64xf32, #tpu.memory_space<vmem>>
    %dma_start3A_711 = tpu.memref_squeeze %dma_start3A_710 : memref<1x32x64xf32, #tpu.memory_space<vmem>> -> memref<32x64xf32, #tpu.memory_space<vmem>>
    %dma_start3A_712 = arith.constant 0 : i32
    %dma_start3A_713 = arith.constant 0 : i32
    %dma_start3A_714 = tpu.memref_slice %dma_start3A_711[%dma_start3A_712, %dma_start3A_713] : memref<32x64xf32, #tpu.memory_space<vmem>> -> memref<24x64xf32, #tpu.memory_space<vmem>>
    tpu.enqueue_dma source(%dma_start3A_714 : memref<24x64xf32, #tpu.memory_space<vmem>>) target(%dma_start3A_707 : memref<24x64xf32, #tpu.memory_space<hbm>>) target_semaphore(%arg22 : memref<!tpu.dma_semaphore, #tpu.memory_space<semaphore_mem>>)
    %dma_start3A_715 = arith.constant 2 : i32
    %dma_start3A_716 = arith.constant 0 : i32
    %dma_start3A_717 = arith.constant 0 : i32
    %dma_start3A_718 = tpu.memref_slice %arg19[%dma_start3A_715, %dma_start3A_716, %dma_start3A_717] : memref<4x32x64xf32, #tpu.memory_space<vmem>> -> memref<1x32x64xf32, #tpu.memory_space<vmem>>
    %dma_start3A_719 = tpu.memref_squeeze %dma_start3A_718 : memref<1x32x64xf32, #tpu.memory_space<vmem>> -> memref<32x64xf32, #tpu.memory_space<vmem>>
    %dma_start3A_720 = arith.constant 0 : i32
    %dma_start3A_721 = arith.constant 0 : i32
    %dma_start3A_722 = tpu.memref_slice %dma_start3A_719[%dma_start3A_720, %dma_start3A_721] : memref<32x64xf32, #tpu.memory_space<vmem>> -> memref<24x64xf32, #tpu.memory_space<vmem>>
    %dma_start3A_723 = arith.constant 0 : i32
    %dma_start3A_724 = tpu.memref_slice %arg13[%mul3A_695, %dma_start3A_723] : memref<3072x64xf32, #tpu.memory_space<hbm>> -> memref<24x64xf32, #tpu.memory_space<hbm>>
    %dma_start3A_725 = arith.constant 0 : i32
    %dma_start3A_726 = tpu.memref_slice %arg13[%mul3A_695, %dma_start3A_725] : memref<3072x64xf32, #tpu.memory_space<hbm>> -> memref<24x64xf32, #tpu.memory_space<hbm>>
    %dma_start3A_727 = arith.constant 0 : i32
    %dma_start3A_728 = arith.constant 0 : i32
    %dma_start3A_729 = tpu.memref_slice %arg19[%dma_start3A_715, %dma_start3A_727, %dma_start3A_728] : memref<4x32x64xf32, #tpu.memory_space<vmem>> -> memref<1x32x64xf32, #tpu.memory_space<vmem>>
    %dma_start3A_730 = tpu.memref_squeeze %dma_start3A_729 : memref<1x32x64xf32, #tpu.memory_space<vmem>> -> memref<32x64xf32, #tpu.memory_space<vmem>>
    %dma_start3A_731 = arith.constant 0 : i32
    %dma_start3A_732 = arith.constant 0 : i32
    %dma_start3A_733 = tpu.memref_slice %dma_start3A_730[%dma_start3A_731, %dma_start3A_732] : memref<32x64xf32, #tpu.memory_space<vmem>> -> memref<24x64xf32, #tpu.memory_space<vmem>>
    tpu.enqueue_dma source(%dma_start3A_733 : memref<24x64xf32, #tpu.memory_space<vmem>>) target(%dma_start3A_726 : memref<24x64xf32, #tpu.memory_space<hbm>>) target_semaphore(%arg22 : memref<!tpu.dma_semaphore, #tpu.memory_space<semaphore_mem>>)
    %dma_wait3A_734 = arith.constant 3 : i32
    %dma_wait3A_735 = arith.constant 3 : i32
    %dma_wait3A_736 = arith.constant 0 : i32
    %dma_wait3A_737 = arith.constant 0 : i32
    %dma_wait3A_738 = tpu.memref_slice %arg18[%dma_wait3A_735, %dma_wait3A_736, %dma_wait3A_737] : memref<4x32x64xf32, #tpu.memory_space<vmem>> -> memref<1x32x64xf32, #tpu.memory_space<vmem>>
    %dma_wait3A_739 = tpu.memref_squeeze %dma_wait3A_738 : memref<1x32x64xf32, #tpu.memory_space<vmem>> -> memref<32x64xf32, #tpu.memory_space<vmem>>
    %dma_wait3A_740 = arith.constant 0 : i32
    %dma_wait3A_741 = tpu.memref_slice %arg16[%dma_wait3A_734, %dma_wait3A_740] : memref<4x32xi32, #tpu.memory_space<vmem>> -> memref<1x32xi32, #tpu.memory_space<vmem>>
    %dma_wait3A_742 = tpu.memref_squeeze %dma_wait3A_741 : memref<1x32xi32, #tpu.memory_space<vmem>> -> memref<32xi32, #tpu.memory_space<vmem>>
    %dma_wait3A_743 = arith.constant 0 : i32
    %dma_wait3A_744 = arith.constant 0 : i32
    %dma_wait3A_745 = tpu.memref_slice %arg11[%dma_wait3A_743, %dma_wait3A_744] : memref<32768x64xf32, #tpu.memory_space<hbm>> -> memref<32768x64xf32, #tpu.memory_space<hbm>>
    tpu.wait_indirect_dma semaphore(%arg21 : memref<!tpu.dma_semaphore, #tpu.memory_space<semaphore_mem>>) src(%dma_wait3A_745 : memref<32768x64xf32, #tpu.memory_space<hbm>>) dst(%dma_wait3A_739 : memref<32x64xf32, #tpu.memory_space<vmem>>)
    %dma_wait3A_746 = arith.constant 3 : i32
    %dma_wait3A_747 = arith.constant 3 : i32
    %dma_wait3A_748 = arith.constant 0 : i32
    %dma_wait3A_749 = arith.constant 0 : i32
    %dma_wait3A_750 = tpu.memref_slice %arg19[%dma_wait3A_747, %dma_wait3A_748, %dma_wait3A_749] : memref<4x32x64xf32, #tpu.memory_space<vmem>> -> memref<1x32x64xf32, #tpu.memory_space<vmem>>
    %dma_wait3A_751 = tpu.memref_squeeze %dma_wait3A_750 : memref<1x32x64xf32, #tpu.memory_space<vmem>> -> memref<32x64xf32, #tpu.memory_space<vmem>>
    %dma_wait3A_752 = arith.constant 0 : i32
    %dma_wait3A_753 = tpu.memref_slice %arg17[%dma_wait3A_746, %dma_wait3A_752] : memref<4x32xi32, #tpu.memory_space<vmem>> -> memref<1x32xi32, #tpu.memory_space<vmem>>
    %dma_wait3A_754 = tpu.memref_squeeze %dma_wait3A_753 : memref<1x32xi32, #tpu.memory_space<vmem>> -> memref<32xi32, #tpu.memory_space<vmem>>
    %dma_wait3A_755 = arith.constant 0 : i32
    %dma_wait3A_756 = arith.constant 0 : i32
    %dma_wait3A_757 = tpu.memref_slice %arg10[%dma_wait3A_755, %dma_wait3A_756] : memref<32768x64xf32, #tpu.memory_space<hbm>> -> memref<32768x64xf32, #tpu.memory_space<hbm>>
    tpu.wait_indirect_dma semaphore(%arg21 : memref<!tpu.dma_semaphore, #tpu.memory_space<semaphore_mem>>) src(%dma_wait3A_757 : memref<32768x64xf32, #tpu.memory_space<hbm>>) dst(%dma_wait3A_751 : memref<32x64xf32, #tpu.memory_space<vmem>>)
    %add3A_758 = arith.constant 96 : i32
    %add3A_759 = arith.addi %add3A_758, %add3A : i32
    %mul3A_760 = arith.constant 24 : i32
    %mul3A_761 = arith.muli %add3A_759, %mul3A_760 : i32
    %dma_start3A_762 = arith.constant 3 : i32
    %dma_start3A_763 = arith.constant 0 : i32
    %dma_start3A_764 = arith.constant 0 : i32
    %dma_start3A_765 = tpu.memref_slice %arg18[%dma_start3A_762, %dma_start3A_763, %dma_start3A_764] : memref<4x32x64xf32, #tpu.memory_space<vmem>> -> memref<1x32x64xf32, #tpu.memory_space<vmem>>
    %dma_start3A_766 = tpu.memref_squeeze %dma_start3A_765 : memref<1x32x64xf32, #tpu.memory_space<vmem>> -> memref<32x64xf32, #tpu.memory_space<vmem>>
    %dma_start3A_767 = arith.constant 0 : i32
    %dma_start3A_768 = arith.constant 0 : i32
    %dma_start3A_769 = tpu.memref_slice %dma_start3A_766[%dma_start3A_767, %dma_start3A_768] : memref<32x64xf32, #tpu.memory_space<vmem>> -> memref<24x64xf32, #tpu.memory_space<vmem>>
    %dma_start3A_770 = arith.constant 0 : i32
    %dma_start3A_771 = tpu.memref_slice %arg12[%mul3A_761, %dma_start3A_770] : memref<3072x64xf32, #tpu.memory_space<hbm>> -> memref<24x64xf32, #tpu.memory_space<hbm>>
    %dma_start3A_772 = arith.constant 0 : i32
    %dma_start3A_773 = tpu.memref_slice %arg12[%mul3A_761, %dma_start3A_772] : memref<3072x64xf32, #tpu.memory_space<hbm>> -> memref<24x64xf32, #tpu.memory_space<hbm>>
    %dma_start3A_774 = arith.constant 0 : i32
    %dma_start3A_775 = arith.constant 0 : i32
    %dma_start3A_776 = tpu.memref_slice %arg18[%dma_start3A_762, %dma_start3A_774, %dma_start3A_775] : memref<4x32x64xf32, #tpu.memory_space<vmem>> -> memref<1x32x64xf32, #tpu.memory_space<vmem>>
    %dma_start3A_777 = tpu.memref_squeeze %dma_start3A_776 : memref<1x32x64xf32, #tpu.memory_space<vmem>> -> memref<32x64xf32, #tpu.memory_space<vmem>>
    %dma_start3A_778 = arith.constant 0 : i32
    %dma_start3A_779 = arith.constant 0 : i32
    %dma_start3A_780 = tpu.memref_slice %dma_start3A_777[%dma_start3A_778, %dma_start3A_779] : memref<32x64xf32, #tpu.memory_space<vmem>> -> memref<24x64xf32, #tpu.memory_space<vmem>>
    tpu.enqueue_dma source(%dma_start3A_780 : memref<24x64xf32, #tpu.memory_space<vmem>>) target(%dma_start3A_773 : memref<24x64xf32, #tpu.memory_space<hbm>>) target_semaphore(%arg22 : memref<!tpu.dma_semaphore, #tpu.memory_space<semaphore_mem>>)
    %dma_start3A_781 = arith.constant 3 : i32
    %dma_start3A_782 = arith.constant 0 : i32
    %dma_start3A_783 = arith.constant 0 : i32
    %dma_start3A_784 = tpu.memref_slice %arg19[%dma_start3A_781, %dma_start3A_782, %dma_start3A_783] : memref<4x32x64xf32, #tpu.memory_space<vmem>> -> memref<1x32x64xf32, #tpu.memory_space<vmem>>
    %dma_start3A_785 = tpu.memref_squeeze %dma_start3A_784 : memref<1x32x64xf32, #tpu.memory_space<vmem>> -> memref<32x64xf32, #tpu.memory_space<vmem>>
    %dma_start3A_786 = arith.constant 0 : i32
    %dma_start3A_787 = arith.constant 0 : i32
    %dma_start3A_788 = tpu.memref_slice %dma_start3A_785[%dma_start3A_786, %dma_start3A_787] : memref<32x64xf32, #tpu.memory_space<vmem>> -> memref<24x64xf32, #tpu.memory_space<vmem>>
    %dma_start3A_789 = arith.constant 0 : i32
    %dma_start3A_790 = tpu.memref_slice %arg13[%mul3A_761, %dma_start3A_789] : memref<3072x64xf32, #tpu.memory_space<hbm>> -> memref<24x64xf32, #tpu.memory_space<hbm>>
    %dma_start3A_791 = arith.constant 0 : i32
    %dma_start3A_792 = tpu.memref_slice %arg13[%mul3A_761, %dma_start3A_791] : memref<3072x64xf32, #tpu.memory_space<hbm>> -> memref<24x64xf32, #tpu.memory_space<hbm>>
    %dma_start3A_793 = arith.constant 0 : i32
    %dma_start3A_794 = arith.constant 0 : i32
    %dma_start3A_795 = tpu.memref_slice %arg19[%dma_start3A_781, %dma_start3A_793, %dma_start3A_794] : memref<4x32x64xf32, #tpu.memory_space<vmem>> -> memref<1x32x64xf32, #tpu.memory_space<vmem>>
    %dma_start3A_796 = tpu.memref_squeeze %dma_start3A_795 : memref<1x32x64xf32, #tpu.memory_space<vmem>> -> memref<32x64xf32, #tpu.memory_space<vmem>>
    %dma_start3A_797 = arith.constant 0 : i32
    %dma_start3A_798 = arith.constant 0 : i32
    %dma_start3A_799 = tpu.memref_slice %dma_start3A_796[%dma_start3A_797, %dma_start3A_798] : memref<32x64xf32, #tpu.memory_space<vmem>> -> memref<24x64xf32, #tpu.memory_space<vmem>>
    tpu.enqueue_dma source(%dma_start3A_799 : memref<24x64xf32, #tpu.memory_space<vmem>>) target(%dma_start3A_792 : memref<24x64xf32, #tpu.memory_space<hbm>>) target_semaphore(%arg22 : memref<!tpu.dma_semaphore, #tpu.memory_space<semaphore_mem>>)
    %dma_wait3A_800 = arith.constant 0 : i32
    %dma_wait3A_801 = arith.constant 0 : i32
    %dma_wait3A_802 = arith.constant 0 : i32
    %dma_wait3A_803 = tpu.memref_slice %arg18[%dma_wait3A_800, %dma_wait3A_801, %dma_wait3A_802] : memref<4x32x64xf32, #tpu.memory_space<vmem>> -> memref<1x32x64xf32, #tpu.memory_space<vmem>>
    %dma_wait3A_804 = tpu.memref_squeeze %dma_wait3A_803 : memref<1x32x64xf32, #tpu.memory_space<vmem>> -> memref<32x64xf32, #tpu.memory_space<vmem>>
    %dma_wait3A_805 = arith.constant 0 : i32
    %dma_wait3A_806 = arith.constant 0 : i32
    %dma_wait3A_807 = tpu.memref_slice %dma_wait3A_804[%dma_wait3A_805, %dma_wait3A_806] : memref<32x64xf32, #tpu.memory_space<vmem>> -> memref<24x64xf32, #tpu.memory_space<vmem>>
    %dma_wait3A_808 = arith.constant 0 : i32
    %dma_wait3A_809 = tpu.memref_slice %arg12[%mul3A_563, %dma_wait3A_808] : memref<3072x64xf32, #tpu.memory_space<hbm>> -> memref<24x64xf32, #tpu.memory_space<hbm>>
    %dma_wait3A_810 = arith.constant 0 : i32
    %dma_wait3A_811 = tpu.memref_slice %arg12[%mul3A_563, %dma_wait3A_810] : memref<3072x64xf32, #tpu.memory_space<hbm>> -> memref<24x64xf32, #tpu.memory_space<hbm>>
    %dma_wait3A_812 = arith.constant 0 : i32
    %dma_wait3A_813 = arith.constant 0 : i32
    %dma_wait3A_814 = tpu.memref_slice %arg18[%dma_wait3A_800, %dma_wait3A_812, %dma_wait3A_813] : memref<4x32x64xf32, #tpu.memory_space<vmem>> -> memref<1x32x64xf32, #tpu.memory_space<vmem>>
    %dma_wait3A_815 = tpu.memref_squeeze %dma_wait3A_814 : memref<1x32x64xf32, #tpu.memory_space<vmem>> -> memref<32x64xf32, #tpu.memory_space<vmem>>
    %dma_wait3A_816 = arith.constant 0 : i32
    %dma_wait3A_817 = arith.constant 0 : i32
    %dma_wait3A_818 = tpu.memref_slice %dma_wait3A_815[%dma_wait3A_816, %dma_wait3A_817] : memref<32x64xf32, #tpu.memory_space<vmem>> -> memref<24x64xf32, #tpu.memory_space<vmem>>
    tpu.wait_dma2 semaphore(%arg22 : memref<!tpu.dma_semaphore, #tpu.memory_space<semaphore_mem>>) src(%dma_wait3A_818 : memref<24x64xf32, #tpu.memory_space<vmem>>) dst(%dma_wait3A_811 : memref<24x64xf32, #tpu.memory_space<hbm>>)
    %dma_wait3A_819 = arith.constant 0 : i32
    %dma_wait3A_820 = arith.constant 0 : i32
    %dma_wait3A_821 = arith.constant 0 : i32
    %dma_wait3A_822 = tpu.memref_slice %arg19[%dma_wait3A_819, %dma_wait3A_820, %dma_wait3A_821] : memref<4x32x64xf32, #tpu.memory_space<vmem>> -> memref<1x32x64xf32, #tpu.memory_space<vmem>>
    %dma_wait3A_823 = tpu.memref_squeeze %dma_wait3A_822 : memref<1x32x64xf32, #tpu.memory_space<vmem>> -> memref<32x64xf32, #tpu.memory_space<vmem>>
    %dma_wait3A_824 = arith.constant 0 : i32
    %dma_wait3A_825 = arith.constant 0 : i32
    %dma_wait3A_826 = tpu.memref_slice %dma_wait3A_823[%dma_wait3A_824, %dma_wait3A_825] : memref<32x64xf32, #tpu.memory_space<vmem>> -> memref<24x64xf32, #tpu.memory_space<vmem>>
    %dma_wait3A_827 = arith.constant 0 : i32
    %dma_wait3A_828 = tpu.memref_slice %arg13[%mul3A_563, %dma_wait3A_827] : memref<3072x64xf32, #tpu.memory_space<hbm>> -> memref<24x64xf32, #tpu.memory_space<hbm>>
    %dma_wait3A_829 = arith.constant 0 : i32
    %dma_wait3A_830 = tpu.memref_slice %arg13[%mul3A_563, %dma_wait3A_829] : memref<3072x64xf32, #tpu.memory_space<hbm>> -> memref<24x64xf32, #tpu.memory_space<hbm>>
    %dma_wait3A_831 = arith.constant 0 : i32
    %dma_wait3A_832 = arith.constant 0 : i32
    %dma_wait3A_833 = tpu.memref_slice %arg19[%dma_wait3A_819, %dma_wait3A_831, %dma_wait3A_832] : memref<4x32x64xf32, #tpu.memory_space<vmem>> -> memref<1x32x64xf32, #tpu.memory_space<vmem>>
    %dma_wait3A_834 = tpu.memref_squeeze %dma_wait3A_833 : memref<1x32x64xf32, #tpu.memory_space<vmem>> -> memref<32x64xf32, #tpu.memory_space<vmem>>
    %dma_wait3A_835 = arith.constant 0 : i32
    %dma_wait3A_836 = arith.constant 0 : i32
    %dma_wait3A_837 = tpu.memref_slice %dma_wait3A_834[%dma_wait3A_835, %dma_wait3A_836] : memref<32x64xf32, #tpu.memory_space<vmem>> -> memref<24x64xf32, #tpu.memory_space<vmem>>
    tpu.wait_dma2 semaphore(%arg22 : memref<!tpu.dma_semaphore, #tpu.memory_space<semaphore_mem>>) src(%dma_wait3A_837 : memref<24x64xf32, #tpu.memory_space<vmem>>) dst(%dma_wait3A_830 : memref<24x64xf32, #tpu.memory_space<hbm>>)
    %dma_wait3A_838 = arith.constant 1 : i32
    %dma_wait3A_839 = arith.constant 0 : i32
    %dma_wait3A_840 = arith.constant 0 : i32
    %dma_wait3A_841 = tpu.memref_slice %arg18[%dma_wait3A_838, %dma_wait3A_839, %dma_wait3A_840] : memref<4x32x64xf32, #tpu.memory_space<vmem>> -> memref<1x32x64xf32, #tpu.memory_space<vmem>>
    %dma_wait3A_842 = tpu.memref_squeeze %dma_wait3A_841 : memref<1x32x64xf32, #tpu.memory_space<vmem>> -> memref<32x64xf32, #tpu.memory_space<vmem>>
    %dma_wait3A_843 = arith.constant 0 : i32
    %dma_wait3A_844 = arith.constant 0 : i32
    %dma_wait3A_845 = tpu.memref_slice %dma_wait3A_842[%dma_wait3A_843, %dma_wait3A_844] : memref<32x64xf32, #tpu.memory_space<vmem>> -> memref<24x64xf32, #tpu.memory_space<vmem>>
    %dma_wait3A_846 = arith.constant 0 : i32
    %dma_wait3A_847 = tpu.memref_slice %arg12[%mul3A_629, %dma_wait3A_846] : memref<3072x64xf32, #tpu.memory_space<hbm>> -> memref<24x64xf32, #tpu.memory_space<hbm>>
    %dma_wait3A_848 = arith.constant 0 : i32
    %dma_wait3A_849 = tpu.memref_slice %arg12[%mul3A_629, %dma_wait3A_848] : memref<3072x64xf32, #tpu.memory_space<hbm>> -> memref<24x64xf32, #tpu.memory_space<hbm>>
    %dma_wait3A_850 = arith.constant 0 : i32
    %dma_wait3A_851 = arith.constant 0 : i32
    %dma_wait3A_852 = tpu.memref_slice %arg18[%dma_wait3A_838, %dma_wait3A_850, %dma_wait3A_851] : memref<4x32x64xf32, #tpu.memory_space<vmem>> -> memref<1x32x64xf32, #tpu.memory_space<vmem>>
    %dma_wait3A_853 = tpu.memref_squeeze %dma_wait3A_852 : memref<1x32x64xf32, #tpu.memory_space<vmem>> -> memref<32x64xf32, #tpu.memory_space<vmem>>
    %dma_wait3A_854 = arith.constant 0 : i32
    %dma_wait3A_855 = arith.constant 0 : i32
    %dma_wait3A_856 = tpu.memref_slice %dma_wait3A_853[%dma_wait3A_854, %dma_wait3A_855] : memref<32x64xf32, #tpu.memory_space<vmem>> -> memref<24x64xf32, #tpu.memory_space<vmem>>
    tpu.wait_dma2 semaphore(%arg22 : memref<!tpu.dma_semaphore, #tpu.memory_space<semaphore_mem>>) src(%dma_wait3A_856 : memref<24x64xf32, #tpu.memory_space<vmem>>) dst(%dma_wait3A_849 : memref<24x64xf32, #tpu.memory_space<hbm>>)
    %dma_wait3A_857 = arith.constant 1 : i32
    %dma_wait3A_858 = arith.constant 0 : i32
    %dma_wait3A_859 = arith.constant 0 : i32
    %dma_wait3A_860 = tpu.memref_slice %arg19[%dma_wait3A_857, %dma_wait3A_858, %dma_wait3A_859] : memref<4x32x64xf32, #tpu.memory_space<vmem>> -> memref<1x32x64xf32, #tpu.memory_space<vmem>>
    %dma_wait3A_861 = tpu.memref_squeeze %dma_wait3A_860 : memref<1x32x64xf32, #tpu.memory_space<vmem>> -> memref<32x64xf32, #tpu.memory_space<vmem>>
    %dma_wait3A_862 = arith.constant 0 : i32
    %dma_wait3A_863 = arith.constant 0 : i32
    %dma_wait3A_864 = tpu.memref_slice %dma_wait3A_861[%dma_wait3A_862, %dma_wait3A_863] : memref<32x64xf32, #tpu.memory_space<vmem>> -> memref<24x64xf32, #tpu.memory_space<vmem>>
    %dma_wait3A_865 = arith.constant 0 : i32
    %dma_wait3A_866 = tpu.memref_slice %arg13[%mul3A_629, %dma_wait3A_865] : memref<3072x64xf32, #tpu.memory_space<hbm>> -> memref<24x64xf32, #tpu.memory_space<hbm>>
    %dma_wait3A_867 = arith.constant 0 : i32
    %dma_wait3A_868 = tpu.memref_slice %arg13[%mul3A_629, %dma_wait3A_867] : memref<3072x64xf32, #tpu.memory_space<hbm>> -> memref<24x64xf32, #tpu.memory_space<hbm>>
    %dma_wait3A_869 = arith.constant 0 : i32
    %dma_wait3A_870 = arith.constant 0 : i32
    %dma_wait3A_871 = tpu.memref_slice %arg19[%dma_wait3A_857, %dma_wait3A_869, %dma_wait3A_870] : memref<4x32x64xf32, #tpu.memory_space<vmem>> -> memref<1x32x64xf32, #tpu.memory_space<vmem>>
    %dma_wait3A_872 = tpu.memref_squeeze %dma_wait3A_871 : memref<1x32x64xf32, #tpu.memory_space<vmem>> -> memref<32x64xf32, #tpu.memory_space<vmem>>
    %dma_wait3A_873 = arith.constant 0 : i32
    %dma_wait3A_874 = arith.constant 0 : i32
    %dma_wait3A_875 = tpu.memref_slice %dma_wait3A_872[%dma_wait3A_873, %dma_wait3A_874] : memref<32x64xf32, #tpu.memory_space<vmem>> -> memref<24x64xf32, #tpu.memory_space<vmem>>
    tpu.wait_dma2 semaphore(%arg22 : memref<!tpu.dma_semaphore, #tpu.memory_space<semaphore_mem>>) src(%dma_wait3A_875 : memref<24x64xf32, #tpu.memory_space<vmem>>) dst(%dma_wait3A_868 : memref<24x64xf32, #tpu.memory_space<hbm>>)
    %dma_wait3A_876 = arith.constant 2 : i32
    %dma_wait3A_877 = arith.constant 0 : i32
    %dma_wait3A_878 = arith.constant 0 : i32
    %dma_wait3A_879 = tpu.memref_slice %arg18[%dma_wait3A_876, %dma_wait3A_877, %dma_wait3A_878] : memref<4x32x64xf32, #tpu.memory_space<vmem>> -> memref<1x32x64xf32, #tpu.memory_space<vmem>>
    %dma_wait3A_880 = tpu.memref_squeeze %dma_wait3A_879 : memref<1x32x64xf32, #tpu.memory_space<vmem>> -> memref<32x64xf32, #tpu.memory_space<vmem>>
    %dma_wait3A_881 = arith.constant 0 : i32
    %dma_wait3A_882 = arith.constant 0 : i32
    %dma_wait3A_883 = tpu.memref_slice %dma_wait3A_880[%dma_wait3A_881, %dma_wait3A_882] : memref<32x64xf32, #tpu.memory_space<vmem>> -> memref<24x64xf32, #tpu.memory_space<vmem>>
    %dma_wait3A_884 = arith.constant 0 : i32
    %dma_wait3A_885 = tpu.memref_slice %arg12[%mul3A_695, %dma_wait3A_884] : memref<3072x64xf32, #tpu.memory_space<hbm>> -> memref<24x64xf32, #tpu.memory_space<hbm>>
    %dma_wait3A_886 = arith.constant 0 : i32
    %dma_wait3A_887 = tpu.memref_slice %arg12[%mul3A_695, %dma_wait3A_886] : memref<3072x64xf32, #tpu.memory_space<hbm>> -> memref<24x64xf32, #tpu.memory_space<hbm>>
    %dma_wait3A_888 = arith.constant 0 : i32
    %dma_wait3A_889 = arith.constant 0 : i32
    %dma_wait3A_890 = tpu.memref_slice %arg18[%dma_wait3A_876, %dma_wait3A_888, %dma_wait3A_889] : memref<4x32x64xf32, #tpu.memory_space<vmem>> -> memref<1x32x64xf32, #tpu.memory_space<vmem>>
    %dma_wait3A_891 = tpu.memref_squeeze %dma_wait3A_890 : memref<1x32x64xf32, #tpu.memory_space<vmem>> -> memref<32x64xf32, #tpu.memory_space<vmem>>
    %dma_wait3A_892 = arith.constant 0 : i32
    %dma_wait3A_893 = arith.constant 0 : i32
    %dma_wait3A_894 = tpu.memref_slice %dma_wait3A_891[%dma_wait3A_892, %dma_wait3A_893] : memref<32x64xf32, #tpu.memory_space<vmem>> -> memref<24x64xf32, #tpu.memory_space<vmem>>
    tpu.wait_dma2 semaphore(%arg22 : memref<!tpu.dma_semaphore, #tpu.memory_space<semaphore_mem>>) src(%dma_wait3A_894 : memref<24x64xf32, #tpu.memory_space<vmem>>) dst(%dma_wait3A_887 : memref<24x64xf32, #tpu.memory_space<hbm>>)
    %dma_wait3A_895 = arith.constant 2 : i32
    %dma_wait3A_896 = arith.constant 0 : i32
    %dma_wait3A_897 = arith.constant 0 : i32
    %dma_wait3A_898 = tpu.memref_slice %arg19[%dma_wait3A_895, %dma_wait3A_896, %dma_wait3A_897] : memref<4x32x64xf32, #tpu.memory_space<vmem>> -> memref<1x32x64xf32, #tpu.memory_space<vmem>>
    %dma_wait3A_899 = tpu.memref_squeeze %dma_wait3A_898 : memref<1x32x64xf32, #tpu.memory_space<vmem>> -> memref<32x64xf32, #tpu.memory_space<vmem>>
    %dma_wait3A_900 = arith.constant 0 : i32
    %dma_wait3A_901 = arith.constant 0 : i32
    %dma_wait3A_902 = tpu.memref_slice %dma_wait3A_899[%dma_wait3A_900, %dma_wait3A_901] : memref<32x64xf32, #tpu.memory_space<vmem>> -> memref<24x64xf32, #tpu.memory_space<vmem>>
    %dma_wait3A_903 = arith.constant 0 : i32
    %dma_wait3A_904 = tpu.memref_slice %arg13[%mul3A_695, %dma_wait3A_903] : memref<3072x64xf32, #tpu.memory_space<hbm>> -> memref<24x64xf32, #tpu.memory_space<hbm>>
    %dma_wait3A_905 = arith.constant 0 : i32
    %dma_wait3A_906 = tpu.memref_slice %arg13[%mul3A_695, %dma_wait3A_905] : memref<3072x64xf32, #tpu.memory_space<hbm>> -> memref<24x64xf32, #tpu.memory_space<hbm>>
    %dma_wait3A_907 = arith.constant 0 : i32
    %dma_wait3A_908 = arith.constant 0 : i32
    %dma_wait3A_909 = tpu.memref_slice %arg19[%dma_wait3A_895, %dma_wait3A_907, %dma_wait3A_908] : memref<4x32x64xf32, #tpu.memory_space<vmem>> -> memref<1x32x64xf32, #tpu.memory_space<vmem>>
    %dma_wait3A_910 = tpu.memref_squeeze %dma_wait3A_909 : memref<1x32x64xf32, #tpu.memory_space<vmem>> -> memref<32x64xf32, #tpu.memory_space<vmem>>
    %dma_wait3A_911 = arith.constant 0 : i32
    %dma_wait3A_912 = arith.constant 0 : i32
    %dma_wait3A_913 = tpu.memref_slice %dma_wait3A_910[%dma_wait3A_911, %dma_wait3A_912] : memref<32x64xf32, #tpu.memory_space<vmem>> -> memref<24x64xf32, #tpu.memory_space<vmem>>
    tpu.wait_dma2 semaphore(%arg22 : memref<!tpu.dma_semaphore, #tpu.memory_space<semaphore_mem>>) src(%dma_wait3A_913 : memref<24x64xf32, #tpu.memory_space<vmem>>) dst(%dma_wait3A_906 : memref<24x64xf32, #tpu.memory_space<hbm>>)
    %dma_wait3A_914 = arith.constant 3 : i32
    %dma_wait3A_915 = arith.constant 0 : i32
    %dma_wait3A_916 = arith.constant 0 : i32
    %dma_wait3A_917 = tpu.memref_slice %arg18[%dma_wait3A_914, %dma_wait3A_915, %dma_wait3A_916] : memref<4x32x64xf32, #tpu.memory_space<vmem>> -> memref<1x32x64xf32, #tpu.memory_space<vmem>>
    %dma_wait3A_918 = tpu.memref_squeeze %dma_wait3A_917 : memref<1x32x64xf32, #tpu.memory_space<vmem>> -> memref<32x64xf32, #tpu.memory_space<vmem>>
    %dma_wait3A_919 = arith.constant 0 : i32
    %dma_wait3A_920 = arith.constant 0 : i32
    %dma_wait3A_921 = tpu.memref_slice %dma_wait3A_918[%dma_wait3A_919, %dma_wait3A_920] : memref<32x64xf32, #tpu.memory_space<vmem>> -> memref<24x64xf32, #tpu.memory_space<vmem>>
    %dma_wait3A_922 = arith.constant 0 : i32
    %dma_wait3A_923 = tpu.memref_slice %arg12[%mul3A_761, %dma_wait3A_922] : memref<3072x64xf32, #tpu.memory_space<hbm>> -> memref<24x64xf32, #tpu.memory_space<hbm>>
    %dma_wait3A_924 = arith.constant 0 : i32
    %dma_wait3A_925 = tpu.memref_slice %arg12[%mul3A_761, %dma_wait3A_924] : memref<3072x64xf32, #tpu.memory_space<hbm>> -> memref<24x64xf32, #tpu.memory_space<hbm>>
    %dma_wait3A_926 = arith.constant 0 : i32
    %dma_wait3A_927 = arith.constant 0 : i32
    %dma_wait3A_928 = tpu.memref_slice %arg18[%dma_wait3A_914, %dma_wait3A_926, %dma_wait3A_927] : memref<4x32x64xf32, #tpu.memory_space<vmem>> -> memref<1x32x64xf32, #tpu.memory_space<vmem>>
    %dma_wait3A_929 = tpu.memref_squeeze %dma_wait3A_928 : memref<1x32x64xf32, #tpu.memory_space<vmem>> -> memref<32x64xf32, #tpu.memory_space<vmem>>
    %dma_wait3A_930 = arith.constant 0 : i32
    %dma_wait3A_931 = arith.constant 0 : i32
    %dma_wait3A_932 = tpu.memref_slice %dma_wait3A_929[%dma_wait3A_930, %dma_wait3A_931] : memref<32x64xf32, #tpu.memory_space<vmem>> -> memref<24x64xf32, #tpu.memory_space<vmem>>
    tpu.wait_dma2 semaphore(%arg22 : memref<!tpu.dma_semaphore, #tpu.memory_space<semaphore_mem>>) src(%dma_wait3A_932 : memref<24x64xf32, #tpu.memory_space<vmem>>) dst(%dma_wait3A_925 : memref<24x64xf32, #tpu.memory_space<hbm>>)
    %dma_wait3A_933 = arith.constant 3 : i32
    %dma_wait3A_934 = arith.constant 0 : i32
    %dma_wait3A_935 = arith.constant 0 : i32
    %dma_wait3A_936 = tpu.memref_slice %arg19[%dma_wait3A_933, %dma_wait3A_934, %dma_wait3A_935] : memref<4x32x64xf32, #tpu.memory_space<vmem>> -> memref<1x32x64xf32, #tpu.memory_space<vmem>>
    %dma_wait3A_937 = tpu.memref_squeeze %dma_wait3A_936 : memref<1x32x64xf32, #tpu.memory_space<vmem>> -> memref<32x64xf32, #tpu.memory_space<vmem>>
    %dma_wait3A_938 = arith.constant 0 : i32
    %dma_wait3A_939 = arith.constant 0 : i32
    %dma_wait3A_940 = tpu.memref_slice %dma_wait3A_937[%dma_wait3A_938, %dma_wait3A_939] : memref<32x64xf32, #tpu.memory_space<vmem>> -> memref<24x64xf32, #tpu.memory_space<vmem>>
    %dma_wait3A_941 = arith.constant 0 : i32
    %dma_wait3A_942 = tpu.memref_slice %arg13[%mul3A_761, %dma_wait3A_941] : memref<3072x64xf32, #tpu.memory_space<hbm>> -> memref<24x64xf32, #tpu.memory_space<hbm>>
    %dma_wait3A_943 = arith.constant 0 : i32
    %dma_wait3A_944 = tpu.memref_slice %arg13[%mul3A_761, %dma_wait3A_943] : memref<3072x64xf32, #tpu.memory_space<hbm>> -> memref<24x64xf32, #tpu.memory_space<hbm>>
    %dma_wait3A_945 = arith.constant 0 : i32
    %dma_wait3A_946 = arith.constant 0 : i32
    %dma_wait3A_947 = tpu.memref_slice %arg19[%dma_wait3A_933, %dma_wait3A_945, %dma_wait3A_946] : memref<4x32x64xf32, #tpu.memory_space<vmem>> -> memref<1x32x64xf32, #tpu.memory_space<vmem>>
    %dma_wait3A_948 = tpu.memref_squeeze %dma_wait3A_947 : memref<1x32x64xf32, #tpu.memory_space<vmem>> -> memref<32x64xf32, #tpu.memory_space<vmem>>
    %dma_wait3A_949 = arith.constant 0 : i32
    %dma_wait3A_950 = arith.constant 0 : i32
    %dma_wait3A_951 = tpu.memref_slice %dma_wait3A_948[%dma_wait3A_949, %dma_wait3A_950] : memref<32x64xf32, #tpu.memory_space<vmem>> -> memref<24x64xf32, #tpu.memory_space<vmem>>
    tpu.wait_dma2 semaphore(%arg22 : memref<!tpu.dma_semaphore, #tpu.memory_space<semaphore_mem>>) src(%dma_wait3A_951 : memref<24x64xf32, #tpu.memory_space<vmem>>) dst(%dma_wait3A_944 : memref<24x64xf32, #tpu.memory_space<hbm>>)
    return
  }
}

module attributes {stable_mosaic.version = 14 : i64} {
  func.func @_dist_body(%arg0: i32, %arg1: memref<4x1024x64xf32, #tpu.memory_space<vmem>>, %arg2: memref<4x1024x64xf32, #tpu.memory_space<vmem>>, %arg3: memref<4x1024x8xf32, #tpu.memory_space<vmem>>, %arg4: memref<4x1024x8xf32, #tpu.memory_space<vmem>>, %arg5: memref<4x1x1024xf32, #tpu.memory_space<vmem>>, %arg6: memref<4x1x1024xi32, #tpu.memory_space<vmem>>, %arg7: memref<4x1x1024xf32, #tpu.memory_space<vmem>>, %arg8: memref<4x1x1024xi32, #tpu.memory_space<vmem>>, %arg9: memref<4x1x1024xf32, #tpu.memory_space<vmem>>, %arg10: memref<4x1x1024xi32, #tpu.memory_space<vmem>>, %arg11: memref<4x1x1024xf32, #tpu.memory_space<vmem>>, %arg12: memref<4x1x1024xi32, #tpu.memory_space<vmem>>) attributes {dimension_semantics = [#tpu.dimension_semantics<arbitrary>], iteration_bounds = array<i64: 8>, scalar_prefetch = 0 : i64, scratch_operands = 0 : i64, tpu.core_type = #tpu.core_type<tc>, window_params = [{transform_indices = @transform_0, window_bounds = array<i64: 4, 1024, 64>}, {transform_indices = @transform_1, window_bounds = array<i64: 4, 1024, 64>}, {transform_indices = @transform_2, window_bounds = array<i64: 4, 1024, 8>}, {transform_indices = @transform_3, window_bounds = array<i64: 4, 1024, 8>}, {transform_indices = @transform_4, window_bounds = array<i64: 4, 1, 1024>}, {transform_indices = @transform_5, window_bounds = array<i64: 4, 1, 1024>}, {transform_indices = @transform_6, window_bounds = array<i64: 4, 1, 1024>}, {transform_indices = @transform_7, window_bounds = array<i64: 4, 1, 1024>}, {transform_indices = @transform_8, window_bounds = array<i64: 4, 1, 1024>}, {transform_indices = @transform_9, window_bounds = array<i64: 4, 1, 1024>}, {transform_indices = @transform_10, window_bounds = array<i64: 4, 1, 1024>}, {transform_indices = @transform_11, window_bounds = array<i64: 4, 1, 1024>}]} {
    %get3A = arith.constant 0 : index
    %get3A_0 = arith.constant 0 : index
    %get3A_1 = arith.constant 0 : index
    %get3A_2 = vector.load %arg1[%get3A, %get3A_0, %get3A_1] : memref<4x1024x64xf32, #tpu.memory_space<vmem>>, vector<1x1024x64xf32>
    %get3A_3 = vector.shape_cast %get3A_2 : vector<1x1024x64xf32> to vector<1024x64xf32>
    %get3A_4 = arith.constant 0 : index
    %get3A_5 = arith.constant 0 : index
    %get3A_6 = arith.constant 0 : index
    %get3A_7 = vector.load %arg2[%get3A_4, %get3A_5, %get3A_6] : memref<4x1024x64xf32, #tpu.memory_space<vmem>>, vector<1x1024x64xf32>
    %get3A_8 = vector.shape_cast %get3A_7 : vector<1x1024x64xf32> to vector<1024x64xf32>
    %mul3A = arith.mulf %get3A_3, %get3A_3 : vector<1024x64xf32>
    %reduce_sum3A = arith.constant dense<0.000000e+00> : vector<1024xf32>
    %reduce_sum3A_9 = vector.multi_reduction <add>, %mul3A, %reduce_sum3A [1] : vector<1024x64xf32> to vector<1024xf32>
    %broadcast_in_dim3A = vector.shape_cast %reduce_sum3A_9 : vector<1024xf32> to vector<1024x1xf32>
    %mul3A_10 = arith.mulf %get3A_8, %get3A_8 : vector<1024x64xf32>
    %reduce_sum3A_11 = arith.constant dense<0.000000e+00> : vector<1024xf32>
    %reduce_sum3A_12 = vector.multi_reduction <add>, %mul3A_10, %reduce_sum3A_11 [1] : vector<1024x64xf32> to vector<1024xf32>
    %broadcast_in_dim3A_13 = vector.shape_cast %reduce_sum3A_12 : vector<1024xf32> to vector<1024x1xf32>
    %transpose3A = tpu.transpose %broadcast_in_dim3A_13, [1, 0] : vector<1024x1xf32> -> vector<1x1024xf32>
    %dot_general3A = arith.constant dense<0.000000e+00> : vector<1024x1024xf32>
    %dot_general3A_14 = tpu.matmul %get3A_3, %get3A_8, %dot_general3A {dimension_numbers = #tpu.dot_dimension_numbers<[1], [1], [0], [0], [0, 0, 1, 0], [], []>, transpose_lhs_hint = false} : vector<1024x64xf32>, vector<1024x64xf32>, vector<1024x1024xf32> -> vector<1024x1024xf32>
    %add3A = vector.broadcast %broadcast_in_dim3A : vector<1024x1xf32> to vector<1024x1024xf32>
    %add3A_15 = vector.broadcast %transpose3A : vector<1x1024xf32> to vector<1024x1024xf32>
    %add3A_16 = arith.addf %add3A, %add3A_15 : vector<1024x1024xf32>
    %mul3A_17 = arith.constant 2.000000e+00 : f32
    %mul3A_18 = vector.broadcast %mul3A_17 : f32 to vector<1024x1024xf32>
    %mul3A_19 = arith.mulf %mul3A_18, %dot_general3A_14 : vector<1024x1024xf32>
    %sub3A = arith.subf %add3A_16, %mul3A_19 : vector<1024x1024xf32>
    %transpose3A_20 = tpu.transpose %sub3A, [1, 0] : vector<1024x1024xf32> -> vector<1024x1024xf32>
    %bitcast_convert_type3A = tpu.bitcast %transpose3A_20 : vector<1024x1024xf32> -> vector<1024x1024xi32>
    %iota3A = tpu.iota {dimensions = array<i32: 0>} : vector<1024x1024xi32>
    %and3A = arith.constant -1024 : i32
    %and3A_21 = vector.broadcast %and3A : i32 to vector<1024x1024xi32>
    %and3A_22 = arith.andi %bitcast_convert_type3A, %and3A_21 : vector<1024x1024xi32>
    %or3A = arith.ori %and3A_22, %iota3A : vector<1024x1024xi32>
    %bitcast_convert_type3A_23 = tpu.bitcast %or3A : vector<1024x1024xi32> -> vector<1024x1024xf32>
    %reduce_min3A = arith.constant dense<0x7F800000> : vector<1024xf32>
    %reduce_min3A_24 = vector.multi_reduction <minimumf>, %bitcast_convert_type3A_23, %reduce_min3A [0] : vector<1024x1024xf32> to vector<1024xf32>
    %broadcast_in_dim3A_25 = vector.shape_cast %reduce_min3A_24 : vector<1024xf32> to vector<1x1024xf32>
    %bitcast_convert_type3A_26 = tpu.bitcast %broadcast_in_dim3A_25 : vector<1x1024xf32> -> vector<1x1024xi32>
    %and3A_27 = arith.constant 1023 : i32
    %and3A_28 = vector.broadcast %and3A_27 : i32 to vector<1x1024xi32>
    %and3A_29 = arith.andi %bitcast_convert_type3A_26, %and3A_28 : vector<1x1024xi32>
    %reduce_min3A_30 = arith.constant dense<0x7F800000> : vector<1024xf32>
    %reduce_min3A_31 = vector.multi_reduction <minimumf>, %transpose3A_20, %reduce_min3A_30 [0] : vector<1024x1024xf32> to vector<1024xf32>
    %broadcast_in_dim3A_32 = vector.shape_cast %reduce_min3A_31 : vector<1024xf32> to vector<1x1024xf32>
    %max3A = arith.constant 0.000000e+00 : f32
    %max3A_33 = vector.broadcast %max3A : f32 to vector<1x1024xf32>
    %max3A_34 = arith.maximumf %broadcast_in_dim3A_32, %max3A_33 : vector<1x1024xf32>
    %bitcast_convert_type3A_35 = tpu.bitcast %sub3A : vector<1024x1024xf32> -> vector<1024x1024xi32>
    %iota3A_36 = tpu.iota {dimensions = array<i32: 0>} : vector<1024x1024xi32>
    %and3A_37 = arith.constant -1024 : i32
    %and3A_38 = vector.broadcast %and3A_37 : i32 to vector<1024x1024xi32>
    %and3A_39 = arith.andi %bitcast_convert_type3A_35, %and3A_38 : vector<1024x1024xi32>
    %or3A_40 = arith.ori %and3A_39, %iota3A_36 : vector<1024x1024xi32>
    %bitcast_convert_type3A_41 = tpu.bitcast %or3A_40 : vector<1024x1024xi32> -> vector<1024x1024xf32>
    %reduce_min3A_42 = arith.constant dense<0x7F800000> : vector<1024xf32>
    %reduce_min3A_43 = vector.multi_reduction <minimumf>, %bitcast_convert_type3A_41, %reduce_min3A_42 [0] : vector<1024x1024xf32> to vector<1024xf32>
    %broadcast_in_dim3A_44 = vector.shape_cast %reduce_min3A_43 : vector<1024xf32> to vector<1x1024xf32>
    %bitcast_convert_type3A_45 = tpu.bitcast %broadcast_in_dim3A_44 : vector<1x1024xf32> -> vector<1x1024xi32>
    %and3A_46 = arith.constant 1023 : i32
    %and3A_47 = vector.broadcast %and3A_46 : i32 to vector<1x1024xi32>
    %and3A_48 = arith.andi %bitcast_convert_type3A_45, %and3A_47 : vector<1x1024xi32>
    %reduce_min3A_49 = arith.constant dense<0x7F800000> : vector<1024xf32>
    %reduce_min3A_50 = vector.multi_reduction <minimumf>, %sub3A, %reduce_min3A_49 [0] : vector<1024x1024xf32> to vector<1024xf32>
    %broadcast_in_dim3A_51 = vector.shape_cast %reduce_min3A_50 : vector<1024xf32> to vector<1x1024xf32>
    %max3A_52 = arith.constant 0.000000e+00 : f32
    %max3A_53 = vector.broadcast %max3A_52 : f32 to vector<1x1024xf32>
    %max3A_54 = arith.maximumf %broadcast_in_dim3A_51, %max3A_53 : vector<1x1024xf32>
    %get3A_55 = arith.constant 0 : index
    %get3A_56 = arith.constant 0 : index
    %get3A_57 = arith.constant 0 : index
    %get3A_58 = vector.load %arg3[%get3A_55, %get3A_56, %get3A_57] : memref<4x1024x8xf32, #tpu.memory_space<vmem>>, vector<1x1024x8xf32>
    %get3A_59 = vector.shape_cast %get3A_58 : vector<1x1024x8xf32> to vector<1024x8xf32>
    %get3A_60 = arith.constant 0 : index
    %get3A_61 = arith.constant 0 : index
    %get3A_62 = arith.constant 0 : index
    %get3A_63 = vector.load %arg4[%get3A_60, %get3A_61, %get3A_62] : memref<4x1024x8xf32, #tpu.memory_space<vmem>>, vector<1x1024x8xf32>
    %get3A_64 = vector.shape_cast %get3A_63 : vector<1x1024x8xf32> to vector<1024x8xf32>
    %mul3A_65 = arith.mulf %get3A_59, %get3A_59 : vector<1024x8xf32>
    %reduce_sum3A_66 = arith.constant dense<0.000000e+00> : vector<1024xf32>
    %reduce_sum3A_67 = vector.multi_reduction <add>, %mul3A_65, %reduce_sum3A_66 [1] : vector<1024x8xf32> to vector<1024xf32>
    %broadcast_in_dim3A_68 = vector.shape_cast %reduce_sum3A_67 : vector<1024xf32> to vector<1024x1xf32>
    %mul3A_69 = arith.mulf %get3A_64, %get3A_64 : vector<1024x8xf32>
    %reduce_sum3A_70 = arith.constant dense<0.000000e+00> : vector<1024xf32>
    %reduce_sum3A_71 = vector.multi_reduction <add>, %mul3A_69, %reduce_sum3A_70 [1] : vector<1024x8xf32> to vector<1024xf32>
    %broadcast_in_dim3A_72 = vector.shape_cast %reduce_sum3A_71 : vector<1024xf32> to vector<1024x1xf32>
    %transpose3A_73 = tpu.transpose %broadcast_in_dim3A_72, [1, 0] : vector<1024x1xf32> -> vector<1x1024xf32>
    %dot_general3A_74 = arith.constant dense<0.000000e+00> : vector<1024x1024xf32>
    %dot_general3A_75 = tpu.matmul %get3A_59, %get3A_64, %dot_general3A_74 {dimension_numbers = #tpu.dot_dimension_numbers<[1], [1], [0], [0], [0, 0, 1, 0], [], []>, transpose_lhs_hint = false} : vector<1024x8xf32>, vector<1024x8xf32>, vector<1024x1024xf32> -> vector<1024x1024xf32>
    %add3A_76 = vector.broadcast %broadcast_in_dim3A_68 : vector<1024x1xf32> to vector<1024x1024xf32>
    %add3A_77 = vector.broadcast %transpose3A_73 : vector<1x1024xf32> to vector<1024x1024xf32>
    %add3A_78 = arith.addf %add3A_76, %add3A_77 : vector<1024x1024xf32>
    %mul3A_79 = arith.constant 2.000000e+00 : f32
    %mul3A_80 = vector.broadcast %mul3A_79 : f32 to vector<1024x1024xf32>
    %mul3A_81 = arith.mulf %mul3A_80, %dot_general3A_75 : vector<1024x1024xf32>
    %sub3A_82 = arith.subf %add3A_78, %mul3A_81 : vector<1024x1024xf32>
    %transpose3A_83 = tpu.transpose %sub3A_82, [1, 0] : vector<1024x1024xf32> -> vector<1024x1024xf32>
    %bitcast_convert_type3A_84 = tpu.bitcast %transpose3A_83 : vector<1024x1024xf32> -> vector<1024x1024xi32>
    %iota3A_85 = tpu.iota {dimensions = array<i32: 0>} : vector<1024x1024xi32>
    %and3A_86 = arith.constant -1024 : i32
    %and3A_87 = vector.broadcast %and3A_86 : i32 to vector<1024x1024xi32>
    %and3A_88 = arith.andi %bitcast_convert_type3A_84, %and3A_87 : vector<1024x1024xi32>
    %or3A_89 = arith.ori %and3A_88, %iota3A_85 : vector<1024x1024xi32>
    %bitcast_convert_type3A_90 = tpu.bitcast %or3A_89 : vector<1024x1024xi32> -> vector<1024x1024xf32>
    %reduce_min3A_91 = arith.constant dense<0x7F800000> : vector<1024xf32>
    %reduce_min3A_92 = vector.multi_reduction <minimumf>, %bitcast_convert_type3A_90, %reduce_min3A_91 [0] : vector<1024x1024xf32> to vector<1024xf32>
    %broadcast_in_dim3A_93 = vector.shape_cast %reduce_min3A_92 : vector<1024xf32> to vector<1x1024xf32>
    %bitcast_convert_type3A_94 = tpu.bitcast %broadcast_in_dim3A_93 : vector<1x1024xf32> -> vector<1x1024xi32>
    %and3A_95 = arith.constant 1023 : i32
    %and3A_96 = vector.broadcast %and3A_95 : i32 to vector<1x1024xi32>
    %and3A_97 = arith.andi %bitcast_convert_type3A_94, %and3A_96 : vector<1x1024xi32>
    %reduce_min3A_98 = arith.constant dense<0x7F800000> : vector<1024xf32>
    %reduce_min3A_99 = vector.multi_reduction <minimumf>, %transpose3A_83, %reduce_min3A_98 [0] : vector<1024x1024xf32> to vector<1024xf32>
    %broadcast_in_dim3A_100 = vector.shape_cast %reduce_min3A_99 : vector<1024xf32> to vector<1x1024xf32>
    %max3A_101 = arith.constant 0.000000e+00 : f32
    %max3A_102 = vector.broadcast %max3A_101 : f32 to vector<1x1024xf32>
    %max3A_103 = arith.maximumf %broadcast_in_dim3A_100, %max3A_102 : vector<1x1024xf32>
    %bitcast_convert_type3A_104 = tpu.bitcast %sub3A_82 : vector<1024x1024xf32> -> vector<1024x1024xi32>
    %iota3A_105 = tpu.iota {dimensions = array<i32: 0>} : vector<1024x1024xi32>
    %and3A_106 = arith.constant -1024 : i32
    %and3A_107 = vector.broadcast %and3A_106 : i32 to vector<1024x1024xi32>
    %and3A_108 = arith.andi %bitcast_convert_type3A_104, %and3A_107 : vector<1024x1024xi32>
    %or3A_109 = arith.ori %and3A_108, %iota3A_105 : vector<1024x1024xi32>
    %bitcast_convert_type3A_110 = tpu.bitcast %or3A_109 : vector<1024x1024xi32> -> vector<1024x1024xf32>
    %reduce_min3A_111 = arith.constant dense<0x7F800000> : vector<1024xf32>
    %reduce_min3A_112 = vector.multi_reduction <minimumf>, %bitcast_convert_type3A_110, %reduce_min3A_111 [0] : vector<1024x1024xf32> to vector<1024xf32>
    %broadcast_in_dim3A_113 = vector.shape_cast %reduce_min3A_112 : vector<1024xf32> to vector<1x1024xf32>
    %bitcast_convert_type3A_114 = tpu.bitcast %broadcast_in_dim3A_113 : vector<1x1024xf32> -> vector<1x1024xi32>
    %and3A_115 = arith.constant 1023 : i32
    %and3A_116 = vector.broadcast %and3A_115 : i32 to vector<1x1024xi32>
    %and3A_117 = arith.andi %bitcast_convert_type3A_114, %and3A_116 : vector<1x1024xi32>
    %reduce_min3A_118 = arith.constant dense<0x7F800000> : vector<1024xf32>
    %reduce_min3A_119 = vector.multi_reduction <minimumf>, %sub3A_82, %reduce_min3A_118 [0] : vector<1024x1024xf32> to vector<1024xf32>
    %broadcast_in_dim3A_120 = vector.shape_cast %reduce_min3A_119 : vector<1024xf32> to vector<1x1024xf32>
    %max3A_121 = arith.constant 0.000000e+00 : f32
    %max3A_122 = vector.broadcast %max3A_121 : f32 to vector<1x1024xf32>
    %max3A_123 = arith.maximumf %broadcast_in_dim3A_120, %max3A_122 : vector<1x1024xf32>
    %swap3A = arith.constant 0 : index
    %swap3A_124 = arith.constant 0 : index
    %swap3A_125 = arith.constant 0 : index
    %swap3A_126 = vector.load %arg5[%swap3A, %swap3A_124, %swap3A_125] : memref<4x1x1024xf32, #tpu.memory_space<vmem>>, vector<1x1x1024xf32>
    %swap3A_127 = vector.shape_cast %swap3A_126 : vector<1x1x1024xf32> to vector<1x1024xf32>
    %swap3A_128 = vector.shape_cast %max3A_34 : vector<1x1024xf32> to vector<1x1x1024xf32>
    tpu.vector_store %arg5[%swap3A, %swap3A_124, %swap3A_125], %swap3A_128 {strides = array<i32>} : memref<4x1x1024xf32, #tpu.memory_space<vmem>>, vector<1x1x1024xf32>,
    %swap3A_129 = arith.constant 0 : index
    %swap3A_130 = arith.constant 0 : index
    %swap3A_131 = arith.constant 0 : index
    %swap3A_132 = vector.load %arg6[%swap3A_129, %swap3A_130, %swap3A_131] : memref<4x1x1024xi32, #tpu.memory_space<vmem>>, vector<1x1x1024xi32>
    %swap3A_133 = vector.shape_cast %swap3A_132 : vector<1x1x1024xi32> to vector<1x1024xi32>
    %swap3A_134 = vector.shape_cast %and3A_29 : vector<1x1024xi32> to vector<1x1x1024xi32>
    tpu.vector_store %arg6[%swap3A_129, %swap3A_130, %swap3A_131], %swap3A_134 {strides = array<i32>} : memref<4x1x1024xi32, #tpu.memory_space<vmem>>, vector<1x1x1024xi32>,
    %swap3A_135 = arith.constant 0 : index
    %swap3A_136 = arith.constant 0 : index
    %swap3A_137 = arith.constant 0 : index
    %swap3A_138 = vector.load %arg7[%swap3A_135, %swap3A_136, %swap3A_137] : memref<4x1x1024xf32, #tpu.memory_space<vmem>>, vector<1x1x1024xf32>
    %swap3A_139 = vector.shape_cast %swap3A_138 : vector<1x1x1024xf32> to vector<1x1024xf32>
    %swap3A_140 = vector.shape_cast %max3A_54 : vector<1x1024xf32> to vector<1x1x1024xf32>
    tpu.vector_store %arg7[%swap3A_135, %swap3A_136, %swap3A_137], %swap3A_140 {strides = array<i32>} : memref<4x1x1024xf32, #tpu.memory_space<vmem>>, vector<1x1x1024xf32>,
    %swap3A_141 = arith.constant 0 : index
    %swap3A_142 = arith.constant 0 : index
    %swap3A_143 = arith.constant 0 : index
    %swap3A_144 = vector.load %arg8[%swap3A_141, %swap3A_142, %swap3A_143] : memref<4x1x1024xi32, #tpu.memory_space<vmem>>, vector<1x1x1024xi32>
    %swap3A_145 = vector.shape_cast %swap3A_144 : vector<1x1x1024xi32> to vector<1x1024xi32>
    %swap3A_146 = vector.shape_cast %and3A_48 : vector<1x1024xi32> to vector<1x1x1024xi32>
    tpu.vector_store %arg8[%swap3A_141, %swap3A_142, %swap3A_143], %swap3A_146 {strides = array<i32>} : memref<4x1x1024xi32, #tpu.memory_space<vmem>>, vector<1x1x1024xi32>,
    %swap3A_147 = arith.constant 0 : index
    %swap3A_148 = arith.constant 0 : index
    %swap3A_149 = arith.constant 0 : index
    %swap3A_150 = vector.load %arg9[%swap3A_147, %swap3A_148, %swap3A_149] : memref<4x1x1024xf32, #tpu.memory_space<vmem>>, vector<1x1x1024xf32>
    %swap3A_151 = vector.shape_cast %swap3A_150 : vector<1x1x1024xf32> to vector<1x1024xf32>
    %swap3A_152 = vector.shape_cast %max3A_103 : vector<1x1024xf32> to vector<1x1x1024xf32>
    tpu.vector_store %arg9[%swap3A_147, %swap3A_148, %swap3A_149], %swap3A_152 {strides = array<i32>} : memref<4x1x1024xf32, #tpu.memory_space<vmem>>, vector<1x1x1024xf32>,
    %swap3A_153 = arith.constant 0 : index
    %swap3A_154 = arith.constant 0 : index
    %swap3A_155 = arith.constant 0 : index
    %swap3A_156 = vector.load %arg10[%swap3A_153, %swap3A_154, %swap3A_155] : memref<4x1x1024xi32, #tpu.memory_space<vmem>>, vector<1x1x1024xi32>
    %swap3A_157 = vector.shape_cast %swap3A_156 : vector<1x1x1024xi32> to vector<1x1024xi32>
    %swap3A_158 = vector.shape_cast %and3A_97 : vector<1x1024xi32> to vector<1x1x1024xi32>
    tpu.vector_store %arg10[%swap3A_153, %swap3A_154, %swap3A_155], %swap3A_158 {strides = array<i32>} : memref<4x1x1024xi32, #tpu.memory_space<vmem>>, vector<1x1x1024xi32>,
    %swap3A_159 = arith.constant 0 : index
    %swap3A_160 = arith.constant 0 : index
    %swap3A_161 = arith.constant 0 : index
    %swap3A_162 = vector.load %arg11[%swap3A_159, %swap3A_160, %swap3A_161] : memref<4x1x1024xf32, #tpu.memory_space<vmem>>, vector<1x1x1024xf32>
    %swap3A_163 = vector.shape_cast %swap3A_162 : vector<1x1x1024xf32> to vector<1x1024xf32>
    %swap3A_164 = vector.shape_cast %max3A_123 : vector<1x1024xf32> to vector<1x1x1024xf32>
    tpu.vector_store %arg11[%swap3A_159, %swap3A_160, %swap3A_161], %swap3A_164 {strides = array<i32>} : memref<4x1x1024xf32, #tpu.memory_space<vmem>>, vector<1x1x1024xf32>,
    %swap3A_165 = arith.constant 0 : index
    %swap3A_166 = arith.constant 0 : index
    %swap3A_167 = arith.constant 0 : index
    %swap3A_168 = vector.load %arg12[%swap3A_165, %swap3A_166, %swap3A_167] : memref<4x1x1024xi32, #tpu.memory_space<vmem>>, vector<1x1x1024xi32>
    %swap3A_169 = vector.shape_cast %swap3A_168 : vector<1x1x1024xi32> to vector<1x1024xi32>
    %swap3A_170 = vector.shape_cast %and3A_117 : vector<1x1024xi32> to vector<1x1x1024xi32>
    tpu.vector_store %arg12[%swap3A_165, %swap3A_166, %swap3A_167], %swap3A_170 {strides = array<i32>} : memref<4x1x1024xi32, #tpu.memory_space<vmem>>, vector<1x1x1024xi32>,
    %get3A_171 = arith.constant 1 : index
    %get3A_172 = arith.constant 0 : index
    %get3A_173 = arith.constant 0 : index
    %get3A_174 = vector.load %arg1[%get3A_171, %get3A_172, %get3A_173] : memref<4x1024x64xf32, #tpu.memory_space<vmem>>, vector<1x1024x64xf32>
    %get3A_175 = vector.shape_cast %get3A_174 : vector<1x1024x64xf32> to vector<1024x64xf32>
    %get3A_176 = arith.constant 1 : index
    %get3A_177 = arith.constant 0 : index
    %get3A_178 = arith.constant 0 : index
    %get3A_179 = vector.load %arg2[%get3A_176, %get3A_177, %get3A_178] : memref<4x1024x64xf32, #tpu.memory_space<vmem>>, vector<1x1024x64xf32>
    %get3A_180 = vector.shape_cast %get3A_179 : vector<1x1024x64xf32> to vector<1024x64xf32>
    %mul3A_181 = arith.mulf %get3A_175, %get3A_175 : vector<1024x64xf32>
    %reduce_sum3A_182 = arith.constant dense<0.000000e+00> : vector<1024xf32>
    %reduce_sum3A_183 = vector.multi_reduction <add>, %mul3A_181, %reduce_sum3A_182 [1] : vector<1024x64xf32> to vector<1024xf32>
    %broadcast_in_dim3A_184 = vector.shape_cast %reduce_sum3A_183 : vector<1024xf32> to vector<1024x1xf32>
    %mul3A_185 = arith.mulf %get3A_180, %get3A_180 : vector<1024x64xf32>
    %reduce_sum3A_186 = arith.constant dense<0.000000e+00> : vector<1024xf32>
    %reduce_sum3A_187 = vector.multi_reduction <add>, %mul3A_185, %reduce_sum3A_186 [1] : vector<1024x64xf32> to vector<1024xf32>
    %broadcast_in_dim3A_188 = vector.shape_cast %reduce_sum3A_187 : vector<1024xf32> to vector<1024x1xf32>
    %transpose3A_189 = tpu.transpose %broadcast_in_dim3A_188, [1, 0] : vector<1024x1xf32> -> vector<1x1024xf32>
    %dot_general3A_190 = arith.constant dense<0.000000e+00> : vector<1024x1024xf32>
    %dot_general3A_191 = tpu.matmul %get3A_175, %get3A_180, %dot_general3A_190 {dimension_numbers = #tpu.dot_dimension_numbers<[1], [1], [0], [0], [0, 0, 1, 0], [], []>, transpose_lhs_hint = false} : vector<1024x64xf32>, vector<1024x64xf32>, vector<1024x1024xf32> -> vector<1024x1024xf32>
    %add3A_192 = vector.broadcast %broadcast_in_dim3A_184 : vector<1024x1xf32> to vector<1024x1024xf32>
    %add3A_193 = vector.broadcast %transpose3A_189 : vector<1x1024xf32> to vector<1024x1024xf32>
    %add3A_194 = arith.addf %add3A_192, %add3A_193 : vector<1024x1024xf32>
    %mul3A_195 = arith.constant 2.000000e+00 : f32
    %mul3A_196 = vector.broadcast %mul3A_195 : f32 to vector<1024x1024xf32>
    %mul3A_197 = arith.mulf %mul3A_196, %dot_general3A_191 : vector<1024x1024xf32>
    %sub3A_198 = arith.subf %add3A_194, %mul3A_197 : vector<1024x1024xf32>
    %transpose3A_199 = tpu.transpose %sub3A_198, [1, 0] : vector<1024x1024xf32> -> vector<1024x1024xf32>
    %bitcast_convert_type3A_200 = tpu.bitcast %transpose3A_199 : vector<1024x1024xf32> -> vector<1024x1024xi32>
    %iota3A_201 = tpu.iota {dimensions = array<i32: 0>} : vector<1024x1024xi32>
    %and3A_202 = arith.constant -1024 : i32
    %and3A_203 = vector.broadcast %and3A_202 : i32 to vector<1024x1024xi32>
    %and3A_204 = arith.andi %bitcast_convert_type3A_200, %and3A_203 : vector<1024x1024xi32>
    %or3A_205 = arith.ori %and3A_204, %iota3A_201 : vector<1024x1024xi32>
    %bitcast_convert_type3A_206 = tpu.bitcast %or3A_205 : vector<1024x1024xi32> -> vector<1024x1024xf32>
    %reduce_min3A_207 = arith.constant dense<0x7F800000> : vector<1024xf32>
    %reduce_min3A_208 = vector.multi_reduction <minimumf>, %bitcast_convert_type3A_206, %reduce_min3A_207 [0] : vector<1024x1024xf32> to vector<1024xf32>
    %broadcast_in_dim3A_209 = vector.shape_cast %reduce_min3A_208 : vector<1024xf32> to vector<1x1024xf32>
    %bitcast_convert_type3A_210 = tpu.bitcast %broadcast_in_dim3A_209 : vector<1x1024xf32> -> vector<1x1024xi32>
    %and3A_211 = arith.constant 1023 : i32
    %and3A_212 = vector.broadcast %and3A_211 : i32 to vector<1x1024xi32>
    %and3A_213 = arith.andi %bitcast_convert_type3A_210, %and3A_212 : vector<1x1024xi32>
    %reduce_min3A_214 = arith.constant dense<0x7F800000> : vector<1024xf32>
    %reduce_min3A_215 = vector.multi_reduction <minimumf>, %transpose3A_199, %reduce_min3A_214 [0] : vector<1024x1024xf32> to vector<1024xf32>
    %broadcast_in_dim3A_216 = vector.shape_cast %reduce_min3A_215 : vector<1024xf32> to vector<1x1024xf32>
    %max3A_217 = arith.constant 0.000000e+00 : f32
    %max3A_218 = vector.broadcast %max3A_217 : f32 to vector<1x1024xf32>
    %max3A_219 = arith.maximumf %broadcast_in_dim3A_216, %max3A_218 : vector<1x1024xf32>
    %bitcast_convert_type3A_220 = tpu.bitcast %sub3A_198 : vector<1024x1024xf32> -> vector<1024x1024xi32>
    %iota3A_221 = tpu.iota {dimensions = array<i32: 0>} : vector<1024x1024xi32>
    %and3A_222 = arith.constant -1024 : i32
    %and3A_223 = vector.broadcast %and3A_222 : i32 to vector<1024x1024xi32>
    %and3A_224 = arith.andi %bitcast_convert_type3A_220, %and3A_223 : vector<1024x1024xi32>
    %or3A_225 = arith.ori %and3A_224, %iota3A_221 : vector<1024x1024xi32>
    %bitcast_convert_type3A_226 = tpu.bitcast %or3A_225 : vector<1024x1024xi32> -> vector<1024x1024xf32>
    %reduce_min3A_227 = arith.constant dense<0x7F800000> : vector<1024xf32>
    %reduce_min3A_228 = vector.multi_reduction <minimumf>, %bitcast_convert_type3A_226, %reduce_min3A_227 [0] : vector<1024x1024xf32> to vector<1024xf32>
    %broadcast_in_dim3A_229 = vector.shape_cast %reduce_min3A_228 : vector<1024xf32> to vector<1x1024xf32>
    %bitcast_convert_type3A_230 = tpu.bitcast %broadcast_in_dim3A_229 : vector<1x1024xf32> -> vector<1x1024xi32>
    %and3A_231 = arith.constant 1023 : i32
    %and3A_232 = vector.broadcast %and3A_231 : i32 to vector<1x1024xi32>
    %and3A_233 = arith.andi %bitcast_convert_type3A_230, %and3A_232 : vector<1x1024xi32>
    %reduce_min3A_234 = arith.constant dense<0x7F800000> : vector<1024xf32>
    %reduce_min3A_235 = vector.multi_reduction <minimumf>, %sub3A_198, %reduce_min3A_234 [0] : vector<1024x1024xf32> to vector<1024xf32>
    %broadcast_in_dim3A_236 = vector.shape_cast %reduce_min3A_235 : vector<1024xf32> to vector<1x1024xf32>
    %max3A_237 = arith.constant 0.000000e+00 : f32
    %max3A_238 = vector.broadcast %max3A_237 : f32 to vector<1x1024xf32>
    %max3A_239 = arith.maximumf %broadcast_in_dim3A_236, %max3A_238 : vector<1x1024xf32>
    %get3A_240 = arith.constant 1 : index
    %get3A_241 = arith.constant 0 : index
    %get3A_242 = arith.constant 0 : index
    %get3A_243 = vector.load %arg3[%get3A_240, %get3A_241, %get3A_242] : memref<4x1024x8xf32, #tpu.memory_space<vmem>>, vector<1x1024x8xf32>
    %get3A_244 = vector.shape_cast %get3A_243 : vector<1x1024x8xf32> to vector<1024x8xf32>
    %get3A_245 = arith.constant 1 : index
    %get3A_246 = arith.constant 0 : index
    %get3A_247 = arith.constant 0 : index
    %get3A_248 = vector.load %arg4[%get3A_245, %get3A_246, %get3A_247] : memref<4x1024x8xf32, #tpu.memory_space<vmem>>, vector<1x1024x8xf32>
    %get3A_249 = vector.shape_cast %get3A_248 : vector<1x1024x8xf32> to vector<1024x8xf32>
    %mul3A_250 = arith.mulf %get3A_244, %get3A_244 : vector<1024x8xf32>
    %reduce_sum3A_251 = arith.constant dense<0.000000e+00> : vector<1024xf32>
    %reduce_sum3A_252 = vector.multi_reduction <add>, %mul3A_250, %reduce_sum3A_251 [1] : vector<1024x8xf32> to vector<1024xf32>
    %broadcast_in_dim3A_253 = vector.shape_cast %reduce_sum3A_252 : vector<1024xf32> to vector<1024x1xf32>
    %mul3A_254 = arith.mulf %get3A_249, %get3A_249 : vector<1024x8xf32>
    %reduce_sum3A_255 = arith.constant dense<0.000000e+00> : vector<1024xf32>
    %reduce_sum3A_256 = vector.multi_reduction <add>, %mul3A_254, %reduce_sum3A_255 [1] : vector<1024x8xf32> to vector<1024xf32>
    %broadcast_in_dim3A_257 = vector.shape_cast %reduce_sum3A_256 : vector<1024xf32> to vector<1024x1xf32>
    %transpose3A_258 = tpu.transpose %broadcast_in_dim3A_257, [1, 0] : vector<1024x1xf32> -> vector<1x1024xf32>
    %dot_general3A_259 = arith.constant dense<0.000000e+00> : vector<1024x1024xf32>
    %dot_general3A_260 = tpu.matmul %get3A_244, %get3A_249, %dot_general3A_259 {dimension_numbers = #tpu.dot_dimension_numbers<[1], [1], [0], [0], [0, 0, 1, 0], [], []>, transpose_lhs_hint = false} : vector<1024x8xf32>, vector<1024x8xf32>, vector<1024x1024xf32> -> vector<1024x1024xf32>
    %add3A_261 = vector.broadcast %broadcast_in_dim3A_253 : vector<1024x1xf32> to vector<1024x1024xf32>
    %add3A_262 = vector.broadcast %transpose3A_258 : vector<1x1024xf32> to vector<1024x1024xf32>
    %add3A_263 = arith.addf %add3A_261, %add3A_262 : vector<1024x1024xf32>
    %mul3A_264 = arith.constant 2.000000e+00 : f32
    %mul3A_265 = vector.broadcast %mul3A_264 : f32 to vector<1024x1024xf32>
    %mul3A_266 = arith.mulf %mul3A_265, %dot_general3A_260 : vector<1024x1024xf32>
    %sub3A_267 = arith.subf %add3A_263, %mul3A_266 : vector<1024x1024xf32>
    %transpose3A_268 = tpu.transpose %sub3A_267, [1, 0] : vector<1024x1024xf32> -> vector<1024x1024xf32>
    %bitcast_convert_type3A_269 = tpu.bitcast %transpose3A_268 : vector<1024x1024xf32> -> vector<1024x1024xi32>
    %iota3A_270 = tpu.iota {dimensions = array<i32: 0>} : vector<1024x1024xi32>
    %and3A_271 = arith.constant -1024 : i32
    %and3A_272 = vector.broadcast %and3A_271 : i32 to vector<1024x1024xi32>
    %and3A_273 = arith.andi %bitcast_convert_type3A_269, %and3A_272 : vector<1024x1024xi32>
    %or3A_274 = arith.ori %and3A_273, %iota3A_270 : vector<1024x1024xi32>
    %bitcast_convert_type3A_275 = tpu.bitcast %or3A_274 : vector<1024x1024xi32> -> vector<1024x1024xf32>
    %reduce_min3A_276 = arith.constant dense<0x7F800000> : vector<1024xf32>
    %reduce_min3A_277 = vector.multi_reduction <minimumf>, %bitcast_convert_type3A_275, %reduce_min3A_276 [0] : vector<1024x1024xf32> to vector<1024xf32>
    %broadcast_in_dim3A_278 = vector.shape_cast %reduce_min3A_277 : vector<1024xf32> to vector<1x1024xf32>
    %bitcast_convert_type3A_279 = tpu.bitcast %broadcast_in_dim3A_278 : vector<1x1024xf32> -> vector<1x1024xi32>
    %and3A_280 = arith.constant 1023 : i32
    %and3A_281 = vector.broadcast %and3A_280 : i32 to vector<1x1024xi32>
    %and3A_282 = arith.andi %bitcast_convert_type3A_279, %and3A_281 : vector<1x1024xi32>
    %reduce_min3A_283 = arith.constant dense<0x7F800000> : vector<1024xf32>
    %reduce_min3A_284 = vector.multi_reduction <minimumf>, %transpose3A_268, %reduce_min3A_283 [0] : vector<1024x1024xf32> to vector<1024xf32>
    %broadcast_in_dim3A_285 = vector.shape_cast %reduce_min3A_284 : vector<1024xf32> to vector<1x1024xf32>
    %max3A_286 = arith.constant 0.000000e+00 : f32
    %max3A_287 = vector.broadcast %max3A_286 : f32 to vector<1x1024xf32>
    %max3A_288 = arith.maximumf %broadcast_in_dim3A_285, %max3A_287 : vector<1x1024xf32>
    %bitcast_convert_type3A_289 = tpu.bitcast %sub3A_267 : vector<1024x1024xf32> -> vector<1024x1024xi32>
    %iota3A_290 = tpu.iota {dimensions = array<i32: 0>} : vector<1024x1024xi32>
    %and3A_291 = arith.constant -1024 : i32
    %and3A_292 = vector.broadcast %and3A_291 : i32 to vector<1024x1024xi32>
    %and3A_293 = arith.andi %bitcast_convert_type3A_289, %and3A_292 : vector<1024x1024xi32>
    %or3A_294 = arith.ori %and3A_293, %iota3A_290 : vector<1024x1024xi32>
    %bitcast_convert_type3A_295 = tpu.bitcast %or3A_294 : vector<1024x1024xi32> -> vector<1024x1024xf32>
    %reduce_min3A_296 = arith.constant dense<0x7F800000> : vector<1024xf32>
    %reduce_min3A_297 = vector.multi_reduction <minimumf>, %bitcast_convert_type3A_295, %reduce_min3A_296 [0] : vector<1024x1024xf32> to vector<1024xf32>
    %broadcast_in_dim3A_298 = vector.shape_cast %reduce_min3A_297 : vector<1024xf32> to vector<1x1024xf32>
    %bitcast_convert_type3A_299 = tpu.bitcast %broadcast_in_dim3A_298 : vector<1x1024xf32> -> vector<1x1024xi32>
    %and3A_300 = arith.constant 1023 : i32
    %and3A_301 = vector.broadcast %and3A_300 : i32 to vector<1x1024xi32>
    %and3A_302 = arith.andi %bitcast_convert_type3A_299, %and3A_301 : vector<1x1024xi32>
    %reduce_min3A_303 = arith.constant dense<0x7F800000> : vector<1024xf32>
    %reduce_min3A_304 = vector.multi_reduction <minimumf>, %sub3A_267, %reduce_min3A_303 [0] : vector<1024x1024xf32> to vector<1024xf32>
    %broadcast_in_dim3A_305 = vector.shape_cast %reduce_min3A_304 : vector<1024xf32> to vector<1x1024xf32>
    %max3A_306 = arith.constant 0.000000e+00 : f32
    %max3A_307 = vector.broadcast %max3A_306 : f32 to vector<1x1024xf32>
    %max3A_308 = arith.maximumf %broadcast_in_dim3A_305, %max3A_307 : vector<1x1024xf32>
    %swap3A_309 = arith.constant 1 : index
    %swap3A_310 = arith.constant 0 : index
    %swap3A_311 = arith.constant 0 : index
    %swap3A_312 = vector.load %arg5[%swap3A_309, %swap3A_310, %swap3A_311] : memref<4x1x1024xf32, #tpu.memory_space<vmem>>, vector<1x1x1024xf32>
    %swap3A_313 = vector.shape_cast %swap3A_312 : vector<1x1x1024xf32> to vector<1x1024xf32>
    %swap3A_314 = vector.shape_cast %max3A_219 : vector<1x1024xf32> to vector<1x1x1024xf32>
    tpu.vector_store %arg5[%swap3A_309, %swap3A_310, %swap3A_311], %swap3A_314 {strides = array<i32>} : memref<4x1x1024xf32, #tpu.memory_space<vmem>>, vector<1x1x1024xf32>,
    %swap3A_315 = arith.constant 1 : index
    %swap3A_316 = arith.constant 0 : index
    %swap3A_317 = arith.constant 0 : index
    %swap3A_318 = vector.load %arg6[%swap3A_315, %swap3A_316, %swap3A_317] : memref<4x1x1024xi32, #tpu.memory_space<vmem>>, vector<1x1x1024xi32>
    %swap3A_319 = vector.shape_cast %swap3A_318 : vector<1x1x1024xi32> to vector<1x1024xi32>
    %swap3A_320 = vector.shape_cast %and3A_213 : vector<1x1024xi32> to vector<1x1x1024xi32>
    tpu.vector_store %arg6[%swap3A_315, %swap3A_316, %swap3A_317], %swap3A_320 {strides = array<i32>} : memref<4x1x1024xi32, #tpu.memory_space<vmem>>, vector<1x1x1024xi32>,
    %swap3A_321 = arith.constant 1 : index
    %swap3A_322 = arith.constant 0 : index
    %swap3A_323 = arith.constant 0 : index
    %swap3A_324 = vector.load %arg7[%swap3A_321, %swap3A_322, %swap3A_323] : memref<4x1x1024xf32, #tpu.memory_space<vmem>>, vector<1x1x1024xf32>
    %swap3A_325 = vector.shape_cast %swap3A_324 : vector<1x1x1024xf32> to vector<1x1024xf32>
    %swap3A_326 = vector.shape_cast %max3A_239 : vector<1x1024xf32> to vector<1x1x1024xf32>
    tpu.vector_store %arg7[%swap3A_321, %swap3A_322, %swap3A_323], %swap3A_326 {strides = array<i32>} : memref<4x1x1024xf32, #tpu.memory_space<vmem>>, vector<1x1x1024xf32>,
    %swap3A_327 = arith.constant 1 : index
    %swap3A_328 = arith.constant 0 : index
    %swap3A_329 = arith.constant 0 : index
    %swap3A_330 = vector.load %arg8[%swap3A_327, %swap3A_328, %swap3A_329] : memref<4x1x1024xi32, #tpu.memory_space<vmem>>, vector<1x1x1024xi32>
    %swap3A_331 = vector.shape_cast %swap3A_330 : vector<1x1x1024xi32> to vector<1x1024xi32>
    %swap3A_332 = vector.shape_cast %and3A_233 : vector<1x1024xi32> to vector<1x1x1024xi32>
    tpu.vector_store %arg8[%swap3A_327, %swap3A_328, %swap3A_329], %swap3A_332 {strides = array<i32>} : memref<4x1x1024xi32, #tpu.memory_space<vmem>>, vector<1x1x1024xi32>,
    %swap3A_333 = arith.constant 1 : index
    %swap3A_334 = arith.constant 0 : index
    %swap3A_335 = arith.constant 0 : index
    %swap3A_336 = vector.load %arg9[%swap3A_333, %swap3A_334, %swap3A_335] : memref<4x1x1024xf32, #tpu.memory_space<vmem>>, vector<1x1x1024xf32>
    %swap3A_337 = vector.shape_cast %swap3A_336 : vector<1x1x1024xf32> to vector<1x1024xf32>
    %swap3A_338 = vector.shape_cast %max3A_288 : vector<1x1024xf32> to vector<1x1x1024xf32>
    tpu.vector_store %arg9[%swap3A_333, %swap3A_334, %swap3A_335], %swap3A_338 {strides = array<i32>} : memref<4x1x1024xf32, #tpu.memory_space<vmem>>, vector<1x1x1024xf32>,
    %swap3A_339 = arith.constant 1 : index
    %swap3A_340 = arith.constant 0 : index
    %swap3A_341 = arith.constant 0 : index
    %swap3A_342 = vector.load %arg10[%swap3A_339, %swap3A_340, %swap3A_341] : memref<4x1x1024xi32, #tpu.memory_space<vmem>>, vector<1x1x1024xi32>
    %swap3A_343 = vector.shape_cast %swap3A_342 : vector<1x1x1024xi32> to vector<1x1024xi32>
    %swap3A_344 = vector.shape_cast %and3A_282 : vector<1x1024xi32> to vector<1x1x1024xi32>
    tpu.vector_store %arg10[%swap3A_339, %swap3A_340, %swap3A_341], %swap3A_344 {strides = array<i32>} : memref<4x1x1024xi32, #tpu.memory_space<vmem>>, vector<1x1x1024xi32>,
    %swap3A_345 = arith.constant 1 : index
    %swap3A_346 = arith.constant 0 : index
    %swap3A_347 = arith.constant 0 : index
    %swap3A_348 = vector.load %arg11[%swap3A_345, %swap3A_346, %swap3A_347] : memref<4x1x1024xf32, #tpu.memory_space<vmem>>, vector<1x1x1024xf32>
    %swap3A_349 = vector.shape_cast %swap3A_348 : vector<1x1x1024xf32> to vector<1x1024xf32>
    %swap3A_350 = vector.shape_cast %max3A_308 : vector<1x1024xf32> to vector<1x1x1024xf32>
    tpu.vector_store %arg11[%swap3A_345, %swap3A_346, %swap3A_347], %swap3A_350 {strides = array<i32>} : memref<4x1x1024xf32, #tpu.memory_space<vmem>>, vector<1x1x1024xf32>,
    %swap3A_351 = arith.constant 1 : index
    %swap3A_352 = arith.constant 0 : index
    %swap3A_353 = arith.constant 0 : index
    %swap3A_354 = vector.load %arg12[%swap3A_351, %swap3A_352, %swap3A_353] : memref<4x1x1024xi32, #tpu.memory_space<vmem>>, vector<1x1x1024xi32>
    %swap3A_355 = vector.shape_cast %swap3A_354 : vector<1x1x1024xi32> to vector<1x1024xi32>
    %swap3A_356 = vector.shape_cast %and3A_302 : vector<1x1024xi32> to vector<1x1x1024xi32>
    tpu.vector_store %arg12[%swap3A_351, %swap3A_352, %swap3A_353], %swap3A_356 {strides = array<i32>} : memref<4x1x1024xi32, #tpu.memory_space<vmem>>, vector<1x1x1024xi32>,
    %get3A_357 = arith.constant 2 : index
    %get3A_358 = arith.constant 0 : index
    %get3A_359 = arith.constant 0 : index
    %get3A_360 = vector.load %arg1[%get3A_357, %get3A_358, %get3A_359] : memref<4x1024x64xf32, #tpu.memory_space<vmem>>, vector<1x1024x64xf32>
    %get3A_361 = vector.shape_cast %get3A_360 : vector<1x1024x64xf32> to vector<1024x64xf32>
    %get3A_362 = arith.constant 2 : index
    %get3A_363 = arith.constant 0 : index
    %get3A_364 = arith.constant 0 : index
    %get3A_365 = vector.load %arg2[%get3A_362, %get3A_363, %get3A_364] : memref<4x1024x64xf32, #tpu.memory_space<vmem>>, vector<1x1024x64xf32>
    %get3A_366 = vector.shape_cast %get3A_365 : vector<1x1024x64xf32> to vector<1024x64xf32>
    %mul3A_367 = arith.mulf %get3A_361, %get3A_361 : vector<1024x64xf32>
    %reduce_sum3A_368 = arith.constant dense<0.000000e+00> : vector<1024xf32>
    %reduce_sum3A_369 = vector.multi_reduction <add>, %mul3A_367, %reduce_sum3A_368 [1] : vector<1024x64xf32> to vector<1024xf32>
    %broadcast_in_dim3A_370 = vector.shape_cast %reduce_sum3A_369 : vector<1024xf32> to vector<1024x1xf32>
    %mul3A_371 = arith.mulf %get3A_366, %get3A_366 : vector<1024x64xf32>
    %reduce_sum3A_372 = arith.constant dense<0.000000e+00> : vector<1024xf32>
    %reduce_sum3A_373 = vector.multi_reduction <add>, %mul3A_371, %reduce_sum3A_372 [1] : vector<1024x64xf32> to vector<1024xf32>
    %broadcast_in_dim3A_374 = vector.shape_cast %reduce_sum3A_373 : vector<1024xf32> to vector<1024x1xf32>
    %transpose3A_375 = tpu.transpose %broadcast_in_dim3A_374, [1, 0] : vector<1024x1xf32> -> vector<1x1024xf32>
    %dot_general3A_376 = arith.constant dense<0.000000e+00> : vector<1024x1024xf32>
    %dot_general3A_377 = tpu.matmul %get3A_361, %get3A_366, %dot_general3A_376 {dimension_numbers = #tpu.dot_dimension_numbers<[1], [1], [0], [0], [0, 0, 1, 0], [], []>, transpose_lhs_hint = false} : vector<1024x64xf32>, vector<1024x64xf32>, vector<1024x1024xf32> -> vector<1024x1024xf32>
    %add3A_378 = vector.broadcast %broadcast_in_dim3A_370 : vector<1024x1xf32> to vector<1024x1024xf32>
    %add3A_379 = vector.broadcast %transpose3A_375 : vector<1x1024xf32> to vector<1024x1024xf32>
    %add3A_380 = arith.addf %add3A_378, %add3A_379 : vector<1024x1024xf32>
    %mul3A_381 = arith.constant 2.000000e+00 : f32
    %mul3A_382 = vector.broadcast %mul3A_381 : f32 to vector<1024x1024xf32>
    %mul3A_383 = arith.mulf %mul3A_382, %dot_general3A_377 : vector<1024x1024xf32>
    %sub3A_384 = arith.subf %add3A_380, %mul3A_383 : vector<1024x1024xf32>
    %transpose3A_385 = tpu.transpose %sub3A_384, [1, 0] : vector<1024x1024xf32> -> vector<1024x1024xf32>
    %bitcast_convert_type3A_386 = tpu.bitcast %transpose3A_385 : vector<1024x1024xf32> -> vector<1024x1024xi32>
    %iota3A_387 = tpu.iota {dimensions = array<i32: 0>} : vector<1024x1024xi32>
    %and3A_388 = arith.constant -1024 : i32
    %and3A_389 = vector.broadcast %and3A_388 : i32 to vector<1024x1024xi32>
    %and3A_390 = arith.andi %bitcast_convert_type3A_386, %and3A_389 : vector<1024x1024xi32>
    %or3A_391 = arith.ori %and3A_390, %iota3A_387 : vector<1024x1024xi32>
    %bitcast_convert_type3A_392 = tpu.bitcast %or3A_391 : vector<1024x1024xi32> -> vector<1024x1024xf32>
    %reduce_min3A_393 = arith.constant dense<0x7F800000> : vector<1024xf32>
    %reduce_min3A_394 = vector.multi_reduction <minimumf>, %bitcast_convert_type3A_392, %reduce_min3A_393 [0] : vector<1024x1024xf32> to vector<1024xf32>
    %broadcast_in_dim3A_395 = vector.shape_cast %reduce_min3A_394 : vector<1024xf32> to vector<1x1024xf32>
    %bitcast_convert_type3A_396 = tpu.bitcast %broadcast_in_dim3A_395 : vector<1x1024xf32> -> vector<1x1024xi32>
    %and3A_397 = arith.constant 1023 : i32
    %and3A_398 = vector.broadcast %and3A_397 : i32 to vector<1x1024xi32>
    %and3A_399 = arith.andi %bitcast_convert_type3A_396, %and3A_398 : vector<1x1024xi32>
    %reduce_min3A_400 = arith.constant dense<0x7F800000> : vector<1024xf32>
    %reduce_min3A_401 = vector.multi_reduction <minimumf>, %transpose3A_385, %reduce_min3A_400 [0] : vector<1024x1024xf32> to vector<1024xf32>
    %broadcast_in_dim3A_402 = vector.shape_cast %reduce_min3A_401 : vector<1024xf32> to vector<1x1024xf32>
    %max3A_403 = arith.constant 0.000000e+00 : f32
    %max3A_404 = vector.broadcast %max3A_403 : f32 to vector<1x1024xf32>
    %max3A_405 = arith.maximumf %broadcast_in_dim3A_402, %max3A_404 : vector<1x1024xf32>
    %bitcast_convert_type3A_406 = tpu.bitcast %sub3A_384 : vector<1024x1024xf32> -> vector<1024x1024xi32>
    %iota3A_407 = tpu.iota {dimensions = array<i32: 0>} : vector<1024x1024xi32>
    %and3A_408 = arith.constant -1024 : i32
    %and3A_409 = vector.broadcast %and3A_408 : i32 to vector<1024x1024xi32>
    %and3A_410 = arith.andi %bitcast_convert_type3A_406, %and3A_409 : vector<1024x1024xi32>
    %or3A_411 = arith.ori %and3A_410, %iota3A_407 : vector<1024x1024xi32>
    %bitcast_convert_type3A_412 = tpu.bitcast %or3A_411 : vector<1024x1024xi32> -> vector<1024x1024xf32>
    %reduce_min3A_413 = arith.constant dense<0x7F800000> : vector<1024xf32>
    %reduce_min3A_414 = vector.multi_reduction <minimumf>, %bitcast_convert_type3A_412, %reduce_min3A_413 [0] : vector<1024x1024xf32> to vector<1024xf32>
    %broadcast_in_dim3A_415 = vector.shape_cast %reduce_min3A_414 : vector<1024xf32> to vector<1x1024xf32>
    %bitcast_convert_type3A_416 = tpu.bitcast %broadcast_in_dim3A_415 : vector<1x1024xf32> -> vector<1x1024xi32>
    %and3A_417 = arith.constant 1023 : i32
    %and3A_418 = vector.broadcast %and3A_417 : i32 to vector<1x1024xi32>
    %and3A_419 = arith.andi %bitcast_convert_type3A_416, %and3A_418 : vector<1x1024xi32>
    %reduce_min3A_420 = arith.constant dense<0x7F800000> : vector<1024xf32>
    %reduce_min3A_421 = vector.multi_reduction <minimumf>, %sub3A_384, %reduce_min3A_420 [0] : vector<1024x1024xf32> to vector<1024xf32>
    %broadcast_in_dim3A_422 = vector.shape_cast %reduce_min3A_421 : vector<1024xf32> to vector<1x1024xf32>
    %max3A_423 = arith.constant 0.000000e+00 : f32
    %max3A_424 = vector.broadcast %max3A_423 : f32 to vector<1x1024xf32>
    %max3A_425 = arith.maximumf %broadcast_in_dim3A_422, %max3A_424 : vector<1x1024xf32>
    %get3A_426 = arith.constant 2 : index
    %get3A_427 = arith.constant 0 : index
    %get3A_428 = arith.constant 0 : index
    %get3A_429 = vector.load %arg3[%get3A_426, %get3A_427, %get3A_428] : memref<4x1024x8xf32, #tpu.memory_space<vmem>>, vector<1x1024x8xf32>
    %get3A_430 = vector.shape_cast %get3A_429 : vector<1x1024x8xf32> to vector<1024x8xf32>
    %get3A_431 = arith.constant 2 : index
    %get3A_432 = arith.constant 0 : index
    %get3A_433 = arith.constant 0 : index
    %get3A_434 = vector.load %arg4[%get3A_431, %get3A_432, %get3A_433] : memref<4x1024x8xf32, #tpu.memory_space<vmem>>, vector<1x1024x8xf32>
    %get3A_435 = vector.shape_cast %get3A_434 : vector<1x1024x8xf32> to vector<1024x8xf32>
    %mul3A_436 = arith.mulf %get3A_430, %get3A_430 : vector<1024x8xf32>
    %reduce_sum3A_437 = arith.constant dense<0.000000e+00> : vector<1024xf32>
    %reduce_sum3A_438 = vector.multi_reduction <add>, %mul3A_436, %reduce_sum3A_437 [1] : vector<1024x8xf32> to vector<1024xf32>
    %broadcast_in_dim3A_439 = vector.shape_cast %reduce_sum3A_438 : vector<1024xf32> to vector<1024x1xf32>
    %mul3A_440 = arith.mulf %get3A_435, %get3A_435 : vector<1024x8xf32>
    %reduce_sum3A_441 = arith.constant dense<0.000000e+00> : vector<1024xf32>
    %reduce_sum3A_442 = vector.multi_reduction <add>, %mul3A_440, %reduce_sum3A_441 [1] : vector<1024x8xf32> to vector<1024xf32>
    %broadcast_in_dim3A_443 = vector.shape_cast %reduce_sum3A_442 : vector<1024xf32> to vector<1024x1xf32>
    %transpose3A_444 = tpu.transpose %broadcast_in_dim3A_443, [1, 0] : vector<1024x1xf32> -> vector<1x1024xf32>
    %dot_general3A_445 = arith.constant dense<0.000000e+00> : vector<1024x1024xf32>
    %dot_general3A_446 = tpu.matmul %get3A_430, %get3A_435, %dot_general3A_445 {dimension_numbers = #tpu.dot_dimension_numbers<[1], [1], [0], [0], [0, 0, 1, 0], [], []>, transpose_lhs_hint = false} : vector<1024x8xf32>, vector<1024x8xf32>, vector<1024x1024xf32> -> vector<1024x1024xf32>
    %add3A_447 = vector.broadcast %broadcast_in_dim3A_439 : vector<1024x1xf32> to vector<1024x1024xf32>
    %add3A_448 = vector.broadcast %transpose3A_444 : vector<1x1024xf32> to vector<1024x1024xf32>
    %add3A_449 = arith.addf %add3A_447, %add3A_448 : vector<1024x1024xf32>
    %mul3A_450 = arith.constant 2.000000e+00 : f32
    %mul3A_451 = vector.broadcast %mul3A_450 : f32 to vector<1024x1024xf32>
    %mul3A_452 = arith.mulf %mul3A_451, %dot_general3A_446 : vector<1024x1024xf32>
    %sub3A_453 = arith.subf %add3A_449, %mul3A_452 : vector<1024x1024xf32>
    %transpose3A_454 = tpu.transpose %sub3A_453, [1, 0] : vector<1024x1024xf32> -> vector<1024x1024xf32>
    %bitcast_convert_type3A_455 = tpu.bitcast %transpose3A_454 : vector<1024x1024xf32> -> vector<1024x1024xi32>
    %iota3A_456 = tpu.iota {dimensions = array<i32: 0>} : vector<1024x1024xi32>
    %and3A_457 = arith.constant -1024 : i32
    %and3A_458 = vector.broadcast %and3A_457 : i32 to vector<1024x1024xi32>
    %and3A_459 = arith.andi %bitcast_convert_type3A_455, %and3A_458 : vector<1024x1024xi32>
    %or3A_460 = arith.ori %and3A_459, %iota3A_456 : vector<1024x1024xi32>
    %bitcast_convert_type3A_461 = tpu.bitcast %or3A_460 : vector<1024x1024xi32> -> vector<1024x1024xf32>
    %reduce_min3A_462 = arith.constant dense<0x7F800000> : vector<1024xf32>
    %reduce_min3A_463 = vector.multi_reduction <minimumf>, %bitcast_convert_type3A_461, %reduce_min3A_462 [0] : vector<1024x1024xf32> to vector<1024xf32>
    %broadcast_in_dim3A_464 = vector.shape_cast %reduce_min3A_463 : vector<1024xf32> to vector<1x1024xf32>
    %bitcast_convert_type3A_465 = tpu.bitcast %broadcast_in_dim3A_464 : vector<1x1024xf32> -> vector<1x1024xi32>
    %and3A_466 = arith.constant 1023 : i32
    %and3A_467 = vector.broadcast %and3A_466 : i32 to vector<1x1024xi32>
    %and3A_468 = arith.andi %bitcast_convert_type3A_465, %and3A_467 : vector<1x1024xi32>
    %reduce_min3A_469 = arith.constant dense<0x7F800000> : vector<1024xf32>
    %reduce_min3A_470 = vector.multi_reduction <minimumf>, %transpose3A_454, %reduce_min3A_469 [0] : vector<1024x1024xf32> to vector<1024xf32>
    %broadcast_in_dim3A_471 = vector.shape_cast %reduce_min3A_470 : vector<1024xf32> to vector<1x1024xf32>
    %max3A_472 = arith.constant 0.000000e+00 : f32
    %max3A_473 = vector.broadcast %max3A_472 : f32 to vector<1x1024xf32>
    %max3A_474 = arith.maximumf %broadcast_in_dim3A_471, %max3A_473 : vector<1x1024xf32>
    %bitcast_convert_type3A_475 = tpu.bitcast %sub3A_453 : vector<1024x1024xf32> -> vector<1024x1024xi32>
    %iota3A_476 = tpu.iota {dimensions = array<i32: 0>} : vector<1024x1024xi32>
    %and3A_477 = arith.constant -1024 : i32
    %and3A_478 = vector.broadcast %and3A_477 : i32 to vector<1024x1024xi32>
    %and3A_479 = arith.andi %bitcast_convert_type3A_475, %and3A_478 : vector<1024x1024xi32>
    %or3A_480 = arith.ori %and3A_479, %iota3A_476 : vector<1024x1024xi32>
    %bitcast_convert_type3A_481 = tpu.bitcast %or3A_480 : vector<1024x1024xi32> -> vector<1024x1024xf32>
    %reduce_min3A_482 = arith.constant dense<0x7F800000> : vector<1024xf32>
    %reduce_min3A_483 = vector.multi_reduction <minimumf>, %bitcast_convert_type3A_481, %reduce_min3A_482 [0] : vector<1024x1024xf32> to vector<1024xf32>
    %broadcast_in_dim3A_484 = vector.shape_cast %reduce_min3A_483 : vector<1024xf32> to vector<1x1024xf32>
    %bitcast_convert_type3A_485 = tpu.bitcast %broadcast_in_dim3A_484 : vector<1x1024xf32> -> vector<1x1024xi32>
    %and3A_486 = arith.constant 1023 : i32
    %and3A_487 = vector.broadcast %and3A_486 : i32 to vector<1x1024xi32>
    %and3A_488 = arith.andi %bitcast_convert_type3A_485, %and3A_487 : vector<1x1024xi32>
    %reduce_min3A_489 = arith.constant dense<0x7F800000> : vector<1024xf32>
    %reduce_min3A_490 = vector.multi_reduction <minimumf>, %sub3A_453, %reduce_min3A_489 [0] : vector<1024x1024xf32> to vector<1024xf32>
    %broadcast_in_dim3A_491 = vector.shape_cast %reduce_min3A_490 : vector<1024xf32> to vector<1x1024xf32>
    %max3A_492 = arith.constant 0.000000e+00 : f32
    %max3A_493 = vector.broadcast %max3A_492 : f32 to vector<1x1024xf32>
    %max3A_494 = arith.maximumf %broadcast_in_dim3A_491, %max3A_493 : vector<1x1024xf32>
    %swap3A_495 = arith.constant 2 : index
    %swap3A_496 = arith.constant 0 : index
    %swap3A_497 = arith.constant 0 : index
    %swap3A_498 = vector.load %arg5[%swap3A_495, %swap3A_496, %swap3A_497] : memref<4x1x1024xf32, #tpu.memory_space<vmem>>, vector<1x1x1024xf32>
    %swap3A_499 = vector.shape_cast %swap3A_498 : vector<1x1x1024xf32> to vector<1x1024xf32>
    %swap3A_500 = vector.shape_cast %max3A_405 : vector<1x1024xf32> to vector<1x1x1024xf32>
    tpu.vector_store %arg5[%swap3A_495, %swap3A_496, %swap3A_497], %swap3A_500 {strides = array<i32>} : memref<4x1x1024xf32, #tpu.memory_space<vmem>>, vector<1x1x1024xf32>,
    %swap3A_501 = arith.constant 2 : index
    %swap3A_502 = arith.constant 0 : index
    %swap3A_503 = arith.constant 0 : index
    %swap3A_504 = vector.load %arg6[%swap3A_501, %swap3A_502, %swap3A_503] : memref<4x1x1024xi32, #tpu.memory_space<vmem>>, vector<1x1x1024xi32>
    %swap3A_505 = vector.shape_cast %swap3A_504 : vector<1x1x1024xi32> to vector<1x1024xi32>
    %swap3A_506 = vector.shape_cast %and3A_399 : vector<1x1024xi32> to vector<1x1x1024xi32>
    tpu.vector_store %arg6[%swap3A_501, %swap3A_502, %swap3A_503], %swap3A_506 {strides = array<i32>} : memref<4x1x1024xi32, #tpu.memory_space<vmem>>, vector<1x1x1024xi32>,
    %swap3A_507 = arith.constant 2 : index
    %swap3A_508 = arith.constant 0 : index
    %swap3A_509 = arith.constant 0 : index
    %swap3A_510 = vector.load %arg7[%swap3A_507, %swap3A_508, %swap3A_509] : memref<4x1x1024xf32, #tpu.memory_space<vmem>>, vector<1x1x1024xf32>
    %swap3A_511 = vector.shape_cast %swap3A_510 : vector<1x1x1024xf32> to vector<1x1024xf32>
    %swap3A_512 = vector.shape_cast %max3A_425 : vector<1x1024xf32> to vector<1x1x1024xf32>
    tpu.vector_store %arg7[%swap3A_507, %swap3A_508, %swap3A_509], %swap3A_512 {strides = array<i32>} : memref<4x1x1024xf32, #tpu.memory_space<vmem>>, vector<1x1x1024xf32>,
    %swap3A_513 = arith.constant 2 : index
    %swap3A_514 = arith.constant 0 : index
    %swap3A_515 = arith.constant 0 : index
    %swap3A_516 = vector.load %arg8[%swap3A_513, %swap3A_514, %swap3A_515] : memref<4x1x1024xi32, #tpu.memory_space<vmem>>, vector<1x1x1024xi32>
    %swap3A_517 = vector.shape_cast %swap3A_516 : vector<1x1x1024xi32> to vector<1x1024xi32>
    %swap3A_518 = vector.shape_cast %and3A_419 : vector<1x1024xi32> to vector<1x1x1024xi32>
    tpu.vector_store %arg8[%swap3A_513, %swap3A_514, %swap3A_515], %swap3A_518 {strides = array<i32>} : memref<4x1x1024xi32, #tpu.memory_space<vmem>>, vector<1x1x1024xi32>,
    %swap3A_519 = arith.constant 2 : index
    %swap3A_520 = arith.constant 0 : index
    %swap3A_521 = arith.constant 0 : index
    %swap3A_522 = vector.load %arg9[%swap3A_519, %swap3A_520, %swap3A_521] : memref<4x1x1024xf32, #tpu.memory_space<vmem>>, vector<1x1x1024xf32>
    %swap3A_523 = vector.shape_cast %swap3A_522 : vector<1x1x1024xf32> to vector<1x1024xf32>
    %swap3A_524 = vector.shape_cast %max3A_474 : vector<1x1024xf32> to vector<1x1x1024xf32>
    tpu.vector_store %arg9[%swap3A_519, %swap3A_520, %swap3A_521], %swap3A_524 {strides = array<i32>} : memref<4x1x1024xf32, #tpu.memory_space<vmem>>, vector<1x1x1024xf32>,
    %swap3A_525 = arith.constant 2 : index
    %swap3A_526 = arith.constant 0 : index
    %swap3A_527 = arith.constant 0 : index
    %swap3A_528 = vector.load %arg10[%swap3A_525, %swap3A_526, %swap3A_527] : memref<4x1x1024xi32, #tpu.memory_space<vmem>>, vector<1x1x1024xi32>
    %swap3A_529 = vector.shape_cast %swap3A_528 : vector<1x1x1024xi32> to vector<1x1024xi32>
    %swap3A_530 = vector.shape_cast %and3A_468 : vector<1x1024xi32> to vector<1x1x1024xi32>
    tpu.vector_store %arg10[%swap3A_525, %swap3A_526, %swap3A_527], %swap3A_530 {strides = array<i32>} : memref<4x1x1024xi32, #tpu.memory_space<vmem>>, vector<1x1x1024xi32>,
    %swap3A_531 = arith.constant 2 : index
    %swap3A_532 = arith.constant 0 : index
    %swap3A_533 = arith.constant 0 : index
    %swap3A_534 = vector.load %arg11[%swap3A_531, %swap3A_532, %swap3A_533] : memref<4x1x1024xf32, #tpu.memory_space<vmem>>, vector<1x1x1024xf32>
    %swap3A_535 = vector.shape_cast %swap3A_534 : vector<1x1x1024xf32> to vector<1x1024xf32>
    %swap3A_536 = vector.shape_cast %max3A_494 : vector<1x1024xf32> to vector<1x1x1024xf32>
    tpu.vector_store %arg11[%swap3A_531, %swap3A_532, %swap3A_533], %swap3A_536 {strides = array<i32>} : memref<4x1x1024xf32, #tpu.memory_space<vmem>>, vector<1x1x1024xf32>,
    %swap3A_537 = arith.constant 2 : index
    %swap3A_538 = arith.constant 0 : index
    %swap3A_539 = arith.constant 0 : index
    %swap3A_540 = vector.load %arg12[%swap3A_537, %swap3A_538, %swap3A_539] : memref<4x1x1024xi32, #tpu.memory_space<vmem>>, vector<1x1x1024xi32>
    %swap3A_541 = vector.shape_cast %swap3A_540 : vector<1x1x1024xi32> to vector<1x1024xi32>
    %swap3A_542 = vector.shape_cast %and3A_488 : vector<1x1024xi32> to vector<1x1x1024xi32>
    tpu.vector_store %arg12[%swap3A_537, %swap3A_538, %swap3A_539], %swap3A_542 {strides = array<i32>} : memref<4x1x1024xi32, #tpu.memory_space<vmem>>, vector<1x1x1024xi32>,
    %get3A_543 = arith.constant 3 : index
    %get3A_544 = arith.constant 0 : index
    %get3A_545 = arith.constant 0 : index
    %get3A_546 = vector.load %arg1[%get3A_543, %get3A_544, %get3A_545] : memref<4x1024x64xf32, #tpu.memory_space<vmem>>, vector<1x1024x64xf32>
    %get3A_547 = vector.shape_cast %get3A_546 : vector<1x1024x64xf32> to vector<1024x64xf32>
    %get3A_548 = arith.constant 3 : index
    %get3A_549 = arith.constant 0 : index
    %get3A_550 = arith.constant 0 : index
    %get3A_551 = vector.load %arg2[%get3A_548, %get3A_549, %get3A_550] : memref<4x1024x64xf32, #tpu.memory_space<vmem>>, vector<1x1024x64xf32>
    %get3A_552 = vector.shape_cast %get3A_551 : vector<1x1024x64xf32> to vector<1024x64xf32>
    %mul3A_553 = arith.mulf %get3A_547, %get3A_547 : vector<1024x64xf32>
    %reduce_sum3A_554 = arith.constant dense<0.000000e+00> : vector<1024xf32>
    %reduce_sum3A_555 = vector.multi_reduction <add>, %mul3A_553, %reduce_sum3A_554 [1] : vector<1024x64xf32> to vector<1024xf32>
    %broadcast_in_dim3A_556 = vector.shape_cast %reduce_sum3A_555 : vector<1024xf32> to vector<1024x1xf32>
    %mul3A_557 = arith.mulf %get3A_552, %get3A_552 : vector<1024x64xf32>
    %reduce_sum3A_558 = arith.constant dense<0.000000e+00> : vector<1024xf32>
    %reduce_sum3A_559 = vector.multi_reduction <add>, %mul3A_557, %reduce_sum3A_558 [1] : vector<1024x64xf32> to vector<1024xf32>
    %broadcast_in_dim3A_560 = vector.shape_cast %reduce_sum3A_559 : vector<1024xf32> to vector<1024x1xf32>
    %transpose3A_561 = tpu.transpose %broadcast_in_dim3A_560, [1, 0] : vector<1024x1xf32> -> vector<1x1024xf32>
    %dot_general3A_562 = arith.constant dense<0.000000e+00> : vector<1024x1024xf32>
    %dot_general3A_563 = tpu.matmul %get3A_547, %get3A_552, %dot_general3A_562 {dimension_numbers = #tpu.dot_dimension_numbers<[1], [1], [0], [0], [0, 0, 1, 0], [], []>, transpose_lhs_hint = false} : vector<1024x64xf32>, vector<1024x64xf32>, vector<1024x1024xf32> -> vector<1024x1024xf32>
    %add3A_564 = vector.broadcast %broadcast_in_dim3A_556 : vector<1024x1xf32> to vector<1024x1024xf32>
    %add3A_565 = vector.broadcast %transpose3A_561 : vector<1x1024xf32> to vector<1024x1024xf32>
    %add3A_566 = arith.addf %add3A_564, %add3A_565 : vector<1024x1024xf32>
    %mul3A_567 = arith.constant 2.000000e+00 : f32
    %mul3A_568 = vector.broadcast %mul3A_567 : f32 to vector<1024x1024xf32>
    %mul3A_569 = arith.mulf %mul3A_568, %dot_general3A_563 : vector<1024x1024xf32>
    %sub3A_570 = arith.subf %add3A_566, %mul3A_569 : vector<1024x1024xf32>
    %transpose3A_571 = tpu.transpose %sub3A_570, [1, 0] : vector<1024x1024xf32> -> vector<1024x1024xf32>
    %bitcast_convert_type3A_572 = tpu.bitcast %transpose3A_571 : vector<1024x1024xf32> -> vector<1024x1024xi32>
    %iota3A_573 = tpu.iota {dimensions = array<i32: 0>} : vector<1024x1024xi32>
    %and3A_574 = arith.constant -1024 : i32
    %and3A_575 = vector.broadcast %and3A_574 : i32 to vector<1024x1024xi32>
    %and3A_576 = arith.andi %bitcast_convert_type3A_572, %and3A_575 : vector<1024x1024xi32>
    %or3A_577 = arith.ori %and3A_576, %iota3A_573 : vector<1024x1024xi32>
    %bitcast_convert_type3A_578 = tpu.bitcast %or3A_577 : vector<1024x1024xi32> -> vector<1024x1024xf32>
    %reduce_min3A_579 = arith.constant dense<0x7F800000> : vector<1024xf32>
    %reduce_min3A_580 = vector.multi_reduction <minimumf>, %bitcast_convert_type3A_578, %reduce_min3A_579 [0] : vector<1024x1024xf32> to vector<1024xf32>
    %broadcast_in_dim3A_581 = vector.shape_cast %reduce_min3A_580 : vector<1024xf32> to vector<1x1024xf32>
    %bitcast_convert_type3A_582 = tpu.bitcast %broadcast_in_dim3A_581 : vector<1x1024xf32> -> vector<1x1024xi32>
    %and3A_583 = arith.constant 1023 : i32
    %and3A_584 = vector.broadcast %and3A_583 : i32 to vector<1x1024xi32>
    %and3A_585 = arith.andi %bitcast_convert_type3A_582, %and3A_584 : vector<1x1024xi32>
    %reduce_min3A_586 = arith.constant dense<0x7F800000> : vector<1024xf32>
    %reduce_min3A_587 = vector.multi_reduction <minimumf>, %transpose3A_571, %reduce_min3A_586 [0] : vector<1024x1024xf32> to vector<1024xf32>
    %broadcast_in_dim3A_588 = vector.shape_cast %reduce_min3A_587 : vector<1024xf32> to vector<1x1024xf32>
    %max3A_589 = arith.constant 0.000000e+00 : f32
    %max3A_590 = vector.broadcast %max3A_589 : f32 to vector<1x1024xf32>
    %max3A_591 = arith.maximumf %broadcast_in_dim3A_588, %max3A_590 : vector<1x1024xf32>
    %bitcast_convert_type3A_592 = tpu.bitcast %sub3A_570 : vector<1024x1024xf32> -> vector<1024x1024xi32>
    %iota3A_593 = tpu.iota {dimensions = array<i32: 0>} : vector<1024x1024xi32>
    %and3A_594 = arith.constant -1024 : i32
    %and3A_595 = vector.broadcast %and3A_594 : i32 to vector<1024x1024xi32>
    %and3A_596 = arith.andi %bitcast_convert_type3A_592, %and3A_595 : vector<1024x1024xi32>
    %or3A_597 = arith.ori %and3A_596, %iota3A_593 : vector<1024x1024xi32>
    %bitcast_convert_type3A_598 = tpu.bitcast %or3A_597 : vector<1024x1024xi32> -> vector<1024x1024xf32>
    %reduce_min3A_599 = arith.constant dense<0x7F800000> : vector<1024xf32>
    %reduce_min3A_600 = vector.multi_reduction <minimumf>, %bitcast_convert_type3A_598, %reduce_min3A_599 [0] : vector<1024x1024xf32> to vector<1024xf32>
    %broadcast_in_dim3A_601 = vector.shape_cast %reduce_min3A_600 : vector<1024xf32> to vector<1x1024xf32>
    %bitcast_convert_type3A_602 = tpu.bitcast %broadcast_in_dim3A_601 : vector<1x1024xf32> -> vector<1x1024xi32>
    %and3A_603 = arith.constant 1023 : i32
    %and3A_604 = vector.broadcast %and3A_603 : i32 to vector<1x1024xi32>
    %and3A_605 = arith.andi %bitcast_convert_type3A_602, %and3A_604 : vector<1x1024xi32>
    %reduce_min3A_606 = arith.constant dense<0x7F800000> : vector<1024xf32>
    %reduce_min3A_607 = vector.multi_reduction <minimumf>, %sub3A_570, %reduce_min3A_606 [0] : vector<1024x1024xf32> to vector<1024xf32>
    %broadcast_in_dim3A_608 = vector.shape_cast %reduce_min3A_607 : vector<1024xf32> to vector<1x1024xf32>
    %max3A_609 = arith.constant 0.000000e+00 : f32
    %max3A_610 = vector.broadcast %max3A_609 : f32 to vector<1x1024xf32>
    %max3A_611 = arith.maximumf %broadcast_in_dim3A_608, %max3A_610 : vector<1x1024xf32>
    %get3A_612 = arith.constant 3 : index
    %get3A_613 = arith.constant 0 : index
    %get3A_614 = arith.constant 0 : index
    %get3A_615 = vector.load %arg3[%get3A_612, %get3A_613, %get3A_614] : memref<4x1024x8xf32, #tpu.memory_space<vmem>>, vector<1x1024x8xf32>
    %get3A_616 = vector.shape_cast %get3A_615 : vector<1x1024x8xf32> to vector<1024x8xf32>
    %get3A_617 = arith.constant 3 : index
    %get3A_618 = arith.constant 0 : index
    %get3A_619 = arith.constant 0 : index
    %get3A_620 = vector.load %arg4[%get3A_617, %get3A_618, %get3A_619] : memref<4x1024x8xf32, #tpu.memory_space<vmem>>, vector<1x1024x8xf32>
    %get3A_621 = vector.shape_cast %get3A_620 : vector<1x1024x8xf32> to vector<1024x8xf32>
    %mul3A_622 = arith.mulf %get3A_616, %get3A_616 : vector<1024x8xf32>
    %reduce_sum3A_623 = arith.constant dense<0.000000e+00> : vector<1024xf32>
    %reduce_sum3A_624 = vector.multi_reduction <add>, %mul3A_622, %reduce_sum3A_623 [1] : vector<1024x8xf32> to vector<1024xf32>
    %broadcast_in_dim3A_625 = vector.shape_cast %reduce_sum3A_624 : vector<1024xf32> to vector<1024x1xf32>
    %mul3A_626 = arith.mulf %get3A_621, %get3A_621 : vector<1024x8xf32>
    %reduce_sum3A_627 = arith.constant dense<0.000000e+00> : vector<1024xf32>
    %reduce_sum3A_628 = vector.multi_reduction <add>, %mul3A_626, %reduce_sum3A_627 [1] : vector<1024x8xf32> to vector<1024xf32>
    %broadcast_in_dim3A_629 = vector.shape_cast %reduce_sum3A_628 : vector<1024xf32> to vector<1024x1xf32>
    %transpose3A_630 = tpu.transpose %broadcast_in_dim3A_629, [1, 0] : vector<1024x1xf32> -> vector<1x1024xf32>
    %dot_general3A_631 = arith.constant dense<0.000000e+00> : vector<1024x1024xf32>
    %dot_general3A_632 = tpu.matmul %get3A_616, %get3A_621, %dot_general3A_631 {dimension_numbers = #tpu.dot_dimension_numbers<[1], [1], [0], [0], [0, 0, 1, 0], [], []>, transpose_lhs_hint = false} : vector<1024x8xf32>, vector<1024x8xf32>, vector<1024x1024xf32> -> vector<1024x1024xf32>
    %add3A_633 = vector.broadcast %broadcast_in_dim3A_625 : vector<1024x1xf32> to vector<1024x1024xf32>
    %add3A_634 = vector.broadcast %transpose3A_630 : vector<1x1024xf32> to vector<1024x1024xf32>
    %add3A_635 = arith.addf %add3A_633, %add3A_634 : vector<1024x1024xf32>
    %mul3A_636 = arith.constant 2.000000e+00 : f32
    %mul3A_637 = vector.broadcast %mul3A_636 : f32 to vector<1024x1024xf32>
    %mul3A_638 = arith.mulf %mul3A_637, %dot_general3A_632 : vector<1024x1024xf32>
    %sub3A_639 = arith.subf %add3A_635, %mul3A_638 : vector<1024x1024xf32>
    %transpose3A_640 = tpu.transpose %sub3A_639, [1, 0] : vector<1024x1024xf32> -> vector<1024x1024xf32>
    %bitcast_convert_type3A_641 = tpu.bitcast %transpose3A_640 : vector<1024x1024xf32> -> vector<1024x1024xi32>
    %iota3A_642 = tpu.iota {dimensions = array<i32: 0>} : vector<1024x1024xi32>
    %and3A_643 = arith.constant -1024 : i32
    %and3A_644 = vector.broadcast %and3A_643 : i32 to vector<1024x1024xi32>
    %and3A_645 = arith.andi %bitcast_convert_type3A_641, %and3A_644 : vector<1024x1024xi32>
    %or3A_646 = arith.ori %and3A_645, %iota3A_642 : vector<1024x1024xi32>
    %bitcast_convert_type3A_647 = tpu.bitcast %or3A_646 : vector<1024x1024xi32> -> vector<1024x1024xf32>
    %reduce_min3A_648 = arith.constant dense<0x7F800000> : vector<1024xf32>
    %reduce_min3A_649 = vector.multi_reduction <minimumf>, %bitcast_convert_type3A_647, %reduce_min3A_648 [0] : vector<1024x1024xf32> to vector<1024xf32>
    %broadcast_in_dim3A_650 = vector.shape_cast %reduce_min3A_649 : vector<1024xf32> to vector<1x1024xf32>
    %bitcast_convert_type3A_651 = tpu.bitcast %broadcast_in_dim3A_650 : vector<1x1024xf32> -> vector<1x1024xi32>
    %and3A_652 = arith.constant 1023 : i32
    %and3A_653 = vector.broadcast %and3A_652 : i32 to vector<1x1024xi32>
    %and3A_654 = arith.andi %bitcast_convert_type3A_651, %and3A_653 : vector<1x1024xi32>
    %reduce_min3A_655 = arith.constant dense<0x7F800000> : vector<1024xf32>
    %reduce_min3A_656 = vector.multi_reduction <minimumf>, %transpose3A_640, %reduce_min3A_655 [0] : vector<1024x1024xf32> to vector<1024xf32>
    %broadcast_in_dim3A_657 = vector.shape_cast %reduce_min3A_656 : vector<1024xf32> to vector<1x1024xf32>
    %max3A_658 = arith.constant 0.000000e+00 : f32
    %max3A_659 = vector.broadcast %max3A_658 : f32 to vector<1x1024xf32>
    %max3A_660 = arith.maximumf %broadcast_in_dim3A_657, %max3A_659 : vector<1x1024xf32>
    %bitcast_convert_type3A_661 = tpu.bitcast %sub3A_639 : vector<1024x1024xf32> -> vector<1024x1024xi32>
    %iota3A_662 = tpu.iota {dimensions = array<i32: 0>} : vector<1024x1024xi32>
    %and3A_663 = arith.constant -1024 : i32
    %and3A_664 = vector.broadcast %and3A_663 : i32 to vector<1024x1024xi32>
    %and3A_665 = arith.andi %bitcast_convert_type3A_661, %and3A_664 : vector<1024x1024xi32>
    %or3A_666 = arith.ori %and3A_665, %iota3A_662 : vector<1024x1024xi32>
    %bitcast_convert_type3A_667 = tpu.bitcast %or3A_666 : vector<1024x1024xi32> -> vector<1024x1024xf32>
    %reduce_min3A_668 = arith.constant dense<0x7F800000> : vector<1024xf32>
    %reduce_min3A_669 = vector.multi_reduction <minimumf>, %bitcast_convert_type3A_667, %reduce_min3A_668 [0] : vector<1024x1024xf32> to vector<1024xf32>
    %broadcast_in_dim3A_670 = vector.shape_cast %reduce_min3A_669 : vector<1024xf32> to vector<1x1024xf32>
    %bitcast_convert_type3A_671 = tpu.bitcast %broadcast_in_dim3A_670 : vector<1x1024xf32> -> vector<1x1024xi32>
    %and3A_672 = arith.constant 1023 : i32
    %and3A_673 = vector.broadcast %and3A_672 : i32 to vector<1x1024xi32>
    %and3A_674 = arith.andi %bitcast_convert_type3A_671, %and3A_673 : vector<1x1024xi32>
    %reduce_min3A_675 = arith.constant dense<0x7F800000> : vector<1024xf32>
    %reduce_min3A_676 = vector.multi_reduction <minimumf>, %sub3A_639, %reduce_min3A_675 [0] : vector<1024x1024xf32> to vector<1024xf32>
    %broadcast_in_dim3A_677 = vector.shape_cast %reduce_min3A_676 : vector<1024xf32> to vector<1x1024xf32>
    %max3A_678 = arith.constant 0.000000e+00 : f32
    %max3A_679 = vector.broadcast %max3A_678 : f32 to vector<1x1024xf32>
    %max3A_680 = arith.maximumf %broadcast_in_dim3A_677, %max3A_679 : vector<1x1024xf32>
    %swap3A_681 = arith.constant 3 : index
    %swap3A_682 = arith.constant 0 : index
    %swap3A_683 = arith.constant 0 : index
    %swap3A_684 = vector.load %arg5[%swap3A_681, %swap3A_682, %swap3A_683] : memref<4x1x1024xf32, #tpu.memory_space<vmem>>, vector<1x1x1024xf32>
    %swap3A_685 = vector.shape_cast %swap3A_684 : vector<1x1x1024xf32> to vector<1x1024xf32>
    %swap3A_686 = vector.shape_cast %max3A_591 : vector<1x1024xf32> to vector<1x1x1024xf32>
    tpu.vector_store %arg5[%swap3A_681, %swap3A_682, %swap3A_683], %swap3A_686 {strides = array<i32>} : memref<4x1x1024xf32, #tpu.memory_space<vmem>>, vector<1x1x1024xf32>,
    %swap3A_687 = arith.constant 3 : index
    %swap3A_688 = arith.constant 0 : index
    %swap3A_689 = arith.constant 0 : index
    %swap3A_690 = vector.load %arg6[%swap3A_687, %swap3A_688, %swap3A_689] : memref<4x1x1024xi32, #tpu.memory_space<vmem>>, vector<1x1x1024xi32>
    %swap3A_691 = vector.shape_cast %swap3A_690 : vector<1x1x1024xi32> to vector<1x1024xi32>
    %swap3A_692 = vector.shape_cast %and3A_585 : vector<1x1024xi32> to vector<1x1x1024xi32>
    tpu.vector_store %arg6[%swap3A_687, %swap3A_688, %swap3A_689], %swap3A_692 {strides = array<i32>} : memref<4x1x1024xi32, #tpu.memory_space<vmem>>, vector<1x1x1024xi32>,
    %swap3A_693 = arith.constant 3 : index
    %swap3A_694 = arith.constant 0 : index
    %swap3A_695 = arith.constant 0 : index
    %swap3A_696 = vector.load %arg7[%swap3A_693, %swap3A_694, %swap3A_695] : memref<4x1x1024xf32, #tpu.memory_space<vmem>>, vector<1x1x1024xf32>
    %swap3A_697 = vector.shape_cast %swap3A_696 : vector<1x1x1024xf32> to vector<1x1024xf32>
    %swap3A_698 = vector.shape_cast %max3A_611 : vector<1x1024xf32> to vector<1x1x1024xf32>
    tpu.vector_store %arg7[%swap3A_693, %swap3A_694, %swap3A_695], %swap3A_698 {strides = array<i32>} : memref<4x1x1024xf32, #tpu.memory_space<vmem>>, vector<1x1x1024xf32>,
    %swap3A_699 = arith.constant 3 : index
    %swap3A_700 = arith.constant 0 : index
    %swap3A_701 = arith.constant 0 : index
    %swap3A_702 = vector.load %arg8[%swap3A_699, %swap3A_700, %swap3A_701] : memref<4x1x1024xi32, #tpu.memory_space<vmem>>, vector<1x1x1024xi32>
    %swap3A_703 = vector.shape_cast %swap3A_702 : vector<1x1x1024xi32> to vector<1x1024xi32>
    %swap3A_704 = vector.shape_cast %and3A_605 : vector<1x1024xi32> to vector<1x1x1024xi32>
    tpu.vector_store %arg8[%swap3A_699, %swap3A_700, %swap3A_701], %swap3A_704 {strides = array<i32>} : memref<4x1x1024xi32, #tpu.memory_space<vmem>>, vector<1x1x1024xi32>,
    %swap3A_705 = arith.constant 3 : index
    %swap3A_706 = arith.constant 0 : index
    %swap3A_707 = arith.constant 0 : index
    %swap3A_708 = vector.load %arg9[%swap3A_705, %swap3A_706, %swap3A_707] : memref<4x1x1024xf32, #tpu.memory_space<vmem>>, vector<1x1x1024xf32>
    %swap3A_709 = vector.shape_cast %swap3A_708 : vector<1x1x1024xf32> to vector<1x1024xf32>
    %swap3A_710 = vector.shape_cast %max3A_660 : vector<1x1024xf32> to vector<1x1x1024xf32>
    tpu.vector_store %arg9[%swap3A_705, %swap3A_706, %swap3A_707], %swap3A_710 {strides = array<i32>} : memref<4x1x1024xf32, #tpu.memory_space<vmem>>, vector<1x1x1024xf32>,
    %swap3A_711 = arith.constant 3 : index
    %swap3A_712 = arith.constant 0 : index
    %swap3A_713 = arith.constant 0 : index
    %swap3A_714 = vector.load %arg10[%swap3A_711, %swap3A_712, %swap3A_713] : memref<4x1x1024xi32, #tpu.memory_space<vmem>>, vector<1x1x1024xi32>
    %swap3A_715 = vector.shape_cast %swap3A_714 : vector<1x1x1024xi32> to vector<1x1024xi32>
    %swap3A_716 = vector.shape_cast %and3A_654 : vector<1x1024xi32> to vector<1x1x1024xi32>
    tpu.vector_store %arg10[%swap3A_711, %swap3A_712, %swap3A_713], %swap3A_716 {strides = array<i32>} : memref<4x1x1024xi32, #tpu.memory_space<vmem>>, vector<1x1x1024xi32>,
    %swap3A_717 = arith.constant 3 : index
    %swap3A_718 = arith.constant 0 : index
    %swap3A_719 = arith.constant 0 : index
    %swap3A_720 = vector.load %arg11[%swap3A_717, %swap3A_718, %swap3A_719] : memref<4x1x1024xf32, #tpu.memory_space<vmem>>, vector<1x1x1024xf32>
    %swap3A_721 = vector.shape_cast %swap3A_720 : vector<1x1x1024xf32> to vector<1x1024xf32>
    %swap3A_722 = vector.shape_cast %max3A_680 : vector<1x1024xf32> to vector<1x1x1024xf32>
    tpu.vector_store %arg11[%swap3A_717, %swap3A_718, %swap3A_719], %swap3A_722 {strides = array<i32>} : memref<4x1x1024xf32, #tpu.memory_space<vmem>>, vector<1x1x1024xf32>,
    %swap3A_723 = arith.constant 3 : index
    %swap3A_724 = arith.constant 0 : index
    %swap3A_725 = arith.constant 0 : index
    %swap3A_726 = vector.load %arg12[%swap3A_723, %swap3A_724, %swap3A_725] : memref<4x1x1024xi32, #tpu.memory_space<vmem>>, vector<1x1x1024xi32>
    %swap3A_727 = vector.shape_cast %swap3A_726 : vector<1x1x1024xi32> to vector<1x1024xi32>
    %swap3A_728 = vector.shape_cast %and3A_674 : vector<1x1024xi32> to vector<1x1x1024xi32>
    tpu.vector_store %arg12[%swap3A_723, %swap3A_724, %swap3A_725], %swap3A_728 {strides = array<i32>} : memref<4x1x1024xi32, #tpu.memory_space<vmem>>, vector<1x1x1024xi32>,
    return
  }
  func.func @transform_0(%arg0: i32) -> (i32, i32, i32) {
    %c0_i32 = arith.constant 0 : i32
    %c0_i32_0 = arith.constant 0 : i32
    %c0_i32_1 = arith.constant 0 : i32
    return %arg0, %c0_i32, %c0_i32_0 : i32, i32, i32
  }
  func.func @transform_1(%arg0: i32) -> (i32, i32, i32) {
    %c0_i32 = arith.constant 0 : i32
    %c0_i32_0 = arith.constant 0 : i32
    %c0_i32_1 = arith.constant 0 : i32
    return %arg0, %c0_i32, %c0_i32_0 : i32, i32, i32
  }
  func.func @transform_2(%arg0: i32) -> (i32, i32, i32) {
    %c0_i32 = arith.constant 0 : i32
    %c0_i32_0 = arith.constant 0 : i32
    %c0_i32_1 = arith.constant 0 : i32
    return %arg0, %c0_i32, %c0_i32_0 : i32, i32, i32
  }
  func.func @transform_3(%arg0: i32) -> (i32, i32, i32) {
    %c0_i32 = arith.constant 0 : i32
    %c0_i32_0 = arith.constant 0 : i32
    %c0_i32_1 = arith.constant 0 : i32
    return %arg0, %c0_i32, %c0_i32_0 : i32, i32, i32
  }
  func.func @transform_4(%arg0: i32) -> (i32, i32, i32) {
    %c0_i32 = arith.constant 0 : i32
    %c0_i32_0 = arith.constant 0 : i32
    %c0_i32_1 = arith.constant 0 : i32
    return %arg0, %c0_i32, %c0_i32_0 : i32, i32, i32
  }
  func.func @transform_5(%arg0: i32) -> (i32, i32, i32) {
    %c0_i32 = arith.constant 0 : i32
    %c0_i32_0 = arith.constant 0 : i32
    %c0_i32_1 = arith.constant 0 : i32
    return %arg0, %c0_i32, %c0_i32_0 : i32, i32, i32
  }
  func.func @transform_6(%arg0: i32) -> (i32, i32, i32) {
    %c0_i32 = arith.constant 0 : i32
    %c0_i32_0 = arith.constant 0 : i32
    %c0_i32_1 = arith.constant 0 : i32
    return %arg0, %c0_i32, %c0_i32_0 : i32, i32, i32
  }
  func.func @transform_7(%arg0: i32) -> (i32, i32, i32) {
    %c0_i32 = arith.constant 0 : i32
    %c0_i32_0 = arith.constant 0 : i32
    %c0_i32_1 = arith.constant 0 : i32
    return %arg0, %c0_i32, %c0_i32_0 : i32, i32, i32
  }
  func.func @transform_8(%arg0: i32) -> (i32, i32, i32) {
    %c0_i32 = arith.constant 0 : i32
    %c0_i32_0 = arith.constant 0 : i32
    %c0_i32_1 = arith.constant 0 : i32
    return %arg0, %c0_i32, %c0_i32_0 : i32, i32, i32
  }
  func.func @transform_9(%arg0: i32) -> (i32, i32, i32) {
    %c0_i32 = arith.constant 0 : i32
    %c0_i32_0 = arith.constant 0 : i32
    %c0_i32_1 = arith.constant 0 : i32
    return %arg0, %c0_i32, %c0_i32_0 : i32, i32, i32
  }
  func.func @transform_10(%arg0: i32) -> (i32, i32, i32) {
    %c0_i32 = arith.constant 0 : i32
    %c0_i32_0 = arith.constant 0 : i32
    %c0_i32_1 = arith.constant 0 : i32
    return %arg0, %c0_i32, %c0_i32_0 : i32, i32, i32
  }
  func.func @transform_11(%arg0: i32) -> (i32, i32, i32) {
    %c0_i32 = arith.constant 0 : i32
    %c0_i32_0 = arith.constant 0 : i32
    %c0_i32_1 = arith.constant 0 : i32
    return %arg0, %c0_i32, %c0_i32_0 : i32, i32, i32
  }
}

module attributes {stable_mosaic.version = 14 : i64} {
  func.func @_loss_body(%arg0: memref<4x768x64xf32, #tpu.memory_space<vmem>>, %arg1: memref<4x768x64xf32, #tpu.memory_space<vmem>>, %arg2: memref<32x64xf32, #tpu.memory_space<vmem>>, %arg3: memref<32x64xf32, #tpu.memory_space<vmem>>, %arg4: memref<6xf32, #tpu.memory_space<smem>>) attributes {dimension_semantics = [], scalar_prefetch = 0 : i64, scratch_operands = 0 : i64, tpu.core_type = #tpu.core_type<tc>} {
    %iota3A = tpu.iota {dimensions = array<i32: 0>} : vector<768x1xi32>
    %jit3A = arith.constant 24 : i32
    %eq3A = arith.constant 0 : i32
    %eq3A_0 = arith.cmpi eq, %jit3A, %eq3A : i32
    %jit3A_1 = arith.constant 1 : i32
    %select_n3A = arith.select %eq3A_0, %jit3A_1, %jit3A : i32
    %rem3A = vector.broadcast %select_n3A : i32 to vector<768x1xi32>
    %rem3A_2 = arith.remsi %iota3A, %rem3A : vector<768x1xi32>
    %ne3A = arith.constant 0 : i32
    %ne3A_3 = vector.broadcast %ne3A : i32 to vector<768x1xi32>
    %ne3A_4 = arith.cmpi ne, %rem3A_2, %ne3A_3 : vector<768x1xi32>
    %lt3A = arith.constant 0 : i32
    %lt3A_5 = vector.broadcast %lt3A : i32 to vector<768x1xi32>
    %lt3A_6 = arith.cmpi slt, %rem3A_2, %lt3A_5 : vector<768x1xi32>
    %lt3A_7 = arith.constant 0 : i32
    %lt3A_8 = arith.cmpi slt, %select_n3A, %lt3A_7 : i32
    %ne3A_9 = vector.broadcast %lt3A_8 : i1 to vector<768x1xi1>
    %ne3A_10 = vector.broadcast %ne3A_9 : vector<768x1xi1> to vector<768x1xi1>
    %ne3A_11 = arith.xori %lt3A_6, %ne3A_10 : vector<768x1xi1>
    %and3A = arith.andi %ne3A_11, %ne3A_4 : vector<768x1xi1>
    %add3A = vector.broadcast %select_n3A : i32 to vector<768x1xi32>
    %add3A_12 = arith.addi %rem3A_2, %add3A : vector<768x1xi32>
    %select_n3A_13 = arith.select %and3A, %add3A_12, %rem3A_2 : vector<768x1xi1>, vector<768x1xi32>
    %lt3A_14 = arith.constant 20 : i32
    %lt3A_15 = vector.broadcast %lt3A_14 : i32 to vector<768x1xi32>
    %lt3A_16 = arith.cmpi slt, %select_n3A_13, %lt3A_15 : vector<768x1xi32>
    %jit3A_17 = arith.constant 1.000000e+00 : f32
    %jit3A_18 = arith.constant 0.000000e+00 : f32
    %broadcast_in_dim3A = vector.broadcast %jit3A_17 : f32 to vector<768x1xf32>
    %broadcast_in_dim3A_19 = vector.broadcast %jit3A_18 : f32 to vector<768x1xf32>
    %select_n3A_20 = arith.select %lt3A_16, %broadcast_in_dim3A, %broadcast_in_dim3A_19 : vector<768x1xi1>, vector<768x1xf32>
    %broadcast_in_dim3A_21 = arith.constant 1.000000e+00 : f32
    %broadcast_in_dim3A_22 = vector.broadcast %broadcast_in_dim3A_21 : f32 to vector<32x1xf32>
    %get3A = arith.constant 0 : index
    %get3A_23 = arith.constant 0 : index
    %get3A_24 = vector.load %arg2[%get3A, %get3A_23] : memref<32x64xf32, #tpu.memory_space<vmem>>, vector<32x64xf32>
    %get3A_25 = arith.constant 0 : index
    %get3A_26 = arith.constant 0 : index
    %get3A_27 = vector.load %arg3[%get3A_25, %get3A_26] : memref<32x64xf32, #tpu.memory_space<vmem>>, vector<32x64xf32>
    %sub3A = arith.subf %get3A_24, %get3A_27 : vector<32x64xf32>
    %integer_pow3A = arith.mulf %sub3A, %sub3A : vector<32x64xf32>
    %mul3A = vector.broadcast %broadcast_in_dim3A_22 : vector<32x1xf32> to vector<32x64xf32>
    %mul3A_28 = arith.mulf %mul3A, %integer_pow3A : vector<32x64xf32>
    %reduce_sum3A = vector.shape_cast %mul3A_28 : vector<32x64xf32> to vector<1x32x64xf32>
    %reduce_sum3A_29 = arith.constant dense<0.000000e+00> : vector<1xf32>
    %reduce_sum3A_30 = vector.multi_reduction <add>, %reduce_sum3A, %reduce_sum3A_29 [1, 2] : vector<1x32x64xf32> to vector<1xf32>
    %reduce_sum3A_31 = vector.shape_cast %reduce_sum3A_30 : vector<1xf32> to vector<1x1x1xf32>
    %reduce_sum3A_32 = vector.extract %reduce_sum3A_31[0, 0, 0] : f32 from vector<1x1x1xf32>
    %div3A = arith.constant 2.048000e+03 : f32
    %div3A_33 = arith.divf %reduce_sum3A_32, %div3A : f32
    %mul3A_34 = vector.broadcast %broadcast_in_dim3A_22 : vector<32x1xf32> to vector<32x64xf32>
    %mul3A_35 = arith.mulf %mul3A_34, %get3A_24 : vector<32x64xf32>
    %reduce_sum3A_36 = arith.constant dense<0.000000e+00> : vector<64xf32>
    %reduce_sum3A_37 = vector.multi_reduction <add>, %mul3A_35, %reduce_sum3A_36 [0] : vector<32x64xf32> to vector<64xf32>
    %broadcast_in_dim3A_38 = vector.shape_cast %reduce_sum3A_37 : vector<64xf32> to vector<1x64xf32>
    %mul3A_39 = arith.constant 3.125000e-02 : f32
    %mul3A_40 = vector.broadcast %mul3A_39 : f32 to vector<1x64xf32>
    %mul3A_41 = arith.mulf %broadcast_in_dim3A_38, %mul3A_40 : vector<1x64xf32>
    %sub3A_42 = vector.broadcast %mul3A_41 : vector<1x64xf32> to vector<32x64xf32>
    %sub3A_43 = arith.subf %get3A_24, %sub3A_42 : vector<32x64xf32>
    %mul3A_44 = vector.broadcast %broadcast_in_dim3A_22 : vector<32x1xf32> to vector<32x64xf32>
    %mul3A_45 = arith.mulf %mul3A_44, %sub3A_43 : vector<32x64xf32>
    %mul3A_46 = arith.mulf %mul3A_45, %mul3A_45 : vector<32x64xf32>
    %reduce_sum3A_47 = arith.constant dense<0.000000e+00> : vector<64xf32>
    %reduce_sum3A_48 = vector.multi_reduction <add>, %mul3A_46, %reduce_sum3A_47 [0] : vector<32x64xf32> to vector<64xf32>
    %mul3A_49 = arith.constant 3.125000e-02 : f32
    %mul3A_50 = vector.broadcast %mul3A_49 : f32 to vector<64xf32>
    %mul3A_51 = arith.mulf %reduce_sum3A_48, %mul3A_50 : vector<64xf32>
    %add3A_52 = arith.constant 9.99999974E-5 : f32
    %add3A_53 = vector.broadcast %add3A_52 : f32 to vector<64xf32>
    %add3A_54 = arith.addf %mul3A_51, %add3A_53 : vector<64xf32>
    %sqrt3A = math.sqrt %add3A_54 : vector<64xf32>
    %sub3A_55 = arith.constant 1.000000e+00 : f32
    %sub3A_56 = vector.broadcast %sub3A_55 : f32 to vector<64xf32>
    %sub3A_57 = arith.subf %sub3A_56, %sqrt3A : vector<64xf32>
    %max3A = arith.constant 0.000000e+00 : f32
    %max3A_58 = vector.broadcast %max3A : f32 to vector<64xf32>
    %max3A_59 = arith.maximumf %sub3A_57, %max3A_58 : vector<64xf32>
    %reduce_sum3A_60 = vector.shape_cast %max3A_59 : vector<64xf32> to vector<1x64xf32>
    %reduce_sum3A_61 = arith.constant dense<0.000000e+00> : vector<1xf32>
    %reduce_sum3A_62 = vector.multi_reduction <add>, %reduce_sum3A_60, %reduce_sum3A_61 [1] : vector<1x64xf32> to vector<1xf32>
    %reduce_sum3A_63 = vector.shape_cast %reduce_sum3A_62 : vector<1xf32> to vector<1x1xf32>
    %reduce_sum3A_64 = vector.extract %reduce_sum3A_63[0, 0] : f32 from vector<1x1xf32>
    %div3A_65 = arith.constant 6.400000e+01 : f32
    %div3A_66 = arith.divf %reduce_sum3A_64, %div3A_65 : f32
    %dot_general3A = arith.constant dense<0.000000e+00> : vector<64x64xf32>
    %dot_general3A_67 = tpu.matmul %mul3A_45, %mul3A_45, %dot_general3A {dimension_numbers = #tpu.dot_dimension_numbers<[0], [0], [1], [1], [0, 1, 1, 1], [], []>, transpose_lhs_hint = false} : vector<32x64xf32>, vector<32x64xf32>, vector<64x64xf32> -> vector<64x64xf32>
    %mul3A_68 = arith.constant 0.0322580636 : f32
    %mul3A_69 = vector.broadcast %mul3A_68 : f32 to vector<64x64xf32>
    %mul3A_70 = arith.mulf %dot_general3A_67, %mul3A_69 : vector<64x64xf32>
    %iota3A_71 = tpu.iota {dimensions = array<i32: 0>} : vector<64x64xi32>
    %iota3A_72 = tpu.iota {dimensions = array<i32: 1>} : vector<64x64xi32>
    %eq3A_73 = arith.cmpi eq, %iota3A_71, %iota3A_72 : vector<64x64xi32>
    %jit3A_74 = arith.constant 0.000000e+00 : f32
    %broadcast_in_dim3A_75 = vector.broadcast %jit3A_74 : f32 to vector<64x64xf32>
    %select_n3A_76 = arith.select %eq3A_73, %broadcast_in_dim3A_75, %mul3A_70 : vector<64x64xi1>, vector<64x64xf32>
    %mul3A_77 = arith.mulf %select_n3A_76, %select_n3A_76 : vector<64x64xf32>
    %reduce_sum3A_78 = vector.shape_cast %mul3A_77 : vector<64x64xf32> to vector<1x64x64xf32>
    %reduce_sum3A_79 = arith.constant dense<0.000000e+00> : vector<1xf32>
    %reduce_sum3A_80 = vector.multi_reduction <add>, %reduce_sum3A_78, %reduce_sum3A_79 [1, 2] : vector<1x64x64xf32> to vector<1xf32>
    %reduce_sum3A_81 = vector.shape_cast %reduce_sum3A_80 : vector<1xf32> to vector<1x1x1xf32>
    %reduce_sum3A_82 = vector.extract %reduce_sum3A_81[0, 0, 0] : f32 from vector<1x1x1xf32>
    %div3A_83 = arith.constant 6.400000e+01 : f32
    %div3A_84 = arith.divf %reduce_sum3A_82, %div3A_83 : f32
    %mul3A_85 = vector.broadcast %broadcast_in_dim3A_22 : vector<32x1xf32> to vector<32x64xf32>
    %mul3A_86 = arith.mulf %mul3A_85, %get3A_27 : vector<32x64xf32>
    %reduce_sum3A_87 = arith.constant dense<0.000000e+00> : vector<64xf32>
    %reduce_sum3A_88 = vector.multi_reduction <add>, %mul3A_86, %reduce_sum3A_87 [0] : vector<32x64xf32> to vector<64xf32>
    %broadcast_in_dim3A_89 = vector.shape_cast %reduce_sum3A_88 : vector<64xf32> to vector<1x64xf32>
    %mul3A_90 = arith.constant 3.125000e-02 : f32
    %mul3A_91 = vector.broadcast %mul3A_90 : f32 to vector<1x64xf32>
    %mul3A_92 = arith.mulf %broadcast_in_dim3A_89, %mul3A_91 : vector<1x64xf32>
    %sub3A_93 = vector.broadcast %mul3A_92 : vector<1x64xf32> to vector<32x64xf32>
    %sub3A_94 = arith.subf %get3A_27, %sub3A_93 : vector<32x64xf32>
    %mul3A_95 = vector.broadcast %broadcast_in_dim3A_22 : vector<32x1xf32> to vector<32x64xf32>
    %mul3A_96 = arith.mulf %mul3A_95, %sub3A_94 : vector<32x64xf32>
    %mul3A_97 = arith.mulf %mul3A_96, %mul3A_96 : vector<32x64xf32>
    %reduce_sum3A_98 = arith.constant dense<0.000000e+00> : vector<64xf32>
    %reduce_sum3A_99 = vector.multi_reduction <add>, %mul3A_97, %reduce_sum3A_98 [0] : vector<32x64xf32> to vector<64xf32>
    %mul3A_100 = arith.constant 3.125000e-02 : f32
    %mul3A_101 = vector.broadcast %mul3A_100 : f32 to vector<64xf32>
    %mul3A_102 = arith.mulf %reduce_sum3A_99, %mul3A_101 : vector<64xf32>
    %add3A_103 = arith.constant 9.99999974E-5 : f32
    %add3A_104 = vector.broadcast %add3A_103 : f32 to vector<64xf32>
    %add3A_105 = arith.addf %mul3A_102, %add3A_104 : vector<64xf32>
    %sqrt3A_106 = math.sqrt %add3A_105 : vector<64xf32>
    %sub3A_107 = arith.constant 1.000000e+00 : f32
    %sub3A_108 = vector.broadcast %sub3A_107 : f32 to vector<64xf32>
    %sub3A_109 = arith.subf %sub3A_108, %sqrt3A_106 : vector<64xf32>
    %max3A_110 = arith.constant 0.000000e+00 : f32
    %max3A_111 = vector.broadcast %max3A_110 : f32 to vector<64xf32>
    %max3A_112 = arith.maximumf %sub3A_109, %max3A_111 : vector<64xf32>
    %reduce_sum3A_113 = vector.shape_cast %max3A_112 : vector<64xf32> to vector<1x64xf32>
    %reduce_sum3A_114 = arith.constant dense<0.000000e+00> : vector<1xf32>
    %reduce_sum3A_115 = vector.multi_reduction <add>, %reduce_sum3A_113, %reduce_sum3A_114 [1] : vector<1x64xf32> to vector<1xf32>
    %reduce_sum3A_116 = vector.shape_cast %reduce_sum3A_115 : vector<1xf32> to vector<1x1xf32>
    %reduce_sum3A_117 = vector.extract %reduce_sum3A_116[0, 0] : f32 from vector<1x1xf32>
    %div3A_118 = arith.constant 6.400000e+01 : f32
    %div3A_119 = arith.divf %reduce_sum3A_117, %div3A_118 : f32
    %dot_general3A_120 = arith.constant dense<0.000000e+00> : vector<64x64xf32>
    %dot_general3A_121 = tpu.matmul %mul3A_96, %mul3A_96, %dot_general3A_120 {dimension_numbers = #tpu.dot_dimension_numbers<[0], [0], [1], [1], [0, 1, 1, 1], [], []>, transpose_lhs_hint = false} : vector<32x64xf32>, vector<32x64xf32>, vector<64x64xf32> -> vector<64x64xf32>
    %mul3A_122 = arith.constant 0.0322580636 : f32
    %mul3A_123 = vector.broadcast %mul3A_122 : f32 to vector<64x64xf32>
    %mul3A_124 = arith.mulf %dot_general3A_121, %mul3A_123 : vector<64x64xf32>
    %iota3A_125 = tpu.iota {dimensions = array<i32: 0>} : vector<64x64xi32>
    %iota3A_126 = tpu.iota {dimensions = array<i32: 1>} : vector<64x64xi32>
    %eq3A_127 = arith.cmpi eq, %iota3A_125, %iota3A_126 : vector<64x64xi32>
    %jit3A_128 = arith.constant 0.000000e+00 : f32
    %broadcast_in_dim3A_129 = vector.broadcast %jit3A_128 : f32 to vector<64x64xf32>
    %select_n3A_130 = arith.select %eq3A_127, %broadcast_in_dim3A_129, %mul3A_124 : vector<64x64xi1>, vector<64x64xf32>
    %mul3A_131 = arith.mulf %select_n3A_130, %select_n3A_130 : vector<64x64xf32>
    %reduce_sum3A_132 = vector.shape_cast %mul3A_131 : vector<64x64xf32> to vector<1x64x64xf32>
    %reduce_sum3A_133 = arith.constant dense<0.000000e+00> : vector<1xf32>
    %reduce_sum3A_134 = vector.multi_reduction <add>, %reduce_sum3A_132, %reduce_sum3A_133 [1, 2] : vector<1x64x64xf32> to vector<1xf32>
    %reduce_sum3A_135 = vector.shape_cast %reduce_sum3A_134 : vector<1xf32> to vector<1x1x1xf32>
    %reduce_sum3A_136 = vector.extract %reduce_sum3A_135[0, 0, 0] : f32 from vector<1x1x1xf32>
    %div3A_137 = arith.constant 6.400000e+01 : f32
    %div3A_138 = arith.divf %reduce_sum3A_136, %div3A_137 : f32
    %add3A_139 = arith.addf %div3A_66, %div3A_119 : f32
    %add3A_140 = arith.addf %div3A_84, %div3A_138 : f32
    %get3A_141 = arith.constant 0 : index
    %get3A_142 = arith.constant 0 : index
    %get3A_143 = arith.constant 0 : index
    %get3A_144 = vector.load %arg0[%get3A_141, %get3A_142, %get3A_143] : memref<4x768x64xf32, #tpu.memory_space<vmem>>, vector<1x768x64xf32>
    %get3A_145 = vector.shape_cast %get3A_144 : vector<1x768x64xf32> to vector<768x64xf32>
    %get3A_146 = arith.constant 0 : index
    %get3A_147 = arith.constant 0 : index
    %get3A_148 = arith.constant 0 : index
    %get3A_149 = vector.load %arg1[%get3A_146, %get3A_147, %get3A_148] : memref<4x768x64xf32, #tpu.memory_space<vmem>>, vector<1x768x64xf32>
    %get3A_150 = vector.shape_cast %get3A_149 : vector<1x768x64xf32> to vector<768x64xf32>
    %sub3A_151 = arith.subf %get3A_145, %get3A_150 : vector<768x64xf32>
    %integer_pow3A_152 = arith.mulf %sub3A_151, %sub3A_151 : vector<768x64xf32>
    %mul3A_153 = vector.broadcast %select_n3A_20 : vector<768x1xf32> to vector<768x64xf32>
    %mul3A_154 = arith.mulf %mul3A_153, %integer_pow3A_152 : vector<768x64xf32>
    %reduce_sum3A_155 = vector.shape_cast %mul3A_154 : vector<768x64xf32> to vector<1x768x64xf32>
    %reduce_sum3A_156 = arith.constant dense<0.000000e+00> : vector<1xf32>
    %reduce_sum3A_157 = vector.multi_reduction <add>, %reduce_sum3A_155, %reduce_sum3A_156 [1, 2] : vector<1x768x64xf32> to vector<1xf32>
    %reduce_sum3A_158 = vector.shape_cast %reduce_sum3A_157 : vector<1xf32> to vector<1x1x1xf32>
    %reduce_sum3A_159 = vector.extract %reduce_sum3A_158[0, 0, 0] : f32 from vector<1x1x1xf32>
    %div3A_160 = arith.constant 4.096000e+04 : f32
    %div3A_161 = arith.divf %reduce_sum3A_159, %div3A_160 : f32
    %mul3A_162 = vector.broadcast %select_n3A_20 : vector<768x1xf32> to vector<768x64xf32>
    %mul3A_163 = arith.mulf %mul3A_162, %get3A_145 : vector<768x64xf32>
    %reduce_sum3A_164 = arith.constant dense<0.000000e+00> : vector<64xf32>
    %reduce_sum3A_165 = vector.multi_reduction <add>, %mul3A_163, %reduce_sum3A_164 [0] : vector<768x64xf32> to vector<64xf32>
    %broadcast_in_dim3A_166 = vector.shape_cast %reduce_sum3A_165 : vector<64xf32> to vector<1x64xf32>
    %mul3A_167 = arith.constant 1.562500e-03 : f32
    %mul3A_168 = vector.broadcast %mul3A_167 : f32 to vector<1x64xf32>
    %mul3A_169 = arith.mulf %broadcast_in_dim3A_166, %mul3A_168 : vector<1x64xf32>
    %sub3A_170 = vector.broadcast %mul3A_169 : vector<1x64xf32> to vector<768x64xf32>
    %sub3A_171 = arith.subf %get3A_145, %sub3A_170 : vector<768x64xf32>
    %mul3A_172 = vector.broadcast %select_n3A_20 : vector<768x1xf32> to vector<768x64xf32>
    %mul3A_173 = arith.mulf %mul3A_172, %sub3A_171 : vector<768x64xf32>
    %mul3A_174 = arith.mulf %mul3A_173, %mul3A_173 : vector<768x64xf32>
    %reduce_sum3A_175 = arith.constant dense<0.000000e+00> : vector<64xf32>
    %reduce_sum3A_176 = vector.multi_reduction <add>, %mul3A_174, %reduce_sum3A_175 [0] : vector<768x64xf32> to vector<64xf32>
    %mul3A_177 = arith.constant 1.562500e-03 : f32
    %mul3A_178 = vector.broadcast %mul3A_177 : f32 to vector<64xf32>
    %mul3A_179 = arith.mulf %reduce_sum3A_176, %mul3A_178 : vector<64xf32>
    %add3A_180 = arith.constant 9.99999974E-5 : f32
    %add3A_181 = vector.broadcast %add3A_180 : f32 to vector<64xf32>
    %add3A_182 = arith.addf %mul3A_179, %add3A_181 : vector<64xf32>
    %sqrt3A_183 = math.sqrt %add3A_182 : vector<64xf32>
    %sub3A_184 = arith.constant 1.000000e+00 : f32
    %sub3A_185 = vector.broadcast %sub3A_184 : f32 to vector<64xf32>
    %sub3A_186 = arith.subf %sub3A_185, %sqrt3A_183 : vector<64xf32>
    %max3A_187 = arith.constant 0.000000e+00 : f32
    %max3A_188 = vector.broadcast %max3A_187 : f32 to vector<64xf32>
    %max3A_189 = arith.maximumf %sub3A_186, %max3A_188 : vector<64xf32>
    %reduce_sum3A_190 = vector.shape_cast %max3A_189 : vector<64xf32> to vector<1x64xf32>
    %reduce_sum3A_191 = arith.constant dense<0.000000e+00> : vector<1xf32>
    %reduce_sum3A_192 = vector.multi_reduction <add>, %reduce_sum3A_190, %reduce_sum3A_191 [1] : vector<1x64xf32> to vector<1xf32>
    %reduce_sum3A_193 = vector.shape_cast %reduce_sum3A_192 : vector<1xf32> to vector<1x1xf32>
    %reduce_sum3A_194 = vector.extract %reduce_sum3A_193[0, 0] : f32 from vector<1x1xf32>
    %div3A_195 = arith.constant 6.400000e+01 : f32
    %div3A_196 = arith.divf %reduce_sum3A_194, %div3A_195 : f32
    %dot_general3A_197 = arith.constant dense<0.000000e+00> : vector<64x64xf32>
    %dot_general3A_198 = tpu.matmul %mul3A_173, %mul3A_173, %dot_general3A_197 {dimension_numbers = #tpu.dot_dimension_numbers<[0], [0], [1], [1], [0, 1, 1, 1], [], []>, transpose_lhs_hint = false} : vector<768x64xf32>, vector<768x64xf32>, vector<64x64xf32> -> vector<64x64xf32>
    %mul3A_199 = arith.constant 0.00156494521 : f32
    %mul3A_200 = vector.broadcast %mul3A_199 : f32 to vector<64x64xf32>
    %mul3A_201 = arith.mulf %dot_general3A_198, %mul3A_200 : vector<64x64xf32>
    %iota3A_202 = tpu.iota {dimensions = array<i32: 0>} : vector<64x64xi32>
    %iota3A_203 = tpu.iota {dimensions = array<i32: 1>} : vector<64x64xi32>
    %eq3A_204 = arith.cmpi eq, %iota3A_202, %iota3A_203 : vector<64x64xi32>
    %jit3A_205 = arith.constant 0.000000e+00 : f32
    %broadcast_in_dim3A_206 = vector.broadcast %jit3A_205 : f32 to vector<64x64xf32>
    %select_n3A_207 = arith.select %eq3A_204, %broadcast_in_dim3A_206, %mul3A_201 : vector<64x64xi1>, vector<64x64xf32>
    %mul3A_208 = arith.mulf %select_n3A_207, %select_n3A_207 : vector<64x64xf32>
    %reduce_sum3A_209 = vector.shape_cast %mul3A_208 : vector<64x64xf32> to vector<1x64x64xf32>
    %reduce_sum3A_210 = arith.constant dense<0.000000e+00> : vector<1xf32>
    %reduce_sum3A_211 = vector.multi_reduction <add>, %reduce_sum3A_209, %reduce_sum3A_210 [1, 2] : vector<1x64x64xf32> to vector<1xf32>
    %reduce_sum3A_212 = vector.shape_cast %reduce_sum3A_211 : vector<1xf32> to vector<1x1x1xf32>
    %reduce_sum3A_213 = vector.extract %reduce_sum3A_212[0, 0, 0] : f32 from vector<1x1x1xf32>
    %div3A_214 = arith.constant 6.400000e+01 : f32
    %div3A_215 = arith.divf %reduce_sum3A_213, %div3A_214 : f32
    %mul3A_216 = vector.broadcast %select_n3A_20 : vector<768x1xf32> to vector<768x64xf32>
    %mul3A_217 = arith.mulf %mul3A_216, %get3A_150 : vector<768x64xf32>
    %reduce_sum3A_218 = arith.constant dense<0.000000e+00> : vector<64xf32>
    %reduce_sum3A_219 = vector.multi_reduction <add>, %mul3A_217, %reduce_sum3A_218 [0] : vector<768x64xf32> to vector<64xf32>
    %broadcast_in_dim3A_220 = vector.shape_cast %reduce_sum3A_219 : vector<64xf32> to vector<1x64xf32>
    %mul3A_221 = arith.constant 1.562500e-03 : f32
    %mul3A_222 = vector.broadcast %mul3A_221 : f32 to vector<1x64xf32>
    %mul3A_223 = arith.mulf %broadcast_in_dim3A_220, %mul3A_222 : vector<1x64xf32>
    %sub3A_224 = vector.broadcast %mul3A_223 : vector<1x64xf32> to vector<768x64xf32>
    %sub3A_225 = arith.subf %get3A_150, %sub3A_224 : vector<768x64xf32>
    %mul3A_226 = vector.broadcast %select_n3A_20 : vector<768x1xf32> to vector<768x64xf32>
    %mul3A_227 = arith.mulf %mul3A_226, %sub3A_225 : vector<768x64xf32>
    %mul3A_228 = arith.mulf %mul3A_227, %mul3A_227 : vector<768x64xf32>
    %reduce_sum3A_229 = arith.constant dense<0.000000e+00> : vector<64xf32>
    %reduce_sum3A_230 = vector.multi_reduction <add>, %mul3A_228, %reduce_sum3A_229 [0] : vector<768x64xf32> to vector<64xf32>
    %mul3A_231 = arith.constant 1.562500e-03 : f32
    %mul3A_232 = vector.broadcast %mul3A_231 : f32 to vector<64xf32>
    %mul3A_233 = arith.mulf %reduce_sum3A_230, %mul3A_232 : vector<64xf32>
    %add3A_234 = arith.constant 9.99999974E-5 : f32
    %add3A_235 = vector.broadcast %add3A_234 : f32 to vector<64xf32>
    %add3A_236 = arith.addf %mul3A_233, %add3A_235 : vector<64xf32>
    %sqrt3A_237 = math.sqrt %add3A_236 : vector<64xf32>
    %sub3A_238 = arith.constant 1.000000e+00 : f32
    %sub3A_239 = vector.broadcast %sub3A_238 : f32 to vector<64xf32>
    %sub3A_240 = arith.subf %sub3A_239, %sqrt3A_237 : vector<64xf32>
    %max3A_241 = arith.constant 0.000000e+00 : f32
    %max3A_242 = vector.broadcast %max3A_241 : f32 to vector<64xf32>
    %max3A_243 = arith.maximumf %sub3A_240, %max3A_242 : vector<64xf32>
    %reduce_sum3A_244 = vector.shape_cast %max3A_243 : vector<64xf32> to vector<1x64xf32>
    %reduce_sum3A_245 = arith.constant dense<0.000000e+00> : vector<1xf32>
    %reduce_sum3A_246 = vector.multi_reduction <add>, %reduce_sum3A_244, %reduce_sum3A_245 [1] : vector<1x64xf32> to vector<1xf32>
    %reduce_sum3A_247 = vector.shape_cast %reduce_sum3A_246 : vector<1xf32> to vector<1x1xf32>
    %reduce_sum3A_248 = vector.extract %reduce_sum3A_247[0, 0] : f32 from vector<1x1xf32>
    %div3A_249 = arith.constant 6.400000e+01 : f32
    %div3A_250 = arith.divf %reduce_sum3A_248, %div3A_249 : f32
    %dot_general3A_251 = arith.constant dense<0.000000e+00> : vector<64x64xf32>
    %dot_general3A_252 = tpu.matmul %mul3A_227, %mul3A_227, %dot_general3A_251 {dimension_numbers = #tpu.dot_dimension_numbers<[0], [0], [1], [1], [0, 1, 1, 1], [], []>, transpose_lhs_hint = false} : vector<768x64xf32>, vector<768x64xf32>, vector<64x64xf32> -> vector<64x64xf32>
    %mul3A_253 = arith.constant 0.00156494521 : f32
    %mul3A_254 = vector.broadcast %mul3A_253 : f32 to vector<64x64xf32>
    %mul3A_255 = arith.mulf %dot_general3A_252, %mul3A_254 : vector<64x64xf32>
    %iota3A_256 = tpu.iota {dimensions = array<i32: 0>} : vector<64x64xi32>
    %iota3A_257 = tpu.iota {dimensions = array<i32: 1>} : vector<64x64xi32>
    %eq3A_258 = arith.cmpi eq, %iota3A_256, %iota3A_257 : vector<64x64xi32>
    %jit3A_259 = arith.constant 0.000000e+00 : f32
    %broadcast_in_dim3A_260 = vector.broadcast %jit3A_259 : f32 to vector<64x64xf32>
    %select_n3A_261 = arith.select %eq3A_258, %broadcast_in_dim3A_260, %mul3A_255 : vector<64x64xi1>, vector<64x64xf32>
    %mul3A_262 = arith.mulf %select_n3A_261, %select_n3A_261 : vector<64x64xf32>
    %reduce_sum3A_263 = vector.shape_cast %mul3A_262 : vector<64x64xf32> to vector<1x64x64xf32>
    %reduce_sum3A_264 = arith.constant dense<0.000000e+00> : vector<1xf32>
    %reduce_sum3A_265 = vector.multi_reduction <add>, %reduce_sum3A_263, %reduce_sum3A_264 [1, 2] : vector<1x64x64xf32> to vector<1xf32>
    %reduce_sum3A_266 = vector.shape_cast %reduce_sum3A_265 : vector<1xf32> to vector<1x1x1xf32>
    %reduce_sum3A_267 = vector.extract %reduce_sum3A_266[0, 0, 0] : f32 from vector<1x1x1xf32>
    %div3A_268 = arith.constant 6.400000e+01 : f32
    %div3A_269 = arith.divf %reduce_sum3A_267, %div3A_268 : f32
    %add3A_270 = arith.addf %div3A_196, %div3A_250 : f32
    %add3A_271 = arith.addf %div3A_215, %div3A_269 : f32
    %add3A_272 = arith.constant 0.000000e+00 : f32
    %add3A_273 = arith.addf %add3A_272, %div3A_161 : f32
    %add3A_274 = arith.constant 0.000000e+00 : f32
    %add3A_275 = arith.addf %add3A_274, %add3A_270 : f32
    %add3A_276 = arith.constant 0.000000e+00 : f32
    %add3A_277 = arith.addf %add3A_276, %add3A_271 : f32
    %get3A_278 = arith.constant 1 : index
    %get3A_279 = arith.constant 0 : index
    %get3A_280 = arith.constant 0 : index
    %get3A_281 = vector.load %arg0[%get3A_278, %get3A_279, %get3A_280] : memref<4x768x64xf32, #tpu.memory_space<vmem>>, vector<1x768x64xf32>
    %get3A_282 = vector.shape_cast %get3A_281 : vector<1x768x64xf32> to vector<768x64xf32>
    %get3A_283 = arith.constant 1 : index
    %get3A_284 = arith.constant 0 : index
    %get3A_285 = arith.constant 0 : index
    %get3A_286 = vector.load %arg1[%get3A_283, %get3A_284, %get3A_285] : memref<4x768x64xf32, #tpu.memory_space<vmem>>, vector<1x768x64xf32>
    %get3A_287 = vector.shape_cast %get3A_286 : vector<1x768x64xf32> to vector<768x64xf32>
    %sub3A_288 = arith.subf %get3A_282, %get3A_287 : vector<768x64xf32>
    %integer_pow3A_289 = arith.mulf %sub3A_288, %sub3A_288 : vector<768x64xf32>
    %mul3A_290 = vector.broadcast %select_n3A_20 : vector<768x1xf32> to vector<768x64xf32>
    %mul3A_291 = arith.mulf %mul3A_290, %integer_pow3A_289 : vector<768x64xf32>
    %reduce_sum3A_292 = vector.shape_cast %mul3A_291 : vector<768x64xf32> to vector<1x768x64xf32>
    %reduce_sum3A_293 = arith.constant dense<0.000000e+00> : vector<1xf32>
    %reduce_sum3A_294 = vector.multi_reduction <add>, %reduce_sum3A_292, %reduce_sum3A_293 [1, 2] : vector<1x768x64xf32> to vector<1xf32>
    %reduce_sum3A_295 = vector.shape_cast %reduce_sum3A_294 : vector<1xf32> to vector<1x1x1xf32>
    %reduce_sum3A_296 = vector.extract %reduce_sum3A_295[0, 0, 0] : f32 from vector<1x1x1xf32>
    %div3A_297 = arith.constant 4.096000e+04 : f32
    %div3A_298 = arith.divf %reduce_sum3A_296, %div3A_297 : f32
    %mul3A_299 = vector.broadcast %select_n3A_20 : vector<768x1xf32> to vector<768x64xf32>
    %mul3A_300 = arith.mulf %mul3A_299, %get3A_282 : vector<768x64xf32>
    %reduce_sum3A_301 = arith.constant dense<0.000000e+00> : vector<64xf32>
    %reduce_sum3A_302 = vector.multi_reduction <add>, %mul3A_300, %reduce_sum3A_301 [0] : vector<768x64xf32> to vector<64xf32>
    %broadcast_in_dim3A_303 = vector.shape_cast %reduce_sum3A_302 : vector<64xf32> to vector<1x64xf32>
    %mul3A_304 = arith.constant 1.562500e-03 : f32
    %mul3A_305 = vector.broadcast %mul3A_304 : f32 to vector<1x64xf32>
    %mul3A_306 = arith.mulf %broadcast_in_dim3A_303, %mul3A_305 : vector<1x64xf32>
    %sub3A_307 = vector.broadcast %mul3A_306 : vector<1x64xf32> to vector<768x64xf32>
    %sub3A_308 = arith.subf %get3A_282, %sub3A_307 : vector<768x64xf32>
    %mul3A_309 = vector.broadcast %select_n3A_20 : vector<768x1xf32> to vector<768x64xf32>
    %mul3A_310 = arith.mulf %mul3A_309, %sub3A_308 : vector<768x64xf32>
    %mul3A_311 = arith.mulf %mul3A_310, %mul3A_310 : vector<768x64xf32>
    %reduce_sum3A_312 = arith.constant dense<0.000000e+00> : vector<64xf32>
    %reduce_sum3A_313 = vector.multi_reduction <add>, %mul3A_311, %reduce_sum3A_312 [0] : vector<768x64xf32> to vector<64xf32>
    %mul3A_314 = arith.constant 1.562500e-03 : f32
    %mul3A_315 = vector.broadcast %mul3A_314 : f32 to vector<64xf32>
    %mul3A_316 = arith.mulf %reduce_sum3A_313, %mul3A_315 : vector<64xf32>
    %add3A_317 = arith.constant 9.99999974E-5 : f32
    %add3A_318 = vector.broadcast %add3A_317 : f32 to vector<64xf32>
    %add3A_319 = arith.addf %mul3A_316, %add3A_318 : vector<64xf32>
    %sqrt3A_320 = math.sqrt %add3A_319 : vector<64xf32>
    %sub3A_321 = arith.constant 1.000000e+00 : f32
    %sub3A_322 = vector.broadcast %sub3A_321 : f32 to vector<64xf32>
    %sub3A_323 = arith.subf %sub3A_322, %sqrt3A_320 : vector<64xf32>
    %max3A_324 = arith.constant 0.000000e+00 : f32
    %max3A_325 = vector.broadcast %max3A_324 : f32 to vector<64xf32>
    %max3A_326 = arith.maximumf %sub3A_323, %max3A_325 : vector<64xf32>
    %reduce_sum3A_327 = vector.shape_cast %max3A_326 : vector<64xf32> to vector<1x64xf32>
    %reduce_sum3A_328 = arith.constant dense<0.000000e+00> : vector<1xf32>
    %reduce_sum3A_329 = vector.multi_reduction <add>, %reduce_sum3A_327, %reduce_sum3A_328 [1] : vector<1x64xf32> to vector<1xf32>
    %reduce_sum3A_330 = vector.shape_cast %reduce_sum3A_329 : vector<1xf32> to vector<1x1xf32>
    %reduce_sum3A_331 = vector.extract %reduce_sum3A_330[0, 0] : f32 from vector<1x1xf32>
    %div3A_332 = arith.constant 6.400000e+01 : f32
    %div3A_333 = arith.divf %reduce_sum3A_331, %div3A_332 : f32
    %dot_general3A_334 = arith.constant dense<0.000000e+00> : vector<64x64xf32>
    %dot_general3A_335 = tpu.matmul %mul3A_310, %mul3A_310, %dot_general3A_334 {dimension_numbers = #tpu.dot_dimension_numbers<[0], [0], [1], [1], [0, 1, 1, 1], [], []>, transpose_lhs_hint = false} : vector<768x64xf32>, vector<768x64xf32>, vector<64x64xf32> -> vector<64x64xf32>
    %mul3A_336 = arith.constant 0.00156494521 : f32
    %mul3A_337 = vector.broadcast %mul3A_336 : f32 to vector<64x64xf32>
    %mul3A_338 = arith.mulf %dot_general3A_335, %mul3A_337 : vector<64x64xf32>
    %iota3A_339 = tpu.iota {dimensions = array<i32: 0>} : vector<64x64xi32>
    %iota3A_340 = tpu.iota {dimensions = array<i32: 1>} : vector<64x64xi32>
    %eq3A_341 = arith.cmpi eq, %iota3A_339, %iota3A_340 : vector<64x64xi32>
    %jit3A_342 = arith.constant 0.000000e+00 : f32
    %broadcast_in_dim3A_343 = vector.broadcast %jit3A_342 : f32 to vector<64x64xf32>
    %select_n3A_344 = arith.select %eq3A_341, %broadcast_in_dim3A_343, %mul3A_338 : vector<64x64xi1>, vector<64x64xf32>
    %mul3A_345 = arith.mulf %select_n3A_344, %select_n3A_344 : vector<64x64xf32>
    %reduce_sum3A_346 = vector.shape_cast %mul3A_345 : vector<64x64xf32> to vector<1x64x64xf32>
    %reduce_sum3A_347 = arith.constant dense<0.000000e+00> : vector<1xf32>
    %reduce_sum3A_348 = vector.multi_reduction <add>, %reduce_sum3A_346, %reduce_sum3A_347 [1, 2] : vector<1x64x64xf32> to vector<1xf32>
    %reduce_sum3A_349 = vector.shape_cast %reduce_sum3A_348 : vector<1xf32> to vector<1x1x1xf32>
    %reduce_sum3A_350 = vector.extract %reduce_sum3A_349[0, 0, 0] : f32 from vector<1x1x1xf32>
    %div3A_351 = arith.constant 6.400000e+01 : f32
    %div3A_352 = arith.divf %reduce_sum3A_350, %div3A_351 : f32
    %mul3A_353 = vector.broadcast %select_n3A_20 : vector<768x1xf32> to vector<768x64xf32>
    %mul3A_354 = arith.mulf %mul3A_353, %get3A_287 : vector<768x64xf32>
    %reduce_sum3A_355 = arith.constant dense<0.000000e+00> : vector<64xf32>
    %reduce_sum3A_356 = vector.multi_reduction <add>, %mul3A_354, %reduce_sum3A_355 [0] : vector<768x64xf32> to vector<64xf32>
    %broadcast_in_dim3A_357 = vector.shape_cast %reduce_sum3A_356 : vector<64xf32> to vector<1x64xf32>
    %mul3A_358 = arith.constant 1.562500e-03 : f32
    %mul3A_359 = vector.broadcast %mul3A_358 : f32 to vector<1x64xf32>
    %mul3A_360 = arith.mulf %broadcast_in_dim3A_357, %mul3A_359 : vector<1x64xf32>
    %sub3A_361 = vector.broadcast %mul3A_360 : vector<1x64xf32> to vector<768x64xf32>
    %sub3A_362 = arith.subf %get3A_287, %sub3A_361 : vector<768x64xf32>
    %mul3A_363 = vector.broadcast %select_n3A_20 : vector<768x1xf32> to vector<768x64xf32>
    %mul3A_364 = arith.mulf %mul3A_363, %sub3A_362 : vector<768x64xf32>
    %mul3A_365 = arith.mulf %mul3A_364, %mul3A_364 : vector<768x64xf32>
    %reduce_sum3A_366 = arith.constant dense<0.000000e+00> : vector<64xf32>
    %reduce_sum3A_367 = vector.multi_reduction <add>, %mul3A_365, %reduce_sum3A_366 [0] : vector<768x64xf32> to vector<64xf32>
    %mul3A_368 = arith.constant 1.562500e-03 : f32
    %mul3A_369 = vector.broadcast %mul3A_368 : f32 to vector<64xf32>
    %mul3A_370 = arith.mulf %reduce_sum3A_367, %mul3A_369 : vector<64xf32>
    %add3A_371 = arith.constant 9.99999974E-5 : f32
    %add3A_372 = vector.broadcast %add3A_371 : f32 to vector<64xf32>
    %add3A_373 = arith.addf %mul3A_370, %add3A_372 : vector<64xf32>
    %sqrt3A_374 = math.sqrt %add3A_373 : vector<64xf32>
    %sub3A_375 = arith.constant 1.000000e+00 : f32
    %sub3A_376 = vector.broadcast %sub3A_375 : f32 to vector<64xf32>
    %sub3A_377 = arith.subf %sub3A_376, %sqrt3A_374 : vector<64xf32>
    %max3A_378 = arith.constant 0.000000e+00 : f32
    %max3A_379 = vector.broadcast %max3A_378 : f32 to vector<64xf32>
    %max3A_380 = arith.maximumf %sub3A_377, %max3A_379 : vector<64xf32>
    %reduce_sum3A_381 = vector.shape_cast %max3A_380 : vector<64xf32> to vector<1x64xf32>
    %reduce_sum3A_382 = arith.constant dense<0.000000e+00> : vector<1xf32>
    %reduce_sum3A_383 = vector.multi_reduction <add>, %reduce_sum3A_381, %reduce_sum3A_382 [1] : vector<1x64xf32> to vector<1xf32>
    %reduce_sum3A_384 = vector.shape_cast %reduce_sum3A_383 : vector<1xf32> to vector<1x1xf32>
    %reduce_sum3A_385 = vector.extract %reduce_sum3A_384[0, 0] : f32 from vector<1x1xf32>
    %div3A_386 = arith.constant 6.400000e+01 : f32
    %div3A_387 = arith.divf %reduce_sum3A_385, %div3A_386 : f32
    %dot_general3A_388 = arith.constant dense<0.000000e+00> : vector<64x64xf32>
    %dot_general3A_389 = tpu.matmul %mul3A_364, %mul3A_364, %dot_general3A_388 {dimension_numbers = #tpu.dot_dimension_numbers<[0], [0], [1], [1], [0, 1, 1, 1], [], []>, transpose_lhs_hint = false} : vector<768x64xf32>, vector<768x64xf32>, vector<64x64xf32> -> vector<64x64xf32>
    %mul3A_390 = arith.constant 0.00156494521 : f32
    %mul3A_391 = vector.broadcast %mul3A_390 : f32 to vector<64x64xf32>
    %mul3A_392 = arith.mulf %dot_general3A_389, %mul3A_391 : vector<64x64xf32>
    %iota3A_393 = tpu.iota {dimensions = array<i32: 0>} : vector<64x64xi32>
    %iota3A_394 = tpu.iota {dimensions = array<i32: 1>} : vector<64x64xi32>
    %eq3A_395 = arith.cmpi eq, %iota3A_393, %iota3A_394 : vector<64x64xi32>
    %jit3A_396 = arith.constant 0.000000e+00 : f32
    %broadcast_in_dim3A_397 = vector.broadcast %jit3A_396 : f32 to vector<64x64xf32>
    %select_n3A_398 = arith.select %eq3A_395, %broadcast_in_dim3A_397, %mul3A_392 : vector<64x64xi1>, vector<64x64xf32>
    %mul3A_399 = arith.mulf %select_n3A_398, %select_n3A_398 : vector<64x64xf32>
    %reduce_sum3A_400 = vector.shape_cast %mul3A_399 : vector<64x64xf32> to vector<1x64x64xf32>
    %reduce_sum3A_401 = arith.constant dense<0.000000e+00> : vector<1xf32>
    %reduce_sum3A_402 = vector.multi_reduction <add>, %reduce_sum3A_400, %reduce_sum3A_401 [1, 2] : vector<1x64x64xf32> to vector<1xf32>
    %reduce_sum3A_403 = vector.shape_cast %reduce_sum3A_402 : vector<1xf32> to vector<1x1x1xf32>
    %reduce_sum3A_404 = vector.extract %reduce_sum3A_403[0, 0, 0] : f32 from vector<1x1x1xf32>
    %div3A_405 = arith.constant 6.400000e+01 : f32
    %div3A_406 = arith.divf %reduce_sum3A_404, %div3A_405 : f32
    %add3A_407 = arith.addf %div3A_333, %div3A_387 : f32
    %add3A_408 = arith.addf %div3A_352, %div3A_406 : f32
    %add3A_409 = arith.addf %add3A_273, %div3A_298 : f32
    %add3A_410 = arith.addf %add3A_275, %add3A_407 : f32
    %add3A_411 = arith.addf %add3A_277, %add3A_408 : f32
    %get3A_412 = arith.constant 2 : index
    %get3A_413 = arith.constant 0 : index
    %get3A_414 = arith.constant 0 : index
    %get3A_415 = vector.load %arg0[%get3A_412, %get3A_413, %get3A_414] : memref<4x768x64xf32, #tpu.memory_space<vmem>>, vector<1x768x64xf32>
    %get3A_416 = vector.shape_cast %get3A_415 : vector<1x768x64xf32> to vector<768x64xf32>
    %get3A_417 = arith.constant 2 : index
    %get3A_418 = arith.constant 0 : index
    %get3A_419 = arith.constant 0 : index
    %get3A_420 = vector.load %arg1[%get3A_417, %get3A_418, %get3A_419] : memref<4x768x64xf32, #tpu.memory_space<vmem>>, vector<1x768x64xf32>
    %get3A_421 = vector.shape_cast %get3A_420 : vector<1x768x64xf32> to vector<768x64xf32>
    %sub3A_422 = arith.subf %get3A_416, %get3A_421 : vector<768x64xf32>
    %integer_pow3A_423 = arith.mulf %sub3A_422, %sub3A_422 : vector<768x64xf32>
    %mul3A_424 = vector.broadcast %select_n3A_20 : vector<768x1xf32> to vector<768x64xf32>
    %mul3A_425 = arith.mulf %mul3A_424, %integer_pow3A_423 : vector<768x64xf32>
    %reduce_sum3A_426 = vector.shape_cast %mul3A_425 : vector<768x64xf32> to vector<1x768x64xf32>
    %reduce_sum3A_427 = arith.constant dense<0.000000e+00> : vector<1xf32>
    %reduce_sum3A_428 = vector.multi_reduction <add>, %reduce_sum3A_426, %reduce_sum3A_427 [1, 2] : vector<1x768x64xf32> to vector<1xf32>
    %reduce_sum3A_429 = vector.shape_cast %reduce_sum3A_428 : vector<1xf32> to vector<1x1x1xf32>
    %reduce_sum3A_430 = vector.extract %reduce_sum3A_429[0, 0, 0] : f32 from vector<1x1x1xf32>
    %div3A_431 = arith.constant 4.096000e+04 : f32
    %div3A_432 = arith.divf %reduce_sum3A_430, %div3A_431 : f32
    %mul3A_433 = vector.broadcast %select_n3A_20 : vector<768x1xf32> to vector<768x64xf32>
    %mul3A_434 = arith.mulf %mul3A_433, %get3A_416 : vector<768x64xf32>
    %reduce_sum3A_435 = arith.constant dense<0.000000e+00> : vector<64xf32>
    %reduce_sum3A_436 = vector.multi_reduction <add>, %mul3A_434, %reduce_sum3A_435 [0] : vector<768x64xf32> to vector<64xf32>
    %broadcast_in_dim3A_437 = vector.shape_cast %reduce_sum3A_436 : vector<64xf32> to vector<1x64xf32>
    %mul3A_438 = arith.constant 1.562500e-03 : f32
    %mul3A_439 = vector.broadcast %mul3A_438 : f32 to vector<1x64xf32>
    %mul3A_440 = arith.mulf %broadcast_in_dim3A_437, %mul3A_439 : vector<1x64xf32>
    %sub3A_441 = vector.broadcast %mul3A_440 : vector<1x64xf32> to vector<768x64xf32>
    %sub3A_442 = arith.subf %get3A_416, %sub3A_441 : vector<768x64xf32>
    %mul3A_443 = vector.broadcast %select_n3A_20 : vector<768x1xf32> to vector<768x64xf32>
    %mul3A_444 = arith.mulf %mul3A_443, %sub3A_442 : vector<768x64xf32>
    %mul3A_445 = arith.mulf %mul3A_444, %mul3A_444 : vector<768x64xf32>
    %reduce_sum3A_446 = arith.constant dense<0.000000e+00> : vector<64xf32>
    %reduce_sum3A_447 = vector.multi_reduction <add>, %mul3A_445, %reduce_sum3A_446 [0] : vector<768x64xf32> to vector<64xf32>
    %mul3A_448 = arith.constant 1.562500e-03 : f32
    %mul3A_449 = vector.broadcast %mul3A_448 : f32 to vector<64xf32>
    %mul3A_450 = arith.mulf %reduce_sum3A_447, %mul3A_449 : vector<64xf32>
    %add3A_451 = arith.constant 9.99999974E-5 : f32
    %add3A_452 = vector.broadcast %add3A_451 : f32 to vector<64xf32>
    %add3A_453 = arith.addf %mul3A_450, %add3A_452 : vector<64xf32>
    %sqrt3A_454 = math.sqrt %add3A_453 : vector<64xf32>
    %sub3A_455 = arith.constant 1.000000e+00 : f32
    %sub3A_456 = vector.broadcast %sub3A_455 : f32 to vector<64xf32>
    %sub3A_457 = arith.subf %sub3A_456, %sqrt3A_454 : vector<64xf32>
    %max3A_458 = arith.constant 0.000000e+00 : f32
    %max3A_459 = vector.broadcast %max3A_458 : f32 to vector<64xf32>
    %max3A_460 = arith.maximumf %sub3A_457, %max3A_459 : vector<64xf32>
    %reduce_sum3A_461 = vector.shape_cast %max3A_460 : vector<64xf32> to vector<1x64xf32>
    %reduce_sum3A_462 = arith.constant dense<0.000000e+00> : vector<1xf32>
    %reduce_sum3A_463 = vector.multi_reduction <add>, %reduce_sum3A_461, %reduce_sum3A_462 [1] : vector<1x64xf32> to vector<1xf32>
    %reduce_sum3A_464 = vector.shape_cast %reduce_sum3A_463 : vector<1xf32> to vector<1x1xf32>
    %reduce_sum3A_465 = vector.extract %reduce_sum3A_464[0, 0] : f32 from vector<1x1xf32>
    %div3A_466 = arith.constant 6.400000e+01 : f32
    %div3A_467 = arith.divf %reduce_sum3A_465, %div3A_466 : f32
    %dot_general3A_468 = arith.constant dense<0.000000e+00> : vector<64x64xf32>
    %dot_general3A_469 = tpu.matmul %mul3A_444, %mul3A_444, %dot_general3A_468 {dimension_numbers = #tpu.dot_dimension_numbers<[0], [0], [1], [1], [0, 1, 1, 1], [], []>, transpose_lhs_hint = false} : vector<768x64xf32>, vector<768x64xf32>, vector<64x64xf32> -> vector<64x64xf32>
    %mul3A_470 = arith.constant 0.00156494521 : f32
    %mul3A_471 = vector.broadcast %mul3A_470 : f32 to vector<64x64xf32>
    %mul3A_472 = arith.mulf %dot_general3A_469, %mul3A_471 : vector<64x64xf32>
    %iota3A_473 = tpu.iota {dimensions = array<i32: 0>} : vector<64x64xi32>
    %iota3A_474 = tpu.iota {dimensions = array<i32: 1>} : vector<64x64xi32>
    %eq3A_475 = arith.cmpi eq, %iota3A_473, %iota3A_474 : vector<64x64xi32>
    %jit3A_476 = arith.constant 0.000000e+00 : f32
    %broadcast_in_dim3A_477 = vector.broadcast %jit3A_476 : f32 to vector<64x64xf32>
    %select_n3A_478 = arith.select %eq3A_475, %broadcast_in_dim3A_477, %mul3A_472 : vector<64x64xi1>, vector<64x64xf32>
    %mul3A_479 = arith.mulf %select_n3A_478, %select_n3A_478 : vector<64x64xf32>
    %reduce_sum3A_480 = vector.shape_cast %mul3A_479 : vector<64x64xf32> to vector<1x64x64xf32>
    %reduce_sum3A_481 = arith.constant dense<0.000000e+00> : vector<1xf32>
    %reduce_sum3A_482 = vector.multi_reduction <add>, %reduce_sum3A_480, %reduce_sum3A_481 [1, 2] : vector<1x64x64xf32> to vector<1xf32>
    %reduce_sum3A_483 = vector.shape_cast %reduce_sum3A_482 : vector<1xf32> to vector<1x1x1xf32>
    %reduce_sum3A_484 = vector.extract %reduce_sum3A_483[0, 0, 0] : f32 from vector<1x1x1xf32>
    %div3A_485 = arith.constant 6.400000e+01 : f32
    %div3A_486 = arith.divf %reduce_sum3A_484, %div3A_485 : f32
    %mul3A_487 = vector.broadcast %select_n3A_20 : vector<768x1xf32> to vector<768x64xf32>
    %mul3A_488 = arith.mulf %mul3A_487, %get3A_421 : vector<768x64xf32>
    %reduce_sum3A_489 = arith.constant dense<0.000000e+00> : vector<64xf32>
    %reduce_sum3A_490 = vector.multi_reduction <add>, %mul3A_488, %reduce_sum3A_489 [0] : vector<768x64xf32> to vector<64xf32>
    %broadcast_in_dim3A_491 = vector.shape_cast %reduce_sum3A_490 : vector<64xf32> to vector<1x64xf32>
    %mul3A_492 = arith.constant 1.562500e-03 : f32
    %mul3A_493 = vector.broadcast %mul3A_492 : f32 to vector<1x64xf32>
    %mul3A_494 = arith.mulf %broadcast_in_dim3A_491, %mul3A_493 : vector<1x64xf32>
    %sub3A_495 = vector.broadcast %mul3A_494 : vector<1x64xf32> to vector<768x64xf32>
    %sub3A_496 = arith.subf %get3A_421, %sub3A_495 : vector<768x64xf32>
    %mul3A_497 = vector.broadcast %select_n3A_20 : vector<768x1xf32> to vector<768x64xf32>
    %mul3A_498 = arith.mulf %mul3A_497, %sub3A_496 : vector<768x64xf32>
    %mul3A_499 = arith.mulf %mul3A_498, %mul3A_498 : vector<768x64xf32>
    %reduce_sum3A_500 = arith.constant dense<0.000000e+00> : vector<64xf32>
    %reduce_sum3A_501 = vector.multi_reduction <add>, %mul3A_499, %reduce_sum3A_500 [0] : vector<768x64xf32> to vector<64xf32>
    %mul3A_502 = arith.constant 1.562500e-03 : f32
    %mul3A_503 = vector.broadcast %mul3A_502 : f32 to vector<64xf32>
    %mul3A_504 = arith.mulf %reduce_sum3A_501, %mul3A_503 : vector<64xf32>
    %add3A_505 = arith.constant 9.99999974E-5 : f32
    %add3A_506 = vector.broadcast %add3A_505 : f32 to vector<64xf32>
    %add3A_507 = arith.addf %mul3A_504, %add3A_506 : vector<64xf32>
    %sqrt3A_508 = math.sqrt %add3A_507 : vector<64xf32>
    %sub3A_509 = arith.constant 1.000000e+00 : f32
    %sub3A_510 = vector.broadcast %sub3A_509 : f32 to vector<64xf32>
    %sub3A_511 = arith.subf %sub3A_510, %sqrt3A_508 : vector<64xf32>
    %max3A_512 = arith.constant 0.000000e+00 : f32
    %max3A_513 = vector.broadcast %max3A_512 : f32 to vector<64xf32>
    %max3A_514 = arith.maximumf %sub3A_511, %max3A_513 : vector<64xf32>
    %reduce_sum3A_515 = vector.shape_cast %max3A_514 : vector<64xf32> to vector<1x64xf32>
    %reduce_sum3A_516 = arith.constant dense<0.000000e+00> : vector<1xf32>
    %reduce_sum3A_517 = vector.multi_reduction <add>, %reduce_sum3A_515, %reduce_sum3A_516 [1] : vector<1x64xf32> to vector<1xf32>
    %reduce_sum3A_518 = vector.shape_cast %reduce_sum3A_517 : vector<1xf32> to vector<1x1xf32>
    %reduce_sum3A_519 = vector.extract %reduce_sum3A_518[0, 0] : f32 from vector<1x1xf32>
    %div3A_520 = arith.constant 6.400000e+01 : f32
    %div3A_521 = arith.divf %reduce_sum3A_519, %div3A_520 : f32
    %dot_general3A_522 = arith.constant dense<0.000000e+00> : vector<64x64xf32>
    %dot_general3A_523 = tpu.matmul %mul3A_498, %mul3A_498, %dot_general3A_522 {dimension_numbers = #tpu.dot_dimension_numbers<[0], [0], [1], [1], [0, 1, 1, 1], [], []>, transpose_lhs_hint = false} : vector<768x64xf32>, vector<768x64xf32>, vector<64x64xf32> -> vector<64x64xf32>
    %mul3A_524 = arith.constant 0.00156494521 : f32
    %mul3A_525 = vector.broadcast %mul3A_524 : f32 to vector<64x64xf32>
    %mul3A_526 = arith.mulf %dot_general3A_523, %mul3A_525 : vector<64x64xf32>
    %iota3A_527 = tpu.iota {dimensions = array<i32: 0>} : vector<64x64xi32>
    %iota3A_528 = tpu.iota {dimensions = array<i32: 1>} : vector<64x64xi32>
    %eq3A_529 = arith.cmpi eq, %iota3A_527, %iota3A_528 : vector<64x64xi32>
    %jit3A_530 = arith.constant 0.000000e+00 : f32
    %broadcast_in_dim3A_531 = vector.broadcast %jit3A_530 : f32 to vector<64x64xf32>
    %select_n3A_532 = arith.select %eq3A_529, %broadcast_in_dim3A_531, %mul3A_526 : vector<64x64xi1>, vector<64x64xf32>
    %mul3A_533 = arith.mulf %select_n3A_532, %select_n3A_532 : vector<64x64xf32>
    %reduce_sum3A_534 = vector.shape_cast %mul3A_533 : vector<64x64xf32> to vector<1x64x64xf32>
    %reduce_sum3A_535 = arith.constant dense<0.000000e+00> : vector<1xf32>
    %reduce_sum3A_536 = vector.multi_reduction <add>, %reduce_sum3A_534, %reduce_sum3A_535 [1, 2] : vector<1x64x64xf32> to vector<1xf32>
    %reduce_sum3A_537 = vector.shape_cast %reduce_sum3A_536 : vector<1xf32> to vector<1x1x1xf32>
    %reduce_sum3A_538 = vector.extract %reduce_sum3A_537[0, 0, 0] : f32 from vector<1x1x1xf32>
    %div3A_539 = arith.constant 6.400000e+01 : f32
    %div3A_540 = arith.divf %reduce_sum3A_538, %div3A_539 : f32
    %add3A_541 = arith.addf %div3A_467, %div3A_521 : f32
    %add3A_542 = arith.addf %div3A_486, %div3A_540 : f32
    %add3A_543 = arith.addf %add3A_409, %div3A_432 : f32
    %add3A_544 = arith.addf %add3A_410, %add3A_541 : f32
    %add3A_545 = arith.addf %add3A_411, %add3A_542 : f32
    %get3A_546 = arith.constant 3 : index
    %get3A_547 = arith.constant 0 : index
    %get3A_548 = arith.constant 0 : index
    %get3A_549 = vector.load %arg0[%get3A_546, %get3A_547, %get3A_548] : memref<4x768x64xf32, #tpu.memory_space<vmem>>, vector<1x768x64xf32>
    %get3A_550 = vector.shape_cast %get3A_549 : vector<1x768x64xf32> to vector<768x64xf32>
    %get3A_551 = arith.constant 3 : index
    %get3A_552 = arith.constant 0 : index
    %get3A_553 = arith.constant 0 : index
    %get3A_554 = vector.load %arg1[%get3A_551, %get3A_552, %get3A_553] : memref<4x768x64xf32, #tpu.memory_space<vmem>>, vector<1x768x64xf32>
    %get3A_555 = vector.shape_cast %get3A_554 : vector<1x768x64xf32> to vector<768x64xf32>
    %sub3A_556 = arith.subf %get3A_550, %get3A_555 : vector<768x64xf32>
    %integer_pow3A_557 = arith.mulf %sub3A_556, %sub3A_556 : vector<768x64xf32>
    %mul3A_558 = vector.broadcast %select_n3A_20 : vector<768x1xf32> to vector<768x64xf32>
    %mul3A_559 = arith.mulf %mul3A_558, %integer_pow3A_557 : vector<768x64xf32>
    %reduce_sum3A_560 = vector.shape_cast %mul3A_559 : vector<768x64xf32> to vector<1x768x64xf32>
    %reduce_sum3A_561 = arith.constant dense<0.000000e+00> : vector<1xf32>
    %reduce_sum3A_562 = vector.multi_reduction <add>, %reduce_sum3A_560, %reduce_sum3A_561 [1, 2] : vector<1x768x64xf32> to vector<1xf32>
    %reduce_sum3A_563 = vector.shape_cast %reduce_sum3A_562 : vector<1xf32> to vector<1x1x1xf32>
    %reduce_sum3A_564 = vector.extract %reduce_sum3A_563[0, 0, 0] : f32 from vector<1x1x1xf32>
    %div3A_565 = arith.constant 4.096000e+04 : f32
    %div3A_566 = arith.divf %reduce_sum3A_564, %div3A_565 : f32
    %mul3A_567 = vector.broadcast %select_n3A_20 : vector<768x1xf32> to vector<768x64xf32>
    %mul3A_568 = arith.mulf %mul3A_567, %get3A_550 : vector<768x64xf32>
    %reduce_sum3A_569 = arith.constant dense<0.000000e+00> : vector<64xf32>
    %reduce_sum3A_570 = vector.multi_reduction <add>, %mul3A_568, %reduce_sum3A_569 [0] : vector<768x64xf32> to vector<64xf32>
    %broadcast_in_dim3A_571 = vector.shape_cast %reduce_sum3A_570 : vector<64xf32> to vector<1x64xf32>
    %mul3A_572 = arith.constant 1.562500e-03 : f32
    %mul3A_573 = vector.broadcast %mul3A_572 : f32 to vector<1x64xf32>
    %mul3A_574 = arith.mulf %broadcast_in_dim3A_571, %mul3A_573 : vector<1x64xf32>
    %sub3A_575 = vector.broadcast %mul3A_574 : vector<1x64xf32> to vector<768x64xf32>
    %sub3A_576 = arith.subf %get3A_550, %sub3A_575 : vector<768x64xf32>
    %mul3A_577 = vector.broadcast %select_n3A_20 : vector<768x1xf32> to vector<768x64xf32>
    %mul3A_578 = arith.mulf %mul3A_577, %sub3A_576 : vector<768x64xf32>
    %mul3A_579 = arith.mulf %mul3A_578, %mul3A_578 : vector<768x64xf32>
    %reduce_sum3A_580 = arith.constant dense<0.000000e+00> : vector<64xf32>
    %reduce_sum3A_581 = vector.multi_reduction <add>, %mul3A_579, %reduce_sum3A_580 [0] : vector<768x64xf32> to vector<64xf32>
    %mul3A_582 = arith.constant 1.562500e-03 : f32
    %mul3A_583 = vector.broadcast %mul3A_582 : f32 to vector<64xf32>
    %mul3A_584 = arith.mulf %reduce_sum3A_581, %mul3A_583 : vector<64xf32>
    %add3A_585 = arith.constant 9.99999974E-5 : f32
    %add3A_586 = vector.broadcast %add3A_585 : f32 to vector<64xf32>
    %add3A_587 = arith.addf %mul3A_584, %add3A_586 : vector<64xf32>
    %sqrt3A_588 = math.sqrt %add3A_587 : vector<64xf32>
    %sub3A_589 = arith.constant 1.000000e+00 : f32
    %sub3A_590 = vector.broadcast %sub3A_589 : f32 to vector<64xf32>
    %sub3A_591 = arith.subf %sub3A_590, %sqrt3A_588 : vector<64xf32>
    %max3A_592 = arith.constant 0.000000e+00 : f32
    %max3A_593 = vector.broadcast %max3A_592 : f32 to vector<64xf32>
    %max3A_594 = arith.maximumf %sub3A_591, %max3A_593 : vector<64xf32>
    %reduce_sum3A_595 = vector.shape_cast %max3A_594 : vector<64xf32> to vector<1x64xf32>
    %reduce_sum3A_596 = arith.constant dense<0.000000e+00> : vector<1xf32>
    %reduce_sum3A_597 = vector.multi_reduction <add>, %reduce_sum3A_595, %reduce_sum3A_596 [1] : vector<1x64xf32> to vector<1xf32>
    %reduce_sum3A_598 = vector.shape_cast %reduce_sum3A_597 : vector<1xf32> to vector<1x1xf32>
    %reduce_sum3A_599 = vector.extract %reduce_sum3A_598[0, 0] : f32 from vector<1x1xf32>
    %div3A_600 = arith.constant 6.400000e+01 : f32
    %div3A_601 = arith.divf %reduce_sum3A_599, %div3A_600 : f32
    %dot_general3A_602 = arith.constant dense<0.000000e+00> : vector<64x64xf32>
    %dot_general3A_603 = tpu.matmul %mul3A_578, %mul3A_578, %dot_general3A_602 {dimension_numbers = #tpu.dot_dimension_numbers<[0], [0], [1], [1], [0, 1, 1, 1], [], []>, transpose_lhs_hint = false} : vector<768x64xf32>, vector<768x64xf32>, vector<64x64xf32> -> vector<64x64xf32>
    %mul3A_604 = arith.constant 0.00156494521 : f32
    %mul3A_605 = vector.broadcast %mul3A_604 : f32 to vector<64x64xf32>
    %mul3A_606 = arith.mulf %dot_general3A_603, %mul3A_605 : vector<64x64xf32>
    %iota3A_607 = tpu.iota {dimensions = array<i32: 0>} : vector<64x64xi32>
    %iota3A_608 = tpu.iota {dimensions = array<i32: 1>} : vector<64x64xi32>
    %eq3A_609 = arith.cmpi eq, %iota3A_607, %iota3A_608 : vector<64x64xi32>
    %jit3A_610 = arith.constant 0.000000e+00 : f32
    %broadcast_in_dim3A_611 = vector.broadcast %jit3A_610 : f32 to vector<64x64xf32>
    %select_n3A_612 = arith.select %eq3A_609, %broadcast_in_dim3A_611, %mul3A_606 : vector<64x64xi1>, vector<64x64xf32>
    %mul3A_613 = arith.mulf %select_n3A_612, %select_n3A_612 : vector<64x64xf32>
    %reduce_sum3A_614 = vector.shape_cast %mul3A_613 : vector<64x64xf32> to vector<1x64x64xf32>
    %reduce_sum3A_615 = arith.constant dense<0.000000e+00> : vector<1xf32>
    %reduce_sum3A_616 = vector.multi_reduction <add>, %reduce_sum3A_614, %reduce_sum3A_615 [1, 2] : vector<1x64x64xf32> to vector<1xf32>
    %reduce_sum3A_617 = vector.shape_cast %reduce_sum3A_616 : vector<1xf32> to vector<1x1x1xf32>
    %reduce_sum3A_618 = vector.extract %reduce_sum3A_617[0, 0, 0] : f32 from vector<1x1x1xf32>
    %div3A_619 = arith.constant 6.400000e+01 : f32
    %div3A_620 = arith.divf %reduce_sum3A_618, %div3A_619 : f32
    %mul3A_621 = vector.broadcast %select_n3A_20 : vector<768x1xf32> to vector<768x64xf32>
    %mul3A_622 = arith.mulf %mul3A_621, %get3A_555 : vector<768x64xf32>
    %reduce_sum3A_623 = arith.constant dense<0.000000e+00> : vector<64xf32>
    %reduce_sum3A_624 = vector.multi_reduction <add>, %mul3A_622, %reduce_sum3A_623 [0] : vector<768x64xf32> to vector<64xf32>
    %broadcast_in_dim3A_625 = vector.shape_cast %reduce_sum3A_624 : vector<64xf32> to vector<1x64xf32>
    %mul3A_626 = arith.constant 1.562500e-03 : f32
    %mul3A_627 = vector.broadcast %mul3A_626 : f32 to vector<1x64xf32>
    %mul3A_628 = arith.mulf %broadcast_in_dim3A_625, %mul3A_627 : vector<1x64xf32>
    %sub3A_629 = vector.broadcast %mul3A_628 : vector<1x64xf32> to vector<768x64xf32>
    %sub3A_630 = arith.subf %get3A_555, %sub3A_629 : vector<768x64xf32>
    %mul3A_631 = vector.broadcast %select_n3A_20 : vector<768x1xf32> to vector<768x64xf32>
    %mul3A_632 = arith.mulf %mul3A_631, %sub3A_630 : vector<768x64xf32>
    %mul3A_633 = arith.mulf %mul3A_632, %mul3A_632 : vector<768x64xf32>
    %reduce_sum3A_634 = arith.constant dense<0.000000e+00> : vector<64xf32>
    %reduce_sum3A_635 = vector.multi_reduction <add>, %mul3A_633, %reduce_sum3A_634 [0] : vector<768x64xf32> to vector<64xf32>
    %mul3A_636 = arith.constant 1.562500e-03 : f32
    %mul3A_637 = vector.broadcast %mul3A_636 : f32 to vector<64xf32>
    %mul3A_638 = arith.mulf %reduce_sum3A_635, %mul3A_637 : vector<64xf32>
    %add3A_639 = arith.constant 9.99999974E-5 : f32
    %add3A_640 = vector.broadcast %add3A_639 : f32 to vector<64xf32>
    %add3A_641 = arith.addf %mul3A_638, %add3A_640 : vector<64xf32>
    %sqrt3A_642 = math.sqrt %add3A_641 : vector<64xf32>
    %sub3A_643 = arith.constant 1.000000e+00 : f32
    %sub3A_644 = vector.broadcast %sub3A_643 : f32 to vector<64xf32>
    %sub3A_645 = arith.subf %sub3A_644, %sqrt3A_642 : vector<64xf32>
    %max3A_646 = arith.constant 0.000000e+00 : f32
    %max3A_647 = vector.broadcast %max3A_646 : f32 to vector<64xf32>
    %max3A_648 = arith.maximumf %sub3A_645, %max3A_647 : vector<64xf32>
    %reduce_sum3A_649 = vector.shape_cast %max3A_648 : vector<64xf32> to vector<1x64xf32>
    %reduce_sum3A_650 = arith.constant dense<0.000000e+00> : vector<1xf32>
    %reduce_sum3A_651 = vector.multi_reduction <add>, %reduce_sum3A_649, %reduce_sum3A_650 [1] : vector<1x64xf32> to vector<1xf32>
    %reduce_sum3A_652 = vector.shape_cast %reduce_sum3A_651 : vector<1xf32> to vector<1x1xf32>
    %reduce_sum3A_653 = vector.extract %reduce_sum3A_652[0, 0] : f32 from vector<1x1xf32>
    %div3A_654 = arith.constant 6.400000e+01 : f32
    %div3A_655 = arith.divf %reduce_sum3A_653, %div3A_654 : f32
    %dot_general3A_656 = arith.constant dense<0.000000e+00> : vector<64x64xf32>
    %dot_general3A_657 = tpu.matmul %mul3A_632, %mul3A_632, %dot_general3A_656 {dimension_numbers = #tpu.dot_dimension_numbers<[0], [0], [1], [1], [0, 1, 1, 1], [], []>, transpose_lhs_hint = false} : vector<768x64xf32>, vector<768x64xf32>, vector<64x64xf32> -> vector<64x64xf32>
    %mul3A_658 = arith.constant 0.00156494521 : f32
    %mul3A_659 = vector.broadcast %mul3A_658 : f32 to vector<64x64xf32>
    %mul3A_660 = arith.mulf %dot_general3A_657, %mul3A_659 : vector<64x64xf32>
    %iota3A_661 = tpu.iota {dimensions = array<i32: 0>} : vector<64x64xi32>
    %iota3A_662 = tpu.iota {dimensions = array<i32: 1>} : vector<64x64xi32>
    %eq3A_663 = arith.cmpi eq, %iota3A_661, %iota3A_662 : vector<64x64xi32>
    %jit3A_664 = arith.constant 0.000000e+00 : f32
    %broadcast_in_dim3A_665 = vector.broadcast %jit3A_664 : f32 to vector<64x64xf32>
    %select_n3A_666 = arith.select %eq3A_663, %broadcast_in_dim3A_665, %mul3A_660 : vector<64x64xi1>, vector<64x64xf32>
    %mul3A_667 = arith.mulf %select_n3A_666, %select_n3A_666 : vector<64x64xf32>
    %reduce_sum3A_668 = vector.shape_cast %mul3A_667 : vector<64x64xf32> to vector<1x64x64xf32>
    %reduce_sum3A_669 = arith.constant dense<0.000000e+00> : vector<1xf32>
    %reduce_sum3A_670 = vector.multi_reduction <add>, %reduce_sum3A_668, %reduce_sum3A_669 [1, 2] : vector<1x64x64xf32> to vector<1xf32>
    %reduce_sum3A_671 = vector.shape_cast %reduce_sum3A_670 : vector<1xf32> to vector<1x1x1xf32>
    %reduce_sum3A_672 = vector.extract %reduce_sum3A_671[0, 0, 0] : f32 from vector<1x1x1xf32>
    %div3A_673 = arith.constant 6.400000e+01 : f32
    %div3A_674 = arith.divf %reduce_sum3A_672, %div3A_673 : f32
    %add3A_675 = arith.addf %div3A_601, %div3A_655 : f32
    %add3A_676 = arith.addf %div3A_620, %div3A_674 : f32
    %add3A_677 = arith.addf %add3A_543, %div3A_566 : f32
    %add3A_678 = arith.addf %add3A_544, %add3A_675 : f32
    %add3A_679 = arith.addf %add3A_545, %add3A_676 : f32
    %swap3A = arith.constant 0 : index
    %swap3A_680 = memref.load %arg4[%swap3A] : memref<6xf32, #tpu.memory_space<smem>>
    memref.store %div3A_33, %arg4[%swap3A] : memref<6xf32, #tpu.memory_space<smem>>
    %swap3A_681 = arith.constant 1 : index
    %swap3A_682 = memref.load %arg4[%swap3A_681] : memref<6xf32, #tpu.memory_space<smem>>
    memref.store %add3A_139, %arg4[%swap3A_681] : memref<6xf32, #tpu.memory_space<smem>>
    %swap3A_683 = arith.constant 2 : index
    %swap3A_684 = memref.load %arg4[%swap3A_683] : memref<6xf32, #tpu.memory_space<smem>>
    memref.store %add3A_140, %arg4[%swap3A_683] : memref<6xf32, #tpu.memory_space<smem>>
    %mul3A_685 = arith.constant 2.500000e-01 : f32
    %mul3A_686 = arith.mulf %add3A_677, %mul3A_685 : f32
    %swap3A_687 = arith.constant 3 : index
    %swap3A_688 = memref.load %arg4[%swap3A_687] : memref<6xf32, #tpu.memory_space<smem>>
    memref.store %mul3A_686, %arg4[%swap3A_687] : memref<6xf32, #tpu.memory_space<smem>>
    %mul3A_689 = arith.constant 2.500000e-01 : f32
    %mul3A_690 = arith.mulf %add3A_678, %mul3A_689 : f32
    %swap3A_691 = arith.constant 4 : index
    %swap3A_692 = memref.load %arg4[%swap3A_691] : memref<6xf32, #tpu.memory_space<smem>>
    memref.store %mul3A_690, %arg4[%swap3A_691] : memref<6xf32, #tpu.memory_space<smem>>
    %mul3A_693 = arith.constant 2.500000e-01 : f32
    %mul3A_694 = arith.mulf %add3A_679, %mul3A_693 : f32
    %swap3A_695 = arith.constant 5 : index
    %swap3A_696 = memref.load %arg4[%swap3A_695] : memref<6xf32, #tpu.memory_space<smem>>
    memref.store %mul3A_694, %arg4[%swap3A_695] : memref<6xf32, #tpu.memory_space<smem>>
    return
  }
}

</mosaic_0001>

<sc_bundles>
// kernel: kernel.5.cloned.1.call-start
scs
__scs_entry_jumppad:
0x0: {  	(pc) =	sbr.rel $0x88, $3  }
0x1: {  	(tag) =	ssettag $0x0;
	lr =	simm.s32 $0x1  }
0x2: {  	[smem:$0x3F9B] =	sst lr;
	_ =	strace $0xD0000000  }
0x3: {  	_ = 	snop  }
0x4: {  	_ = 	snop  }
0x5: {  	_ = 	snop  }
0x6: {  	_ = 	snop  }
0x7: {  	_ = 	snop  }
__scs_overlays_trampoline_lowered:
0x8: {  	[smem:$0x3FAA] =	sst s0  }
0x9: {  	[smem:$0x3FAB] =	sst s1  }
0xa: {  	[smem:$0x3FAC] =	sst s2  }
0xb: {  	[smem:$0x3FAD] =	sst s3  }
0xc: {  	[smem:$0x3FAE] =	sst s4  }
0xd: {  	[smem:$0x3FAF] =	sst s5  }
0xe: {  	[smem:$0x3FB0] =	sst s6  }
0xf: {  	[smem:$0x3FB1] =	sst s7  }
0x10: {  	[smem:$0x3FB2] =	sst s8  }
0x11: {  	[smem:$0x3FB3] =	sst s9;
	s0 =	simm.s32 @!p0 $0x0  }
0x12: {  	s1 =	sld [smem:$0x3F99];
	s0 =	simm.s32 @p0 $0x1  }
0x13: {  	[smem:$0x3FB4] =	sst s0;
	s0 =	simm.s32 @!p1 $0x0  }
0x14: {  	s2 =	sld [smem:$0x3F98];
	s0 =	simm.s32 @p1 $0x1  }
0x15: {  	[smem:$0x3FB5] =	sst s0;
	s0 =	simm.s32 @!p2 $0x0  }
0x16: {  	s3 =	sld [smem:$0x3FDB];
	s0 =	simm.s32 @p2 $0x1  }
0x17: {  	s4 =	simm.s32 $0x1BF5;
	[smem:$0x3FB7] =	sst s0  }
0x18: {  	s0 =	sld [smem:$0x3F9A];
	_ =	swait.ge [sflag:s4], $0x0  }
0x19: {  	s7 =	sld [smem:$0x3F9B]  }
0x1a: {  	s8 =	sadd.s32 $0xFFFFE003, lr  }
0x1b: {  	s9 =	sadd.s32 $0xFFFFFEF7, lr;
	s5 =	simm.s32 $0xFFFFFFFF;
	p2 =	slt.u32 s8, $0xFFFFF086  }
0x1c: {  	p1 =	slt.u32 s9, $0xF7A;
	s5 =	simm.s32 @!p2 $0x0  }
0x1d: {  	s5 =	simm.s32 @p1 $0x1;
	p0 =	seq.s32 s7, s2  }
0x1e: {  	s7 =	smul.u32 @!p0 $0xF7A, s2;
	p2 =	seq.s32 @!p0 s5, $0x0  }
0x1f: {  	s9 =	smul.u32 $0xF7A, s1;
	s8 =	simm.s32 @!p0 $0x1BF5;
	p2 =	por !p2, p0  }
0x20: {  	[sflag:s8] =	ssyncset.s32 @!p0 $0xFFFFF086;
	s6 =	sadd.s32 @!p0 s3, s7;
	s7 =	simm.s32 @!p0 $0x108  }
0x21: {  	s3 =	sadd.s32 s3, s9;
	s6 =	sadd.s32 @!p0 $0x88, s6;
	s7 =	simm.s32 @p2 $0x1082  }
0x22: {  	[simem:s7], [sflag:s8] =	dma.local @!p0 [hbm:s6], $0xF7A  }
0x23: {  	s9 =	sor.u32 $0xD0000000, s2;
	s6 =	simm.s32 $0x108;
	_ =	swait.ge @!p0 [sflag:s8], $0x0  }
0x24: {  	s3 =	sadd.s32 $0x88, s3;
	s6 =	simm.s32 @!p1 $0x1082;
	[sflag:s4] =	ssyncset.s32 $0xFFFFF086  }
0x25: {  	[simem:s6], [sflag:s4] =	dma.local [hbm:s3], $0xF7A  }
0x26: {  	[smem:$0x3F9B] =	sst s1;
	(tag) =	ssettag s2;
	_ =	strace s9  }
0x27: {  	s1 =	sld [smem:$0x3FAB]  }
0x28: {  	s2 =	sld [smem:$0x3FAC]  }
0x29: {  	s4 =	sld [smem:$0x3FAE]  }
0x2a: {  	p0 =	seq.s32 s5, $0x0;
	s5 =	sld [smem:$0x3FAF]  }
0x2b: {  	s6 =	sld [smem:$0x3FB0]  }
0x2c: {  	s7 =	sld [smem:$0x3FB1]  }
0x2d: {  	s3 =	simm.s32 $0x108;
	s8 =	sld [smem:$0x3FB2]  }
0x2e: {  	s3 =	simm.s32 @!p0 $0x1082;
	s9 =	sld [smem:$0x3FB3]  }
0x2f: {  	lr =	sadd.s32 s0, s3;
	s0 =	sld [smem:$0x3FAA]  }
0x30: {  	s3 =	sld [smem:$0x3FAD]  }
0x31: {  	[smem:$0x3FB6] =	sst s10  }
0x32: {  	s10 =	sld [smem:$0x3FB4];
	_ =	sdelay $0x3  }
0x33: {  	p0 =	seq.s32 s10, $0x1;
	s10 =	sld [smem:$0x3FB6];
	_ =	sdelay $0x3  }
0x34: {  	[smem:$0x3FB6] =	sst s10  }
0x35: {  	s10 =	sld [smem:$0x3FB5];
	_ =	sdelay $0x3  }
0x36: {  	p1 =	seq.s32 s10, $0x1;
	s10 =	sld [smem:$0x3FB6];
	_ =	sdelay $0x3  }
0x37: {  	[smem:$0x3FB6] =	sst s10  }
0x38: {  	s10 =	sld [smem:$0x3FB7]  }
0x39: {  	_ = 	snop;
	(pc) =	sbr.ind lr, $3  }
0x3a: {  	_ = 	snop  }
0x3b: {  	_ = 	snop  }
0x3c: {  	p2 =	seq.s32 s10, $0x1;
	s10 =	sld [smem:$0x3FB6]  }
0x3d: {  	_ =	shalt  }
0x3e: {  	_ =	shalt  }
0x3f: {  	_ =	shalt  }
0x40: {  	_ =	shalt  }
0x41: {  	_ =	shalt  }
0x42: {  	_ =	shalt  }
0x43: {  	_ =	shalt  }
0x44: {  	_ =	shalt  }
0x45: {  	_ =	shalt  }
0x46: {  	_ =	shalt  }
0x47: {  	_ =	shalt  }
0x48: {  	_ =	shalt  }
0x49: {  	_ =	shalt  }
0x4a: {  	_ =	shalt  }
0x4b: {  	_ =	shalt  }
0x4c: {  	_ =	shalt  }
0x4d: {  	_ =	shalt  }
0x4e: {  	_ =	shalt  }
0x4f: {  	_ =	shalt  }
0x50: {  	_ =	shalt  }
0x51: {  	_ =	shalt  }
0x52: {  	_ =	shalt  }
0x53: {  	_ =	shalt  }
0x54: {  	_ =	shalt  }
0x55: {  	_ =	shalt  }
0x56: {  	_ =	shalt  }
0x57: {  	_ =	shalt  }
0x58: {  	_ =	shalt  }
0x59: {  	_ =	shalt  }
0x5a: {  	_ =	shalt  }
0x5b: {  	_ =	shalt  }
0x5c: {  	_ =	shalt  }
0x5d: {  	_ =	shalt  }
0x5e: {  	_ =	shalt  }
0x5f: {  	_ =	shalt  }
0x60: {  	_ =	shalt  }
0x61: {  	_ =	shalt  }
0x62: {  	_ =	shalt  }
0x63: {  	_ =	shalt  }
0x64: {  	_ =	shalt  }
0x65: {  	_ =	shalt  }
0x66: {  	_ =	shalt  }
0x67: {  	_ =	shalt  }
0x68: {  	_ =	shalt  }
0x69: {  	_ =	shalt  }
0x6a: {  	_ =	shalt  }
0x6b: {  	_ =	shalt  }
0x6c: {  	_ =	shalt  }
0x6d: {  	_ =	shalt  }
0x6e: {  	_ =	shalt  }
0x6f: {  	_ =	shalt  }
0x70: {  	_ =	shalt  }
0x71: {  	_ =	shalt  }
0x72: {  	_ =	shalt  }
0x73: {  	_ =	shalt  }
0x74: {  	_ =	shalt  }
0x75: {  	_ =	shalt  }
0x76: {  	_ =	shalt  }
0x77: {  	_ =	shalt  }
0x78: {  	_ =	shalt  }
0x79: {  	_ =	shalt  }
0x7a: {  	_ =	shalt  }
0x7b: {  	_ =	shalt  }
0x7c: {  	_ =	shalt  }
0x7d: {  	_ =	shalt  }
0x7e: {  	_ =	shalt  }
0x7f: {  	_ =	shalt  }
0x80: {  	_ =	shalt  }
0x81: {  	_ =	shalt  }
0x82: {  	_ =	shalt  }
0x83: {  	_ =	shalt  }
0x84: {  	_ =	shalt  }
0x85: {  	_ =	shalt  }
0x86: {  	_ =	shalt  }
0x87: {  	_ =	shalt  }
.Lfunc_end0:
.L_simem_size_0:
called_computation_lowered:
.L_overlay_start_0:
0x88: {  	s2 =	sld [smem:$0x3FD9]  }
0x89: {  	s3 =	sld [smem:$0x3FFE];
	_ =	sdelay $0x1  }
0x8a: {  	s1 =	srdreg.scid  }
0x8b: {  	s0 =	sand.u32 $0x1, s1  }
0x8c: {  	s16 =	sshll.u32 s0, $0xA;
	s2 =	sadd.s32 s3, s2  }
0x8d: {  	s2 =	sadd.s32 s2, s16  }
0x8e: {  	[smem:$0x3FC2] =	sst s2  }
0x8f: {  	_ = 	snop  }
0x90: {  	(tm) =	ssettm $0x1  }
0x91: {  	s17 =	sld [smem:$0x3FFB];
	_ =	sdelay $0x3  }
0x92: {  	_ =	strace s17  }
0x93: {  	s2 =	sld [smem:$0x3FFC];
	_ =	sdelay $0x3  }
0x94: {  	_ =	strace s2  }
0x95: {  	s2 =	sld [smem:$0x3FFD];
	_ =	sdelay $0x3  }
0x96: {  	_ =	strace s2  }
0x97: {  	_ =	strace $0x8FFFFFFF  }
0x98: {  	s18 =	sld [smem:$0x3FDB];
	_ =	sdelay $0x1  }
0x99: {  	s19 =	simm.s32 $_scs_section_size  }
0x9a: {  	s4 =	simm.s32 $_size__tile_overlayer_lowered;
	s5 =	simm.s32 $_tile_overlayer_lowered  }
0x9b: {  	s22 =	simm.s32 $0x1BFF;
	s21 =	sshll.u32 s5, $0x1;
	s2 =	sadd.s32 s19, s18  }
0x9c: {  	s6 =	simm.s32 $0x0;
	s20 =	sshll.u32 s4, $0x1;
	s4 =	sadd.s32 s21, s2  }
0x9d: {  	[timem:s6], [sflag:s22] =	dma.local [hbm:s4], s20  }
0x9e: {  	_ =	swait.ge [sflag:s22], s20  }
0x9f: {  	s3 =	ssub.s32 $0x0, s20;
	[sflag:s22] =	ssyncset.done $0x0  }
0xa0: {  	[sflag:s22] =	ssyncadd.s32 s3;
	_ =	sdelay $0x1  }
0xa1: {  	s23 =	simm.s32 $0x1B8B  }
0xa2: {  	_ =	swait.ge [sflag:s23], $0x1  }
0xa3: {  	[sflag:s23] =	ssyncset.done $0x0  }
0xa4: {  	s25 =	simm.s32 $0x1B8E;
	s24 =	sld [smem:$0x3FFE];
	[sflag:s23] =	ssyncadd.s32 $0xFFFFFFFF  }
0xa5: {  	s26 =	simm.s32 $execute0_lowered;
	[smem:$0x3FD2] =	sst s25  }
0xa6: {  	s4 =	sshll.u32 s26, $0x1;
	_ =	strace $0x80000046;
	[dreg:$0x1] =	wrdreg $0xFFFFFFFF  }
0xa7: {  	s28 =	simm.s32 $_size_execute0_lowered;
	s2 =	sadd.s32 s2, s4;
	[dreg:$0x0] =	wrdreg $0x0  }
0xa8: {  	s4 =	sshll.u32 s28, $0x1;
	[dreg:$0x2] =	wrdreg s2  }
0xa9: {  	[dreg:$0x3] =	wrdreg s4  }
0xaa: {  	[dreg:$0x4] =	wrdreg $0xC0  }
0xab: {  	_ =	task [dreg:s6], $0x5FFFF  }
0xac: {  	[dreg:$0x1] =	wrdreg $0xFFFFFFFF  }
0xad: {  	[dreg:$0x0] =	wrdreg $0x60  }
0xae: {  	[dreg:$0x2] =	wrdreg s24  }
0xaf: {  	[dreg:$0x3] =	wrdreg $0x9  }
0xb0: {  	_ =	task.clear_ibuf [dreg:s6], $0x4FFFF;
	_ =	strace $0x90000046  }
0xb1: {  	s29 =	simm.s32 $0x9;
	_ =	strace $0x80000048  }
0xb2: {  	_ =	swait.ge [sflag:s29], $0x1  }
0xb3: {  	[sflag:s29] =	ssyncadd.s32 $0xFFFFFFFF  }
0xb4: {  	_ =	strace $0x90000048  }
0xb5: {  	_ =	sfence  }
0xb6: {  	s30 =	sld [smem:$0x0];
	_ =	sdelay $0x2  }
0xb7: {  	s31 =	sshll.u32 s1, $0xD;
	s1 =	sshrl.u32 s1, $0x2  }
0xb8: {  	s3 =	sand.u32 $0x4000, s31;
	s1 =	sadd.s32 s1, s30  }
0xb9: {  	s0 =	sor.u32 s3, s0;
	s1 =	sshll.u32 s1, $0x11  }
0xba: {  	s0 =	sor.u32 s1, s0  }
0xbb: {  	s0 =	sadd.s32 $0x8F2B, s0  }
0xbc: {  	[sflag:s0] =	ssyncadd.remote.s32 $0x1  }
0xbd: {  	_ =	sfence.sel $0xFFFF  }
0xbe: {  	[dreg:$0x0] =	wrdreg $0xFFFFFFFF;
	(pc) =	sbr.abs _section_cstart, $3  }
0xbf: {  	[dreg:$0x1] =	wrdreg $0xFFFFFFFF  }
0xc0: {  	_ =	task.clear_ibuf [dreg:s6], $0x2FFFF;
	_ =	strace $0x9FFFFFFF  }
0xc1: {  	(tm) =	ssettm $0x7FFFFFFF  }
tec
execute0_lowered:
.L_overlay_start_1:
0x0: {  	(tag) =	ssettag $0x1  }
0x1: {  	s0 =	rddreg [dreg:$0x0]  }
0x2: {  	s1 =	srdreg.scid;
	s3 =	stileid.u32  }
0x3: {  	s2 =	simm.s32 $0x0;
	s1 =	sand.u32 $0x1, s1;
	s3 =	sshll.u32 s3, $0x1  }
0x4: {  	s28 =	simm.s32 $0x1800;
	s30 =	simm.s32 $0x1C00;
	s6 =	sor.u32 s1, s3  }
0x5: {  	s31 =	simm.s32 $0x1;
	s29 =	simm.s32 $0x2;
	s3 =	sshll.u32 s6, $0x7  }
0x6: {  	[smem:$0x7FF] =	sst s2;
	s4 =	sadd.s32 $0x89A00, s0;
	s7 =	sadd.s32 s3, s0  }
0x7: {  	s8 =	sadd.s32 $0x41A00, s0;
	_ =	strace $0x80000047;
	s9 =	sadd.s32 $0x82A00, s7  }
0x8: {  	s1 =	ssub.s32 $0x2, s1;
	s17 =	sadd.s32 $0x86A00, s7;
	[dreg:$0x2] =	wrdreg s9  }
0x9: {  	s5 =	sshrl.u32 s1, $0x1;
	s10 =	sadd.s32 $0x81A00, s7;
	[dreg:$0x3] =	wrdreg s17  }
0xa: {  	s18 =	smul.u32 $0x600, s6;
	s19 =	sadd.s32 $0x85A00, s7;
	[dreg:$0x4] =	wrdreg s10  }
0xb: {  	s3 =	sadd.s32 $0x1A00, s0;
	s20 =	sadd.s32 $0x88A00, s7;
	[dreg:$0x5] =	wrdreg s19  }
0xc: {  	s1 =	ssub.s32 s1, s5;
	s21 =	sadd.s32 $0x84A00, s7;
	[dreg:$0x6] =	wrdreg s20  }
0xd: {  	s5 =	sshll.u32 s6, $0xA;
	s22 =	sadd.s32 $0x87A00, s7;
	[dreg:$0x7] =	wrdreg s21  }
0xe: {  	s6 =	smul.u32 $0xC0, s6;
	s7 =	sadd.s32 $0x83A00, s7;
	[dreg:$0x8] =	wrdreg s22  }
0xf: {  	s0 =	sadd.s32 $0x47A00, s0;
	s9 =	sshrl.u32 s18, $0x3;
	[dreg:$0x9] =	wrdreg s7  }
0x10: {  	s24 =	sadd.s32 s8, s6;
	s6 =	sadd.s32 s0, s6;
	s22 =	smax.u32 s1, $0x1  }
0x11: {  	s10 =	simm.s32 $0x0;
	s23 =	sadd.s32 $0x1800, s9;
	[dreg:$0xa] =	wrdreg s24  }
0x12: {  	[dreg:$0xb] =	wrdreg s6;
	s25 =	sadd.s32 $0x3000, s9;
	s26 =	sadd.s32 $0x4800, s9  }
0x13: {  	s24 =	simm.s32 $0x3900;
	s9 =	simm.s32 $0x3;
	s16 =	sadd.s32 s8, s23  }
0x14: {  	v0 =	vlaneseq.u32;
	s17 =	sadd.s32 s0, s23;
	s18 =	sadd.s32 s8, s25;
	s19 =	sadd.s32 s0, s25  }
0x15: {  	vm9 =	vmxor vm9, vm9;
	v2 =	vor.u32 $0x80000030, v0;
	v3 =	vor.u32 $0x80000020, v0;
	s20 =	sadd.s32 s8, s26;
	s21 =	sadd.s32 s0, s26;
	s23 =	simm.s32 $0x1000  }
0x16: {  	v4 =	vor.u32 $0x80000010, v0;
	v5 =	vor.u32 $0x80000000, v0;
	v1 =	vmov s5;
	s25 =	simm.s32 $0x1400;
	s0 =	simm.s32 $0x20;
	s8 =	simm.s32 $0x5900  }
.LBB2_1:
0x17: {  	s1 =	rddreg [dreg:$0x2]  }
0x18: {  	[tilespmem:s2], [sflag:$0x1] =	stream.linear.gather [hbm4b:s1+s2], $0x400, $0x38;
	[tilespmem:$0x6100] =	vst v63  }
0x19: {  	s12 =	rddreg [dreg:$0x3]  }
0x1a: {  	[tilespmem:s23], [sflag:$0x1] =	stream.linear.gather [hbm4b:s12+s2], $0x400, $0x38;
	[tilespmem:$0x6100] =	vst v63  }
0x1b: {  	s13 =	rddreg [dreg:$0x4];
	s6 =	simm.s32 $0x400  }
0x1c: {  	[tilespmem:s6], [sflag:$0x1] =	stream.linear.gather [hbm4b:s13+s2], $0x400, $0x38;
	[tilespmem:$0x6100] =	vst v63  }
0x1d: {  	s14 =	rddreg [dreg:$0x5]  }
0x1e: {  	[tilespmem:s25], [sflag:$0x1] =	stream.linear.gather [hbm4b:s14+s2], $0x400, $0x38;
	[tilespmem:$0x6100] =	vst v63  }
0x1f: {  	s15 =	rddreg [dreg:$0x6];
	s26 =	simm.s32 $0x800  }
0x20: {  	[tilespmem:s26], [sflag:$0x1] =	stream.linear.gather [hbm4b:s15+s2], $0x400, $0x38;
	[tilespmem:$0x6100] =	vst v63  }
0x21: {  	s7 =	rddreg [dreg:$0x7]  }
0x22: {  	[tilespmem:s28], [sflag:$0x1] =	stream.linear.gather [hbm4b:s7+s2], $0x400, $0x38;
	[tilespmem:$0x6100] =	vst v63  }
0x23: {  	s11 =	rddreg [dreg:$0x8];
	s12 =	simm.s32 $0xC00  }
0x24: {  	[tilespmem:s12], [sflag:$0x1] =	stream.linear.gather [hbm4b:s11+s2], $0x400, $0x38;
	[tilespmem:$0x6100] =	vst v63  }
0x25: {  	s13 =	rddreg [dreg:$0x9]  }
0x26: {  	[tilespmem:s30], [sflag:$0x1] =	stream.linear.gather [hbm4b:s13+s2], $0x400, $0x38;
	[tilespmem:$0x6100] =	vst v63  }
0x27: {  	_ =	swait.ge [sflag:s31], $0x400  }
0x28: {  	[sflag:s31] =	ssyncset.done $0x0  }
0x29: {  	[sflag:s31] =	ssyncadd.s32 $0xFFFFFC00  }
0x2a: {  	_ =	swait.ge [sflag:s31], $0x400  }
0x2b: {  	[sflag:s31] =	ssyncset.done $0x0  }
0x2c: {  	[sflag:s31] =	ssyncadd.s32 $0xFFFFFC00  }
0x2d: {  	v6 =	vld [tilespmem:s0+$0xFFFFFFE0]  }
0x2e: {  	v8 =	vld [tilespmem:s0+$0xFFFFFFF0];
	_ =	sdelay $0x1  }
0x2f: {  	v9 =	vld [tilespmem:s0+$0x0]  }
0x30: {  	p0 =	por $0x1, $0x1;
	vm11 =	vmmov vm9;
	p1 =	por $0x0, $0x0;
	s26 =	simm.s32 $0x1;
	v10 =	vld [tilespmem:s0+$0x10]  }
0x31: {  	v7 =	vimm.f32 $3.000000010e+38;
	vm6 =	vmmov vm9;
	p2 =	por $0x0, $0x0;
	vm11 =	vmneg @p0 vm11;
	p0 =	por $0x0, $0x0;
	s26 =	sand.u32 $0xD, s26;
	(xrf0) =	vmin.scan.msk.f32 $0xffff, v6  }
0x32: {  	vm12 =	vmmov vm9;
	vm6 =	vmneg @p1 vm6;
	s14 =	simm.s32 $0x3;
	v11 =	vmov s26;
	s12 =	simm.s32 $0x2;
	s11 =	simm.s32 $0x0;
	(xrf0) =	vmin.scan.msk.f32 $0xffff, v8  }
0x33: {  	vm9 =	vmneg @p2 vm9;
	vm12 =	vmneg @p0 vm12;
	s1 =	sand.u32 $0xF, s14;
	vm15 =	veq.s32 v11, v0;
	s12 =	sand.u32 $0xE, s12;
	s15 =	sand.u32 $0xC, s11  }
0x34: {  	v12 =	vmov s12;
	v13 =	vmov s15;
	v8 =	vmov s1;
	(xrf0) =	vmin.scan.msk.f32 $0xffff, v9  }
0x35: {  	vm14 =	vmand vm11, vm15;
	vm8 =	veq.s32 v12, v0;
	vm3 =	veq.s32 v13, v0;
	(xrf0) =	vmin.scan.msk.f32 $0xffff, v10  }
0x36: {  	vm0 =	vmand vm11, vm8;
	vm5 =	vmand vm12, vm8;
	vm7 =	vmand vm6, vm8  }
0x37: {  	vm8 =	vmand vm9, vm8;
	vm13 =	vmand vm3, vm11;
	vm4 =	veq.s32 v8, v0;
	v8, _, _ =	vpop (xrf0)  }
0x38: {  	v6 =	vimm.s32 $0x0;
	vm10 =	vmand vm11, vm4;
	v10 =	vbroadcast v8, $0xF;
	v8, _, _ =	vpop (xrf0)  }
0x39: {  	vm1 =	vmand vm12, vm4;
	vm2 =	vmand vm6, vm4;
	v12 =	vbroadcast v8, $0xF  }
0x3a: {  	vm4 =	vmand vm9, vm4;
	vm11 =	vmand vm12, vm15;
	v8, _, _ =	vpop (xrf0);
	v9 =	vsel vm13, v10, v7  }
0x3b: {  	v13 =	vbroadcast v8, $0xF;
	v8, _, _ =	vpop (xrf0);
	vm13 =	vmand vm6, vm15;
	v9 =	vsel vm14, v12, v9  }
0x3c: {  	v11 =	vbroadcast v8, $0xF;
	vm14 =	vmand vm3, vm12;
	vm12 =	vmand vm9, vm15  }
0x3d: {  	s26 =	simm.s32 $0x60;
	v8 =	vimm.f32 $3.000000010e+38;
	v14 =	vsel vm0, v13, v9;
	v9 =	vimm.f32 $3.000000010e+38  }
.LBB2_2:
0x3e: {  	vm6 =	vmand vm3, vm6  }
0x3f: {  	v15 =	vld [tilespmem:s26+$0xFFFFFFE0];
	vm3 =	vmand vm3, vm9;
	v14 =	vsel vm10, v11, v14;
	v7 =	vsel vm14, v10, v7  }
0x40: {  	vm9 =	vmxor vm9, vm9;
	v16 =	vld [tilespmem:s26+$0xFFFFFFF0];
	v8 =	vsel vm6, v10, v8;
	v9 =	vsel vm3, v10, v9  }
0x41: {  	v7 =	vsel vm11, v12, v7;
	v10 =	vld [tilespmem:s26+$0x0];
	v8 =	vsel vm13, v12, v8;
	v9 =	vsel vm12, v12, v9  }
0x42: {  	s1 =	sadd.s32 $0x7, s11;
	v7 =	vsel vm5, v13, v7;
	v12 =	vld [tilespmem:s26+$0x10];
	v8 =	vsel vm7, v13, v8;
	v9 =	vsel vm8, v13, v9  }
0x43: {  	s6 =	sadd.s32 $0x5, s11;
	s12 =	sadd.s32 $0x6, s11;
	s11 =	sadd.s32 $0x4, s11;
	v7 =	vsel vm1, v11, v7;
	v8 =	vsel vm2, v11, v8;
	v9 =	vsel vm4, v11, v9  }
0x44: {  	s6 =	sand.u32 $0xD, s6;
	s12 =	sand.u32 $0xE, s12;
	s1 =	sand.u32 $0xF, s1;
	vm11 =	vmmov vm9;
	vm14 =	vmmov vm9;
	vm6 =	vmmov vm9;
	(xrf0) =	vmin.scan.msk.f32 $0xffff, v15  }
0x45: {  	s13 =	sand.u32 $0xC, s11;
	s14 =	sshrl.u32 s11, $0x4;
	p0 =	slt.u32 s11, $0x3C;
	v13 =	vmov s12;
	v11 =	vmov s6;
	v15 =	vmov s1;
	(xrf0) =	vmin.scan.msk.f32 $0xffff, v16  }
0x46: {  	p1 =	seq.s32 s14, $0x0;
	vm8 =	veq.s32 v13, v0;
	v16 =	vmov s13;
	vm4 =	veq.s32 v15, v0;
	(xrf0) =	vmin.scan.msk.f32 $0xffff, v10  }
0x47: {  	p2 =	seq.s32 s14, $0x2;
	p3 =	seq.s32 s14, $0x3;
	vm11 =	vmneg @p1 vm11;
	p1 =	seq.s32 s14, $0x1;
	vm12 =	veq.s32 v11, v0;
	vm3 =	veq.s32 v16, v0;
	(xrf0) =	vmin.scan.msk.f32 $0xffff, v12  }
0x48: {  	vm6 =	vmneg @p2 vm6;
	vm9 =	vmneg @p3 vm9;
	vm14 =	vmneg @p1 vm14  }
0x49: {  	vm10 =	vmand vm11, vm4;
	vm1 =	vmand vm14, vm4;
	vm2 =	vmand vm6, vm4  }
0x4a: {  	vm15 =	vmand vm11, vm8;
	vm5 =	vmand vm14, vm8;
	vm4 =	vmand vm9, vm4;
	v10, _, _ =	vpop (xrf0)  }
.Ltmp0:
0x4b: {  	vm7 =	vmand vm6, vm8;
	vm8 =	vmand vm9, vm8;
	v10 =	vbroadcast v10, $0xF;
	v11, _, _ =	vpop (xrf0);
	(pc) =	sbr.rel @p0 .LBB2_2-.Ltmp0, $4  }
0x4c: {  	vm0 =	vmand vm11, vm12;
	vm13 =	vmand vm3, vm11;
	v12 =	vbroadcast v11, $0xF;
	v11, _, _ =	vpop (xrf0)  }
0x4d: {  	vm11 =	vmand vm14, vm12;
	v14 =	vsel vm13, v10, v14;
	v13 =	vbroadcast v11, $0xF;
	v11, _, _ =	vpop (xrf0)  }
0x4e: {  	vm13 =	vmand vm6, vm12;
	v14 =	vsel vm0, v12, v14;
	v11 =	vbroadcast v11, $0xF  }
0x4f: {  	s26 =	sadd.s32 $0x40, s26;
	vm14 =	vmand vm3, vm14;
	vm12 =	vmand vm9, vm12;
	v14 =	vsel vm15, v13, v14  }
0x50: {  	vm0 =	vmand vm3, vm6;
	vm3 =	vmand vm3, vm9;
	v16 =	vsel vm10, v11, v14  }
0x51: {  	v7 =	vsel vm14, v10, v7;
	v8 =	vsel vm0, v10, v8;
	v9 =	vsel vm3, v10, v9  }
0x52: {  	v7 =	vsel vm11, v12, v7;
	v8 =	vsel vm13, v12, v8;
	v9 =	vsel vm12, v12, v9  }
0x53: {  	v7 =	vsel vm5, v13, v7;
	v8 =	vsel vm7, v13, v8;
	v9 =	vsel vm8, v13, v9  }
0x54: {  	v10 =	vsel vm1, v11, v7;
	v13 =	vsel vm2, v11, v8;
	v7 =	vsel vm4, v11, v9  }
0x55: {  	v8 =	vmin.f32 v16, v10;
	v9 =	vmin.f32 v13, v7  }
0x56: {  	v8 =	vmin.f32 v8, v9  }
0x57: {  	(xrf0) =	vmin.scan.msk.f32 $0xffff, v8;
	_ =	sdelay $0x5  }
0x58: {  	v8, _, _ =	vpop (xrf0)  }
0x59: {  	v8 =	vbroadcast v8, $0xF;
	_ =	sdelay $0x1  }
0x5a: {  	vm0 =	veq.f32 v7, v8  }
0x5b: {  	vm1 =	veq.f32 v13, v8;
	v9 =	vnsel vm0, $0xC0000000, v2  }
0x5c: {  	vm0 =	veq.f32 v10, v8;
	v9 =	vsel vm1, v3, v9  }
0x5d: {  	vm1 =	veq.f32 v16, v8;
	v9 =	vsel vm0, v4, v9  }
0x5e: {  	v9 =	vsel vm1, v5, v9  }
0x5f: {  	(xrf0) =	vmin.scan.msk.u32 $0xffff, v9;
	_ =	sdelay $0x5  }
0x60: {  	v9, _, _ =	vpop (xrf0)  }
0x61: {  	(v2sf) =	vpush v9, $0xF;
	_ =	sdelay $0xe  }
0x62: {  	s1 =	spop (v2sf)  }
0x63: {  	s6 =	sshll.u32 s1, $0x4  }
0x64: {  	v9 =	vld [tilespmem:s6+$0x0];
	_ =	sdelay $0x4  }
0x65: {  	vm0 =	veq.f32 v9, v8  }
0x66: {  	s11 =	sxor.u32 $0x80000000, s1;
	v8 =	vmctz.xlane vm0  }
0x67: {  	s12 =	sshra.s32 s11, $0x1F  }
0x68: {  	s12 =	sshrl.u32 s12, $0x1C;
	vm0 =	veq.s32 v8, v0  }
0x69: {  	s26 =	simm.s32 $0x0;
	s12 =	sadd.s32 s12, s11;
	v9 =	vsel vm0, $0x7F61B1E6, v9  }
0x6a: {  	v11 =	vmov s26;
	p1 =	sgt.s32 s1, $0xFFFFFFFF;
	p0 =	slt.s32 s11, $0x1;
	s13 =	sand.u32 $0xFFFFFFF0, s12;
	(xrf0) =	vmin.scan.msk.f32 $0xffff, v9  }
0x6b: {  	s7 =	sadd.s32 s5, s6;
	p0 =	por p1, p0;
	p6 =	sne.s32 s11, s13;
	vm0 =	veq.s32 v11, v0;
	v11 =	vand.u32 $0xFFFFFFF8, v8  }
0x6c: {  	s1 =	sand.u32 $0xF, s1;
	p0 =	por !p0, !p6;
	v14 =	vadd.s32 s7, v8;
	v8 =	vand.u32 $0x7, v8;
	v11 =	vadd.s32 s6, v11  }
0x6d: {  	s15 =	simm.s32 $0xFFFFFFF0;
	s14 =	simm.s32 $0x1;
	vm7 =	vmxor vm7, vm7;
	p0 =	por !p0, !p0;
	v18 =	vor.u32 v8, v11;
	v11 =	vmov s1  }
0x6e: {  	v15 =	vmov s15;
	vm2 =	vmmov vm7;
	vm1 =	vmmov vm7;
	p1 =	por $0x1, $0x1;
	s12 =	sshra.s32 s12, $0x4;
	s14 =	simm.s32 @!p0 $0x0  }
0x6f: {  	vm4 =	vmmov vm7;
	vm5 =	vmmov vm7;
	vm1 =	vmneg @p1 vm1;
	s26 =	ssub.s32 s12, s14  }
0x70: {  	p0 =	seq.s32 s26, $0x0;
	p2 =	seq.s32 s26, $0x1;
	vm1 =	vmand vm0, vm1;
	vm0 =	vmmov vm7;
	vm3 =	veq.s32 v11, v0;
	v11, _, _ =	vpop (xrf0)  }
0x71: {  	p3 =	seq.s32 s26, $0x3;
	vm2 =	vmneg @p0 vm2;
	vm4 =	vmneg @p2 vm4;
	v17 =	vbroadcast v11, $0xF  }
0x72: {  	p1 =	seq.s32 s26, $0x2;
	vm5 =	vmneg @p3 vm5;
	[tilespmem:s6+$0x0] =	vst v9;
	v9 =	vimm.s32 $0x0;
	vm6 =	vmand vm3, vm2  }
0x73: {  	v8 =	vsel vm1, v14, v6;
	vm0 =	vmneg @p1 vm0;
	v11 =	vsel vm6, v17, v16;
	v16 =	vld.idx.msk [tilespmem:v18+s23+$0x0], $0xffff  }
0x74: {  	vm4 =	vmand vm3, vm4;
	vm0 =	vmand vm3, vm0;
	vm2 =	vmand vm3, vm5  }
0x75: {  	s11 =	simm.s32 $0x2;
	s26 =	simm.s32 $0x1;
	v12 =	vsel vm4, v17, v10;
	v13 =	vsel vm0, v17, v13;
	v10 =	vimm.s32 $0x0  }
.LBB2_4:
0x76: {  	p0 =	sne.s32 s11, $0x13;
	v18 =	vmin.f32 v11, v12;
	v7 =	vsel vm2, v17, v7;
	s1 =	smov.u32 s11;
	s11 =	sadd.s32 $0x1, s11  }
0x77: {  	vm0 =	veq.s32 v15, v0;
	v17 =	vmin.f32 v13, v7  }
0x78: {  	v16 =	vadd.s32 v1, v16;
	v6 =	vsel vm0, v14, v6;
	v15 =	vmin.f32 v18, v17  }
0x79: {  	v10 =	vsel vm1, v16, v10;
	v9 =	vsel vm0, v16, v9;
	(xrf0) =	vmin.scan.msk.f32 $0xffff, v15;
	_ =	sdelay $0x5  }
0x7a: {  	v14, _, _ =	vpop (xrf0)  }
0x7b: {  	v14 =	vbroadcast v14, $0xF;
	_ =	sdelay $0x1  }
0x7c: {  	vm0 =	veq.f32 v12, v14;
	vm1 =	veq.f32 v7, v14  }
0x7d: {  	vm2 =	veq.f32 v11, v14;
	vm3 =	veq.f32 v13, v14;
	v15 =	vnsel vm1, $0xC0000000, v2  }
0x7e: {  	v15 =	vsel vm3, v3, v15  }
0x7f: {  	v15 =	vsel vm0, v4, v15  }
0x80: {  	v15 =	vsel vm2, v5, v15  }
0x81: {  	(xrf0) =	vmin.scan.msk.u32 $0xffff, v15;
	_ =	sdelay $0x5  }
0x82: {  	v15, _, _ =	vpop (xrf0)  }
0x83: {  	(v2sf) =	vpush v15, $0xF;
	_ =	sdelay $0xe  }
0x84: {  	s6 =	spop (v2sf)  }
0x85: {  	s12 =	sshll.u32 s6, $0x4  }
0x86: {  	v15 =	vld [tilespmem:s12+$0x0]  }
0x87: {  	s13 =	sxor.u32 $0x80000000, s6  }
0x88: {  	p2 =	sgt.s32 s6, $0xFFFFFFFF;
	s14 =	sshra.s32 s13, $0x1F;
	p1 =	slt.s32 s13, $0x1  }
0x89: {  	s14 =	sshrl.u32 s14, $0x1C;
	p1 =	por p2, p1  }
0x8a: {  	s14 =	sadd.s32 s14, s13  }
0x8b: {  	s7 =	sand.u32 $0xFFFFFFF0, s14;
	vm0 =	veq.f32 v15, v14  }
0x8c: {  	s14 =	sshra.s32 s14, $0x4;
	p2 =	sne.s32 s13, s7;
	s7 =	sadd.s32 s5, s12;
	v14 =	vmov s26;
	v16 =	vmctz.xlane vm0  }
0x8d: {  	s15 =	simm.s32 $0x1;
	p1 =	por !p1, !p2  }
0x8e: {  	s13 =	sadd.s32 $0xFFFFFFF0, s26;
	p2 =	slt.u32 s26, $0x10;
	p1 =	por !p1, !p1;
	vm0 =	veq.s32 v14, v0;
	vm1 =	veq.s32 v16, v0;
	v17 =	vand.u32 $0xFFFFFFF8, v16  }
0x8f: {  	s26 =	smov.u32 s1;
	s15 =	simm.s32 @!p1 $0x0;
	v14 =	vadd.s32 s7, v16;
	v18 =	vsel vm1, $0x7F61B1E6, v15;
	vm1 =	vmmov vm7  }
0x90: {  	s1 =	ssub.s32 s14, s15;
	v15 =	vmov s13;
	vm1 =	vmneg @p2 vm1  }
0x91: {  	v16 =	vand.u32 $0x7, v16;
	p1 =	seq.s32 s1, $0x1;
	p4 =	seq.s32 s1, $0x2;
	v17 =	vadd.s32 s12, v17;
	p2 =	seq.s32 s1, $0x0;
	[tilespmem:s12+$0x0] =	vst v18;
	(xrf0) =	vmin.scan.msk.f32 $0xffff, v18  }
0x92: {  	p3 =	seq.s32 s1, $0x3;
	v16 =	vor.u32 v16, v17;
	vm1 =	vmand vm0, vm1  }
0x93: {  	s1 =	sand.u32 $0xF, s6;
	v8 =	vsel vm1, v14, v8  }
0x94: {  	v17 =	vmov s1  }
0x95: {  	vm4 =	vmmov vm7;
	vm2 =	vmmov vm7;
	vm0 =	veq.s32 v17, v0  }
.Ltmp1:
0x96: {  	vm5 =	vmmov vm7;
	vm3 =	vmmov vm7;
	vm2 =	vmneg @p4 vm2;
	(pc) =	sbr.rel @p0 .LBB2_4-.Ltmp1, $4  }
0x97: {  	vm4 =	vmneg @p1 vm4;
	vm5 =	vmneg @p3 vm5;
	vm3 =	vmneg @p2 vm3;
	v16 =	vld.idx.msk [tilespmem:v16+s23+$0x0], $0xffff;
	v17, _, _ =	vpop (xrf0)  }
0x98: {  	vm3 =	vmand vm0, vm3;
	vm4 =	vmand vm0, vm4;
	v17 =	vbroadcast v17, $0xF  }
0x99: {  	vm6 =	vmand vm0, vm2;
	vm2 =	vmand vm0, vm5  }
0x9a: {  	v11 =	vsel vm3, v17, v11;
	v12 =	vsel vm4, v17, v12;
	v13 =	vsel vm6, v17, v13  }
0x9b: {  	v7 =	vsel vm2, v17, v7  }
0x9c: {  	v63 =	vmin.f32 v11, v12;
	v18 =	vmin.f32 v13, v7  }
0x9d: {  	v17 =	vmin.f32 v63, v18  }
0x9e: {  	(xrf0) =	vmin.scan.msk.f32 $0xffff, v17;
	_ =	sdelay $0x5  }
0x9f: {  	v17, _, _ =	vpop (xrf0)  }
0xa0: {  	v17 =	vbroadcast v17, $0xF;
	_ =	sdelay $0x1  }
0xa1: {  	vm0 =	veq.f32 v7, v17  }
0xa2: {  	vm2 =	veq.f32 v13, v17;
	v7 =	vnsel vm0, $0xC0000000, v2  }
0xa3: {  	vm0 =	veq.f32 v12, v17;
	v7 =	vsel vm2, v3, v7  }
0xa4: {  	vm2 =	veq.f32 v11, v17;
	v7 =	vsel vm0, v4, v7  }
0xa5: {  	v7 =	vsel vm2, v5, v7  }
0xa6: {  	(xrf0) =	vmin.scan.msk.u32 $0xffff, v7;
	_ =	sdelay $0x5  }
0xa7: {  	v7, _, _ =	vpop (xrf0)  }
0xa8: {  	(v2sf) =	vpush v7, $0xF;
	_ =	sdelay $0xe  }
0xa9: {  	s1 =	spop (v2sf)  }
0xaa: {  	s1 =	sshll.u32 s1, $0x4  }
0xab: {  	v7 =	vld [tilespmem:s1+$0x0];
	_ =	sdelay $0x4  }
0xac: {  	vm0 =	veq.f32 v7, v17  }
0xad: {  	v11 =	vmctz.xlane vm0;
	_ =	sdelay $0x1  }
0xae: {  	v12 =	vand.u32 $0xFFFFFFF8, v11  }
0xaf: {  	v13 =	vand.u32 $0x7, v11;
	v12 =	vadd.s32 s1, v12  }
0xb0: {  	v12 =	vor.u32 v13, v12;
	_ =	sdelay $0x1  }
0xb1: {  	vm0 =	veq.s32 v11, v0  }
0xb2: {  	v7 =	vsel vm0, $0x7F61B1E6, v7  }
0xb3: {  	[tilespmem:s1+$0x0] =	vst v7  }
0xb4: {  	p0 =	slt.u32 s26, $0x10;
	vm2 =	vmmov vm7;
	v12 =	vld.idx.msk [tilespmem:v12+s23+$0x0], $0xffff  }
0xb5: {  	vm2 =	vmneg @p0 vm2;
	vm0 =	veq.s32 v15, v0;
	v15 =	vmov s26  }
0xb6: {  	s6 =	sadd.s32 $0xFFFFFFF0, s26;
	v13 =	vadd.s32 v1, v16;
	v6 =	vsel vm0, v14, v6;
	s1 =	sadd.s32 s5, s1;
	vm3 =	veq.s32 v15, v0  }
0xb7: {  	v14 =	vmov s6;
	v11 =	vadd.s32 s1, v11;
	vm2 =	vmand vm3, vm2  }
0xb8: {  	v10 =	vsel vm1, v13, v10;
	vm1 =	veq.s32 v14, v0;
	v8 =	vsel vm2, v11, v8  }
0xb9: {  	(xrf0) =	vmin.scan.msk.f32 $0xffff, v7;
	v6 =	vsel vm1, v11, v6;
	[tilespmem:$0x2000] =	vst v8;
	v7 =	vadd.s32 v1, v12  }
0xba: {  	v8 =	vsel vm0, v13, v9;
	[tilespmem:$0x2010] =	vst v6;
	v9 =	vsel vm2, v7, v10  }
0xbb: {  	v6 =	vsel vm1, v7, v8;
	[tilespmem:$0x2080] =	vst v9  }
0xbc: {  	s7 =	simm.s32 $0x2000;
	s11 =	simm.s32 $0x2100;
	[tilespmem:$0x2090] =	vst v6  }
0xbd: {  	[tilespmem:s11], [sflag:$0x2] =	stream.indirect.gather [hbm4b:s3+s0], $0x40, s7, s0, $0xb8;
	[tilespmem:$0x6100] =	vst v63  }
0xbe: {  	s12 =	simm.s32 $0x2080;
	s13 =	simm.s32 $0x4100  }
0xbf: {  	v6, _, _ =	vpop (xrf0);
	[tilespmem:s13], [sflag:$0x2] =	stream.indirect.gather [hbm4b:s4+s0], $0x40, s12, s0, $0xb8;
	[tilespmem:$0x6100] =	vst v63  }
0xc0: {  	_ =	swait.ge [sflag:s31], $0x400  }
0xc1: {  	[sflag:s31] =	ssyncset.done $0x0  }
0xc2: {  	[sflag:s31] =	ssyncadd.s32 $0xFFFFFC00  }
0xc3: {  	_ =	swait.ge [sflag:s31], $0x400  }
0xc4: {  	[sflag:s31] =	ssyncset.done $0x0  }
0xc5: {  	s14 =	simm.s32 $0x430;
	[sflag:s31] =	ssyncadd.s32 $0xFFFFFC00  }
0xc6: {  	v6 =	vld [tilespmem:s14+$0xFFFFFFD0]  }
0xc7: {  	v8 =	vld [tilespmem:s14+$0xFFFFFFE0]  }
0xc8: {  	v9 =	vld [tilespmem:s14+$0xFFFFFFF0]  }
0xc9: {  	s7 =	simm.s32 $0x2;
	v10 =	vld [tilespmem:s14+$0x0]  }
0xca: {  	s26 =	simm.s32 $0x1;
	s7 =	sand.u32 $0xE, s7  }
0xcb: {  	vm11 =	vmmov vm7;
	p0 =	por $0x1, $0x1;
	s1 =	sand.u32 $0xD, s26;
	v11 =	vmov s7;
	(xrf0) =	vmin.scan.msk.f32 $0xffff, v6  }
0xcc: {  	vm11 =	vmneg @p0 vm11;
	vm0 =	veq.s32 v11, v0;
	v6 =	vmov s1;
	(xrf0) =	vmin.scan.msk.f32 $0xffff, v8  }
0xcd: {  	vm5 =	vmand vm11, vm0;
	vm15 =	veq.s32 v6, v0;
	v6 =	vimm.s32 $0x0;
	(xrf0) =	vmin.scan.msk.f32 $0xffff, v9  }
0xce: {  	v6 =	vsel vm5, $0xFFFFFFFF, v6;
	(xrf0) =	vmin.scan.msk.f32 $0xffff, v10;
	_ =	sdelay $0x1  }
0xcf: {  	p1 =	por $0x0, $0x0;
	vm6 =	vmmov vm7;
	s11 =	simm.s32 $0x0  }
0xd0: {  	vm12 =	vmmov vm7;
	p2 =	por $0x0, $0x0;
	vm9 =	vmmov vm7;
	vm6 =	vmneg @p1 vm6;
	s12 =	sand.u32 $0xC, s11;
	[tilespmem:$0x1FFF0] =	vst v6;
	v6, _, _ =	vpop (xrf0)  }
0xd1: {  	vm9 =	vmneg @p2 vm9;
	p0 =	por $0x0, $0x0;
	v12 =	vmov s12;
	v10 =	vbroadcast v6, $0xF;
	v6, _, _ =	vpop (xrf0)  }
0xd2: {  	s15 =	simm.s32 $0x3;
	vm12 =	vmneg @p0 vm12;
	vm3 =	veq.s32 v12, v0;
	v12 =	vbroadcast v6, $0xF;
	v6, _, _ =	vpop (xrf0)  }
0xd3: {  	s6 =	sand.u32 $0xF, s15;
	v7 =	vimm.f32 $3.000000010e+38;
	vm7 =	vmand vm6, vm0;
	v13 =	vbroadcast v6, $0xF;
	v6, _, _ =	vpop (xrf0)  }
0xd4: {  	vm8 =	vmand vm9, vm0;
	v8 =	vmov s6;
	v11 =	vbroadcast v6, $0xF;
	v6 =	vld [tilespmem:$0x1FFF0]  }
0xd5: {  	vm14 =	vmand vm3, vm12;
	vm4 =	veq.s32 v8, v0;
	vm5 =	vmand vm12, vm0  }
0xd6: {  	vm0 =	vmand vm3, vm11;
	vm13 =	vmand vm11, vm15;
	v9 =	vimm.f32 $3.000000010e+38  }
0xd7: {  	vm10 =	vmand vm11, vm4;
	vm1 =	vmand vm12, vm4;
	vm2 =	vmand vm6, vm4  }
0xd8: {  	vm4 =	vmand vm9, vm4;
	vm11 =	vmand vm12, vm15;
	v8 =	vsel vm0, v10, v7  }
0xd9: {  	vm12 =	vmand vm9, vm15;
	v8 =	vsel vm13, v12, v8;
	vm0 =	vnez.u8 v6  }
0xda: {  	s26 =	simm.s32 $0x470;
	vm13 =	vmand vm6, vm15;
	v14 =	vsel vm0, v13, v8;
	v8 =	vimm.f32 $3.000000010e+38  }
.LBB2_6:
0xdb: {  	vm0 =	vmand vm3, vm6;
	vm3 =	vmand vm3, vm9  }
0xdc: {  	v15 =	vld [tilespmem:s26+$0xFFFFFFD0];
	v14 =	vsel vm10, v11, v14;
	v6 =	vsel vm14, v10, v7;
	vm9 =	vmxor vm9, vm9  }
0xdd: {  	v16 =	vld [tilespmem:s26+$0xFFFFFFE0];
	v7 =	vsel vm0, v10, v8;
	v8 =	vsel vm3, v10, v9;
	v6 =	vsel vm11, v12, v6  }
0xde: {  	vm11 =	vmmov vm9;
	v10 =	vld [tilespmem:s26+$0xFFFFFFF0];
	v7 =	vsel vm13, v12, v7;
	v8 =	vsel vm12, v12, v8  }
0xdf: {  	s1 =	sadd.s32 $0x7, s11;
	v6 =	vsel vm5, v13, v6;
	v12 =	vld [tilespmem:s26+$0x0];
	v9 =	vsel vm7, v13, v7;
	v13 =	vsel vm8, v13, v8  }
0xe0: {  	s6 =	sadd.s32 $0x5, s11;
	s7 =	sadd.s32 $0x6, s11;
	s11 =	sadd.s32 $0x4, s11;
	v7 =	vsel vm1, v11, v6;
	v8 =	vsel vm2, v11, v9;
	v9 =	vsel vm4, v11, v13  }
0xe1: {  	s6 =	sand.u32 $0xD, s6;
	s7 =	sand.u32 $0xE, s7;
	s1 =	sand.u32 $0xF, s1;
	vm14 =	vmmov vm9;
	vm6 =	vmmov vm9;
	v6 =	vimm.s32 $0x0;
	(xrf0) =	vmin.scan.msk.f32 $0xffff, v15  }
0xe2: {  	s12 =	sand.u32 $0xC, s11;
	s13 =	sshrl.u32 s11, $0x4;
	p0 =	slt.u32 s11, $0x3C;
	v11 =	vmov s6;
	v13 =	vmov s7;
	v15 =	vmov s1;
	(xrf0) =	vmin.scan.msk.f32 $0xffff, v16  }
0xe3: {  	p1 =	seq.s32 s13, $0x0;
	vm0 =	veq.s32 v13, v0;
	v16 =	vmov s12;
	vm4 =	veq.s32 v15, v0;
	(xrf0) =	vmin.scan.msk.f32 $0xffff, v10  }
0xe4: {  	p2 =	seq.s32 s13, $0x2;
	p3 =	seq.s32 s13, $0x3;
	vm11 =	vmneg @p1 vm11;
	p1 =	seq.s32 s13, $0x1;
	vm12 =	veq.s32 v11, v0;
	vm3 =	veq.s32 v16, v0;
	(xrf0) =	vmin.scan.msk.f32 $0xffff, v12  }
0xe5: {  	vm6 =	vmneg @p2 vm6;
	vm9 =	vmneg @p3 vm9;
	vm14 =	vmneg @p1 vm14  }
0xe6: {  	vm10 =	vmand vm11, vm4;
	vm1 =	vmand vm14, vm4;
	vm2 =	vmand vm6, vm4  }
0xe7: {  	vm15 =	vmand vm11, vm0;
	vm5 =	vmand vm14, vm0;
	vm4 =	vmand vm9, vm4;
	v10, _, _ =	vpop (xrf0)  }
.Ltmp2:
0xe8: {  	vm7 =	vmand vm6, vm0;
	vm8 =	vmand vm9, vm0;
	v10 =	vbroadcast v10, $0xF;
	v11, _, _ =	vpop (xrf0);
	(pc) =	sbr.rel @p0 .LBB2_6-.Ltmp2, $4  }
0xe9: {  	vm13 =	vmand vm11, vm12;
	vm0 =	vmand vm3, vm11;
	v12 =	vbroadcast v11, $0xF;
	v11, _, _ =	vpop (xrf0)  }
0xea: {  	vm11 =	vmand vm14, vm12;
	v14 =	vsel vm0, v10, v14;
	v13 =	vbroadcast v11, $0xF;
	v11, _, _ =	vpop (xrf0)  }
0xeb: {  	v14 =	vsel vm13, v12, v14;
	vm13 =	vmand vm6, vm12;
	v11 =	vbroadcast v11, $0xF  }
0xec: {  	s26 =	sadd.s32 $0x40, s26;
	vm14 =	vmand vm3, vm14;
	vm12 =	vmand vm9, vm12;
	v14 =	vsel vm15, v13, v14  }
0xed: {  	vm0 =	vmand vm3, vm6;
	vm3 =	vmand vm3, vm9;
	v16 =	vsel vm10, v11, v14  }
0xee: {  	v7 =	vsel vm14, v10, v7;
	v8 =	vsel vm0, v10, v8;
	v9 =	vsel vm3, v10, v9  }
0xef: {  	v7 =	vsel vm11, v12, v7;
	v8 =	vsel vm13, v12, v8;
	v9 =	vsel vm12, v12, v9  }
0xf0: {  	v7 =	vsel vm5, v13, v7;
	v8 =	vsel vm7, v13, v8;
	v9 =	vsel vm8, v13, v9  }
0xf1: {  	v10 =	vsel vm1, v11, v7;
	v13 =	vsel vm2, v11, v8;
	v7 =	vsel vm4, v11, v9  }
0xf2: {  	v8 =	vmin.f32 v16, v10;
	v9 =	vmin.f32 v13, v7  }
0xf3: {  	v8 =	vmin.f32 v8, v9  }
0xf4: {  	(xrf0) =	vmin.scan.msk.f32 $0xffff, v8;
	_ =	sdelay $0x5  }
0xf5: {  	v8, _, _ =	vpop (xrf0)  }
0xf6: {  	v8 =	vbroadcast v8, $0xF;
	_ =	sdelay $0x1  }
0xf7: {  	vm0 =	veq.f32 v7, v8  }
0xf8: {  	vm1 =	veq.f32 v13, v8;
	v9 =	vnsel vm0, $0xC0000000, v2  }
0xf9: {  	vm0 =	veq.f32 v10, v8;
	v9 =	vsel vm1, v3, v9  }
0xfa: {  	vm1 =	veq.f32 v16, v8;
	v9 =	vsel vm0, v4, v9  }
0xfb: {  	v9 =	vsel vm1, v5, v9  }
0xfc: {  	(xrf0) =	vmin.scan.msk.u32 $0xffff, v9;
	_ =	sdelay $0x5  }
0xfd: {  	v9, _, _ =	vpop (xrf0)  }
0xfe: {  	(v2sf) =	vpush v9, $0xF;
	_ =	sdelay $0xe  }
0xff: {  	s1 =	spop (v2sf)  }
0x100: {  	s6 =	sshll.u32 s1, $0x4  }
0x101: {  	v9 =	vld [tilespmem:s6+$0x400];
	_ =	sdelay $0x4  }
0x102: {  	vm0 =	veq.f32 v9, v8  }
0x103: {  	s7 =	sxor.u32 $0x80000000, s1;
	v8 =	vmctz.xlane vm0  }
0x104: {  	s11 =	sshra.s32 s7, $0x1F  }
0x105: {  	s11 =	sshrl.u32 s11, $0x1C;
	vm0 =	veq.s32 v8, v0  }
0x106: {  	s13 =	simm.s32 $0x0;
	s11 =	sadd.s32 s11, s7;
	v9 =	vsel vm0, $0x7F61B1E6, v9  }
0x107: {  	v11 =	vmov s13;
	p1 =	sgt.s32 s1, $0xFFFFFFFF;
	p0 =	slt.s32 s7, $0x1;
	s12 =	sand.u32 $0xFFFFFFF0, s11;
	(xrf0) =	vmin.scan.msk.f32 $0xffff, v9  }
0x108: {  	s14 =	sadd.s32 s5, s6;
	p0 =	por p1, p0;
	p6 =	sne.s32 s7, s12;
	vm0 =	veq.s32 v11, v0;
	v11 =	vand.u32 $0xFFFFFFF8, v8  }
0x109: {  	s1 =	sand.u32 $0xF, s1;
	p0 =	por !p0, !p6;
	v14 =	vadd.s32 s14, v8;
	v8 =	vand.u32 $0x7, v8;
	v11 =	vadd.s32 s6, v11  }
0x10a: {  	s15 =	simm.s32 $0xFFFFFFF0;
	vm7 =	vmxor vm7, vm7;
	s13 =	simm.s32 $0x1;
	p0 =	por !p0, !p0;
	v18 =	vor.u32 v8, v11;
	v11 =	vmov s1  }
0x10b: {  	v15 =	vmov s15;
	vm2 =	vmmov vm7;
	vm1 =	vmmov vm7;
	p1 =	por $0x1, $0x1;
	s11 =	sshra.s32 s11, $0x4;
	s13 =	simm.s32 @!p0 $0x0  }
0x10c: {  	vm4 =	vmmov vm7;
	vm5 =	vmmov vm7;
	vm1 =	vmneg @p1 vm1;
	s26 =	ssub.s32 s11, s13  }
0x10d: {  	p0 =	seq.s32 s26, $0x0;
	p2 =	seq.s32 s26, $0x1;
	vm1 =	vmand vm0, vm1;
	vm0 =	vmmov vm7;
	vm3 =	veq.s32 v11, v0;
	v11, _, _ =	vpop (xrf0)  }
0x10e: {  	p3 =	seq.s32 s26, $0x3;
	vm2 =	vmneg @p0 vm2;
	vm4 =	vmneg @p2 vm4;
	v17 =	vbroadcast v11, $0xF  }
0x10f: {  	p1 =	seq.s32 s26, $0x2;
	vm5 =	vmneg @p3 vm5;
	[tilespmem:s6+$0x400] =	vst v9;
	v9 =	vimm.s32 $0x0;
	vm6 =	vmand vm3, vm2  }
0x110: {  	v8 =	vsel vm1, v14, v6;
	vm0 =	vmneg @p1 vm0;
	v11 =	vsel vm6, v17, v16;
	v16 =	vld.idx.msk [tilespmem:v18+s25+$0x0], $0xffff  }
0x111: {  	vm4 =	vmand vm3, vm4;
	vm0 =	vmand vm3, vm0;
	vm2 =	vmand vm3, vm5  }
0x112: {  	s11 =	simm.s32 $0x2;
	s26 =	simm.s32 $0x1;
	v12 =	vsel vm4, v17, v10;
	v13 =	vsel vm0, v17, v13;
	v10 =	vimm.s32 $0x0  }
.LBB2_8:
0x113: {  	p0 =	sne.s32 s11, $0x13;
	v18 =	vmin.f32 v11, v12;
	v7 =	vsel vm2, v17, v7;
	s1 =	smov.u32 s11;
	s11 =	sadd.s32 $0x1, s11  }
0x114: {  	vm0 =	veq.s32 v15, v0;
	v17 =	vmin.f32 v13, v7  }
0x115: {  	v16 =	vadd.s32 v1, v16;
	v6 =	vsel vm0, v14, v6;
	v15 =	vmin.f32 v18, v17  }
0x116: {  	v10 =	vsel vm1, v16, v10;
	v9 =	vsel vm0, v16, v9;
	(xrf0) =	vmin.scan.msk.f32 $0xffff, v15;
	_ =	sdelay $0x5  }
0x117: {  	v14, _, _ =	vpop (xrf0)  }
0x118: {  	v14 =	vbroadcast v14, $0xF;
	_ =	sdelay $0x1  }
0x119: {  	vm0 =	veq.f32 v12, v14;
	vm1 =	veq.f32 v7, v14  }
0x11a: {  	vm2 =	veq.f32 v11, v14;
	vm3 =	veq.f32 v13, v14;
	v15 =	vnsel vm1, $0xC0000000, v2  }
0x11b: {  	v15 =	vsel vm3, v3, v15  }
0x11c: {  	v15 =	vsel vm0, v4, v15  }
0x11d: {  	v15 =	vsel vm2, v5, v15  }
0x11e: {  	(xrf0) =	vmin.scan.msk.u32 $0xffff, v15;
	_ =	sdelay $0x5  }
0x11f: {  	v15, _, _ =	vpop (xrf0)  }
0x120: {  	(v2sf) =	vpush v15, $0xF;
	_ =	sdelay $0xe  }
0x121: {  	s6 =	spop (v2sf)  }
0x122: {  	s7 =	sshll.u32 s6, $0x4  }
0x123: {  	v15 =	vld [tilespmem:s7+$0x400]  }
0x124: {  	s12 =	sxor.u32 $0x80000000, s6  }
0x125: {  	p2 =	sgt.s32 s6, $0xFFFFFFFF;
	s13 =	sshra.s32 s12, $0x1F;
	p1 =	slt.s32 s12, $0x1  }
0x126: {  	s13 =	sshrl.u32 s13, $0x1C;
	p1 =	por p2, p1  }
0x127: {  	s13 =	sadd.s32 s13, s12  }
0x128: {  	s14 =	sand.u32 $0xFFFFFFF0, s13;
	vm0 =	veq.f32 v15, v14  }
0x129: {  	s13 =	sshra.s32 s13, $0x4;
	p2 =	sne.s32 s12, s14;
	s12 =	sadd.s32 s5, s7;
	v14 =	vmov s26;
	v16 =	vmctz.xlane vm0  }
0x12a: {  	s15 =	simm.s32 $0x1;
	p1 =	por !p1, !p2  }
0x12b: {  	s14 =	sadd.s32 $0xFFFFFFF0, s26;
	p2 =	slt.u32 s26, $0x10;
	p1 =	por !p1, !p1;
	vm0 =	veq.s32 v14, v0;
	vm1 =	veq.s32 v16, v0;
	v17 =	vand.u32 $0xFFFFFFF8, v16  }
0x12c: {  	s26 =	smov.u32 s1;
	s15 =	simm.s32 @!p1 $0x0;
	v14 =	vadd.s32 s12, v16;
	v18 =	vsel vm1, $0x7F61B1E6, v15;
	vm1 =	vmmov vm7  }
0x12d: {  	s1 =	ssub.s32 s13, s15;
	v15 =	vmov s14;
	vm1 =	vmneg @p2 vm1  }
0x12e: {  	v16 =	vand.u32 $0x7, v16;
	p1 =	seq.s32 s1, $0x1;
	p4 =	seq.s32 s1, $0x2;
	v17 =	vadd.s32 s7, v17;
	p2 =	seq.s32 s1, $0x0;
	[tilespmem:s7+$0x400] =	vst v18;
	(xrf0) =	vmin.scan.msk.f32 $0xffff, v18  }
0x12f: {  	p3 =	seq.s32 s1, $0x3;
	v16 =	vor.u32 v16, v17;
	vm1 =	vmand vm0, vm1  }
0x130: {  	s1 =	sand.u32 $0xF, s6;
	v8 =	vsel vm1, v14, v8  }
0x131: {  	v17 =	vmov s1  }
0x132: {  	vm4 =	vmmov vm7;
	vm2 =	vmmov vm7;
	vm0 =	veq.s32 v17, v0  }
.Ltmp3:
0x133: {  	vm5 =	vmmov vm7;
	vm3 =	vmmov vm7;
	vm2 =	vmneg @p4 vm2;
	(pc) =	sbr.rel @p0 .LBB2_8-.Ltmp3, $4  }
0x134: {  	vm4 =	vmneg @p1 vm4;
	vm5 =	vmneg @p3 vm5;
	vm3 =	vmneg @p2 vm3;
	v16 =	vld.idx.msk [tilespmem:v16+s25+$0x0], $0xffff;
	v17, _, _ =	vpop (xrf0)  }
0x135: {  	vm3 =	vmand vm0, vm3;
	vm4 =	vmand vm0, vm4;
	v17 =	vbroadcast v17, $0xF  }
0x136: {  	vm6 =	vmand vm0, vm2;
	vm2 =	vmand vm0, vm5  }
0x137: {  	v11 =	vsel vm3, v17, v11;
	v12 =	vsel vm4, v17, v12;
	v13 =	vsel vm6, v17, v13  }
0x138: {  	v7 =	vsel vm2, v17, v7  }
0x139: {  	v63 =	vmin.f32 v11, v12;
	v18 =	vmin.f32 v13, v7  }
0x13a: {  	v17 =	vmin.f32 v63, v18  }
0x13b: {  	(xrf0) =	vmin.scan.msk.f32 $0xffff, v17;
	_ =	sdelay $0x5  }
0x13c: {  	v17, _, _ =	vpop (xrf0)  }
0x13d: {  	v17 =	vbroadcast v17, $0xF;
	_ =	sdelay $0x1  }
0x13e: {  	vm0 =	veq.f32 v7, v17  }
0x13f: {  	vm2 =	veq.f32 v13, v17;
	v7 =	vnsel vm0, $0xC0000000, v2  }
0x140: {  	vm0 =	veq.f32 v12, v17;
	v7 =	vsel vm2, v3, v7  }
0x141: {  	vm2 =	veq.f32 v11, v17;
	v7 =	vsel vm0, v4, v7  }
0x142: {  	v7 =	vsel vm2, v5, v7  }
0x143: {  	(xrf0) =	vmin.scan.msk.u32 $0xffff, v7;
	_ =	sdelay $0x5  }
0x144: {  	v7, _, _ =	vpop (xrf0)  }
0x145: {  	(v2sf) =	vpush v7, $0xF;
	_ =	sdelay $0xe  }
0x146: {  	s1 =	spop (v2sf)  }
0x147: {  	s1 =	sshll.u32 s1, $0x4  }
0x148: {  	v7 =	vld [tilespmem:s1+$0x400];
	_ =	sdelay $0x4  }
0x149: {  	vm0 =	veq.f32 v7, v17  }
0x14a: {  	v11 =	vmctz.xlane vm0;
	_ =	sdelay $0x1  }
0x14b: {  	v12 =	vand.u32 $0xFFFFFFF8, v11  }
0x14c: {  	v13 =	vand.u32 $0x7, v11;
	v12 =	vadd.s32 s1, v12  }
0x14d: {  	v12 =	vor.u32 v13, v12;
	_ =	sdelay $0x1  }
0x14e: {  	vm0 =	veq.s32 v11, v0  }
0x14f: {  	v7 =	vsel vm0, $0x7F61B1E6, v7  }
0x150: {  	[tilespmem:s1+$0x400] =	vst v7  }
0x151: {  	p0 =	slt.u32 s26, $0x10;
	vm2 =	vmmov vm7;
	v12 =	vld.idx.msk [tilespmem:v12+s25+$0x0], $0xffff  }
0x152: {  	vm2 =	vmneg @p0 vm2;
	vm0 =	veq.s32 v15, v0;
	v15 =	vmov s26  }
0x153: {  	s6 =	sadd.s32 $0xFFFFFFF0, s26;
	v13 =	vadd.s32 v1, v16;
	v6 =	vsel vm0, v14, v6;
	s1 =	sadd.s32 s5, s1;
	vm3 =	veq.s32 v15, v0  }
0x154: {  	v14 =	vmov s6;
	v11 =	vadd.s32 s1, v11;
	vm2 =	vmand vm3, vm2  }
0x155: {  	v10 =	vsel vm1, v13, v10;
	vm1 =	veq.s32 v14, v0;
	v8 =	vsel vm2, v11, v8  }
0x156: {  	(xrf0) =	vmin.scan.msk.f32 $0xffff, v7;
	v6 =	vsel vm1, v11, v6;
	[tilespmem:$0x2020] =	vst v8;
	v7 =	vadd.s32 v1, v12  }
0x157: {  	v8 =	vsel vm0, v13, v9;
	[tilespmem:$0x2030] =	vst v6;
	v9 =	vsel vm2, v7, v10  }
0x158: {  	v6 =	vsel vm1, v7, v8;
	[tilespmem:$0x20A0] =	vst v9  }
0x159: {  	s7 =	simm.s32 $0x2020;
	s11 =	simm.s32 $0x2900;
	[tilespmem:$0x20B0] =	vst v6  }
0x15a: {  	[tilespmem:s11], [sflag:$0x2] =	stream.indirect.gather [hbm4b:s4+s0], $0x40, s7, s0, $0xb8;
	[tilespmem:$0x6100] =	vst v63  }
0x15b: {  	s12 =	simm.s32 $0x20A0;
	s13 =	simm.s32 $0x4900  }
0x15c: {  	v6, _, _ =	vpop (xrf0);
	[tilespmem:s13], [sflag:$0x2] =	stream.indirect.gather [hbm4b:s3+s0], $0x40, s12, s0, $0xb8;
	[tilespmem:$0x6100] =	vst v63  }
0x15d: {  	_ =	swait.ge [sflag:s31], $0x400  }
0x15e: {  	[sflag:s31] =	ssyncset.done $0x0  }
0x15f: {  	[sflag:s31] =	ssyncadd.s32 $0xFFFFFC00  }
0x160: {  	_ =	swait.ge [sflag:s31], $0x400  }
0x161: {  	[sflag:s31] =	ssyncset.done $0x0  }
0x162: {  	s14 =	simm.s32 $0x830;
	[sflag:s31] =	ssyncadd.s32 $0xFFFFFC00  }
0x163: {  	v6 =	vld [tilespmem:s14+$0xFFFFFFD0]  }
0x164: {  	v8 =	vld [tilespmem:s14+$0xFFFFFFE0]  }
0x165: {  	v9 =	vld [tilespmem:s14+$0xFFFFFFF0]  }
0x166: {  	s7 =	simm.s32 $0x2;
	v10 =	vld [tilespmem:s14+$0x0]  }
0x167: {  	s26 =	simm.s32 $0x1;
	s7 =	sand.u32 $0xE, s7  }
0x168: {  	vm11 =	vmmov vm7;
	p0 =	por $0x1, $0x1;
	s1 =	sand.u32 $0xD, s26;
	v11 =	vmov s7;
	(xrf0) =	vmin.scan.msk.f32 $0xffff, v6  }
0x169: {  	vm11 =	vmneg @p0 vm11;
	vm0 =	veq.s32 v11, v0;
	v6 =	vmov s1;
	(xrf0) =	vmin.scan.msk.f32 $0xffff, v8  }
0x16a: {  	vm5 =	vmand vm11, vm0;
	vm15 =	veq.s32 v6, v0;
	v6 =	vimm.s32 $0x0;
	(xrf0) =	vmin.scan.msk.f32 $0xffff, v9  }
0x16b: {  	v6 =	vsel vm5, $0xFFFFFFFF, v6;
	(xrf0) =	vmin.scan.msk.f32 $0xffff, v10;
	_ =	sdelay $0x1  }
0x16c: {  	p1 =	por $0x0, $0x0;
	vm6 =	vmmov vm7;
	s11 =	simm.s32 $0x0  }
0x16d: {  	vm12 =	vmmov vm7;
	p2 =	por $0x0, $0x0;
	vm9 =	vmmov vm7;
	vm6 =	vmneg @p1 vm6;
	s12 =	sand.u32 $0xC, s11;
	[tilespmem:$0x1FFE0] =	vst v6;
	v6, _, _ =	vpop (xrf0)  }
0x16e: {  	vm9 =	vmneg @p2 vm9;
	p0 =	por $0x0, $0x0;
	v12 =	vmov s12;
	v10 =	vbroadcast v6, $0xF;
	v6, _, _ =	vpop (xrf0)  }
0x16f: {  	s15 =	simm.s32 $0x3;
	vm12 =	vmneg @p0 vm12;
	vm3 =	veq.s32 v12, v0;
	v12 =	vbroadcast v6, $0xF;
	v6, _, _ =	vpop (xrf0)  }
0x170: {  	s6 =	sand.u32 $0xF, s15;
	v7 =	vimm.f32 $3.000000010e+38;
	vm7 =	vmand vm6, vm0;
	v13 =	vbroadcast v6, $0xF;
	v6, _, _ =	vpop (xrf0)  }
0x171: {  	vm8 =	vmand vm9, vm0;
	v8 =	vmov s6;
	v11 =	vbroadcast v6, $0xF;
	v6 =	vld [tilespmem:$0x1FFE0]  }
0x172: {  	vm14 =	vmand vm3, vm12;
	vm4 =	veq.s32 v8, v0;
	vm5 =	vmand vm12, vm0  }
0x173: {  	vm0 =	vmand vm3, vm11;
	vm13 =	vmand vm11, vm15;
	v9 =	vimm.f32 $3.000000010e+38  }
0x174: {  	vm10 =	vmand vm11, vm4;
	vm1 =	vmand vm12, vm4;
	vm2 =	vmand vm6, vm4  }
0x175: {  	vm4 =	vmand vm9, vm4;
	vm11 =	vmand vm12, vm15;
	v8 =	vsel vm0, v10, v7  }
0x176: {  	vm12 =	vmand vm9, vm15;
	v8 =	vsel vm13, v12, v8;
	vm0 =	vnez.u8 v6  }
0x177: {  	s26 =	simm.s32 $0x870;
	vm13 =	vmand vm6, vm15;
	v14 =	vsel vm0, v13, v8;
	v8 =	vimm.f32 $3.000000010e+38  }
.LBB2_10:
0x178: {  	vm0 =	vmand vm3, vm6;
	vm3 =	vmand vm3, vm9  }
0x179: {  	v15 =	vld [tilespmem:s26+$0xFFFFFFD0];
	v14 =	vsel vm10, v11, v14;
	v6 =	vsel vm14, v10, v7;
	vm9 =	vmxor vm9, vm9  }
0x17a: {  	v16 =	vld [tilespmem:s26+$0xFFFFFFE0];
	v7 =	vsel vm0, v10, v8;
	v8 =	vsel vm3, v10, v9;
	v6 =	vsel vm11, v12, v6  }
0x17b: {  	vm11 =	vmmov vm9;
	v10 =	vld [tilespmem:s26+$0xFFFFFFF0];
	v7 =	vsel vm13, v12, v7;
	v8 =	vsel vm12, v12, v8  }
0x17c: {  	s1 =	sadd.s32 $0x7, s11;
	v6 =	vsel vm5, v13, v6;
	v12 =	vld [tilespmem:s26+$0x0];
	v9 =	vsel vm7, v13, v7;
	v13 =	vsel vm8, v13, v8  }
0x17d: {  	s6 =	sadd.s32 $0x5, s11;
	s7 =	sadd.s32 $0x6, s11;
	s11 =	sadd.s32 $0x4, s11;
	v7 =	vsel vm1, v11, v6;
	v8 =	vsel vm2, v11, v9;
	v9 =	vsel vm4, v11, v13  }
0x17e: {  	s6 =	sand.u32 $0xD, s6;
	s7 =	sand.u32 $0xE, s7;
	s1 =	sand.u32 $0xF, s1;
	vm14 =	vmmov vm9;
	vm6 =	vmmov vm9;
	v6 =	vimm.s32 $0x0;
	(xrf0) =	vmin.scan.msk.f32 $0xffff, v15  }
0x17f: {  	s12 =	sand.u32 $0xC, s11;
	s13 =	sshrl.u32 s11, $0x4;
	p0 =	slt.u32 s11, $0x3C;
	v11 =	vmov s6;
	v13 =	vmov s7;
	v15 =	vmov s1;
	(xrf0) =	vmin.scan.msk.f32 $0xffff, v16  }
0x180: {  	p1 =	seq.s32 s13, $0x0;
	vm0 =	veq.s32 v13, v0;
	v16 =	vmov s12;
	vm4 =	veq.s32 v15, v0;
	(xrf0) =	vmin.scan.msk.f32 $0xffff, v10  }
0x181: {  	p2 =	seq.s32 s13, $0x2;
	p3 =	seq.s32 s13, $0x3;
	vm11 =	vmneg @p1 vm11;
	p1 =	seq.s32 s13, $0x1;
	vm12 =	veq.s32 v11, v0;
	vm3 =	veq.s32 v16, v0;
	(xrf0) =	vmin.scan.msk.f32 $0xffff, v12  }
0x182: {  	vm6 =	vmneg @p2 vm6;
	vm9 =	vmneg @p3 vm9;
	vm14 =	vmneg @p1 vm14  }
0x183: {  	vm10 =	vmand vm11, vm4;
	vm1 =	vmand vm14, vm4;
	vm2 =	vmand vm6, vm4  }
0x184: {  	vm15 =	vmand vm11, vm0;
	vm5 =	vmand vm14, vm0;
	vm4 =	vmand vm9, vm4;
	v10, _, _ =	vpop (xrf0)  }
.Ltmp4:
0x185: {  	vm7 =	vmand vm6, vm0;
	vm8 =	vmand vm9, vm0;
	v10 =	vbroadcast v10, $0xF;
	v11, _, _ =	vpop (xrf0);
	(pc) =	sbr.rel @p0 .LBB2_10-.Ltmp4, $4  }
0x186: {  	vm13 =	vmand vm11, vm12;
	vm0 =	vmand vm3, vm11;
	v12 =	vbroadcast v11, $0xF;
	v11, _, _ =	vpop (xrf0)  }
0x187: {  	vm11 =	vmand vm14, vm12;
	v14 =	vsel vm0, v10, v14;
	v13 =	vbroadcast v11, $0xF;
	v11, _, _ =	vpop (xrf0)  }
0x188: {  	v14 =	vsel vm13, v12, v14;
	vm13 =	vmand vm6, vm12;
	v11 =	vbroadcast v11, $0xF  }
0x189: {  	s26 =	sadd.s32 $0x40, s26;
	vm14 =	vmand vm3, vm14;
	vm12 =	vmand vm9, vm12;
	v14 =	vsel vm15, v13, v14  }
0x18a: {  	vm0 =	vmand vm3, vm6;
	vm3 =	vmand vm3, vm9;
	v16 =	vsel vm10, v11, v14  }
0x18b: {  	v7 =	vsel vm14, v10, v7;
	v8 =	vsel vm0, v10, v8;
	v9 =	vsel vm3, v10, v9  }
0x18c: {  	v7 =	vsel vm11, v12, v7;
	v8 =	vsel vm13, v12, v8;
	v9 =	vsel vm12, v12, v9  }
0x18d: {  	v7 =	vsel vm5, v13, v7;
	v8 =	vsel vm7, v13, v8;
	v9 =	vsel vm8, v13, v9  }
0x18e: {  	v10 =	vsel vm1, v11, v7;
	v13 =	vsel vm2, v11, v8;
	v7 =	vsel vm4, v11, v9  }
0x18f: {  	v8 =	vmin.f32 v16, v10;
	v9 =	vmin.f32 v13, v7  }
0x190: {  	v8 =	vmin.f32 v8, v9  }
0x191: {  	(xrf0) =	vmin.scan.msk.f32 $0xffff, v8;
	_ =	sdelay $0x5  }
0x192: {  	v8, _, _ =	vpop (xrf0)  }
0x193: {  	v8 =	vbroadcast v8, $0xF;
	_ =	sdelay $0x1  }
0x194: {  	vm0 =	veq.f32 v7, v8  }
0x195: {  	vm1 =	veq.f32 v13, v8;
	v9 =	vnsel vm0, $0xC0000000, v2  }
0x196: {  	vm0 =	veq.f32 v10, v8;
	v9 =	vsel vm1, v3, v9  }
0x197: {  	vm1 =	veq.f32 v16, v8;
	v9 =	vsel vm0, v4, v9  }
0x198: {  	v9 =	vsel vm1, v5, v9  }
0x199: {  	(xrf0) =	vmin.scan.msk.u32 $0xffff, v9;
	_ =	sdelay $0x5  }
0x19a: {  	v9, _, _ =	vpop (xrf0)  }
0x19b: {  	(v2sf) =	vpush v9, $0xF;
	_ =	sdelay $0xe  }
0x19c: {  	s1 =	spop (v2sf)  }
0x19d: {  	s6 =	sshll.u32 s1, $0x4  }
0x19e: {  	v9 =	vld [tilespmem:s6+$0x800];
	_ =	sdelay $0x4  }
0x19f: {  	vm0 =	veq.f32 v9, v8  }
0x1a0: {  	s7 =	sxor.u32 $0x80000000, s1;
	v8 =	vmctz.xlane vm0  }
0x1a1: {  	s11 =	sshra.s32 s7, $0x1F  }
0x1a2: {  	s11 =	sshrl.u32 s11, $0x1C;
	vm0 =	veq.s32 v8, v0  }
0x1a3: {  	s13 =	simm.s32 $0x0;
	s11 =	sadd.s32 s11, s7;
	v9 =	vsel vm0, $0x7F61B1E6, v9  }
0x1a4: {  	v11 =	vmov s13;
	p1 =	sgt.s32 s1, $0xFFFFFFFF;
	p0 =	slt.s32 s7, $0x1;
	s12 =	sand.u32 $0xFFFFFFF0, s11;
	(xrf0) =	vmin.scan.msk.f32 $0xffff, v9  }
0x1a5: {  	s14 =	sadd.s32 s5, s6;
	p0 =	por p1, p0;
	p6 =	sne.s32 s7, s12;
	vm0 =	veq.s32 v11, v0;
	v11 =	vand.u32 $0xFFFFFFF8, v8  }
0x1a6: {  	s1 =	sand.u32 $0xF, s1;
	p0 =	por !p0, !p6;
	v14 =	vadd.s32 s14, v8;
	v8 =	vand.u32 $0x7, v8;
	v11 =	vadd.s32 s6, v11  }
0x1a7: {  	s15 =	simm.s32 $0xFFFFFFF0;
	vm7 =	vmxor vm7, vm7;
	s13 =	simm.s32 $0x1;
	p0 =	por !p0, !p0;
	v18 =	vor.u32 v8, v11;
	v11 =	vmov s1  }
0x1a8: {  	v15 =	vmov s15;
	vm2 =	vmmov vm7;
	vm1 =	vmmov vm7;
	p1 =	por $0x1, $0x1;
	s11 =	sshra.s32 s11, $0x4;
	s13 =	simm.s32 @!p0 $0x0  }
0x1a9: {  	vm4 =	vmmov vm7;
	vm5 =	vmmov vm7;
	vm1 =	vmneg @p1 vm1;
	s26 =	ssub.s32 s11, s13  }
0x1aa: {  	p0 =	seq.s32 s26, $0x0;
	p2 =	seq.s32 s26, $0x1;
	vm1 =	vmand vm0, vm1;
	vm0 =	vmmov vm7;
	vm3 =	veq.s32 v11, v0;
	v11, _, _ =	vpop (xrf0)  }
0x1ab: {  	p3 =	seq.s32 s26, $0x3;
	vm2 =	vmneg @p0 vm2;
	vm4 =	vmneg @p2 vm4;
	v17 =	vbroadcast v11, $0xF  }
0x1ac: {  	p1 =	seq.s32 s26, $0x2;
	vm5 =	vmneg @p3 vm5;
	[tilespmem:s6+$0x800] =	vst v9;
	v9 =	vimm.s32 $0x0;
	vm6 =	vmand vm3, vm2  }
0x1ad: {  	v8 =	vsel vm1, v14, v6;
	vm0 =	vmneg @p1 vm0;
	v11 =	vsel vm6, v17, v16;
	v16 =	vld.idx.msk [tilespmem:v18+s28+$0x0], $0xffff  }
0x1ae: {  	vm4 =	vmand vm3, vm4;
	vm0 =	vmand vm3, vm0;
	vm2 =	vmand vm3, vm5  }
0x1af: {  	s11 =	simm.s32 $0x2;
	s26 =	simm.s32 $0x1;
	v12 =	vsel vm4, v17, v10;
	v13 =	vsel vm0, v17, v13;
	v10 =	vimm.s32 $0x0  }
.LBB2_12:
0x1b0: {  	p0 =	sne.s32 s11, $0x13;
	v18 =	vmin.f32 v11, v12;
	v7 =	vsel vm2, v17, v7;
	s1 =	smov.u32 s11;
	s11 =	sadd.s32 $0x1, s11  }
0x1b1: {  	vm0 =	veq.s32 v15, v0;
	v17 =	vmin.f32 v13, v7  }
0x1b2: {  	v16 =	vadd.s32 v1, v16;
	v6 =	vsel vm0, v14, v6;
	v15 =	vmin.f32 v18, v17  }
0x1b3: {  	v10 =	vsel vm1, v16, v10;
	v9 =	vsel vm0, v16, v9;
	(xrf0) =	vmin.scan.msk.f32 $0xffff, v15;
	_ =	sdelay $0x5  }
0x1b4: {  	v14, _, _ =	vpop (xrf0)  }
0x1b5: {  	v14 =	vbroadcast v14, $0xF;
	_ =	sdelay $0x1  }
0x1b6: {  	vm0 =	veq.f32 v12, v14;
	vm1 =	veq.f32 v7, v14  }
0x1b7: {  	vm2 =	veq.f32 v11, v14;
	vm3 =	veq.f32 v13, v14;
	v15 =	vnsel vm1, $0xC0000000, v2  }
0x1b8: {  	v15 =	vsel vm3, v3, v15  }
0x1b9: {  	v15 =	vsel vm0, v4, v15  }
0x1ba: {  	v15 =	vsel vm2, v5, v15  }
0x1bb: {  	(xrf0) =	vmin.scan.msk.u32 $0xffff, v15;
	_ =	sdelay $0x5  }
0x1bc: {  	v15, _, _ =	vpop (xrf0)  }
0x1bd: {  	(v2sf) =	vpush v15, $0xF;
	_ =	sdelay $0xe  }
0x1be: {  	s6 =	spop (v2sf)  }
0x1bf: {  	s7 =	sshll.u32 s6, $0x4  }
0x1c0: {  	v15 =	vld [tilespmem:s7+$0x800]  }
0x1c1: {  	s12 =	sxor.u32 $0x80000000, s6  }
0x1c2: {  	p2 =	sgt.s32 s6, $0xFFFFFFFF;
	s13 =	sshra.s32 s12, $0x1F;
	p1 =	slt.s32 s12, $0x1  }
0x1c3: {  	s13 =	sshrl.u32 s13, $0x1C;
	p1 =	por p2, p1  }
0x1c4: {  	s13 =	sadd.s32 s13, s12  }
0x1c5: {  	s14 =	sand.u32 $0xFFFFFFF0, s13;
	vm0 =	veq.f32 v15, v14  }
0x1c6: {  	s13 =	sshra.s32 s13, $0x4;
	p2 =	sne.s32 s12, s14;
	s12 =	sadd.s32 s5, s7;
	v14 =	vmov s26;
	v16 =	vmctz.xlane vm0  }
0x1c7: {  	s15 =	simm.s32 $0x1;
	p1 =	por !p1, !p2  }
0x1c8: {  	s14 =	sadd.s32 $0xFFFFFFF0, s26;
	p2 =	slt.u32 s26, $0x10;
	p1 =	por !p1, !p1;
	vm0 =	veq.s32 v14, v0;
	vm1 =	veq.s32 v16, v0;
	v17 =	vand.u32 $0xFFFFFFF8, v16  }
0x1c9: {  	s26 =	smov.u32 s1;
	s15 =	simm.s32 @!p1 $0x0;
	v14 =	vadd.s32 s12, v16;
	v18 =	vsel vm1, $0x7F61B1E6, v15;
	vm1 =	vmmov vm7  }
0x1ca: {  	s1 =	ssub.s32 s13, s15;
	v15 =	vmov s14;
	vm1 =	vmneg @p2 vm1  }
0x1cb: {  	v16 =	vand.u32 $0x7, v16;
	p1 =	seq.s32 s1, $0x1;
	p4 =	seq.s32 s1, $0x2;
	v17 =	vadd.s32 s7, v17;
	p2 =	seq.s32 s1, $0x0;
	[tilespmem:s7+$0x800] =	vst v18;
	(xrf0) =	vmin.scan.msk.f32 $0xffff, v18  }
0x1cc: {  	p3 =	seq.s32 s1, $0x3;
	v16 =	vor.u32 v16, v17;
	vm1 =	vmand vm0, vm1  }
0x1cd: {  	s1 =	sand.u32 $0xF, s6;
	v8 =	vsel vm1, v14, v8  }
0x1ce: {  	v17 =	vmov s1  }
0x1cf: {  	vm4 =	vmmov vm7;
	vm2 =	vmmov vm7;
	vm0 =	veq.s32 v17, v0  }
.Ltmp5:
0x1d0: {  	vm5 =	vmmov vm7;
	vm3 =	vmmov vm7;
	vm2 =	vmneg @p4 vm2;
	(pc) =	sbr.rel @p0 .LBB2_12-.Ltmp5, $4  }
0x1d1: {  	vm4 =	vmneg @p1 vm4;
	vm5 =	vmneg @p3 vm5;
	vm3 =	vmneg @p2 vm3;
	v16 =	vld.idx.msk [tilespmem:v16+s28+$0x0], $0xffff;
	v17, _, _ =	vpop (xrf0)  }
0x1d2: {  	vm3 =	vmand vm0, vm3;
	vm4 =	vmand vm0, vm4;
	v17 =	vbroadcast v17, $0xF  }
0x1d3: {  	vm6 =	vmand vm0, vm2;
	vm2 =	vmand vm0, vm5  }
0x1d4: {  	v11 =	vsel vm3, v17, v11;
	v12 =	vsel vm4, v17, v12;
	v13 =	vsel vm6, v17, v13  }
0x1d5: {  	v7 =	vsel vm2, v17, v7  }
0x1d6: {  	v63 =	vmin.f32 v11, v12;
	v18 =	vmin.f32 v13, v7  }
0x1d7: {  	v17 =	vmin.f32 v63, v18  }
0x1d8: {  	(xrf0) =	vmin.scan.msk.f32 $0xffff, v17;
	_ =	sdelay $0x5  }
0x1d9: {  	v17, _, _ =	vpop (xrf0)  }
0x1da: {  	v17 =	vbroadcast v17, $0xF;
	_ =	sdelay $0x1  }
0x1db: {  	vm0 =	veq.f32 v7, v17  }
0x1dc: {  	vm2 =	veq.f32 v13, v17;
	v7 =	vnsel vm0, $0xC0000000, v2  }
0x1dd: {  	vm0 =	veq.f32 v12, v17;
	v7 =	vsel vm2, v3, v7  }
0x1de: {  	vm2 =	veq.f32 v11, v17;
	v7 =	vsel vm0, v4, v7  }
0x1df: {  	v7 =	vsel vm2, v5, v7  }
0x1e0: {  	(xrf0) =	vmin.scan.msk.u32 $0xffff, v7;
	_ =	sdelay $0x5  }
0x1e1: {  	v7, _, _ =	vpop (xrf0)  }
0x1e2: {  	(v2sf) =	vpush v7, $0xF;
	_ =	sdelay $0xe  }
0x1e3: {  	s1 =	spop (v2sf)  }
0x1e4: {  	s1 =	sshll.u32 s1, $0x4  }
0x1e5: {  	v7 =	vld [tilespmem:s1+$0x800];
	_ =	sdelay $0x4  }
0x1e6: {  	vm0 =	veq.f32 v7, v17  }
0x1e7: {  	v11 =	vmctz.xlane vm0;
	_ =	sdelay $0x1  }
0x1e8: {  	v12 =	vand.u32 $0xFFFFFFF8, v11  }
0x1e9: {  	v13 =	vand.u32 $0x7, v11;
	v12 =	vadd.s32 s1, v12  }
0x1ea: {  	v12 =	vor.u32 v13, v12;
	_ =	sdelay $0x1  }
0x1eb: {  	vm0 =	veq.s32 v11, v0  }
0x1ec: {  	v7 =	vsel vm0, $0x7F61B1E6, v7  }
0x1ed: {  	[tilespmem:s1+$0x800] =	vst v7  }
0x1ee: {  	p0 =	slt.u32 s26, $0x10;
	vm2 =	vmmov vm7;
	v12 =	vld.idx.msk [tilespmem:v12+s28+$0x0], $0xffff  }
0x1ef: {  	vm2 =	vmneg @p0 vm2;
	vm0 =	veq.s32 v15, v0;
	v15 =	vmov s26  }
0x1f0: {  	s6 =	sadd.s32 $0xFFFFFFF0, s26;
	v13 =	vadd.s32 v1, v16;
	v6 =	vsel vm0, v14, v6;
	s1 =	sadd.s32 s5, s1;
	vm3 =	veq.s32 v15, v0  }
0x1f1: {  	v14 =	vmov s6;
	v11 =	vadd.s32 s1, v11;
	vm2 =	vmand vm3, vm2  }
0x1f2: {  	v10 =	vsel vm1, v13, v10;
	vm1 =	veq.s32 v14, v0;
	v8 =	vsel vm2, v11, v8  }
0x1f3: {  	(xrf0) =	vmin.scan.msk.f32 $0xffff, v7;
	v6 =	vsel vm1, v11, v6;
	[tilespmem:$0x2040] =	vst v8;
	v7 =	vadd.s32 v1, v12  }
0x1f4: {  	v8 =	vsel vm0, v13, v9;
	[tilespmem:$0x2050] =	vst v6;
	v9 =	vsel vm2, v7, v10  }
0x1f5: {  	v6 =	vsel vm1, v7, v8;
	[tilespmem:$0x20C0] =	vst v9  }
0x1f6: {  	s7 =	simm.s32 $0x2040;
	s11 =	simm.s32 $0x3100;
	[tilespmem:$0x20D0] =	vst v6  }
0x1f7: {  	[tilespmem:s11], [sflag:$0x2] =	stream.indirect.gather [hbm4b:s3+s0], $0x40, s7, s0, $0xb8;
	[tilespmem:$0x6100] =	vst v63  }
0x1f8: {  	s12 =	simm.s32 $0x20C0;
	s13 =	simm.s32 $0x5100  }
0x1f9: {  	v6, _, _ =	vpop (xrf0);
	[tilespmem:s13], [sflag:$0x2] =	stream.indirect.gather [hbm4b:s4+s0], $0x40, s12, s0, $0xb8;
	[tilespmem:$0x6100] =	vst v63  }
0x1fa: {  	_ =	swait.ge [sflag:s31], $0x400  }
0x1fb: {  	[sflag:s31] =	ssyncset.done $0x0  }
0x1fc: {  	[sflag:s31] =	ssyncadd.s32 $0xFFFFFC00  }
0x1fd: {  	_ =	swait.ge [sflag:s31], $0x400  }
0x1fe: {  	[sflag:s31] =	ssyncset.done $0x0  }
0x1ff: {  	s14 =	simm.s32 $0xC30;
	[sflag:s31] =	ssyncadd.s32 $0xFFFFFC00  }
0x200: {  	v6 =	vld [tilespmem:s14+$0xFFFFFFD0]  }
0x201: {  	v8 =	vld [tilespmem:s14+$0xFFFFFFE0]  }
0x202: {  	v9 =	vld [tilespmem:s14+$0xFFFFFFF0]  }
0x203: {  	s7 =	simm.s32 $0x2;
	v10 =	vld [tilespmem:s14+$0x0]  }
0x204: {  	s26 =	simm.s32 $0x1;
	s7 =	sand.u32 $0xE, s7  }
0x205: {  	vm11 =	vmmov vm7;
	p0 =	por $0x1, $0x1;
	s1 =	sand.u32 $0xD, s26;
	v11 =	vmov s7;
	(xrf0) =	vmin.scan.msk.f32 $0xffff, v6  }
0x206: {  	vm11 =	vmneg @p0 vm11;
	vm0 =	veq.s32 v11, v0;
	v6 =	vmov s1;
	(xrf0) =	vmin.scan.msk.f32 $0xffff, v8  }
0x207: {  	vm5 =	vmand vm11, vm0;
	vm15 =	veq.s32 v6, v0;
	v6 =	vimm.s32 $0x0;
	(xrf0) =	vmin.scan.msk.f32 $0xffff, v9  }
0x208: {  	v6 =	vsel vm5, $0xFFFFFFFF, v6;
	(xrf0) =	vmin.scan.msk.f32 $0xffff, v10;
	_ =	sdelay $0x1  }
0x209: {  	p1 =	por $0x0, $0x0;
	vm6 =	vmmov vm7;
	s11 =	simm.s32 $0x0  }
0x20a: {  	vm12 =	vmmov vm7;
	p2 =	por $0x0, $0x0;
	vm9 =	vmmov vm7;
	vm6 =	vmneg @p1 vm6;
	s12 =	sand.u32 $0xC, s11;
	[tilespmem:$0x1FFD0] =	vst v6;
	v6, _, _ =	vpop (xrf0)  }
0x20b: {  	vm9 =	vmneg @p2 vm9;
	p0 =	por $0x0, $0x0;
	v12 =	vmov s12;
	v10 =	vbroadcast v6, $0xF;
	v6, _, _ =	vpop (xrf0)  }
0x20c: {  	s15 =	simm.s32 $0x3;
	vm12 =	vmneg @p0 vm12;
	vm3 =	veq.s32 v12, v0;
	v12 =	vbroadcast v6, $0xF;
	v6, _, _ =	vpop (xrf0)  }
0x20d: {  	s6 =	sand.u32 $0xF, s15;
	v7 =	vimm.f32 $3.000000010e+38;
	vm7 =	vmand vm6, vm0;
	v13 =	vbroadcast v6, $0xF;
	v6, _, _ =	vpop (xrf0)  }
0x20e: {  	vm8 =	vmand vm9, vm0;
	v8 =	vmov s6;
	v11 =	vbroadcast v6, $0xF;
	v6 =	vld [tilespmem:$0x1FFD0]  }
0x20f: {  	vm14 =	vmand vm3, vm12;
	vm4 =	veq.s32 v8, v0;
	vm5 =	vmand vm12, vm0  }
0x210: {  	vm0 =	vmand vm3, vm11;
	vm13 =	vmand vm11, vm15;
	v9 =	vimm.f32 $3.000000010e+38  }
0x211: {  	vm10 =	vmand vm11, vm4;
	vm1 =	vmand vm12, vm4;
	vm2 =	vmand vm6, vm4  }
0x212: {  	vm4 =	vmand vm9, vm4;
	vm11 =	vmand vm12, vm15;
	v8 =	vsel vm0, v10, v7  }
0x213: {  	vm12 =	vmand vm9, vm15;
	v8 =	vsel vm13, v12, v8;
	vm0 =	vnez.u8 v6  }
0x214: {  	s26 =	simm.s32 $0xC70;
	vm13 =	vmand vm6, vm15;
	v14 =	vsel vm0, v13, v8;
	v8 =	vimm.f32 $3.000000010e+38  }
.LBB2_14:
0x215: {  	vm0 =	vmand vm3, vm6;
	vm3 =	vmand vm3, vm9  }
0x216: {  	v15 =	vld [tilespmem:s26+$0xFFFFFFD0];
	v14 =	vsel vm10, v11, v14;
	v6 =	vsel vm14, v10, v7;
	vm9 =	vmxor vm9, vm9  }
0x217: {  	v16 =	vld [tilespmem:s26+$0xFFFFFFE0];
	v7 =	vsel vm0, v10, v8;
	v8 =	vsel vm3, v10, v9;
	v6 =	vsel vm11, v12, v6  }
0x218: {  	vm11 =	vmmov vm9;
	v10 =	vld [tilespmem:s26+$0xFFFFFFF0];
	v7 =	vsel vm13, v12, v7;
	v8 =	vsel vm12, v12, v8  }
0x219: {  	s1 =	sadd.s32 $0x7, s11;
	v6 =	vsel vm5, v13, v6;
	v12 =	vld [tilespmem:s26+$0x0];
	v9 =	vsel vm7, v13, v7;
	v13 =	vsel vm8, v13, v8  }
0x21a: {  	s6 =	sadd.s32 $0x5, s11;
	s7 =	sadd.s32 $0x6, s11;
	s11 =	sadd.s32 $0x4, s11;
	v7 =	vsel vm1, v11, v6;
	v8 =	vsel vm2, v11, v9;
	v9 =	vsel vm4, v11, v13  }
0x21b: {  	s6 =	sand.u32 $0xD, s6;
	s7 =	sand.u32 $0xE, s7;
	s1 =	sand.u32 $0xF, s1;
	vm14 =	vmmov vm9;
	vm6 =	vmmov vm9;
	v6 =	vimm.s32 $0x0;
	(xrf0) =	vmin.scan.msk.f32 $0xffff, v15  }
0x21c: {  	s12 =	sand.u32 $0xC, s11;
	s13 =	sshrl.u32 s11, $0x4;
	p0 =	slt.u32 s11, $0x3C;
	v11 =	vmov s6;
	v13 =	vmov s7;
	v15 =	vmov s1;
	(xrf0) =	vmin.scan.msk.f32 $0xffff, v16  }
0x21d: {  	p1 =	seq.s32 s13, $0x0;
	vm0 =	veq.s32 v13, v0;
	v16 =	vmov s12;
	vm4 =	veq.s32 v15, v0;
	(xrf0) =	vmin.scan.msk.f32 $0xffff, v10  }
0x21e: {  	p2 =	seq.s32 s13, $0x2;
	p3 =	seq.s32 s13, $0x3;
	vm11 =	vmneg @p1 vm11;
	p1 =	seq.s32 s13, $0x1;
	vm12 =	veq.s32 v11, v0;
	vm3 =	veq.s32 v16, v0;
	(xrf0) =	vmin.scan.msk.f32 $0xffff, v12  }
0x21f: {  	vm6 =	vmneg @p2 vm6;
	vm9 =	vmneg @p3 vm9;
	vm14 =	vmneg @p1 vm14  }
0x220: {  	vm10 =	vmand vm11, vm4;
	vm1 =	vmand vm14, vm4;
	vm2 =	vmand vm6, vm4  }
0x221: {  	vm15 =	vmand vm11, vm0;
	vm5 =	vmand vm14, vm0;
	vm4 =	vmand vm9, vm4;
	v10, _, _ =	vpop (xrf0)  }
.Ltmp6:
0x222: {  	vm7 =	vmand vm6, vm0;
	vm8 =	vmand vm9, vm0;
	v10 =	vbroadcast v10, $0xF;
	v11, _, _ =	vpop (xrf0);
	(pc) =	sbr.rel @p0 .LBB2_14-.Ltmp6, $4  }
0x223: {  	vm13 =	vmand vm11, vm12;
	vm0 =	vmand vm3, vm11;
	v12 =	vbroadcast v11, $0xF;
	v11, _, _ =	vpop (xrf0)  }
0x224: {  	vm11 =	vmand vm14, vm12;
	v14 =	vsel vm0, v10, v14;
	v13 =	vbroadcast v11, $0xF;
	v11, _, _ =	vpop (xrf0)  }
0x225: {  	v14 =	vsel vm13, v12, v14;
	vm13 =	vmand vm6, vm12;
	v11 =	vbroadcast v11, $0xF  }
0x226: {  	s26 =	sadd.s32 $0x40, s26;
	vm14 =	vmand vm3, vm14;
	vm12 =	vmand vm9, vm12;
	v14 =	vsel vm15, v13, v14  }
0x227: {  	vm0 =	vmand vm3, vm6;
	vm3 =	vmand vm3, vm9;
	v16 =	vsel vm10, v11, v14  }
0x228: {  	v7 =	vsel vm14, v10, v7;
	v8 =	vsel vm0, v10, v8;
	v9 =	vsel vm3, v10, v9  }
0x229: {  	v7 =	vsel vm11, v12, v7;
	v8 =	vsel vm13, v12, v8;
	v9 =	vsel vm12, v12, v9  }
0x22a: {  	v7 =	vsel vm5, v13, v7;
	v8 =	vsel vm7, v13, v8;
	v9 =	vsel vm8, v13, v9  }
0x22b: {  	v10 =	vsel vm1, v11, v7;
	v13 =	vsel vm2, v11, v8;
	v7 =	vsel vm4, v11, v9  }
0x22c: {  	v8 =	vmin.f32 v16, v10;
	v9 =	vmin.f32 v13, v7  }
0x22d: {  	v8 =	vmin.f32 v8, v9  }
0x22e: {  	(xrf0) =	vmin.scan.msk.f32 $0xffff, v8;
	_ =	sdelay $0x5  }
0x22f: {  	v8, _, _ =	vpop (xrf0)  }
0x230: {  	v8 =	vbroadcast v8, $0xF;
	_ =	sdelay $0x1  }
0x231: {  	vm0 =	veq.f32 v7, v8  }
0x232: {  	vm1 =	veq.f32 v13, v8;
	v9 =	vnsel vm0, $0xC0000000, v2  }
0x233: {  	vm0 =	veq.f32 v10, v8;
	v9 =	vsel vm1, v3, v9  }
0x234: {  	vm1 =	veq.f32 v16, v8;
	v9 =	vsel vm0, v4, v9  }
0x235: {  	v9 =	vsel vm1, v5, v9  }
0x236: {  	(xrf0) =	vmin.scan.msk.u32 $0xffff, v9;
	_ =	sdelay $0x5  }
0x237: {  	v9, _, _ =	vpop (xrf0)  }
0x238: {  	(v2sf) =	vpush v9, $0xF;
	_ =	sdelay $0xe  }
0x239: {  	s1 =	spop (v2sf)  }
0x23a: {  	s6 =	sshll.u32 s1, $0x4  }
0x23b: {  	v9 =	vld [tilespmem:s6+$0xC00];
	_ =	sdelay $0x4  }
0x23c: {  	vm0 =	veq.f32 v9, v8  }
0x23d: {  	s7 =	sxor.u32 $0x80000000, s1;
	v8 =	vmctz.xlane vm0  }
0x23e: {  	s11 =	sshra.s32 s7, $0x1F  }
0x23f: {  	s11 =	sshrl.u32 s11, $0x1C;
	vm0 =	veq.s32 v8, v0  }
0x240: {  	s13 =	simm.s32 $0x0;
	s11 =	sadd.s32 s11, s7;
	v9 =	vsel vm0, $0x7F61B1E6, v9  }
0x241: {  	v11 =	vmov s13;
	p1 =	sgt.s32 s1, $0xFFFFFFFF;
	p0 =	slt.s32 s7, $0x1;
	s12 =	sand.u32 $0xFFFFFFF0, s11;
	(xrf0) =	vmin.scan.msk.f32 $0xffff, v9  }
0x242: {  	s14 =	sadd.s32 s5, s6;
	p0 =	por p1, p0;
	p6 =	sne.s32 s7, s12;
	vm0 =	veq.s32 v11, v0;
	v11 =	vand.u32 $0xFFFFFFF8, v8  }
0x243: {  	s1 =	sand.u32 $0xF, s1;
	p0 =	por !p0, !p6;
	v14 =	vadd.s32 s14, v8;
	v8 =	vand.u32 $0x7, v8;
	v11 =	vadd.s32 s6, v11  }
0x244: {  	s15 =	simm.s32 $0xFFFFFFF0;
	vm9 =	vmxor vm9, vm9;
	s13 =	simm.s32 $0x1;
	p0 =	por !p0, !p0;
	v18 =	vor.u32 v8, v11;
	v11 =	vmov s1  }
0x245: {  	v15 =	vmov s15;
	vm5 =	vmmov vm9;
	vm1 =	vmmov vm9;
	p1 =	por $0x1, $0x1;
	s11 =	sshra.s32 s11, $0x4;
	s13 =	simm.s32 @!p0 $0x0  }
0x246: {  	vm2 =	vmmov vm9;
	vm4 =	vmmov vm9;
	vm1 =	vmneg @p1 vm1;
	s26 =	ssub.s32 s11, s13  }
0x247: {  	p0 =	seq.s32 s26, $0x0;
	p2 =	seq.s32 s26, $0x1;
	vm1 =	vmand vm0, vm1;
	vm0 =	vmmov vm9;
	vm3 =	veq.s32 v11, v0;
	v11, _, _ =	vpop (xrf0)  }
0x248: {  	p3 =	seq.s32 s26, $0x3;
	vm2 =	vmneg @p0 vm2;
	vm4 =	vmneg @p2 vm4;
	v17 =	vbroadcast v11, $0xF  }
0x249: {  	p1 =	seq.s32 s26, $0x2;
	vm5 =	vmneg @p3 vm5;
	[tilespmem:s6+$0xC00] =	vst v9;
	v9 =	vimm.s32 $0x0;
	vm15 =	vmand vm3, vm2  }
0x24a: {  	v8 =	vsel vm1, v14, v6;
	vm0 =	vmneg @p1 vm0;
	v11 =	vsel vm15, v17, v16;
	v16 =	vld.idx.msk [tilespmem:v18+s30+$0x0], $0xffff  }
0x24b: {  	vm4 =	vmand vm3, vm4;
	vm0 =	vmand vm3, vm0;
	vm2 =	vmand vm3, vm5  }
0x24c: {  	s11 =	simm.s32 $0x2;
	s26 =	simm.s32 $0x1;
	v12 =	vsel vm4, v17, v10;
	v13 =	vsel vm0, v17, v13;
	v10 =	vimm.s32 $0x0  }
.LBB2_16:
0x24d: {  	p0 =	sne.s32 s11, $0x13;
	v18 =	vmin.f32 v11, v12;
	v7 =	vsel vm2, v17, v7;
	s1 =	smov.u32 s11;
	s11 =	sadd.s32 $0x1, s11  }
0x24e: {  	vm0 =	veq.s32 v15, v0;
	v17 =	vmin.f32 v13, v7  }
0x24f: {  	v16 =	vadd.s32 v1, v16;
	v6 =	vsel vm0, v14, v6;
	v15 =	vmin.f32 v18, v17  }
0x250: {  	v10 =	vsel vm1, v16, v10;
	v9 =	vsel vm0, v16, v9;
	(xrf0) =	vmin.scan.msk.f32 $0xffff, v15;
	_ =	sdelay $0x5  }
0x251: {  	v14, _, _ =	vpop (xrf0)  }
0x252: {  	v14 =	vbroadcast v14, $0xF;
	_ =	sdelay $0x1  }
0x253: {  	vm0 =	veq.f32 v12, v14;
	vm1 =	veq.f32 v7, v14  }
0x254: {  	vm2 =	veq.f32 v11, v14;
	vm3 =	veq.f32 v13, v14;
	v15 =	vnsel vm1, $0xC0000000, v2  }
0x255: {  	v15 =	vsel vm3, v3, v15  }
0x256: {  	v15 =	vsel vm0, v4, v15  }
0x257: {  	v15 =	vsel vm2, v5, v15  }
0x258: {  	(xrf0) =	vmin.scan.msk.u32 $0xffff, v15;
	_ =	sdelay $0x5  }
0x259: {  	v15, _, _ =	vpop (xrf0)  }
0x25a: {  	(v2sf) =	vpush v15, $0xF;
	_ =	sdelay $0xe  }
0x25b: {  	s6 =	spop (v2sf)  }
0x25c: {  	s7 =	sshll.u32 s6, $0x4  }
0x25d: {  	v15 =	vld [tilespmem:s7+$0xC00]  }
0x25e: {  	s12 =	sxor.u32 $0x80000000, s6  }
0x25f: {  	p2 =	sgt.s32 s6, $0xFFFFFFFF;
	s13 =	sshra.s32 s12, $0x1F;
	p1 =	slt.s32 s12, $0x1  }
0x260: {  	s13 =	sshrl.u32 s13, $0x1C;
	p1 =	por p2, p1  }
0x261: {  	s13 =	sadd.s32 s13, s12  }
0x262: {  	s14 =	sand.u32 $0xFFFFFFF0, s13;
	vm0 =	veq.f32 v15, v14  }
0x263: {  	s13 =	sshra.s32 s13, $0x4;
	p2 =	sne.s32 s12, s14;
	s12 =	sadd.s32 s5, s7;
	v14 =	vmov s26;
	v16 =	vmctz.xlane vm0  }
0x264: {  	s15 =	simm.s32 $0x1;
	p1 =	por !p1, !p2  }
0x265: {  	s14 =	sadd.s32 $0xFFFFFFF0, s26;
	p2 =	slt.u32 s26, $0x10;
	p1 =	por !p1, !p1;
	vm0 =	veq.s32 v14, v0;
	vm1 =	veq.s32 v16, v0;
	v17 =	vand.u32 $0xFFFFFFF8, v16  }
0x266: {  	s26 =	smov.u32 s1;
	s15 =	simm.s32 @!p1 $0x0;
	v14 =	vadd.s32 s12, v16;
	v18 =	vsel vm1, $0x7F61B1E6, v15;
	vm1 =	vmmov vm9  }
0x267: {  	s1 =	ssub.s32 s13, s15;
	v15 =	vmov s14;
	vm1 =	vmneg @p2 vm1  }
0x268: {  	v16 =	vand.u32 $0x7, v16;
	p1 =	seq.s32 s1, $0x1;
	p4 =	seq.s32 s1, $0x2;
	v17 =	vadd.s32 s7, v17;
	p2 =	seq.s32 s1, $0x0;
	[tilespmem:s7+$0xC00] =	vst v18;
	(xrf0) =	vmin.scan.msk.f32 $0xffff, v18  }
0x269: {  	p3 =	seq.s32 s1, $0x3;
	v16 =	vor.u32 v16, v17;
	vm1 =	vmand vm0, vm1  }
0x26a: {  	s1 =	sand.u32 $0xF, s6;
	v8 =	vsel vm1, v14, v8  }
0x26b: {  	v17 =	vmov s1  }
0x26c: {  	vm4 =	vmmov vm9;
	vm2 =	vmmov vm9;
	vm0 =	veq.s32 v17, v0  }
.Ltmp7:
0x26d: {  	vm5 =	vmmov vm9;
	vm3 =	vmmov vm9;
	vm2 =	vmneg @p4 vm2;
	(pc) =	sbr.rel @p0 .LBB2_16-.Ltmp7, $4  }
0x26e: {  	vm4 =	vmneg @p1 vm4;
	vm5 =	vmneg @p3 vm5;
	vm3 =	vmneg @p2 vm3;
	v16 =	vld.idx.msk [tilespmem:v16+s30+$0x0], $0xffff;
	v17, _, _ =	vpop (xrf0)  }
0x26f: {  	vm3 =	vmand vm0, vm3;
	vm4 =	vmand vm0, vm4;
	v17 =	vbroadcast v17, $0xF  }
0x270: {  	vm6 =	vmand vm0, vm2;
	vm2 =	vmand vm0, vm5  }
0x271: {  	v11 =	vsel vm3, v17, v11;
	v12 =	vsel vm4, v17, v12;
	v13 =	vsel vm6, v17, v13  }
0x272: {  	v7 =	vsel vm2, v17, v7  }
0x273: {  	v55 =	vmin.f32 v11, v12;
	v18 =	vmin.f32 v13, v7  }
0x274: {  	v17 =	vmin.f32 v55, v18  }
0x275: {  	(xrf0) =	vmin.scan.msk.f32 $0xffff, v17;
	_ =	sdelay $0x5  }
0x276: {  	v17, _, _ =	vpop (xrf0)  }
0x277: {  	v17 =	vbroadcast v17, $0xF;
	_ =	sdelay $0x1  }
0x278: {  	vm0 =	veq.f32 v7, v17  }
0x279: {  	vm6 =	veq.f32 v13, v17;
	v7 =	vnsel vm0, $0xC0000000, v2  }
0x27a: {  	vm7 =	veq.f32 v12, v17;
	v7 =	vsel vm6, v3, v7  }
0x27b: {  	vm12 =	veq.f32 v11, v17;
	v7 =	vsel vm7, v4, v7  }
0x27c: {  	v7 =	vsel vm12, v5, v7  }
0x27d: {  	(xrf0) =	vmin.scan.msk.u32 $0xffff, v7;
	_ =	sdelay $0x5  }
0x27e: {  	v7, _, _ =	vpop (xrf0)  }
0x27f: {  	(v2sf) =	vpush v7, $0xF;
	_ =	sdelay $0xe  }
0x280: {  	s1 =	spop (v2sf)  }
0x281: {  	s1 =	sshll.u32 s1, $0x4  }
0x282: {  	v7 =	vld [tilespmem:s1+$0xC00];
	_ =	sdelay $0x4  }
0x283: {  	vm13 =	veq.f32 v7, v17  }
0x284: {  	v56 =	vmctz.xlane vm13;
	_ =	sdelay $0x1  }
0x285: {  	v57 =	vand.u32 $0xFFFFFFF8, v56  }
0x286: {  	v58 =	vand.u32 $0x7, v56;
	v12 =	vadd.s32 s1, v57  }
0x287: {  	v12 =	vor.u32 v58, v12;
	_ =	sdelay $0x1  }
0x288: {  	vm0 =	veq.s32 v56, v0  }
0x289: {  	v7 =	vsel vm0, $0x7F61B1E6, v7  }
0x28a: {  	[tilespmem:s1+$0xC00] =	vst v7  }
0x28b: {  	s6 =	sadd.s32 $0xFFFFFFF0, s26;
	v59 =	vmov s26;
	v12 =	vld.idx.msk [tilespmem:v12+s30+$0x0], $0xffff  }
0x28c: {  	p0 =	slt.u32 s26, $0x10;
	vm14 =	veq.s32 v15, v0;
	v60 =	vmov s6;
	vm0 =	vmmov vm9  }
0x28d: {  	vm3 =	veq.s32 v59, v0;
	v61 =	vadd.s32 v1, v16;
	s1 =	sadd.s32 s5, s1;
	vm0 =	vmneg @p0 vm0  }
0x28e: {  	v6 =	vsel vm14, v14, v6;
	v11 =	vadd.s32 s1, v56;
	vm0 =	vmand vm3, vm0  }
0x28f: {  	v10 =	vsel vm1, v61, v10;
	vm15 =	veq.s32 v60, v0;
	v8 =	vsel vm0, v11, v8  }
0x290: {  	(xrf0) =	vmin.scan.msk.f32 $0xffff, v7;
	v6 =	vsel vm15, v11, v6;
	[tilespmem:$0x2060] =	vst v8;
	v7 =	vadd.s32 v1, v12  }
0x291: {  	v62 =	vsel vm14, v61, v9;
	[tilespmem:$0x2070] =	vst v6;
	v63 =	vsel vm0, v7, v10  }
0x292: {  	v6 =	vsel vm15, v7, v62;
	[tilespmem:$0x20E0] =	vst v63  }
0x293: {  	s15 =	simm.s32 $0x2060;
	[tilespmem:$0x20F0] =	vst v6  }
0x294: {  	[tilespmem:s24], [sflag:$0x2] =	stream.indirect.gather [hbm4b:s4+s0], $0x40, s15, s0, $0xb8;
	[tilespmem:$0x6100] =	vst v63  }
0x295: {  	s26 =	simm.s32 $0x20E0  }
0x296: {  	v6, _, _ =	vpop (xrf0);
	[tilespmem:s8], [sflag:$0x2] =	stream.indirect.gather [hbm4b:s3+s0], $0x40, s26, s0, $0xb8;
	[tilespmem:$0x6100] =	vst v63  }
0x297: {  	_ =	swait.ge [sflag:s29], $0x800  }
0x298: {  	[sflag:s29] =	ssyncset.done $0x0  }
0x299: {  	[sflag:s29] =	ssyncadd.s32 $0xFFFFF800  }
0x29a: {  	_ =	swait.ge [sflag:s29], $0x800  }
0x29b: {  	[sflag:s29] =	ssyncset.done $0x0  }
0x29c: {  	s7 =	simm.s32 $0x2100;
	s6 =	rddreg [dreg:$0xa];
	[sflag:s29] =	ssyncadd.s32 $0xFFFFF800  }
0x29d: {  	[hbm4b:s6+s2] =	stream.linear.scatter [tilespmem:s7], [sflag:$0x3], $0x600, $0x38;
	[tilespmem:$0x6100] =	vst v63  }
0x29e: {  	s12 =	simm.s32 $0x4100;
	s11 =	rddreg [dreg:$0xb]  }
0x29f: {  	[hbm4b:s11+s2] =	stream.linear.scatter [tilespmem:s12], [sflag:$0x3], $0x600, $0x38;
	[tilespmem:$0x6100] =	vst v63  }
0x2a0: {  	_ =	swait.ge [sflag:s29], $0x800  }
0x2a1: {  	[sflag:s29] =	ssyncset.done $0x0  }
0x2a2: {  	[sflag:s29] =	ssyncadd.s32 $0xFFFFF800  }
0x2a3: {  	_ =	swait.ge [sflag:s29], $0x800  }
0x2a4: {  	[sflag:s29] =	ssyncset.done $0x0  }
0x2a5: {  	s13 =	simm.s32 $0x2900;
	[sflag:s29] =	ssyncadd.s32 $0xFFFFF800  }
0x2a6: {  	[hbm4b:s16+s2] =	stream.linear.scatter [tilespmem:s13], [sflag:$0x3], $0x600, $0x38;
	[tilespmem:$0x6100] =	vst v63  }
0x2a7: {  	s14 =	simm.s32 $0x4900  }
0x2a8: {  	[hbm4b:s17+s2] =	stream.linear.scatter [tilespmem:s14], [sflag:$0x3], $0x600, $0x38;
	[tilespmem:$0x6100] =	vst v63  }
0x2a9: {  	_ =	swait.ge [sflag:s29], $0x800  }
0x2aa: {  	[sflag:s29] =	ssyncset.done $0x0  }
0x2ab: {  	[sflag:s29] =	ssyncadd.s32 $0xFFFFF800  }
0x2ac: {  	_ =	swait.ge [sflag:s29], $0x800  }
0x2ad: {  	[sflag:s29] =	ssyncset.done $0x0  }
0x2ae: {  	s15 =	simm.s32 $0x3100;
	[sflag:s29] =	ssyncadd.s32 $0xFFFFF800  }
0x2af: {  	[hbm4b:s18+s2] =	stream.linear.scatter [tilespmem:s15], [sflag:$0x3], $0x600, $0x38;
	[tilespmem:$0x6100] =	vst v63  }
0x2b0: {  	s26 =	simm.s32 $0x5100  }
0x2b1: {  	[hbm4b:s19+s2] =	stream.linear.scatter [tilespmem:s26], [sflag:$0x3], $0x600, $0x38;
	[tilespmem:$0x6100] =	vst v63  }
0x2b2: {  	_ =	swait.ge [sflag:s29], $0x800  }
0x2b3: {  	[sflag:s29] =	ssyncset.done $0x0  }
0x2b4: {  	[sflag:s29] =	ssyncadd.s32 $0xFFFFF800  }
0x2b5: {  	_ =	swait.ge [sflag:s29], $0x800  }
0x2b6: {  	[sflag:s29] =	ssyncset.done $0x0  }
0x2b7: {  	[sflag:s29] =	ssyncadd.s32 $0xFFFFF800  }
0x2b8: {  	[hbm4b:s20+s2] =	stream.linear.scatter [tilespmem:s24], [sflag:$0x3], $0x600, $0x38;
	[tilespmem:$0x6100] =	vst v63  }
0x2b9: {  	_ = 	snop  }
0x2ba: {  	[hbm4b:s21+s2] =	stream.linear.scatter [tilespmem:s8], [sflag:$0x3], $0x600, $0x38;
	[tilespmem:$0x6100] =	vst v63  }
0x2bb: {  	_ =	swait.ge [sflag:s9], $0x600  }
0x2bc: {  	[sflag:s9] =	ssyncset.done $0x0  }
0x2bd: {  	[sflag:s9] =	ssyncadd.s32 $0xFFFFFA00  }
0x2be: {  	_ =	swait.ge [sflag:s9], $0x600  }
0x2bf: {  	[sflag:s9] =	ssyncset.done $0x0  }
0x2c0: {  	[sflag:s9] =	ssyncadd.s32 $0xFFFFFA00  }
0x2c1: {  	_ =	swait.ge [sflag:s9], $0x600  }
0x2c2: {  	[sflag:s9] =	ssyncset.done $0x0  }
0x2c3: {  	[sflag:s9] =	ssyncadd.s32 $0xFFFFFA00  }
0x2c4: {  	_ =	swait.ge [sflag:s9], $0x600  }
0x2c5: {  	[sflag:s9] =	ssyncset.done $0x0  }
0x2c6: {  	[sflag:s9] =	ssyncadd.s32 $0xFFFFFA00  }
0x2c7: {  	_ =	swait.ge [sflag:s9], $0x600  }
0x2c8: {  	[sflag:s9] =	ssyncset.done $0x0  }
0x2c9: {  	[sflag:s9] =	ssyncadd.s32 $0xFFFFFA00  }
0x2ca: {  	_ =	swait.ge [sflag:s9], $0x600  }
0x2cb: {  	[sflag:s9] =	ssyncset.done $0x0  }
0x2cc: {  	s10 =	sadd.s32 $0x1, s10;
	[sflag:s9] =	ssyncadd.s32 $0xFFFFFA00  }
0x2cd: {  	p0 =	sne.s32 s10, s22;
	_ =	swait.ge [sflag:s9], $0x600  }
.Ltmp8:
0x2ce: {  	[sflag:s9] =	ssyncset.done $0x0;
	(pc) =	sbr.rel @p0 .LBB2_1-.Ltmp8, $4  }
0x2cf: {  	[sflag:s9] =	ssyncadd.s32 $0xFFFFFA00  }
0x2d0: {  	_ =	swait.ge [sflag:s9], $0x600  }
0x2d1: {  	[sflag:s9] =	ssyncset.done $0x0  }
0x2d2: {  	[sflag:s9] =	ssyncadd.s32 $0xFFFFFA00  }
0x2d3: {  	_ =	sfence.sel $0x180000  }
0x2d4: {  	[bflag:$0x0] =	sbarrier.arrive $0xFFFF  }
0x2d5: {  	_ =	strace $0x90000047  }
0x2d6: {  	s0 =	stileid.u32;
	[bflag:$0x2] =	sbarrier.arrive $0xFFFF  }
0x2d7: {  	p0 =	sne.s32 s0, $0x0;
	s0 =	rddreg [dreg:$0x1]  }
0x2d8: {  	s0 =	sadd.s32 @!p0 $0x100000, s0  }
0x2d9: {  	[sflag:s0] =	ssyncadd.tile.s32 @!p0 $0x1;
	_ =	shalt  }
.Lfunc_end2:
_tile_overlayer_lowered:
.L_overlay_start_2:
0x2da: {  	(tag) =	ssettag $0x2  }
0x2db: {  	s0 =	rddreg [dreg:$0x0];
	s2 =	stileid.u32  }
0x2dc: {  	s1 =	rddreg [dreg:$0x1];
	p0 =	sne.s32 s2, $0x0  }
0x2dd: {  	s3 =	rddreg [dreg:$0x2];
	[bflag:$0x3] =	sbarrier.arrive $0xFFFF;
	s2 =	simm.s32 @!p0 $0x1C04  }
0x2de: {  	[timem:s3], [sflag:s2] =	dma.local @!p0 [hbm:s0], s1  }
0x2df: {  	s0 =	simm.s32 @!p0 $0x4  }
0x2e0: {  	_ =	swait.ge @!p0 [sflag:s0], s1  }
0x2e1: {  	s1 =	ssub.s32 @!p0 $0x0, s1;
	[sflag:s0] =	ssyncset.done @!p0 $0x0  }
0x2e2: {  	[sflag:s0] =	ssyncadd.s32 @!p0 s1  }
0x2e3: {  	[bflag:$0x3] =	sbarrier.arrive $0xFFFF  }
0x2e4: {  	_ =	shalt  }

</sc_bundles>
